<compile_context>
chip_gen: v7x
topology: tpu7x:2x2x1
jax: 0.10.2.dev20260603
libtpu: 0.0.44.dev20260713+nightly
codegen_flags: <defaults>
</compile_context>

<pallas_src>
import functools
import jax
import jax.numpy as jnp
from jax import lax
from jax.experimental import pallas as pl
from jax.experimental.pallas import tpu as pltpu
from jax.experimental.pallas import tpu_sc as plsc

_N0 = 100000
_N1 = 20000
_B = 4000
_DIN = 128
_DH = 128
_DOUT = 47

_NC = 2
_NS = 16
_CZ = 125


def _sc_aggregate(table, src, dst, n_tgt):
    E = src.shape[0]
    D = table.shape[1]
    EPT = E // _NS
    R = n_tgt // _NC
    RC = -(-R // 128) // 16 * 16 + 16
    RPT = (R // _NS) // 8 * 8
    REM = R - (_NS - 1) * RPT
    EB = 2000
    NB = EPT // EB
    NCHUNK = (EB + 63) // 64 + 1
    CBASE = R + 8

    mesh = plsc.VectorSubcoreMesh(core_axis_name="c", subcore_axis_name="s")

    @functools.partial(
        pl.kernel,
        out_type=[jax.ShapeDtypeStruct((n_tgt, D), jnp.float32),
                  jax.ShapeDtypeStruct((_NC * RC, 128), jnp.float32)],
        mesh=mesh,
        compiler_params=pltpu.CompilerParams(needs_layout_passes=False),
        scratch_types=[
            pltpu.VMEM((EB,), jnp.int32),
            pltpu.VMEM((EB,), jnp.int32),
            pltpu.VMEM((NCHUNK, 64), jnp.int32),
            pltpu.VMEM((NCHUNK, 64), jnp.int32),
            pltpu.VMEM((64, D), jnp.float32),
            pltpu.VMEM((64, D), jnp.float32),
            pltpu.VMEM((RC, 128), jnp.float32),
            pltpu.VMEM((1, RC), jnp.int32),
            pltpu.VMEM_SHARED((CBASE + RC, D), jnp.float32),
            pltpu.SemaphoreType.DMA,
            pltpu.SemaphoreType.DMA,
            pltpu.SemaphoreType.DMA,
            pltpu.SemaphoreType.DMA,
            pltpu.SemaphoreType.DMA,
        ],
    )
    def k(table_hbm, src_hbm, dst_hbm, sum_out, cnt_out,
          ebuf_src, ebuf_dst, gidx2d, sidx2d,
          rows_a, rows_b, lcnt, ident, accum,
          semg_a, semg_b, sems_a, sems_b, sem2):
        c = lax.axis_index("c")
        s = lax.axis_index("s")
        base = c * R

        zero16f = jnp.zeros((16,), jnp.float32)
        one16f = jnp.ones((16,), jnp.float32)
        lane = lax.broadcasted_iota(jnp.int32, (16,), 0)

        def init_rows(i, _):
            for j in range(D // 16):
                rows_a[i, pl.ds(j * 16, 16)] = zero16f
                rows_b[i, pl.ds(j * 16, 16)] = zero16f
            return 0
        lax.fori_loop(0, 64, init_rows, 0)

        def init_lcnt(i, _):
            for j in range(8):
                lcnt[i, pl.ds(j * 16, 16)] = zero16f
            return 0
        lax.fori_loop(0, RC, init_lcnt, 0)
        for i in range(RC // 16):
            ident[0, pl.ds(i * 16, 16)] = CBASE + i * 16 + lane

        row0 = s * RPT
        nch8 = jnp.where(s == _NS - 1, REM // 8, RPT // 8)

        def zfire(i, _):
            pltpu.async_copy(rows_a.at[pl.ds(0, 8)],
                             accum.at[pl.ds(row0 + i * 8, 8)], sem2)
            return 0

        def zdrain(i, _):
            pltpu.make_async_copy(rows_a.at[pl.ds(0, 8)],
                                  accum.at[pl.ds(row0, 8)], sem2).wait()
            return 0

        def zgroup(g, _):
            lo = g * 8
            hi = jnp.minimum(lo + 8, nch8)
            lax.fori_loop(lo, hi, zfire, 0)
            lax.fori_loop(lo, hi, zdrain, 0)
            return 0
        lax.fori_loop(0, (nch8 + 7) // 8, zgroup, 0)

        @pl.when(s == 0)
        def _():
            for t in range(RC // 8):
                pltpu.sync_copy(rows_a.at[pl.ds(0, 8)],
                                accum.at[pl.ds(CBASE + t * 8, 8)])

        plsc.subcore_barrier()

        ebase = s * EPT

        def filt_block(b, _):
            pltpu.sync_copy(src_hbm.at[pl.ds(ebase + b * EB, EB)], ebuf_src)
            pltpu.sync_copy(dst_hbm.at[pl.ds(ebase + b * EB, EB)], ebuf_dst)

            def filt(j, n):
                dvec = ebuf_dst[pl.ds(j * 16, 16)]
                svec = ebuf_src[pl.ds(j * 16, 16)]
                m = (dvec >= base) & (dvec < base + R)
                dl = dvec - base
                plsc.addupdate_scatter(lcnt, [jnp.right_shift(dl, 7),
                                              jnp.bitwise_and(dl, 127)],
                                       one16f, mask=m)
                mi = m.astype(jnp.int32)
                cs = plsc.cumsum(mi)
                offs = n + cs - mi
                orow = jnp.right_shift(offs, 6)
                ocol = jnp.bitwise_and(offs, 63)
                plsc.store_scatter(gidx2d, [orow, ocol], svec, mask=m)
                plsc.store_scatter(sidx2d, [orow, ocol], dl, mask=m)
                return n + jnp.sum(mi)
            n = lax.fori_loop(0, EB // 16, filt, jnp.int32(0))

            for j in range(4):
                pv = n + j * 16 + lane
                prow = jnp.right_shift(pv, 6)
                pcol = jnp.bitwise_and(pv, 63)
                plsc.store_scatter(gidx2d, [prow, pcol],
                                   jnp.zeros((16,), jnp.int32))
                plsc.store_scatter(sidx2d, [prow, pcol],
                                   jnp.full((16,), R, jnp.int32))

            nchunks = (n + 63) // 64

            def fire_gather(ci, buf, sg):
                pltpu.async_copy(table_hbm.at[gidx2d.at[ci]], buf, sg)

            def wait_gather(buf, sg):
                pltpu.make_async_copy(table_hbm.at[gidx2d.at[0]], buf,
                                      sg).wait()

            def fire_scatter(ci, buf, ss):
                pltpu.async_copy(buf, accum.at[sidx2d.at[ci]], ss,
                                 add=True)

            def wait_scatter(buf, ss):
                pltpu.make_async_copy(buf, accum.at[sidx2d.at[0]],
                                      ss).wait()

            @pl.when(nchunks >= 1)
            def _():
                fire_gather(0, rows_a, semg_a)

            def pipe(ci, _):
                even = ci % 2 == 0

                @pl.when((ci >= 1) & even)
                def _():
                    wait_scatter(rows_b, sems_b)

                @pl.when((ci >= 1) & (~even))
                def _():
                    wait_scatter(rows_a, sems_a)

                @pl.when((ci + 1 < nchunks) & even)
                def _():
                    fire_gather(ci + 1, rows_b, semg_b)

                @pl.when((ci + 1 < nchunks) & (~even))
                def _():
                    fire_gather(ci + 1, rows_a, semg_a)

                @pl.when(even)
                def _():
                    wait_gather(rows_a, semg_a)
                    fire_scatter(ci, rows_a, sems_a)

                @pl.when(~even)
                def _():
                    wait_gather(rows_b, semg_b)
                    fire_scatter(ci, rows_b, sems_b)
                return 0
            lax.fori_loop(0, nchunks, pipe, 0)

            @pl.when((nchunks >= 1) & ((nchunks - 1) % 2 == 0))
            def _():
                wait_scatter(rows_a, sems_a)

            @pl.when((nchunks >= 1) & ((nchunks - 1) % 2 == 1))
            def _():
                wait_scatter(rows_b, sems_b)
            return 0

        lax.fori_loop(0, NB, filt_block, 0)

        pltpu.sync_copy(lcnt, accum.at[ident.at[0]], add=True)

        plsc.subcore_barrier()

        out0 = c * R + row0

        def ofire(i, _):
            pltpu.async_copy(accum.at[pl.ds(row0 + i * 8, 8)],
                             sum_out.at[pl.ds(out0 + i * 8, 8)], sem2)
            return 0

        def odrain(i, _):
            pltpu.make_async_copy(accum.at[pl.ds(row0, 8)],
                                  sum_out.at[pl.ds(out0, 8)], sem2).wait()
            return 0

        def ogroup(g, _):
            lo = g * 8
            hi = jnp.minimum(lo + 8, nch8)
            lax.fori_loop(lo, hi, ofire, 0)
            lax.fori_loop(lo, hi, odrain, 0)
            return 0
        lax.fori_loop(0, (nch8 + 7) // 8, ogroup, 0)

        @pl.when(s == 0)
        def _():
            pltpu.sync_copy(accum.at[pl.ds(CBASE, RC)],
                            cnt_out.at[pl.ds(c * RC, RC)])

    return k(table, src, dst)


def _unpack_counts(cnt2d, n_tgt):
    RC = cnt2d.shape[0] // _NC
    R = n_tgt // _NC
    parts = [cnt2d[cc * RC:(cc + 1) * RC].reshape(-1)[:R]
             for cc in range(_NC)]
    return jnp.concatenate(parts).reshape(n_tgt, 1)


def _tc_linear(summed, cnt16, x_tgt, Wl, Wr, bias, relu):
    n, d_in = x_tgt.shape
    d_out = Wl.shape[0]
    blk = 1000
    grid = n // blk

    def body(s_ref, c_ref, x_ref, wl_ref, wr_ref, b_ref, o_ref):
        cnt = jnp.maximum(c_ref[...], 1.0)
        agg = s_ref[...] / cnt
        h = (lax.dot_general(agg, wl_ref[...], (((1,), (1,)), ((), ())),
                             preferred_element_type=jnp.float32)
             + lax.dot_general(x_ref[...], wr_ref[...], (((1,), (1,)), ((), ())),
                               preferred_element_type=jnp.float32)
             + b_ref[...])
        if relu:
            h = jnp.maximum(h, 0.0)
        o_ref[...] = h

    return pl.pallas_call(
        body,
        grid=(grid,),
        in_specs=[
            pl.BlockSpec((blk, d_in), lambda i: (i, 0)),
            pl.BlockSpec((blk, 1), lambda i: (i, 0)),
            pl.BlockSpec((blk, d_in), lambda i: (i, 0)),
            pl.BlockSpec((d_out, d_in), lambda i: (0, 0)),
            pl.BlockSpec((d_out, d_in), lambda i: (0, 0)),
            pl.BlockSpec((1, d_out), lambda i: (0, 0)),
        ],
        out_specs=pl.BlockSpec((blk, d_out), lambda i: (i, 0)),
        out_shape=jax.ShapeDtypeStruct((n, d_out), jnp.float32),
    )(summed, cnt16, x_tgt, Wl, Wr, bias.reshape(1, d_out))


def _tc_out_layer(summed, cnt16, x_tgt, Wlp, Wrp, biasp):
    n, d_in = x_tgt.shape

    def body(s_ref, c_ref, x_ref, wl_ref, wr_ref, b_ref, o_ref):
        cnt = jnp.maximum(c_ref[...], 1.0)
        agg = s_ref[...] / cnt
        z = (lax.dot_general(agg, wl_ref[...], (((1,), (1,)), ((), ())),
                             preferred_element_type=jnp.float32)
             + lax.dot_general(x_ref[...], wr_ref[...], (((1,), (1,)), ((), ())),
                               preferred_element_type=jnp.float32)
             + b_ref[...])
        col = lax.broadcasted_iota(jnp.int32, z.shape, 1)
        zm = jnp.where(col < _DOUT, z, -jnp.inf)
        mx = jnp.max(zm, axis=1, keepdims=True)
        lse = jnp.log(jnp.sum(jnp.exp(zm - mx), axis=1, keepdims=True)) + mx
        o_ref[...] = z - lse

    return pl.pallas_call(
        body,
        out_shape=jax.ShapeDtypeStruct((n, 128), jnp.float32),
    )(summed, cnt16, x_tgt, Wlp, Wrp, biasp.reshape(1, 128))


def kernel(x, edge_index1, edge_index2, Wl1, bl1, Wr1, Wl2, bl2, Wr2):
    src1 = edge_index1[0]
    dst1 = edge_index1[1]
    src2 = edge_index2[0]
    dst2 = edge_index2[1]

    s1, c1 = _sc_aggregate(x, src1, dst1, _N1)
    cnt1 = _unpack_counts(c1, _N1)
    h = _tc_linear(s1, cnt1, x[:_N1], Wl1, Wr1, bl1, relu=True)

    s2, c2 = _sc_aggregate(h, src2, dst2, _B)
    cnt2 = _unpack_counts(c2, _B)
    Wl2p = jnp.zeros((128, _DH), jnp.float32).at[:_DOUT].set(Wl2)
    Wr2p = jnp.zeros((128, _DH), jnp.float32).at[:_DOUT].set(Wr2)
    bl2p = jnp.zeros((128,), jnp.float32).at[:_DOUT].set(bl2)
    out = _tc_out_layer(s2, cnt2, h[:_B], Wl2p, Wr2p, bl2p)
    return out[:, :_DOUT]

# --- scband reference (transcript-rebuilt; emitter-appended) ---
"""Pipeline reference for scband-sage-85203561218630 (READ-ONLY COPY).

The authoritative reference and input builder live on the scoring server;
editing this copy changes nothing except your own understanding.
"""

import jax, jax.numpy as jnp
import numpy as np

N0 = 100000   # hop-2 sampled source nodes
N1 = 20000    # hop-1 nodes (targets of layer 1, sources of layer 2)
B  = 4000     # minibatch target nodes
E1 = 320000   # layer-1 edges (fanout ~16 per hop-1 node)
E2 = 64000    # layer-2 edges (fanout ~16 per target node)
DIN, DH, DOUT = 128, 128, 47


def setup_inputs(seed: int = 0) -> dict:
    key = jax.random.key(seed)
    ks = jax.random.split(key, 12)
    x = jax.random.normal(ks[0], (N0, DIN), dtype=jnp.float32)
    src1 = jax.random.randint(ks[1], (E1,), 0, N0, dtype=jnp.int32)
    dst1 = jax.random.randint(ks[2], (E1,), 0, N1, dtype=jnp.int32)
    edge_index1 = jnp.stack([src1, dst1], axis=0)
    src2 = jax.random.randint(ks[3], (E2,), 0, N1, dtype=jnp.int32)
    dst2 = jax.random.randint(ks[4], (E2,), 0, B, dtype=jnp.int32)
    edge_index2 = jnp.stack([src2, dst2], axis=0)
    # SAGEConv params: lin_l (applied to aggregated neighbors, with bias),
    # lin_r (applied to target/root nodes, no bias) - PyG convention.
    Wl1 = jax.random.normal(ks[5], (DH, DIN), dtype=jnp.float32) * 0.05
    bl1 = jnp.zeros((DH,), dtype=jnp.float32)
    Wr1 = jax.random.normal(ks[6], (DH, DIN), dtype=jnp.float32) * 0.05
    Wl2 = jax.random.normal(ks[7], (DOUT, DH), dtype=jnp.float32) * 0.05
    bl2 = jnp.zeros((DOUT,), dtype=jnp.float32)
    Wr2 = jax.random.normal(ks[8], (DOUT, DH), dtype=jnp.float32) * 0.05
    return {"x": x, "edge_index1": edge_index1, "edge_index2": edge_index2,
            "Wl1": Wl1, "bl1": bl1, "Wr1": Wr1,
            "Wl2": Wl2, "bl2": bl2, "Wr2": Wr2}


def _sage_conv(x_src, x_tgt, edge_index, Wl, bl, Wr, n_tgt):
    src = edge_index[0]
    dst = edge_index[1]
    msgs = jnp.take(x_src, src, axis=0)                                   # gather
    summed = jax.ops.segment_sum(msgs, dst, num_segments=n_tgt)           # scatter-add
    cnt = jax.ops.segment_sum(jnp.ones((src.shape[0],), msgs.dtype), dst,
                              num_segments=n_tgt)
    agg = summed / jnp.maximum(cnt, 1.0)[:, None]                         # mean aggregation
    return agg @ Wl.T + bl + x_tgt @ Wr.T


def reference(x, edge_index1, edge_index2, Wl1, bl1, Wr1, Wl2, bl2, Wr2):
    # Layer 1: bipartite (N0 sources -> N1 targets)
    x_tgt1 = x[:N1]
    h = _sage_conv(x, x_tgt1, edge_index1, Wl1, bl1, Wr1, N1)
    h = jax.nn.relu(h)
    # dropout(p=0.5) omitted: eval-mode / deterministic reference
    # Layer 2: bipartite (N1 sources -> B targets)
    h_tgt2 = h[:B]
    out = _sage_conv(h, h_tgt2, edge_index2, Wl2, bl2, Wr2, B)
    return jax.nn.log_softmax(out, axis=-1)

if __name__ == "__main__":
    import jax
    _d = setup_inputs()
    print(jax.jit(kernel)(*tuple(_d.values())))

</pallas_src>

<mosaic_0001>
#map = affine_map<(d0, d1) -> (0, 0)>
#map1 = affine_map<(d0, d1) -> (0)>
module attributes {stable_mosaic.version = 14 : i64} {
  func.func @k(%arg0: i32, %arg1: i32, %arg2: memref<20000x128xf32, #tpu.memory_space<hbm>>, %arg3: memref<64000xi32, #tpu.memory_space<hbm>>, %arg4: memref<64000xi32, #tpu.memory_space<hbm>>, %arg5: memref<4000x128xf32, #tpu.memory_space<hbm>>, %arg6: memref<64x128xf32, #tpu.memory_space<hbm>>, %arg7: memref<2000xi32, #tpu.memory_space<vmem>>, %arg8: memref<2000xi32, #tpu.memory_space<vmem>>, %arg9: memref<33x64xi32, #tpu.memory_space<vmem>>, %arg10: memref<33x64xi32, #tpu.memory_space<vmem>>, %arg11: memref<64x128xf32, #tpu.memory_space<vmem>>, %arg12: memref<64x128xf32, #tpu.memory_space<vmem>>, %arg13: memref<32x128xf32, #tpu.memory_space<vmem>>, %arg14: memref<1x32xi32, #tpu.memory_space<vmem>>, %arg15: memref<2040x128xf32, #tpu.memory_space<vmem_shared>>, %arg16: memref<!tpu.dma_semaphore, #tpu.memory_space<semaphore_mem>>, %arg17: memref<!tpu.dma_semaphore, #tpu.memory_space<semaphore_mem>>, %arg18: memref<!tpu.dma_semaphore, #tpu.memory_space<semaphore_mem>>, %arg19: memref<!tpu.dma_semaphore, #tpu.memory_space<semaphore_mem>>, %arg20: memref<!tpu.dma_semaphore, #tpu.memory_space<semaphore_mem>>) attributes {dimension_semantics = [#tpu.dimension_semantics<core_parallel>, #tpu.dimension_semantics<subcore_parallel>], iteration_bounds = array<i64: 2, 16>, scalar_prefetch = 0 : i64, scratch_operands = 14 : i64, tpu.core_type = #tpu.core_type<sc_vector_subcore>, window_params = [{transform_indices = #map}, {transform_indices = #map1}, {transform_indices = #map1}, {transform_indices = #map}, {transform_indices = #map}]} {
    %mul3A = arith.constant 2000 : i32
    %mul3A_0 = arith.muli %arg0, %mul3A : i32
    %broadcast_in_dim3A = arith.constant 0.000000e+00 : f32
    %broadcast_in_dim3A_1 = vector.broadcast %broadcast_in_dim3A : f32 to vector<16xf32>
    %broadcast_in_dim3A_2 = arith.constant 1.000000e+00 : f32
    %broadcast_in_dim3A_3 = vector.broadcast %broadcast_in_dim3A_2 : f32 to vector<16xf32>
    %iota3A = tpu.iota {dimensions = array<i32: 0>} : vector<16xi32>
    %scan3A = arith.constant 0 : i32
    %scan3A_4 = arith.constant 0 : i32
    %scan3A_5 = arith.constant 64 : i32
    %scan3A_6 = arith.addi %scan3A_4, %scan3A_5 : i32
    %scan3A_7 = arith.constant 1 : i32
    %scan3A_8 = scf.for %scan3A_123 = %scan3A_4 to %scan3A_6 step %scan3A_7 iter_args(%scan3A_124 = %scan3A) -> (i32)  : i32 {
      %swap3A_125 = arith.index_cast %scan3A_123 : i32 to index
      %swap3A_126 = arith.constant 0 : index
      %swap3A_127 = tpu.vector_load %arg11[%swap3A_125, %swap3A_126] {strides = array<i32>} : memref<64x128xf32, #tpu.memory_space<vmem>>, vector<16xf32>,
      tpu.vector_store %arg11[%swap3A_125, %swap3A_126], %broadcast_in_dim3A_1 {strides = array<i32>} : memref<64x128xf32, #tpu.memory_space<vmem>>, vector<16xf32>,
      %swap3A_128 = arith.index_cast %scan3A_123 : i32 to index
      %swap3A_129 = arith.constant 0 : index
      %swap3A_130 = tpu.vector_load %arg12[%swap3A_128, %swap3A_129] {strides = array<i32>} : memref<64x128xf32, #tpu.memory_space<vmem>>, vector<16xf32>,
      tpu.vector_store %arg12[%swap3A_128, %swap3A_129], %broadcast_in_dim3A_1 {strides = array<i32>} : memref<64x128xf32, #tpu.memory_space<vmem>>, vector<16xf32>,
      %swap3A_131 = arith.index_cast %scan3A_123 : i32 to index
      %swap3A_132 = arith.constant 16 : index
      %swap3A_133 = tpu.vector_load %arg11[%swap3A_131, %swap3A_132] {strides = array<i32>} : memref<64x128xf32, #tpu.memory_space<vmem>>, vector<16xf32>,
      tpu.vector_store %arg11[%swap3A_131, %swap3A_132], %broadcast_in_dim3A_1 {strides = array<i32>} : memref<64x128xf32, #tpu.memory_space<vmem>>, vector<16xf32>,
      %swap3A_134 = arith.index_cast %scan3A_123 : i32 to index
      %swap3A_135 = arith.constant 16 : index
      %swap3A_136 = tpu.vector_load %arg12[%swap3A_134, %swap3A_135] {strides = array<i32>} : memref<64x128xf32, #tpu.memory_space<vmem>>, vector<16xf32>,
      tpu.vector_store %arg12[%swap3A_134, %swap3A_135], %broadcast_in_dim3A_1 {strides = array<i32>} : memref<64x128xf32, #tpu.memory_space<vmem>>, vector<16xf32>,
      %swap3A_137 = arith.index_cast %scan3A_123 : i32 to index
      %swap3A_138 = arith.constant 32 : index
      %swap3A_139 = tpu.vector_load %arg11[%swap3A_137, %swap3A_138] {strides = array<i32>} : memref<64x128xf32, #tpu.memory_space<vmem>>, vector<16xf32>,
      tpu.vector_store %arg11[%swap3A_137, %swap3A_138], %broadcast_in_dim3A_1 {strides = array<i32>} : memref<64x128xf32, #tpu.memory_space<vmem>>, vector<16xf32>,
      %swap3A_140 = arith.index_cast %scan3A_123 : i32 to index
      %swap3A_141 = arith.constant 32 : index
      %swap3A_142 = tpu.vector_load %arg12[%swap3A_140, %swap3A_141] {strides = array<i32>} : memref<64x128xf32, #tpu.memory_space<vmem>>, vector<16xf32>,
      tpu.vector_store %arg12[%swap3A_140, %swap3A_141], %broadcast_in_dim3A_1 {strides = array<i32>} : memref<64x128xf32, #tpu.memory_space<vmem>>, vector<16xf32>,
      %swap3A_143 = arith.index_cast %scan3A_123 : i32 to index
      %swap3A_144 = arith.constant 48 : index
      %swap3A_145 = tpu.vector_load %arg11[%swap3A_143, %swap3A_144] {strides = array<i32>} : memref<64x128xf32, #tpu.memory_space<vmem>>, vector<16xf32>,
      tpu.vector_store %arg11[%swap3A_143, %swap3A_144], %broadcast_in_dim3A_1 {strides = array<i32>} : memref<64x128xf32, #tpu.memory_space<vmem>>, vector<16xf32>,
      %swap3A_146 = arith.index_cast %scan3A_123 : i32 to index
      %swap3A_147 = arith.constant 48 : index
      %swap3A_148 = tpu.vector_load %arg12[%swap3A_146, %swap3A_147] {strides = array<i32>} : memref<64x128xf32, #tpu.memory_space<vmem>>, vector<16xf32>,
      tpu.vector_store %arg12[%swap3A_146, %swap3A_147], %broadcast_in_dim3A_1 {strides = array<i32>} : memref<64x128xf32, #tpu.memory_space<vmem>>, vector<16xf32>,
      %swap3A_149 = arith.index_cast %scan3A_123 : i32 to index
      %swap3A_150 = arith.constant 64 : index
      %swap3A_151 = tpu.vector_load %arg11[%swap3A_149, %swap3A_150] {strides = array<i32>} : memref<64x128xf32, #tpu.memory_space<vmem>>, vector<16xf32>,
      tpu.vector_store %arg11[%swap3A_149, %swap3A_150], %broadcast_in_dim3A_1 {strides = array<i32>} : memref<64x128xf32, #tpu.memory_space<vmem>>, vector<16xf32>,
      %swap3A_152 = arith.index_cast %scan3A_123 : i32 to index
      %swap3A_153 = arith.constant 64 : index
      %swap3A_154 = tpu.vector_load %arg12[%swap3A_152, %swap3A_153] {strides = array<i32>} : memref<64x128xf32, #tpu.memory_space<vmem>>, vector<16xf32>,
      tpu.vector_store %arg12[%swap3A_152, %swap3A_153], %broadcast_in_dim3A_1 {strides = array<i32>} : memref<64x128xf32, #tpu.memory_space<vmem>>, vector<16xf32>,
      %swap3A_155 = arith.index_cast %scan3A_123 : i32 to index
      %swap3A_156 = arith.constant 80 : index
      %swap3A_157 = tpu.vector_load %arg11[%swap3A_155, %swap3A_156] {strides = array<i32>} : memref<64x128xf32, #tpu.memory_space<vmem>>, vector<16xf32>,
      tpu.vector_store %arg11[%swap3A_155, %swap3A_156], %broadcast_in_dim3A_1 {strides = array<i32>} : memref<64x128xf32, #tpu.memory_space<vmem>>, vector<16xf32>,
      %swap3A_158 = arith.index_cast %scan3A_123 : i32 to index
      %swap3A_159 = arith.constant 80 : index
      %swap3A_160 = tpu.vector_load %arg12[%swap3A_158, %swap3A_159] {strides = array<i32>} : memref<64x128xf32, #tpu.memory_space<vmem>>, vector<16xf32>,
      tpu.vector_store %arg12[%swap3A_158, %swap3A_159], %broadcast_in_dim3A_1 {strides = array<i32>} : memref<64x128xf32, #tpu.memory_space<vmem>>, vector<16xf32>,
      %swap3A_161 = arith.index_cast %scan3A_123 : i32 to index
      %swap3A_162 = arith.constant 96 : index
      %swap3A_163 = tpu.vector_load %arg11[%swap3A_161, %swap3A_162] {strides = array<i32>} : memref<64x128xf32, #tpu.memory_space<vmem>>, vector<16xf32>,
      tpu.vector_store %arg11[%swap3A_161, %swap3A_162], %broadcast_in_dim3A_1 {strides = array<i32>} : memref<64x128xf32, #tpu.memory_space<vmem>>, vector<16xf32>,
      %swap3A_164 = arith.index_cast %scan3A_123 : i32 to index
      %swap3A_165 = arith.constant 96 : index
      %swap3A_166 = tpu.vector_load %arg12[%swap3A_164, %swap3A_165] {strides = array<i32>} : memref<64x128xf32, #tpu.memory_space<vmem>>, vector<16xf32>,
      tpu.vector_store %arg12[%swap3A_164, %swap3A_165], %broadcast_in_dim3A_1 {strides = array<i32>} : memref<64x128xf32, #tpu.memory_space<vmem>>, vector<16xf32>,
      %swap3A_167 = arith.index_cast %scan3A_123 : i32 to index
      %swap3A_168 = arith.constant 112 : index
      %swap3A_169 = tpu.vector_load %arg11[%swap3A_167, %swap3A_168] {strides = array<i32>} : memref<64x128xf32, #tpu.memory_space<vmem>>, vector<16xf32>,
      tpu.vector_store %arg11[%swap3A_167, %swap3A_168], %broadcast_in_dim3A_1 {strides = array<i32>} : memref<64x128xf32, #tpu.memory_space<vmem>>, vector<16xf32>,
      %swap3A_170 = arith.index_cast %scan3A_123 : i32 to index
      %swap3A_171 = arith.constant 112 : index
      %swap3A_172 = tpu.vector_load %arg12[%swap3A_170, %swap3A_171] {strides = array<i32>} : memref<64x128xf32, #tpu.memory_space<vmem>>, vector<16xf32>,
      tpu.vector_store %arg12[%swap3A_170, %swap3A_171], %broadcast_in_dim3A_1 {strides = array<i32>} : memref<64x128xf32, #tpu.memory_space<vmem>>, vector<16xf32>,
      %scan3A_173 = arith.constant 0 : i32
      scf.yield %scan3A_173 : i32
    }
    %scan3A_9 = arith.constant 64 : i32
    %scan3A_10 = arith.constant 0 : i32
    %scan3A_11 = arith.constant 0 : i32
    %scan3A_12 = arith.constant 32 : i32
    %scan3A_13 = arith.addi %scan3A_11, %scan3A_12 : i32
    %scan3A_14 = arith.constant 1 : i32
    %scan3A_15 = scf.for %scan3A_123 = %scan3A_11 to %scan3A_13 step %scan3A_14 iter_args(%scan3A_124 = %scan3A_10) -> (i32)  : i32 {
      %swap3A_125 = arith.index_cast %scan3A_123 : i32 to index
      %swap3A_126 = arith.constant 0 : index
      %swap3A_127 = tpu.vector_load %arg13[%swap3A_125, %swap3A_126] {strides = array<i32>} : memref<32x128xf32, #tpu.memory_space<vmem>>, vector<16xf32>,
      tpu.vector_store %arg13[%swap3A_125, %swap3A_126], %broadcast_in_dim3A_1 {strides = array<i32>} : memref<32x128xf32, #tpu.memory_space<vmem>>, vector<16xf32>,
      %swap3A_128 = arith.index_cast %scan3A_123 : i32 to index
      %swap3A_129 = arith.constant 16 : index
      %swap3A_130 = tpu.vector_load %arg13[%swap3A_128, %swap3A_129] {strides = array<i32>} : memref<32x128xf32, #tpu.memory_space<vmem>>, vector<16xf32>,
      tpu.vector_store %arg13[%swap3A_128, %swap3A_129], %broadcast_in_dim3A_1 {strides = array<i32>} : memref<32x128xf32, #tpu.memory_space<vmem>>, vector<16xf32>,
      %swap3A_131 = arith.index_cast %scan3A_123 : i32 to index
      %swap3A_132 = arith.constant 32 : index
      %swap3A_133 = tpu.vector_load %arg13[%swap3A_131, %swap3A_132] {strides = array<i32>} : memref<32x128xf32, #tpu.memory_space<vmem>>, vector<16xf32>,
      tpu.vector_store %arg13[%swap3A_131, %swap3A_132], %broadcast_in_dim3A_1 {strides = array<i32>} : memref<32x128xf32, #tpu.memory_space<vmem>>, vector<16xf32>,
      %swap3A_134 = arith.index_cast %scan3A_123 : i32 to index
      %swap3A_135 = arith.constant 48 : index
      %swap3A_136 = tpu.vector_load %arg13[%swap3A_134, %swap3A_135] {strides = array<i32>} : memref<32x128xf32, #tpu.memory_space<vmem>>, vector<16xf32>,
      tpu.vector_store %arg13[%swap3A_134, %swap3A_135], %broadcast_in_dim3A_1 {strides = array<i32>} : memref<32x128xf32, #tpu.memory_space<vmem>>, vector<16xf32>,
      %swap3A_137 = arith.index_cast %scan3A_123 : i32 to index
      %swap3A_138 = arith.constant 64 : index
      %swap3A_139 = tpu.vector_load %arg13[%swap3A_137, %swap3A_138] {strides = array<i32>} : memref<32x128xf32, #tpu.memory_space<vmem>>, vector<16xf32>,
      tpu.vector_store %arg13[%swap3A_137, %swap3A_138], %broadcast_in_dim3A_1 {strides = array<i32>} : memref<32x128xf32, #tpu.memory_space<vmem>>, vector<16xf32>,
      %swap3A_140 = arith.index_cast %scan3A_123 : i32 to index
      %swap3A_141 = arith.constant 80 : index
      %swap3A_142 = tpu.vector_load %arg13[%swap3A_140, %swap3A_141] {strides = array<i32>} : memref<32x128xf32, #tpu.memory_space<vmem>>, vector<16xf32>,
      tpu.vector_store %arg13[%swap3A_140, %swap3A_141], %broadcast_in_dim3A_1 {strides = array<i32>} : memref<32x128xf32, #tpu.memory_space<vmem>>, vector<16xf32>,
      %swap3A_143 = arith.index_cast %scan3A_123 : i32 to index
      %swap3A_144 = arith.constant 96 : index
      %swap3A_145 = tpu.vector_load %arg13[%swap3A_143, %swap3A_144] {strides = array<i32>} : memref<32x128xf32, #tpu.memory_space<vmem>>, vector<16xf32>,
      tpu.vector_store %arg13[%swap3A_143, %swap3A_144], %broadcast_in_dim3A_1 {strides = array<i32>} : memref<32x128xf32, #tpu.memory_space<vmem>>, vector<16xf32>,
      %swap3A_146 = arith.index_cast %scan3A_123 : i32 to index
      %swap3A_147 = arith.constant 112 : index
      %swap3A_148 = tpu.vector_load %arg13[%swap3A_146, %swap3A_147] {strides = array<i32>} : memref<32x128xf32, #tpu.memory_space<vmem>>, vector<16xf32>,
      tpu.vector_store %arg13[%swap3A_146, %swap3A_147], %broadcast_in_dim3A_1 {strides = array<i32>} : memref<32x128xf32, #tpu.memory_space<vmem>>, vector<16xf32>,
      %scan3A_149 = arith.constant 0 : i32
      scf.yield %scan3A_149 : i32
    }
    %scan3A_16 = arith.constant 32 : i32
    %add3A = arith.constant 2008 : i32
    %add3A_17 = vector.broadcast %add3A : i32 to vector<16xi32>
    %add3A_18 = arith.addi %add3A_17, %iota3A : vector<16xi32>
    %swap3A = arith.constant 0 : i32
    %swap3A_19 = arith.index_cast %swap3A : i32 to index
    %swap3A_20 = arith.constant 0 : index
    %swap3A_21 = tpu.vector_load %arg14[%swap3A_19, %swap3A_20] {strides = array<i32>} : memref<1x32xi32, #tpu.memory_space<vmem>>, vector<16xi32>,
    tpu.vector_store %arg14[%swap3A_19, %swap3A_20], %add3A_18 {strides = array<i32>} : memref<1x32xi32, #tpu.memory_space<vmem>>, vector<16xi32>,
    %add3A_22 = arith.constant 2024 : i32
    %add3A_23 = vector.broadcast %add3A_22 : i32 to vector<16xi32>
    %add3A_24 = arith.addi %add3A_23, %iota3A : vector<16xi32>
    %swap3A_25 = arith.constant 0 : i32
    %swap3A_26 = arith.index_cast %swap3A_25 : i32 to index
    %swap3A_27 = arith.constant 16 : index
    %swap3A_28 = tpu.vector_load %arg14[%swap3A_26, %swap3A_27] {strides = array<i32>} : memref<1x32xi32, #tpu.memory_space<vmem>>, vector<16xi32>,
    tpu.vector_store %arg14[%swap3A_26, %swap3A_27], %add3A_24 {strides = array<i32>} : memref<1x32xi32, #tpu.memory_space<vmem>>, vector<16xi32>,
    %mul3A_29 = arith.constant 120 : i32
    %mul3A_30 = arith.muli %arg1, %mul3A_29 : i32
    %eq3A = arith.constant 15 : i32
    %eq3A_31 = arith.cmpi eq, %arg1, %eq3A : i32
    %jit3A = arith.constant 25 : i32
    %jit3A_32 = arith.constant 15 : i32
    %select_n3A = arith.select %eq3A_31, %jit3A, %jit3A_32 : i32
    %add3A_33 = arith.constant 7 : i32
    %add3A_34 = arith.addi %select_n3A, %add3A_33 : i32
    %jit3A_35 = arith.constant 8 : i32
    %div3A = arith.divsi %add3A_34, %jit3A_35 : i32
    %sign3A = arith.constant 0 : i32
    %sign3A_36 = arith.cmpi sgt, %add3A_34, %sign3A : i32
    %sign3A_37 = arith.extui %sign3A_36 : i1 to i32
    %sign3A_38 = arith.constant 0 : i32
    %sign3A_39 = arith.cmpi slt, %add3A_34, %sign3A_38 : i32
    %sign3A_40 = arith.extui %sign3A_39 : i1 to i32
    %sign3A_41 = arith.subi %sign3A_37, %sign3A_40 : i32
    %sign3A_42 = arith.constant 0 : i32
    %sign3A_43 = arith.cmpi sgt, %jit3A_35, %sign3A_42 : i32
    %sign3A_44 = arith.extui %sign3A_43 : i1 to i32
    %sign3A_45 = arith.constant 0 : i32
    %sign3A_46 = arith.cmpi slt, %jit3A_35, %sign3A_45 : i32
    %sign3A_47 = arith.extui %sign3A_46 : i1 to i32
    %sign3A_48 = arith.subi %sign3A_44, %sign3A_47 : i32
    %ne3A = arith.cmpi ne, %sign3A_41, %sign3A_48 : i32
    %rem3A = arith.remsi %add3A_34, %jit3A_35 : i32
    %ne3A_49 = arith.constant 0 : i32
    %ne3A_50 = arith.cmpi ne, %rem3A, %ne3A_49 : i32
    %and3A = arith.andi %ne3A, %ne3A_50 : i1
    %sub3A = arith.constant 1 : i32
    %sub3A_51 = arith.subi %div3A, %sub3A : i32
    %select_n3A_52 = arith.select %and3A, %sub3A_51, %div3A : i32
    %while3A = arith.constant 0 : i32
    %while3A_53 = arith.constant 0 : i32
    %while3A_54 = arith.subi %select_n3A_52, %while3A : i32
    %while3A_55 = arith.addi %while3A, %while3A_54 : i32
    %while3A_56 = arith.constant 1 : i32
    %while3A_57 = arith.divsi %while3A_54, %while3A_56 : i32
    %while3A_58 = arith.muli %while3A_57, %while3A_56 : i32
    %while3A_59 = arith.addi %while3A, %while3A_58 : i32
    %while3A_60 = arith.constant 1 : i32
    %while3A_61 = scf.for %while3A_123 = %while3A to %while3A_59 step %while3A_60 iter_args(%while3A_124 = %while3A_53) -> (i32)  : i32 {
      %mul3A_125 = arith.constant 8 : i32
      %mul3A_126 = arith.muli %while3A_123, %mul3A_125 : i32
      %add3A_127 = arith.constant 8 : i32
      %add3A_128 = arith.addi %mul3A_126, %add3A_127 : i32
      %min3A = arith.minsi %add3A_128, %select_n3A : i32
      %while3A_129 = arith.constant 0 : i32
      %while3A_130 = arith.subi %min3A, %mul3A_126 : i32
      %while3A_131 = arith.addi %mul3A_126, %while3A_130 : i32
      %while3A_132 = arith.constant 1 : i32
      %while3A_133 = arith.divsi %while3A_130, %while3A_132 : i32
      %while3A_134 = arith.muli %while3A_133, %while3A_132 : i32
      %while3A_135 = arith.addi %mul3A_126, %while3A_134 : i32
      %while3A_136 = arith.constant 1 : i32
      %while3A_137 = scf.for %while3A_152 = %mul3A_126 to %while3A_135 step %while3A_136 iter_args(%while3A_153 = %while3A_129) -> (i32)  : i32 {
        %mul3A_154 = arith.constant 8 : i32
        %mul3A_155 = arith.muli %while3A_152, %mul3A_154 : i32
        %add3A_156 = arith.addi %mul3A_30, %mul3A_155 : i32
        %dma_start3A = arith.constant 0 : i32
        %dma_start3A_157 = arith.constant 0 : i32
        %dma_start3A_158 = tpu.memref_slice %arg11[%dma_start3A, %dma_start3A_157] : memref<64x128xf32, #tpu.memory_space<vmem>> -> memref<8x128xf32, #tpu.memory_space<vmem>>
        %dma_start3A_159 = arith.constant 0 : i32
        %dma_start3A_160 = tpu.memref_slice %arg15[%add3A_156, %dma_start3A_159] : memref<2040x128xf32, #tpu.memory_space<vmem_shared>> -> memref<8x128xf32, #tpu.memory_space<vmem_shared>>
        %dma_start3A_161 = arith.constant 0 : i32
        %dma_start3A_162 = tpu.memref_slice %arg15[%add3A_156, %dma_start3A_161] : memref<2040x128xf32, #tpu.memory_space<vmem_shared>> -> memref<8x128xf32, #tpu.memory_space<vmem_shared>>
        %dma_start3A_163 = arith.constant 0 : i32
        %dma_start3A_164 = arith.constant 0 : i32
        %dma_start3A_165 = tpu.memref_slice %arg11[%dma_start3A_163, %dma_start3A_164] : memref<64x128xf32, #tpu.memory_space<vmem>> -> memref<8x128xf32, #tpu.memory_space<vmem>>
        tpu.enqueue_dma source(%dma_start3A_165 : memref<8x128xf32, #tpu.memory_space<vmem>>) target(%dma_start3A_162 : memref<8x128xf32, #tpu.memory_space<vmem_shared>>) target_semaphore(%arg20 : memref<!tpu.dma_semaphore, #tpu.memory_space<semaphore_mem>>)
        %while3A_166 = arith.constant 0 : i32
        scf.yield %while3A_166 : i32
      }
      %while3A_138 = arith.constant 1 : i32
      %while3A_139 = scf.for %while3A_152 = %while3A_135 to %while3A_131 step %while3A_138 iter_args(%while3A_153 = %while3A_137) -> (i32)  : i32 {
        %mul3A_154 = arith.constant 8 : i32
        %mul3A_155 = arith.muli %while3A_152, %mul3A_154 : i32
        %add3A_156 = arith.addi %mul3A_30, %mul3A_155 : i32
        %dma_start3A = arith.constant 0 : i32
        %dma_start3A_157 = arith.constant 0 : i32
        %dma_start3A_158 = tpu.memref_slice %arg11[%dma_start3A, %dma_start3A_157] : memref<64x128xf32, #tpu.memory_space<vmem>> -> memref<8x128xf32, #tpu.memory_space<vmem>>
        %dma_start3A_159 = arith.constant 0 : i32
        %dma_start3A_160 = tpu.memref_slice %arg15[%add3A_156, %dma_start3A_159] : memref<2040x128xf32, #tpu.memory_space<vmem_shared>> -> memref<8x128xf32, #tpu.memory_space<vmem_shared>>
        %dma_start3A_161 = arith.constant 0 : i32
        %dma_start3A_162 = tpu.memref_slice %arg15[%add3A_156, %dma_start3A_161] : memref<2040x128xf32, #tpu.memory_space<vmem_shared>> -> memref<8x128xf32, #tpu.memory_space<vmem_shared>>
        %dma_start3A_163 = arith.constant 0 : i32
        %dma_start3A_164 = arith.constant 0 : i32
        %dma_start3A_165 = tpu.memref_slice %arg11[%dma_start3A_163, %dma_start3A_164] : memref<64x128xf32, #tpu.memory_space<vmem>> -> memref<8x128xf32, #tpu.memory_space<vmem>>
        tpu.enqueue_dma source(%dma_start3A_165 : memref<8x128xf32, #tpu.memory_space<vmem>>) target(%dma_start3A_162 : memref<8x128xf32, #tpu.memory_space<vmem_shared>>) target_semaphore(%arg20 : memref<!tpu.dma_semaphore, #tpu.memory_space<semaphore_mem>>)
        %while3A_166 = arith.constant 0 : i32
        scf.yield %while3A_166 : i32
      }
      %while3A_140 = arith.constant 0 : i32
      %while3A_141 = arith.subi %min3A, %mul3A_126 : i32
      %while3A_142 = arith.addi %mul3A_126, %while3A_141 : i32
      %while3A_143 = arith.constant 1 : i32
      %while3A_144 = arith.divsi %while3A_141, %while3A_143 : i32
      %while3A_145 = arith.muli %while3A_144, %while3A_143 : i32
      %while3A_146 = arith.addi %mul3A_126, %while3A_145 : i32
      %while3A_147 = arith.constant 1 : i32
      %while3A_148 = scf.for %while3A_152 = %mul3A_126 to %while3A_146 step %while3A_147 iter_args(%while3A_153 = %while3A_140) -> (i32)  : i32 {
        %dma_wait3A = arith.constant 0 : i32
        %dma_wait3A_154 = arith.constant 0 : i32
        %dma_wait3A_155 = tpu.memref_slice %arg11[%dma_wait3A, %dma_wait3A_154] : memref<64x128xf32, #tpu.memory_space<vmem>> -> memref<8x128xf32, #tpu.memory_space<vmem>>
        %dma_wait3A_156 = arith.constant 0 : i32
        %dma_wait3A_157 = tpu.memref_slice %arg15[%mul3A_30, %dma_wait3A_156] : memref<2040x128xf32, #tpu.memory_space<vmem_shared>> -> memref<8x128xf32, #tpu.memory_space<vmem_shared>>
        %dma_wait3A_158 = arith.constant 0 : i32
        %dma_wait3A_159 = tpu.memref_slice %arg15[%mul3A_30, %dma_wait3A_158] : memref<2040x128xf32, #tpu.memory_space<vmem_shared>> -> memref<8x128xf32, #tpu.memory_space<vmem_shared>>
        %dma_wait3A_160 = arith.constant 0 : i32
        %dma_wait3A_161 = arith.constant 0 : i32
        %dma_wait3A_162 = tpu.memref_slice %arg11[%dma_wait3A_160, %dma_wait3A_161] : memref<64x128xf32, #tpu.memory_space<vmem>> -> memref<8x128xf32, #tpu.memory_space<vmem>>
        tpu.wait_dma2 semaphore(%arg20 : memref<!tpu.dma_semaphore, #tpu.memory_space<semaphore_mem>>) src(%dma_wait3A_162 : memref<8x128xf32, #tpu.memory_space<vmem>>) dst(%dma_wait3A_159 : memref<8x128xf32, #tpu.memory_space<vmem_shared>>)
        %while3A_163 = arith.constant 0 : i32
        scf.yield %while3A_163 : i32
      }
      %while3A_149 = arith.constant 1 : i32
      %while3A_150 = scf.for %while3A_152 = %while3A_146 to %while3A_142 step %while3A_149 iter_args(%while3A_153 = %while3A_148) -> (i32)  : i32 {
        %dma_wait3A = arith.constant 0 : i32
        %dma_wait3A_154 = arith.constant 0 : i32
        %dma_wait3A_155 = tpu.memref_slice %arg11[%dma_wait3A, %dma_wait3A_154] : memref<64x128xf32, #tpu.memory_space<vmem>> -> memref<8x128xf32, #tpu.memory_space<vmem>>
        %dma_wait3A_156 = arith.constant 0 : i32
        %dma_wait3A_157 = tpu.memref_slice %arg15[%mul3A_30, %dma_wait3A_156] : memref<2040x128xf32, #tpu.memory_space<vmem_shared>> -> memref<8x128xf32, #tpu.memory_space<vmem_shared>>
        %dma_wait3A_158 = arith.constant 0 : i32
        %dma_wait3A_159 = tpu.memref_slice %arg15[%mul3A_30, %dma_wait3A_158] : memref<2040x128xf32, #tpu.memory_space<vmem_shared>> -> memref<8x128xf32, #tpu.memory_space<vmem_shared>>
        %dma_wait3A_160 = arith.constant 0 : i32
        %dma_wait3A_161 = arith.constant 0 : i32
        %dma_wait3A_162 = tpu.memref_slice %arg11[%dma_wait3A_160, %dma_wait3A_161] : memref<64x128xf32, #tpu.memory_space<vmem>> -> memref<8x128xf32, #tpu.memory_space<vmem>>
        tpu.wait_dma2 semaphore(%arg20 : memref<!tpu.dma_semaphore, #tpu.memory_space<semaphore_mem>>) src(%dma_wait3A_162 : memref<8x128xf32, #tpu.memory_space<vmem>>) dst(%dma_wait3A_159 : memref<8x128xf32, #tpu.memory_space<vmem_shared>>)
        %while3A_163 = arith.constant 0 : i32
        scf.yield %while3A_163 : i32
      }
      %while3A_151 = arith.constant 0 : i32
      scf.yield %while3A_151 : i32
    }
    %while3A_62 = arith.constant 1 : i32
    %while3A_63 = scf.for %while3A_123 = %while3A_59 to %while3A_55 step %while3A_62 iter_args(%while3A_124 = %while3A_61) -> (i32)  : i32 {
      %mul3A_125 = arith.constant 8 : i32
      %mul3A_126 = arith.muli %while3A_123, %mul3A_125 : i32
      %add3A_127 = arith.constant 8 : i32
      %add3A_128 = arith.addi %mul3A_126, %add3A_127 : i32
      %min3A = arith.minsi %add3A_128, %select_n3A : i32
      %while3A_129 = arith.constant 0 : i32
      %while3A_130 = arith.subi %min3A, %mul3A_126 : i32
      %while3A_131 = arith.addi %mul3A_126, %while3A_130 : i32
      %while3A_132 = arith.constant 1 : i32
      %while3A_133 = arith.divsi %while3A_130, %while3A_132 : i32
      %while3A_134 = arith.muli %while3A_133, %while3A_132 : i32
      %while3A_135 = arith.addi %mul3A_126, %while3A_134 : i32
      %while3A_136 = arith.constant 1 : i32
      %while3A_137 = scf.for %while3A_152 = %mul3A_126 to %while3A_135 step %while3A_136 iter_args(%while3A_153 = %while3A_129) -> (i32)  : i32 {
        %mul3A_154 = arith.constant 8 : i32
        %mul3A_155 = arith.muli %while3A_152, %mul3A_154 : i32
        %add3A_156 = arith.addi %mul3A_30, %mul3A_155 : i32
        %dma_start3A = arith.constant 0 : i32
        %dma_start3A_157 = arith.constant 0 : i32
        %dma_start3A_158 = tpu.memref_slice %arg11[%dma_start3A, %dma_start3A_157] : memref<64x128xf32, #tpu.memory_space<vmem>> -> memref<8x128xf32, #tpu.memory_space<vmem>>
        %dma_start3A_159 = arith.constant 0 : i32
        %dma_start3A_160 = tpu.memref_slice %arg15[%add3A_156, %dma_start3A_159] : memref<2040x128xf32, #tpu.memory_space<vmem_shared>> -> memref<8x128xf32, #tpu.memory_space<vmem_shared>>
        %dma_start3A_161 = arith.constant 0 : i32
        %dma_start3A_162 = tpu.memref_slice %arg15[%add3A_156, %dma_start3A_161] : memref<2040x128xf32, #tpu.memory_space<vmem_shared>> -> memref<8x128xf32, #tpu.memory_space<vmem_shared>>
        %dma_start3A_163 = arith.constant 0 : i32
        %dma_start3A_164 = arith.constant 0 : i32
        %dma_start3A_165 = tpu.memref_slice %arg11[%dma_start3A_163, %dma_start3A_164] : memref<64x128xf32, #tpu.memory_space<vmem>> -> memref<8x128xf32, #tpu.memory_space<vmem>>
        tpu.enqueue_dma source(%dma_start3A_165 : memref<8x128xf32, #tpu.memory_space<vmem>>) target(%dma_start3A_162 : memref<8x128xf32, #tpu.memory_space<vmem_shared>>) target_semaphore(%arg20 : memref<!tpu.dma_semaphore, #tpu.memory_space<semaphore_mem>>)
        %while3A_166 = arith.constant 0 : i32
        scf.yield %while3A_166 : i32
      }
      %while3A_138 = arith.constant 1 : i32
      %while3A_139 = scf.for %while3A_152 = %while3A_135 to %while3A_131 step %while3A_138 iter_args(%while3A_153 = %while3A_137) -> (i32)  : i32 {
        %mul3A_154 = arith.constant 8 : i32
        %mul3A_155 = arith.muli %while3A_152, %mul3A_154 : i32
        %add3A_156 = arith.addi %mul3A_30, %mul3A_155 : i32
        %dma_start3A = arith.constant 0 : i32
        %dma_start3A_157 = arith.constant 0 : i32
        %dma_start3A_158 = tpu.memref_slice %arg11[%dma_start3A, %dma_start3A_157] : memref<64x128xf32, #tpu.memory_space<vmem>> -> memref<8x128xf32, #tpu.memory_space<vmem>>
        %dma_start3A_159 = arith.constant 0 : i32
        %dma_start3A_160 = tpu.memref_slice %arg15[%add3A_156, %dma_start3A_159] : memref<2040x128xf32, #tpu.memory_space<vmem_shared>> -> memref<8x128xf32, #tpu.memory_space<vmem_shared>>
        %dma_start3A_161 = arith.constant 0 : i32
        %dma_start3A_162 = tpu.memref_slice %arg15[%add3A_156, %dma_start3A_161] : memref<2040x128xf32, #tpu.memory_space<vmem_shared>> -> memref<8x128xf32, #tpu.memory_space<vmem_shared>>
        %dma_start3A_163 = arith.constant 0 : i32
        %dma_start3A_164 = arith.constant 0 : i32
        %dma_start3A_165 = tpu.memref_slice %arg11[%dma_start3A_163, %dma_start3A_164] : memref<64x128xf32, #tpu.memory_space<vmem>> -> memref<8x128xf32, #tpu.memory_space<vmem>>
        tpu.enqueue_dma source(%dma_start3A_165 : memref<8x128xf32, #tpu.memory_space<vmem>>) target(%dma_start3A_162 : memref<8x128xf32, #tpu.memory_space<vmem_shared>>) target_semaphore(%arg20 : memref<!tpu.dma_semaphore, #tpu.memory_space<semaphore_mem>>)
        %while3A_166 = arith.constant 0 : i32
        scf.yield %while3A_166 : i32
      }
      %while3A_140 = arith.constant 0 : i32
      %while3A_141 = arith.subi %min3A, %mul3A_126 : i32
      %while3A_142 = arith.addi %mul3A_126, %while3A_141 : i32
      %while3A_143 = arith.constant 1 : i32
      %while3A_144 = arith.divsi %while3A_141, %while3A_143 : i32
      %while3A_145 = arith.muli %while3A_144, %while3A_143 : i32
      %while3A_146 = arith.addi %mul3A_126, %while3A_145 : i32
      %while3A_147 = arith.constant 1 : i32
      %while3A_148 = scf.for %while3A_152 = %mul3A_126 to %while3A_146 step %while3A_147 iter_args(%while3A_153 = %while3A_140) -> (i32)  : i32 {
        %dma_wait3A = arith.constant 0 : i32
        %dma_wait3A_154 = arith.constant 0 : i32
        %dma_wait3A_155 = tpu.memref_slice %arg11[%dma_wait3A, %dma_wait3A_154] : memref<64x128xf32, #tpu.memory_space<vmem>> -> memref<8x128xf32, #tpu.memory_space<vmem>>
        %dma_wait3A_156 = arith.constant 0 : i32
        %dma_wait3A_157 = tpu.memref_slice %arg15[%mul3A_30, %dma_wait3A_156] : memref<2040x128xf32, #tpu.memory_space<vmem_shared>> -> memref<8x128xf32, #tpu.memory_space<vmem_shared>>
        %dma_wait3A_158 = arith.constant 0 : i32
        %dma_wait3A_159 = tpu.memref_slice %arg15[%mul3A_30, %dma_wait3A_158] : memref<2040x128xf32, #tpu.memory_space<vmem_shared>> -> memref<8x128xf32, #tpu.memory_space<vmem_shared>>
        %dma_wait3A_160 = arith.constant 0 : i32
        %dma_wait3A_161 = arith.constant 0 : i32
        %dma_wait3A_162 = tpu.memref_slice %arg11[%dma_wait3A_160, %dma_wait3A_161] : memref<64x128xf32, #tpu.memory_space<vmem>> -> memref<8x128xf32, #tpu.memory_space<vmem>>
        tpu.wait_dma2 semaphore(%arg20 : memref<!tpu.dma_semaphore, #tpu.memory_space<semaphore_mem>>) src(%dma_wait3A_162 : memref<8x128xf32, #tpu.memory_space<vmem>>) dst(%dma_wait3A_159 : memref<8x128xf32, #tpu.memory_space<vmem_shared>>)
        %while3A_163 = arith.constant 0 : i32
        scf.yield %while3A_163 : i32
      }
      %while3A_149 = arith.constant 1 : i32
      %while3A_150 = scf.for %while3A_152 = %while3A_146 to %while3A_142 step %while3A_149 iter_args(%while3A_153 = %while3A_148) -> (i32)  : i32 {
        %dma_wait3A = arith.constant 0 : i32
        %dma_wait3A_154 = arith.constant 0 : i32
        %dma_wait3A_155 = tpu.memref_slice %arg11[%dma_wait3A, %dma_wait3A_154] : memref<64x128xf32, #tpu.memory_space<vmem>> -> memref<8x128xf32, #tpu.memory_space<vmem>>
        %dma_wait3A_156 = arith.constant 0 : i32
        %dma_wait3A_157 = tpu.memref_slice %arg15[%mul3A_30, %dma_wait3A_156] : memref<2040x128xf32, #tpu.memory_space<vmem_shared>> -> memref<8x128xf32, #tpu.memory_space<vmem_shared>>
        %dma_wait3A_158 = arith.constant 0 : i32
        %dma_wait3A_159 = tpu.memref_slice %arg15[%mul3A_30, %dma_wait3A_158] : memref<2040x128xf32, #tpu.memory_space<vmem_shared>> -> memref<8x128xf32, #tpu.memory_space<vmem_shared>>
        %dma_wait3A_160 = arith.constant 0 : i32
        %dma_wait3A_161 = arith.constant 0 : i32
        %dma_wait3A_162 = tpu.memref_slice %arg11[%dma_wait3A_160, %dma_wait3A_161] : memref<64x128xf32, #tpu.memory_space<vmem>> -> memref<8x128xf32, #tpu.memory_space<vmem>>
        tpu.wait_dma2 semaphore(%arg20 : memref<!tpu.dma_semaphore, #tpu.memory_space<semaphore_mem>>) src(%dma_wait3A_162 : memref<8x128xf32, #tpu.memory_space<vmem>>) dst(%dma_wait3A_159 : memref<8x128xf32, #tpu.memory_space<vmem_shared>>)
        %while3A_163 = arith.constant 0 : i32
        scf.yield %while3A_163 : i32
      }
      %while3A_151 = arith.constant 0 : i32
      scf.yield %while3A_151 : i32
    }
    %eq3A_64 = arith.constant 0 : i32
    %eq3A_65 = arith.cmpi eq, %arg1, %eq3A_64 : i32
    %convert_element_type3A = arith.extui %eq3A_65 : i1 to i32
    %cond3A = arith.constant 0 : i32
    %cond3A_66 = arith.cmpi ne, %convert_element_type3A, %cond3A : i32
    scf.if %cond3A_66 {
      "tpu.region"() ({
        %run_scoped3A_123 = tpu.sem_alloc : memref<!tpu.dma_semaphore, #tpu.memory_space<semaphore_mem>>
        %dma_start3A = arith.constant 0 : i32
        %dma_start3A_124 = arith.constant 0 : i32
        %dma_start3A_125 = tpu.memref_slice %arg11[%dma_start3A, %dma_start3A_124] : memref<64x128xf32, #tpu.memory_space<vmem>> -> memref<8x128xf32, #tpu.memory_space<vmem>>
        %dma_start3A_126 = arith.constant 2008 : i32
        %dma_start3A_127 = arith.constant 0 : i32
        %dma_start3A_128 = tpu.memref_slice %arg15[%dma_start3A_126, %dma_start3A_127] : memref<2040x128xf32, #tpu.memory_space<vmem_shared>> -> memref<8x128xf32, #tpu.memory_space<vmem_shared>>
        %dma_start3A_129 = arith.constant 2008 : i32
        %dma_start3A_130 = arith.constant 0 : i32
        %dma_start3A_131 = tpu.memref_slice %arg15[%dma_start3A_129, %dma_start3A_130] : memref<2040x128xf32, #tpu.memory_space<vmem_shared>> -> memref<8x128xf32, #tpu.memory_space<vmem_shared>>
        %dma_start3A_132 = arith.constant 0 : i32
        %dma_start3A_133 = arith.constant 0 : i32
        %dma_start3A_134 = tpu.memref_slice %arg11[%dma_start3A_132, %dma_start3A_133] : memref<64x128xf32, #tpu.memory_space<vmem>> -> memref<8x128xf32, #tpu.memory_space<vmem>>
        tpu.enqueue_dma source(%dma_start3A_134 : memref<8x128xf32, #tpu.memory_space<vmem>>) target(%dma_start3A_131 : memref<8x128xf32, #tpu.memory_space<vmem_shared>>) target_semaphore(%run_scoped3A_123 : memref<!tpu.dma_semaphore, #tpu.memory_space<semaphore_mem>>)
        %dma_wait3A = arith.constant 0 : i32
        %dma_wait3A_135 = arith.constant 0 : i32
        %dma_wait3A_136 = tpu.memref_slice %arg11[%dma_wait3A, %dma_wait3A_135] : memref<64x128xf32, #tpu.memory_space<vmem>> -> memref<8x128xf32, #tpu.memory_space<vmem>>
        %dma_wait3A_137 = arith.constant 2008 : i32
        %dma_wait3A_138 = arith.constant 0 : i32
        %dma_wait3A_139 = tpu.memref_slice %arg15[%dma_wait3A_137, %dma_wait3A_138] : memref<2040x128xf32, #tpu.memory_space<vmem_shared>> -> memref<8x128xf32, #tpu.memory_space<vmem_shared>>
        %dma_wait3A_140 = arith.constant 2008 : i32
        %dma_wait3A_141 = arith.constant 0 : i32
        %dma_wait3A_142 = tpu.memref_slice %arg15[%dma_wait3A_140, %dma_wait3A_141] : memref<2040x128xf32, #tpu.memory_space<vmem_shared>> -> memref<8x128xf32, #tpu.memory_space<vmem_shared>>
        %dma_wait3A_143 = arith.constant 0 : i32
        %dma_wait3A_144 = arith.constant 0 : i32
        %dma_wait3A_145 = tpu.memref_slice %arg11[%dma_wait3A_143, %dma_wait3A_144] : memref<64x128xf32, #tpu.memory_space<vmem>> -> memref<8x128xf32, #tpu.memory_space<vmem>>
        tpu.wait_dma2 semaphore(%run_scoped3A_123 : memref<!tpu.dma_semaphore, #tpu.memory_space<semaphore_mem>>) src(%dma_wait3A_145 : memref<8x128xf32, #tpu.memory_space<vmem>>) dst(%dma_wait3A_142 : memref<8x128xf32, #tpu.memory_space<vmem_shared>>)
        tpu.yield
      }) : () -> ()
      "tpu.region"() ({
        %run_scoped3A_123 = tpu.sem_alloc : memref<!tpu.dma_semaphore, #tpu.memory_space<semaphore_mem>>
        %dma_start3A = arith.constant 0 : i32
        %dma_start3A_124 = arith.constant 0 : i32
        %dma_start3A_125 = tpu.memref_slice %arg11[%dma_start3A, %dma_start3A_124] : memref<64x128xf32, #tpu.memory_space<vmem>> -> memref<8x128xf32, #tpu.memory_space<vmem>>
        %dma_start3A_126 = arith.constant 2016 : i32
        %dma_start3A_127 = arith.constant 0 : i32
        %dma_start3A_128 = tpu.memref_slice %arg15[%dma_start3A_126, %dma_start3A_127] : memref<2040x128xf32, #tpu.memory_space<vmem_shared>> -> memref<8x128xf32, #tpu.memory_space<vmem_shared>>
        %dma_start3A_129 = arith.constant 2016 : i32
        %dma_start3A_130 = arith.constant 0 : i32
        %dma_start3A_131 = tpu.memref_slice %arg15[%dma_start3A_129, %dma_start3A_130] : memref<2040x128xf32, #tpu.memory_space<vmem_shared>> -> memref<8x128xf32, #tpu.memory_space<vmem_shared>>
        %dma_start3A_132 = arith.constant 0 : i32
        %dma_start3A_133 = arith.constant 0 : i32
        %dma_start3A_134 = tpu.memref_slice %arg11[%dma_start3A_132, %dma_start3A_133] : memref<64x128xf32, #tpu.memory_space<vmem>> -> memref<8x128xf32, #tpu.memory_space<vmem>>
        tpu.enqueue_dma source(%dma_start3A_134 : memref<8x128xf32, #tpu.memory_space<vmem>>) target(%dma_start3A_131 : memref<8x128xf32, #tpu.memory_space<vmem_shared>>) target_semaphore(%run_scoped3A_123 : memref<!tpu.dma_semaphore, #tpu.memory_space<semaphore_mem>>)
        %dma_wait3A = arith.constant 0 : i32
        %dma_wait3A_135 = arith.constant 0 : i32
        %dma_wait3A_136 = tpu.memref_slice %arg11[%dma_wait3A, %dma_wait3A_135] : memref<64x128xf32, #tpu.memory_space<vmem>> -> memref<8x128xf32, #tpu.memory_space<vmem>>
        %dma_wait3A_137 = arith.constant 2016 : i32
        %dma_wait3A_138 = arith.constant 0 : i32
        %dma_wait3A_139 = tpu.memref_slice %arg15[%dma_wait3A_137, %dma_wait3A_138] : memref<2040x128xf32, #tpu.memory_space<vmem_shared>> -> memref<8x128xf32, #tpu.memory_space<vmem_shared>>
        %dma_wait3A_140 = arith.constant 2016 : i32
        %dma_wait3A_141 = arith.constant 0 : i32
        %dma_wait3A_142 = tpu.memref_slice %arg15[%dma_wait3A_140, %dma_wait3A_141] : memref<2040x128xf32, #tpu.memory_space<vmem_shared>> -> memref<8x128xf32, #tpu.memory_space<vmem_shared>>
        %dma_wait3A_143 = arith.constant 0 : i32
        %dma_wait3A_144 = arith.constant 0 : i32
        %dma_wait3A_145 = tpu.memref_slice %arg11[%dma_wait3A_143, %dma_wait3A_144] : memref<64x128xf32, #tpu.memory_space<vmem>> -> memref<8x128xf32, #tpu.memory_space<vmem>>
        tpu.wait_dma2 semaphore(%run_scoped3A_123 : memref<!tpu.dma_semaphore, #tpu.memory_space<semaphore_mem>>) src(%dma_wait3A_145 : memref<8x128xf32, #tpu.memory_space<vmem>>) dst(%dma_wait3A_142 : memref<8x128xf32, #tpu.memory_space<vmem_shared>>)
        tpu.yield
      }) : () -> ()
      "tpu.region"() ({
        %run_scoped3A_123 = tpu.sem_alloc : memref<!tpu.dma_semaphore, #tpu.memory_space<semaphore_mem>>
        %dma_start3A = arith.constant 0 : i32
        %dma_start3A_124 = arith.constant 0 : i32
        %dma_start3A_125 = tpu.memref_slice %arg11[%dma_start3A, %dma_start3A_124] : memref<64x128xf32, #tpu.memory_space<vmem>> -> memref<8x128xf32, #tpu.memory_space<vmem>>
        %dma_start3A_126 = arith.constant 2024 : i32
        %dma_start3A_127 = arith.constant 0 : i32
        %dma_start3A_128 = tpu.memref_slice %arg15[%dma_start3A_126, %dma_start3A_127] : memref<2040x128xf32, #tpu.memory_space<vmem_shared>> -> memref<8x128xf32, #tpu.memory_space<vmem_shared>>
        %dma_start3A_129 = arith.constant 2024 : i32
        %dma_start3A_130 = arith.constant 0 : i32
        %dma_start3A_131 = tpu.memref_slice %arg15[%dma_start3A_129, %dma_start3A_130] : memref<2040x128xf32, #tpu.memory_space<vmem_shared>> -> memref<8x128xf32, #tpu.memory_space<vmem_shared>>
        %dma_start3A_132 = arith.constant 0 : i32
        %dma_start3A_133 = arith.constant 0 : i32
        %dma_start3A_134 = tpu.memref_slice %arg11[%dma_start3A_132, %dma_start3A_133] : memref<64x128xf32, #tpu.memory_space<vmem>> -> memref<8x128xf32, #tpu.memory_space<vmem>>
        tpu.enqueue_dma source(%dma_start3A_134 : memref<8x128xf32, #tpu.memory_space<vmem>>) target(%dma_start3A_131 : memref<8x128xf32, #tpu.memory_space<vmem_shared>>) target_semaphore(%run_scoped3A_123 : memref<!tpu.dma_semaphore, #tpu.memory_space<semaphore_mem>>)
        %dma_wait3A = arith.constant 0 : i32
        %dma_wait3A_135 = arith.constant 0 : i32
        %dma_wait3A_136 = tpu.memref_slice %arg11[%dma_wait3A, %dma_wait3A_135] : memref<64x128xf32, #tpu.memory_space<vmem>> -> memref<8x128xf32, #tpu.memory_space<vmem>>
        %dma_wait3A_137 = arith.constant 2024 : i32
        %dma_wait3A_138 = arith.constant 0 : i32
        %dma_wait3A_139 = tpu.memref_slice %arg15[%dma_wait3A_137, %dma_wait3A_138] : memref<2040x128xf32, #tpu.memory_space<vmem_shared>> -> memref<8x128xf32, #tpu.memory_space<vmem_shared>>
        %dma_wait3A_140 = arith.constant 2024 : i32
        %dma_wait3A_141 = arith.constant 0 : i32
        %dma_wait3A_142 = tpu.memref_slice %arg15[%dma_wait3A_140, %dma_wait3A_141] : memref<2040x128xf32, #tpu.memory_space<vmem_shared>> -> memref<8x128xf32, #tpu.memory_space<vmem_shared>>
        %dma_wait3A_143 = arith.constant 0 : i32
        %dma_wait3A_144 = arith.constant 0 : i32
        %dma_wait3A_145 = tpu.memref_slice %arg11[%dma_wait3A_143, %dma_wait3A_144] : memref<64x128xf32, #tpu.memory_space<vmem>> -> memref<8x128xf32, #tpu.memory_space<vmem>>
        tpu.wait_dma2 semaphore(%run_scoped3A_123 : memref<!tpu.dma_semaphore, #tpu.memory_space<semaphore_mem>>) src(%dma_wait3A_145 : memref<8x128xf32, #tpu.memory_space<vmem>>) dst(%dma_wait3A_142 : memref<8x128xf32, #tpu.memory_space<vmem_shared>>)
        tpu.yield
      }) : () -> ()
      "tpu.region"() ({
        %run_scoped3A_123 = tpu.sem_alloc : memref<!tpu.dma_semaphore, #tpu.memory_space<semaphore_mem>>
        %dma_start3A = arith.constant 0 : i32
        %dma_start3A_124 = arith.constant 0 : i32
        %dma_start3A_125 = tpu.memref_slice %arg11[%dma_start3A, %dma_start3A_124] : memref<64x128xf32, #tpu.memory_space<vmem>> -> memref<8x128xf32, #tpu.memory_space<vmem>>
        %dma_start3A_126 = arith.constant 2032 : i32
        %dma_start3A_127 = arith.constant 0 : i32
        %dma_start3A_128 = tpu.memref_slice %arg15[%dma_start3A_126, %dma_start3A_127] : memref<2040x128xf32, #tpu.memory_space<vmem_shared>> -> memref<8x128xf32, #tpu.memory_space<vmem_shared>>
        %dma_start3A_129 = arith.constant 2032 : i32
        %dma_start3A_130 = arith.constant 0 : i32
        %dma_start3A_131 = tpu.memref_slice %arg15[%dma_start3A_129, %dma_start3A_130] : memref<2040x128xf32, #tpu.memory_space<vmem_shared>> -> memref<8x128xf32, #tpu.memory_space<vmem_shared>>
        %dma_start3A_132 = arith.constant 0 : i32
        %dma_start3A_133 = arith.constant 0 : i32
        %dma_start3A_134 = tpu.memref_slice %arg11[%dma_start3A_132, %dma_start3A_133] : memref<64x128xf32, #tpu.memory_space<vmem>> -> memref<8x128xf32, #tpu.memory_space<vmem>>
        tpu.enqueue_dma source(%dma_start3A_134 : memref<8x128xf32, #tpu.memory_space<vmem>>) target(%dma_start3A_131 : memref<8x128xf32, #tpu.memory_space<vmem_shared>>) target_semaphore(%run_scoped3A_123 : memref<!tpu.dma_semaphore, #tpu.memory_space<semaphore_mem>>)
        %dma_wait3A = arith.constant 0 : i32
        %dma_wait3A_135 = arith.constant 0 : i32
        %dma_wait3A_136 = tpu.memref_slice %arg11[%dma_wait3A, %dma_wait3A_135] : memref<64x128xf32, #tpu.memory_space<vmem>> -> memref<8x128xf32, #tpu.memory_space<vmem>>
        %dma_wait3A_137 = arith.constant 2032 : i32
        %dma_wait3A_138 = arith.constant 0 : i32
        %dma_wait3A_139 = tpu.memref_slice %arg15[%dma_wait3A_137, %dma_wait3A_138] : memref<2040x128xf32, #tpu.memory_space<vmem_shared>> -> memref<8x128xf32, #tpu.memory_space<vmem_shared>>
        %dma_wait3A_140 = arith.constant 2032 : i32
        %dma_wait3A_141 = arith.constant 0 : i32
        %dma_wait3A_142 = tpu.memref_slice %arg15[%dma_wait3A_140, %dma_wait3A_141] : memref<2040x128xf32, #tpu.memory_space<vmem_shared>> -> memref<8x128xf32, #tpu.memory_space<vmem_shared>>
        %dma_wait3A_143 = arith.constant 0 : i32
        %dma_wait3A_144 = arith.constant 0 : i32
        %dma_wait3A_145 = tpu.memref_slice %arg11[%dma_wait3A_143, %dma_wait3A_144] : memref<64x128xf32, #tpu.memory_space<vmem>> -> memref<8x128xf32, #tpu.memory_space<vmem>>
        tpu.wait_dma2 semaphore(%run_scoped3A_123 : memref<!tpu.dma_semaphore, #tpu.memory_space<semaphore_mem>>) src(%dma_wait3A_145 : memref<8x128xf32, #tpu.memory_space<vmem>>) dst(%dma_wait3A_142 : memref<8x128xf32, #tpu.memory_space<vmem_shared>>)
        tpu.yield
      }) : () -> ()
    } else {
    }
    %barrier3A = arith.constant 0 : index
    tpu.barrier barrier_id(%barrier3A)
    %mul3A_67 = arith.constant 4000 : i32
    %mul3A_68 = arith.muli %arg1, %mul3A_67 : i32
    %scan3A_69 = arith.constant 0 : i32
    %scan3A_70 = arith.constant 0 : i32
    %scan3A_71 = arith.constant 2 : i32
    %scan3A_72 = arith.addi %scan3A_70, %scan3A_71 : i32
    %scan3A_73 = arith.constant 1 : i32
    %scan3A_74 = scf.for %scan3A_123 = %scan3A_70 to %scan3A_72 step %scan3A_73 iter_args(%scan3A_124 = %scan3A_69) -> (i32)  : i32 {
      %mul3A_125 = arith.constant 2000 : i32
      %mul3A_126 = arith.muli %scan3A_123, %mul3A_125 : i32
      %add3A_127 = arith.addi %mul3A_68, %mul3A_126 : i32
      "tpu.region"() ({
        %run_scoped3A_287 = tpu.sem_alloc : memref<!tpu.dma_semaphore, #tpu.memory_space<semaphore_mem>>
        %dma_start3A = tpu.memref_slice %arg3[%add3A_127] : memref<64000xi32, #tpu.memory_space<hbm>> -> memref<2000xi32, #tpu.memory_space<hbm>>
        %dma_start3A_288 = tpu.memref_slice %arg3[%add3A_127] : memref<64000xi32, #tpu.memory_space<hbm>> -> memref<2000xi32, #tpu.memory_space<hbm>>
        tpu.enqueue_dma source(%dma_start3A_288 : memref<2000xi32, #tpu.memory_space<hbm>>) target(%arg7 : memref<2000xi32, #tpu.memory_space<vmem>>) target_semaphore(%run_scoped3A_287 : memref<!tpu.dma_semaphore, #tpu.memory_space<semaphore_mem>>)
        %dma_wait3A = tpu.memref_slice %arg3[%add3A_127] : memref<64000xi32, #tpu.memory_space<hbm>> -> memref<2000xi32, #tpu.memory_space<hbm>>
        %dma_wait3A_289 = tpu.memref_slice %arg3[%add3A_127] : memref<64000xi32, #tpu.memory_space<hbm>> -> memref<2000xi32, #tpu.memory_space<hbm>>
        tpu.wait_dma2 semaphore(%run_scoped3A_287 : memref<!tpu.dma_semaphore, #tpu.memory_space<semaphore_mem>>) src(%dma_wait3A_289 : memref<2000xi32, #tpu.memory_space<hbm>>) dst(%arg7 : memref<2000xi32, #tpu.memory_space<vmem>>)
        tpu.yield
      }) : () -> ()
      %mul3A_128 = arith.constant 2000 : i32
      %mul3A_129 = arith.muli %scan3A_123, %mul3A_128 : i32
      %add3A_130 = arith.addi %mul3A_68, %mul3A_129 : i32
      "tpu.region"() ({
        %run_scoped3A_287 = tpu.sem_alloc : memref<!tpu.dma_semaphore, #tpu.memory_space<semaphore_mem>>
        %dma_start3A = tpu.memref_slice %arg4[%add3A_130] : memref<64000xi32, #tpu.memory_space<hbm>> -> memref<2000xi32, #tpu.memory_space<hbm>>
        %dma_start3A_288 = tpu.memref_slice %arg4[%add3A_130] : memref<64000xi32, #tpu.memory_space<hbm>> -> memref<2000xi32, #tpu.memory_space<hbm>>
        tpu.enqueue_dma source(%dma_start3A_288 : memref<2000xi32, #tpu.memory_space<hbm>>) target(%arg8 : memref<2000xi32, #tpu.memory_space<vmem>>) target_semaphore(%run_scoped3A_287 : memref<!tpu.dma_semaphore, #tpu.memory_space<semaphore_mem>>)
        %dma_wait3A = tpu.memref_slice %arg4[%add3A_130] : memref<64000xi32, #tpu.memory_space<hbm>> -> memref<2000xi32, #tpu.memory_space<hbm>>
        %dma_wait3A_289 = tpu.memref_slice %arg4[%add3A_130] : memref<64000xi32, #tpu.memory_space<hbm>> -> memref<2000xi32, #tpu.memory_space<hbm>>
        tpu.wait_dma2 semaphore(%run_scoped3A_287 : memref<!tpu.dma_semaphore, #tpu.memory_space<semaphore_mem>>) src(%dma_wait3A_289 : memref<2000xi32, #tpu.memory_space<hbm>>) dst(%arg8 : memref<2000xi32, #tpu.memory_space<vmem>>)
        tpu.yield
      }) : () -> ()
      %scan3A_131 = arith.constant 0 : i32
      %scan3A_132 = arith.constant 0 : i32
      %scan3A_133 = arith.constant 125 : i32
      %scan3A_134 = arith.addi %scan3A_132, %scan3A_133 : i32
      %scan3A_135 = arith.constant 1 : i32
      %scan3A_136 = scf.for %scan3A_287 = %scan3A_132 to %scan3A_134 step %scan3A_135 iter_args(%scan3A_288 = %scan3A_131) -> (i32)  : i32 {
        %mul3A_289 = arith.constant 16 : i32
        %mul3A_290 = arith.muli %scan3A_287, %mul3A_289 : i32
        %get3A = arith.index_cast %mul3A_290 : i32 to index
        %get3A_291 = tpu.vector_load %arg8[%get3A] {strides = array<i32>} : memref<2000xi32, #tpu.memory_space<vmem>>, vector<16xi32>,
        %mul3A_292 = arith.constant 16 : i32
        %mul3A_293 = arith.muli %scan3A_287, %mul3A_292 : i32
        %get3A_294 = arith.index_cast %mul3A_293 : i32 to index
        %get3A_295 = tpu.vector_load %arg7[%get3A_294] {strides = array<i32>} : memref<2000xi32, #tpu.memory_space<vmem>>, vector<16xi32>,
        %ge3A_296 = vector.broadcast %mul3A_0 : i32 to vector<16xi32>
        %ge3A_297 = arith.cmpi sge, %get3A_291, %ge3A_296 : vector<16xi32>
        %add3A_298 = arith.constant 2000 : i32
        %add3A_299 = arith.addi %mul3A_0, %add3A_298 : i32
        %lt3A_300 = vector.broadcast %add3A_299 : i32 to vector<16xi32>
        %lt3A_301 = arith.cmpi slt, %get3A_291, %lt3A_300 : vector<16xi32>
        %and3A_302 = arith.andi %ge3A_297, %lt3A_301 : vector<16xi1>
        %sub3A_303 = vector.broadcast %mul3A_0 : i32 to vector<16xi32>
        %sub3A_304 = arith.subi %get3A_291, %sub3A_303 : vector<16xi32>
        %shift_right_arithmetic3A_305 = arith.constant 7 : i32
        %shift_right_arithmetic3A_306 = vector.broadcast %shift_right_arithmetic3A_305 : i32 to vector<16xi32>
        %shift_right_arithmetic3A_307 = arith.shrsi %sub3A_304, %shift_right_arithmetic3A_306 : vector<16xi32>
        %and3A_308 = arith.constant 127 : i32
        %and3A_309 = vector.broadcast %and3A_308 : i32 to vector<16xi32>
        %and3A_310 = arith.andi %sub3A_304, %and3A_309 : vector<16xi32>
        tpu.vector_store_idx %arg13[%shift_right_arithmetic3A_307, %and3A_310], %broadcast_in_dim3A_3 masked %and3A_302 {add = true} : memref<32x128xf32, #tpu.memory_space<vmem>>[vector<16xi32>, vector<16xi32>], vector<16xf32>, vector<16xi1>
        %convert_element_type3A_311 = arith.extui %and3A_302 : vector<16xi1> to vector<16xi32>
        %broadcast_in_dim3A_312 = arith.constant true
        %broadcast_in_dim3A_313 = vector.broadcast %broadcast_in_dim3A_312 : i1 to vector<16xi1>
        %masked_cumsum3A = tpu.scan <sum>, %convert_element_type3A_311 masked %broadcast_in_dim3A_313 : vector<16xi32>, vector<16xi1> -> vector<16xi32>
        %add3A_314 = vector.broadcast %scan3A_288 : i32 to vector<16xi32>
        %add3A_315 = arith.addi %add3A_314, %masked_cumsum3A : vector<16xi32>
        %sub3A_316 = arith.subi %add3A_315, %convert_element_type3A_311 : vector<16xi32>
        %shift_right_arithmetic3A_317 = arith.constant 6 : i32
        %shift_right_arithmetic3A_318 = vector.broadcast %shift_right_arithmetic3A_317 : i32 to vector<16xi32>
        %shift_right_arithmetic3A_319 = arith.shrsi %sub3A_316, %shift_right_arithmetic3A_318 : vector<16xi32>
        %and3A_320 = arith.constant 63 : i32
        %and3A_321 = vector.broadcast %and3A_320 : i32 to vector<16xi32>
        %and3A_322 = arith.andi %sub3A_316, %and3A_321 : vector<16xi32>
        tpu.vector_store_idx %arg9[%shift_right_arithmetic3A_319, %and3A_322], %get3A_295 masked %and3A_302 : memref<33x64xi32, #tpu.memory_space<vmem>>[vector<16xi32>, vector<16xi32>], vector<16xi32>, vector<16xi1>
        tpu.vector_store_idx %arg10[%shift_right_arithmetic3A_319, %and3A_322], %sub3A_304 masked %and3A_302 : memref<33x64xi32, #tpu.memory_space<vmem>>[vector<16xi32>, vector<16xi32>], vector<16xi32>, vector<16xi1>
        %reduce_sum3A = arith.constant true
        %reduce_sum3A_323 = vector.broadcast %reduce_sum3A : i1 to vector<16xi1>
        %reduce_sum3A_324 = tpu.scan <sum>, %convert_element_type3A_311 masked %reduce_sum3A_323 : vector<16xi32>, vector<16xi1> -> vector<16xi32>
        %reduce_sum3A_325 = vector.extract %reduce_sum3A_324[15] : i32 from vector<16xi32>
        %add3A_326 = arith.addi %scan3A_288, %reduce_sum3A_325 : i32
        scf.yield %add3A_326 : i32
      }
      %scan3A_137 = arith.constant 125 : i32
      %add3A_138 = arith.constant 0 : i32
      %add3A_139 = arith.addi %scan3A_136, %add3A_138 : i32
      %add3A_140 = vector.broadcast %add3A_139 : i32 to vector<16xi32>
      %add3A_141 = arith.addi %add3A_140, %iota3A : vector<16xi32>
      %shift_right_arithmetic3A = arith.constant 6 : i32
      %shift_right_arithmetic3A_142 = vector.broadcast %shift_right_arithmetic3A : i32 to vector<16xi32>
      %shift_right_arithmetic3A_143 = arith.shrsi %add3A_141, %shift_right_arithmetic3A_142 : vector<16xi32>
      %and3A_144 = arith.constant 63 : i32
      %and3A_145 = vector.broadcast %and3A_144 : i32 to vector<16xi32>
      %and3A_146 = arith.andi %add3A_141, %and3A_145 : vector<16xi32>
      %broadcast_in_dim3A_147 = arith.constant 0 : i32
      %broadcast_in_dim3A_148 = vector.broadcast %broadcast_in_dim3A_147 : i32 to vector<16xi32>
      tpu.vector_store_idx %arg9[%shift_right_arithmetic3A_143, %and3A_146], %broadcast_in_dim3A_148 : memref<33x64xi32, #tpu.memory_space<vmem>>[vector<16xi32>, vector<16xi32>], vector<16xi32>,
      %broadcast_in_dim3A_149 = arith.constant 2000 : i32
      %broadcast_in_dim3A_150 = vector.broadcast %broadcast_in_dim3A_149 : i32 to vector<16xi32>
      tpu.vector_store_idx %arg10[%shift_right_arithmetic3A_143, %and3A_146], %broadcast_in_dim3A_150 : memref<33x64xi32, #tpu.memory_space<vmem>>[vector<16xi32>, vector<16xi32>], vector<16xi32>,
      %add3A_151 = arith.constant 16 : i32
      %add3A_152 = arith.addi %scan3A_136, %add3A_151 : i32
      %add3A_153 = vector.broadcast %add3A_152 : i32 to vector<16xi32>
      %add3A_154 = arith.addi %add3A_153, %iota3A : vector<16xi32>
      %shift_right_arithmetic3A_155 = arith.constant 6 : i32
      %shift_right_arithmetic3A_156 = vector.broadcast %shift_right_arithmetic3A_155 : i32 to vector<16xi32>
      %shift_right_arithmetic3A_157 = arith.shrsi %add3A_154, %shift_right_arithmetic3A_156 : vector<16xi32>
      %and3A_158 = arith.constant 63 : i32
      %and3A_159 = vector.broadcast %and3A_158 : i32 to vector<16xi32>
      %and3A_160 = arith.andi %add3A_154, %and3A_159 : vector<16xi32>
      %broadcast_in_dim3A_161 = arith.constant 0 : i32
      %broadcast_in_dim3A_162 = vector.broadcast %broadcast_in_dim3A_161 : i32 to vector<16xi32>
      tpu.vector_store_idx %arg9[%shift_right_arithmetic3A_157, %and3A_160], %broadcast_in_dim3A_162 : memref<33x64xi32, #tpu.memory_space<vmem>>[vector<16xi32>, vector<16xi32>], vector<16xi32>,
      %broadcast_in_dim3A_163 = arith.constant 2000 : i32
      %broadcast_in_dim3A_164 = vector.broadcast %broadcast_in_dim3A_163 : i32 to vector<16xi32>
      tpu.vector_store_idx %arg10[%shift_right_arithmetic3A_157, %and3A_160], %broadcast_in_dim3A_164 : memref<33x64xi32, #tpu.memory_space<vmem>>[vector<16xi32>, vector<16xi32>], vector<16xi32>,
      %add3A_165 = arith.constant 32 : i32
      %add3A_166 = arith.addi %scan3A_136, %add3A_165 : i32
      %add3A_167 = vector.broadcast %add3A_166 : i32 to vector<16xi32>
      %add3A_168 = arith.addi %add3A_167, %iota3A : vector<16xi32>
      %shift_right_arithmetic3A_169 = arith.constant 6 : i32
      %shift_right_arithmetic3A_170 = vector.broadcast %shift_right_arithmetic3A_169 : i32 to vector<16xi32>
      %shift_right_arithmetic3A_171 = arith.shrsi %add3A_168, %shift_right_arithmetic3A_170 : vector<16xi32>
      %and3A_172 = arith.constant 63 : i32
      %and3A_173 = vector.broadcast %and3A_172 : i32 to vector<16xi32>
      %and3A_174 = arith.andi %add3A_168, %and3A_173 : vector<16xi32>
      %broadcast_in_dim3A_175 = arith.constant 0 : i32
      %broadcast_in_dim3A_176 = vector.broadcast %broadcast_in_dim3A_175 : i32 to vector<16xi32>
      tpu.vector_store_idx %arg9[%shift_right_arithmetic3A_171, %and3A_174], %broadcast_in_dim3A_176 : memref<33x64xi32, #tpu.memory_space<vmem>>[vector<16xi32>, vector<16xi32>], vector<16xi32>,
      %broadcast_in_dim3A_177 = arith.constant 2000 : i32
      %broadcast_in_dim3A_178 = vector.broadcast %broadcast_in_dim3A_177 : i32 to vector<16xi32>
      tpu.vector_store_idx %arg10[%shift_right_arithmetic3A_171, %and3A_174], %broadcast_in_dim3A_178 : memref<33x64xi32, #tpu.memory_space<vmem>>[vector<16xi32>, vector<16xi32>], vector<16xi32>,
      %add3A_179 = arith.constant 48 : i32
      %add3A_180 = arith.addi %scan3A_136, %add3A_179 : i32
      %add3A_181 = vector.broadcast %add3A_180 : i32 to vector<16xi32>
      %add3A_182 = arith.addi %add3A_181, %iota3A : vector<16xi32>
      %shift_right_arithmetic3A_183 = arith.constant 6 : i32
      %shift_right_arithmetic3A_184 = vector.broadcast %shift_right_arithmetic3A_183 : i32 to vector<16xi32>
      %shift_right_arithmetic3A_185 = arith.shrsi %add3A_182, %shift_right_arithmetic3A_184 : vector<16xi32>
      %and3A_186 = arith.constant 63 : i32
      %and3A_187 = vector.broadcast %and3A_186 : i32 to vector<16xi32>
      %and3A_188 = arith.andi %add3A_182, %and3A_187 : vector<16xi32>
      %broadcast_in_dim3A_189 = arith.constant 0 : i32
      %broadcast_in_dim3A_190 = vector.broadcast %broadcast_in_dim3A_189 : i32 to vector<16xi32>
      tpu.vector_store_idx %arg9[%shift_right_arithmetic3A_185, %and3A_188], %broadcast_in_dim3A_190 : memref<33x64xi32, #tpu.memory_space<vmem>>[vector<16xi32>, vector<16xi32>], vector<16xi32>,
      %broadcast_in_dim3A_191 = arith.constant 2000 : i32
      %broadcast_in_dim3A_192 = vector.broadcast %broadcast_in_dim3A_191 : i32 to vector<16xi32>
      tpu.vector_store_idx %arg10[%shift_right_arithmetic3A_185, %and3A_188], %broadcast_in_dim3A_192 : memref<33x64xi32, #tpu.memory_space<vmem>>[vector<16xi32>, vector<16xi32>], vector<16xi32>,
      %add3A_193 = arith.constant 63 : i32
      %add3A_194 = arith.addi %scan3A_136, %add3A_193 : i32
      %jit3A_195 = arith.constant 64 : i32
      %div3A_196 = arith.divsi %add3A_194, %jit3A_195 : i32
      %sign3A_197 = arith.constant 0 : i32
      %sign3A_198 = arith.cmpi sgt, %add3A_194, %sign3A_197 : i32
      %sign3A_199 = arith.extui %sign3A_198 : i1 to i32
      %sign3A_200 = arith.constant 0 : i32
      %sign3A_201 = arith.cmpi slt, %add3A_194, %sign3A_200 : i32
      %sign3A_202 = arith.extui %sign3A_201 : i1 to i32
      %sign3A_203 = arith.subi %sign3A_199, %sign3A_202 : i32
      %sign3A_204 = arith.constant 0 : i32
      %sign3A_205 = arith.cmpi sgt, %jit3A_195, %sign3A_204 : i32
      %sign3A_206 = arith.extui %sign3A_205 : i1 to i32
      %sign3A_207 = arith.constant 0 : i32
      %sign3A_208 = arith.cmpi slt, %jit3A_195, %sign3A_207 : i32
      %sign3A_209 = arith.extui %sign3A_208 : i1 to i32
      %sign3A_210 = arith.subi %sign3A_206, %sign3A_209 : i32
      %ne3A_211 = arith.cmpi ne, %sign3A_203, %sign3A_210 : i32
      %rem3A_212 = arith.remsi %add3A_194, %jit3A_195 : i32
      %ne3A_213 = arith.constant 0 : i32
      %ne3A_214 = arith.cmpi ne, %rem3A_212, %ne3A_213 : i32
      %and3A_215 = arith.andi %ne3A_211, %ne3A_214 : i1
      %sub3A_216 = arith.constant 1 : i32
      %sub3A_217 = arith.subi %div3A_196, %sub3A_216 : i32
      %select_n3A_218 = arith.select %and3A_215, %sub3A_217, %div3A_196 : i32
      %ge3A = arith.constant 1 : i32
      %ge3A_219 = arith.cmpi sge, %select_n3A_218, %ge3A : i32
      %convert_element_type3A_220 = arith.extui %ge3A_219 : i1 to i32
      %cond3A_221 = arith.constant 0 : i32
      %cond3A_222 = arith.cmpi ne, %convert_element_type3A_220, %cond3A_221 : i32
      scf.if %cond3A_222 {
        %dma_start3A = arith.constant 0 : i32
        %dma_start3A_287 = arith.constant 0 : i32
        %dma_start3A_288 = tpu.memref_slice %arg9[%dma_start3A, %dma_start3A_287] : memref<33x64xi32, #tpu.memory_space<vmem>> -> memref<1x64xi32, #tpu.memory_space<vmem>>
        %dma_start3A_289 = tpu.memref_squeeze %dma_start3A_288 : memref<1x64xi32, #tpu.memory_space<vmem>> -> memref<64xi32, #tpu.memory_space<vmem>>
        %dma_start3A_290 = arith.constant 0 : i32
        %dma_start3A_291 = arith.constant 0 : i32
        %dma_start3A_292 = tpu.memref_slice %arg2[%dma_start3A_290, %dma_start3A_291] : memref<20000x128xf32, #tpu.memory_space<hbm>> -> memref<20000x128xf32, #tpu.memory_space<hbm>>
        tpu.enqueue_indirect_dma source(%dma_start3A_292 : memref<20000x128xf32, #tpu.memory_space<hbm>>) target(%arg11 : memref<64x128xf32, #tpu.memory_space<vmem>>) offsets(%dma_start3A_289 : memref<64xi32, #tpu.memory_space<vmem>>) semaphore(%arg16 : memref<!tpu.dma_semaphore, #tpu.memory_space<semaphore_mem>>)
      } else {
      }
      %while3A_223 = arith.constant 0 : i32
      %while3A_224 = arith.constant 0 : i32
      %while3A_225 = arith.subi %select_n3A_218, %while3A_223 : i32
      %while3A_226 = arith.addi %while3A_223, %while3A_225 : i32
      %while3A_227 = arith.constant 1 : i32
      %while3A_228 = arith.divsi %while3A_225, %while3A_227 : i32
      %while3A_229 = arith.muli %while3A_228, %while3A_227 : i32
      %while3A_230 = arith.addi %while3A_223, %while3A_229 : i32
      %while3A_231 = arith.constant 1 : i32
      %while3A_232 = scf.for %while3A_287 = %while3A_223 to %while3A_230 step %while3A_231 iter_args(%while3A_288 = %while3A_224) -> (i32)  : i32 {
        %jit3A_289 = arith.constant 2 : i32
        %eq3A_290 = arith.constant 0 : i32
        %eq3A_291 = arith.cmpi eq, %jit3A_289, %eq3A_290 : i32
        %jit3A_292 = arith.constant 1 : i32
        %select_n3A_293 = arith.select %eq3A_291, %jit3A_292, %jit3A_289 : i32
        %rem3A_294 = arith.remsi %while3A_287, %select_n3A_293 : i32
        %ne3A_295 = arith.constant 0 : i32
        %ne3A_296 = arith.cmpi ne, %rem3A_294, %ne3A_295 : i32
        %lt3A_297 = arith.constant 0 : i32
        %lt3A_298 = arith.cmpi slt, %rem3A_294, %lt3A_297 : i32
        %lt3A_299 = arith.constant 0 : i32
        %lt3A_300 = arith.cmpi slt, %select_n3A_293, %lt3A_299 : i32
        %ne3A_301 = arith.xori %lt3A_298, %lt3A_300 : i1
        %and3A_302 = arith.andi %ne3A_301, %ne3A_296 : i1
        %add3A_303 = arith.addi %rem3A_294, %select_n3A_293 : i32
        %select_n3A_304 = arith.select %and3A_302, %add3A_303, %rem3A_294 : i32
        %eq3A_305 = arith.constant 0 : i32
        %eq3A_306 = arith.cmpi eq, %select_n3A_304, %eq3A_305 : i32
        %ge3A_307 = arith.constant 1 : i32
        %ge3A_308 = arith.cmpi sge, %while3A_287, %ge3A_307 : i32
        %and3A_309 = arith.andi %ge3A_308, %eq3A_306 : i1
        %convert_element_type3A_310 = arith.extui %and3A_309 : i1 to i32
        %cond3A_311 = arith.constant 0 : i32
        %cond3A_312 = arith.cmpi ne, %convert_element_type3A_310, %cond3A_311 : i32
        scf.if %cond3A_312 {
          %dma_wait3A = arith.constant 0 : i32
          %dma_wait3A_345 = arith.constant 0 : i32
          %dma_wait3A_346 = tpu.memref_slice %arg10[%dma_wait3A, %dma_wait3A_345] : memref<33x64xi32, #tpu.memory_space<vmem>> -> memref<1x64xi32, #tpu.memory_space<vmem>>
          %dma_wait3A_347 = tpu.memref_squeeze %dma_wait3A_346 : memref<1x64xi32, #tpu.memory_space<vmem>> -> memref<64xi32, #tpu.memory_space<vmem>>
          %dma_wait3A_348 = arith.constant 0 : i32
          %dma_wait3A_349 = arith.constant 0 : i32
          %dma_wait3A_350 = tpu.memref_slice %arg15[%dma_wait3A_348, %dma_wait3A_349] : memref<2040x128xf32, #tpu.memory_space<vmem_shared>> -> memref<2040x128xf32, #tpu.memory_space<vmem_shared>>
          tpu.wait_indirect_dma semaphore(%arg19 : memref<!tpu.dma_semaphore, #tpu.memory_space<semaphore_mem>>) src(%arg12 : memref<64x128xf32, #tpu.memory_space<vmem>>) dst(%dma_wait3A_350 : memref<2040x128xf32, #tpu.memory_space<vmem_shared>>)
        } else {
        }
        %ge3A_313 = arith.constant 1 : i32
        %ge3A_314 = arith.cmpi sge, %while3A_287, %ge3A_313 : i32
        %not3A = arith.constant true
        %not3A_315 = arith.xori %eq3A_306, %not3A : i1
        %and3A_316 = arith.andi %ge3A_314, %not3A_315 : i1
        %convert_element_type3A_317 = arith.extui %and3A_316 : i1 to i32
        %cond3A_318 = arith.constant 0 : i32
        %cond3A_319 = arith.cmpi ne, %convert_element_type3A_317, %cond3A_318 : i32
        scf.if %cond3A_319 {
          %dma_wait3A = arith.constant 0 : i32
          %dma_wait3A_345 = arith.constant 0 : i32
          %dma_wait3A_346 = tpu.memref_slice %arg10[%dma_wait3A, %dma_wait3A_345] : memref<33x64xi32, #tpu.memory_space<vmem>> -> memref<1x64xi32, #tpu.memory_space<vmem>>
          %dma_wait3A_347 = tpu.memref_squeeze %dma_wait3A_346 : memref<1x64xi32, #tpu.memory_space<vmem>> -> memref<64xi32, #tpu.memory_space<vmem>>
          %dma_wait3A_348 = arith.constant 0 : i32
          %dma_wait3A_349 = arith.constant 0 : i32
          %dma_wait3A_350 = tpu.memref_slice %arg15[%dma_wait3A_348, %dma_wait3A_349] : memref<2040x128xf32, #tpu.memory_space<vmem_shared>> -> memref<2040x128xf32, #tpu.memory_space<vmem_shared>>
          tpu.wait_indirect_dma semaphore(%arg18 : memref<!tpu.dma_semaphore, #tpu.memory_space<semaphore_mem>>) src(%arg11 : memref<64x128xf32, #tpu.memory_space<vmem>>) dst(%dma_wait3A_350 : memref<2040x128xf32, #tpu.memory_space<vmem_shared>>)
        } else {
        }
        %add3A_320 = arith.constant 1 : i32
        %add3A_321 = arith.addi %while3A_287, %add3A_320 : i32
        %lt3A_322 = arith.cmpi slt, %add3A_321, %select_n3A_218 : i32
        %and3A_323 = arith.andi %lt3A_322, %eq3A_306 : i1
        %convert_element_type3A_324 = arith.extui %and3A_323 : i1 to i32
        %cond3A_325 = arith.constant 0 : i32
        %cond3A_326 = arith.cmpi ne, %convert_element_type3A_324, %cond3A_325 : i32
        scf.if %cond3A_326 {
          %add3A_345 = arith.constant 1 : i32
          %add3A_346 = arith.addi %while3A_287, %add3A_345 : i32
          %dma_start3A = arith.constant 0 : i32
          %dma_start3A_347 = tpu.memref_slice %arg9[%add3A_346, %dma_start3A] : memref<33x64xi32, #tpu.memory_space<vmem>> -> memref<1x64xi32, #tpu.memory_space<vmem>>
          %dma_start3A_348 = tpu.memref_squeeze %dma_start3A_347 : memref<1x64xi32, #tpu.memory_space<vmem>> -> memref<64xi32, #tpu.memory_space<vmem>>
          %dma_start3A_349 = arith.constant 0 : i32
          %dma_start3A_350 = arith.constant 0 : i32
          %dma_start3A_351 = tpu.memref_slice %arg2[%dma_start3A_349, %dma_start3A_350] : memref<20000x128xf32, #tpu.memory_space<hbm>> -> memref<20000x128xf32, #tpu.memory_space<hbm>>
          tpu.enqueue_indirect_dma source(%dma_start3A_351 : memref<20000x128xf32, #tpu.memory_space<hbm>>) target(%arg12 : memref<64x128xf32, #tpu.memory_space<vmem>>) offsets(%dma_start3A_348 : memref<64xi32, #tpu.memory_space<vmem>>) semaphore(%arg17 : memref<!tpu.dma_semaphore, #tpu.memory_space<semaphore_mem>>)
        } else {
        }
        %add3A_327 = arith.constant 1 : i32
        %add3A_328 = arith.addi %while3A_287, %add3A_327 : i32
        %lt3A_329 = arith.cmpi slt, %add3A_328, %select_n3A_218 : i32
        %not3A_330 = arith.constant true
        %not3A_331 = arith.xori %eq3A_306, %not3A_330 : i1
        %and3A_332 = arith.andi %lt3A_329, %not3A_331 : i1
        %convert_element_type3A_333 = arith.extui %and3A_332 : i1 to i32
        %cond3A_334 = arith.constant 0 : i32
        %cond3A_335 = arith.cmpi ne, %convert_element_type3A_333, %cond3A_334 : i32
        scf.if %cond3A_335 {
          %add3A_345 = arith.constant 1 : i32
          %add3A_346 = arith.addi %while3A_287, %add3A_345 : i32
          %dma_start3A = arith.constant 0 : i32
          %dma_start3A_347 = tpu.memref_slice %arg9[%add3A_346, %dma_start3A] : memref<33x64xi32, #tpu.memory_space<vmem>> -> memref<1x64xi32, #tpu.memory_space<vmem>>
          %dma_start3A_348 = tpu.memref_squeeze %dma_start3A_347 : memref<1x64xi32, #tpu.memory_space<vmem>> -> memref<64xi32, #tpu.memory_space<vmem>>
          %dma_start3A_349 = arith.constant 0 : i32
          %dma_start3A_350 = arith.constant 0 : i32
          %dma_start3A_351 = tpu.memref_slice %arg2[%dma_start3A_349, %dma_start3A_350] : memref<20000x128xf32, #tpu.memory_space<hbm>> -> memref<20000x128xf32, #tpu.memory_space<hbm>>
          tpu.enqueue_indirect_dma source(%dma_start3A_351 : memref<20000x128xf32, #tpu.memory_space<hbm>>) target(%arg11 : memref<64x128xf32, #tpu.memory_space<vmem>>) offsets(%dma_start3A_348 : memref<64xi32, #tpu.memory_space<vmem>>) semaphore(%arg16 : memref<!tpu.dma_semaphore, #tpu.memory_space<semaphore_mem>>)
        } else {
        }
        %convert_element_type3A_336 = arith.extui %eq3A_306 : i1 to i32
        %cond3A_337 = arith.constant 0 : i32
        %cond3A_338 = arith.cmpi ne, %convert_element_type3A_336, %cond3A_337 : i32
        scf.if %cond3A_338 {
          %dma_wait3A = arith.constant 0 : i32
          %dma_wait3A_345 = arith.constant 0 : i32
          %dma_wait3A_346 = tpu.memref_slice %arg9[%dma_wait3A, %dma_wait3A_345] : memref<33x64xi32, #tpu.memory_space<vmem>> -> memref<1x64xi32, #tpu.memory_space<vmem>>
          %dma_wait3A_347 = tpu.memref_squeeze %dma_wait3A_346 : memref<1x64xi32, #tpu.memory_space<vmem>> -> memref<64xi32, #tpu.memory_space<vmem>>
          %dma_wait3A_348 = arith.constant 0 : i32
          %dma_wait3A_349 = arith.constant 0 : i32
          %dma_wait3A_350 = tpu.memref_slice %arg2[%dma_wait3A_348, %dma_wait3A_349] : memref<20000x128xf32, #tpu.memory_space<hbm>> -> memref<20000x128xf32, #tpu.memory_space<hbm>>
          tpu.wait_indirect_dma semaphore(%arg16 : memref<!tpu.dma_semaphore, #tpu.memory_space<semaphore_mem>>) src(%dma_wait3A_350 : memref<20000x128xf32, #tpu.memory_space<hbm>>) dst(%arg11 : memref<64x128xf32, #tpu.memory_space<vmem>>)
          %dma_start3A = arith.constant 0 : i32
          %dma_start3A_351 = tpu.memref_slice %arg10[%while3A_287, %dma_start3A] : memref<33x64xi32, #tpu.memory_space<vmem>> -> memref<1x64xi32, #tpu.memory_space<vmem>>
          %dma_start3A_352 = tpu.memref_squeeze %dma_start3A_351 : memref<1x64xi32, #tpu.memory_space<vmem>> -> memref<64xi32, #tpu.memory_space<vmem>>
          %dma_start3A_353 = arith.constant 0 : i32
          %dma_start3A_354 = arith.constant 0 : i32
          %dma_start3A_355 = tpu.memref_slice %arg15[%dma_start3A_353, %dma_start3A_354] : memref<2040x128xf32, #tpu.memory_space<vmem_shared>> -> memref<2040x128xf32, #tpu.memory_space<vmem_shared>>
          tpu.enqueue_indirect_dma source(%arg11 : memref<64x128xf32, #tpu.memory_space<vmem>>) target(%dma_start3A_355 : memref<2040x128xf32, #tpu.memory_space<vmem_shared>>) offsets(%dma_start3A_352 : memref<64xi32, #tpu.memory_space<vmem>>) semaphore(%arg18 : memref<!tpu.dma_semaphore, #tpu.memory_space<semaphore_mem>>) {add = true}
        } else {
        }
        %not3A_339 = arith.constant true
        %not3A_340 = arith.xori %eq3A_306, %not3A_339 : i1
        %convert_element_type3A_341 = arith.extui %not3A_340 : i1 to i32
        %cond3A_342 = arith.constant 0 : i32
        %cond3A_343 = arith.cmpi ne, %convert_element_type3A_341, %cond3A_342 : i32
        scf.if %cond3A_343 {
          %dma_wait3A = arith.constant 0 : i32
          %dma_wait3A_345 = arith.constant 0 : i32
          %dma_wait3A_346 = tpu.memref_slice %arg9[%dma_wait3A, %dma_wait3A_345] : memref<33x64xi32, #tpu.memory_space<vmem>> -> memref<1x64xi32, #tpu.memory_space<vmem>>
          %dma_wait3A_347 = tpu.memref_squeeze %dma_wait3A_346 : memref<1x64xi32, #tpu.memory_space<vmem>> -> memref<64xi32, #tpu.memory_space<vmem>>
          %dma_wait3A_348 = arith.constant 0 : i32
          %dma_wait3A_349 = arith.constant 0 : i32
          %dma_wait3A_350 = tpu.memref_slice %arg2[%dma_wait3A_348, %dma_wait3A_349] : memref<20000x128xf32, #tpu.memory_space<hbm>> -> memref<20000x128xf32, #tpu.memory_space<hbm>>
          tpu.wait_indirect_dma semaphore(%arg17 : memref<!tpu.dma_semaphore, #tpu.memory_space<semaphore_mem>>) src(%dma_wait3A_350 : memref<20000x128xf32, #tpu.memory_space<hbm>>) dst(%arg12 : memref<64x128xf32, #tpu.memory_space<vmem>>)
          %dma_start3A = arith.constant 0 : i32
          %dma_start3A_351 = tpu.memref_slice %arg10[%while3A_287, %dma_start3A] : memref<33x64xi32, #tpu.memory_space<vmem>> -> memref<1x64xi32, #tpu.memory_space<vmem>>
          %dma_start3A_352 = tpu.memref_squeeze %dma_start3A_351 : memref<1x64xi32, #tpu.memory_space<vmem>> -> memref<64xi32, #tpu.memory_space<vmem>>
          %dma_start3A_353 = arith.constant 0 : i32
          %dma_start3A_354 = arith.constant 0 : i32
          %dma_start3A_355 = tpu.memref_slice %arg15[%dma_start3A_353, %dma_start3A_354] : memref<2040x128xf32, #tpu.memory_space<vmem_shared>> -> memref<2040x128xf32, #tpu.memory_space<vmem_shared>>
          tpu.enqueue_indirect_dma source(%arg12 : memref<64x128xf32, #tpu.memory_space<vmem>>) target(%dma_start3A_355 : memref<2040x128xf32, #tpu.memory_space<vmem_shared>>) offsets(%dma_start3A_352 : memref<64xi32, #tpu.memory_space<vmem>>) semaphore(%arg19 : memref<!tpu.dma_semaphore, #tpu.memory_space<semaphore_mem>>) {add = true}
        } else {
        }
        %while3A_344 = arith.constant 0 : i32
        scf.yield %while3A_344 : i32
      }
      %while3A_233 = arith.constant 1 : i32
      %while3A_234 = scf.for %while3A_287 = %while3A_230 to %while3A_226 step %while3A_233 iter_args(%while3A_288 = %while3A_232) -> (i32)  : i32 {
        %jit3A_289 = arith.constant 2 : i32
        %eq3A_290 = arith.constant 0 : i32
        %eq3A_291 = arith.cmpi eq, %jit3A_289, %eq3A_290 : i32
        %jit3A_292 = arith.constant 1 : i32
        %select_n3A_293 = arith.select %eq3A_291, %jit3A_292, %jit3A_289 : i32
        %rem3A_294 = arith.remsi %while3A_287, %select_n3A_293 : i32
        %ne3A_295 = arith.constant 0 : i32
        %ne3A_296 = arith.cmpi ne, %rem3A_294, %ne3A_295 : i32
        %lt3A_297 = arith.constant 0 : i32
        %lt3A_298 = arith.cmpi slt, %rem3A_294, %lt3A_297 : i32
        %lt3A_299 = arith.constant 0 : i32
        %lt3A_300 = arith.cmpi slt, %select_n3A_293, %lt3A_299 : i32
        %ne3A_301 = arith.xori %lt3A_298, %lt3A_300 : i1
        %and3A_302 = arith.andi %ne3A_301, %ne3A_296 : i1
        %add3A_303 = arith.addi %rem3A_294, %select_n3A_293 : i32
        %select_n3A_304 = arith.select %and3A_302, %add3A_303, %rem3A_294 : i32
        %eq3A_305 = arith.constant 0 : i32
        %eq3A_306 = arith.cmpi eq, %select_n3A_304, %eq3A_305 : i32
        %ge3A_307 = arith.constant 1 : i32
        %ge3A_308 = arith.cmpi sge, %while3A_287, %ge3A_307 : i32
        %and3A_309 = arith.andi %ge3A_308, %eq3A_306 : i1
        %convert_element_type3A_310 = arith.extui %and3A_309 : i1 to i32
        %cond3A_311 = arith.constant 0 : i32
        %cond3A_312 = arith.cmpi ne, %convert_element_type3A_310, %cond3A_311 : i32
        scf.if %cond3A_312 {
          %dma_wait3A = arith.constant 0 : i32
          %dma_wait3A_345 = arith.constant 0 : i32
          %dma_wait3A_346 = tpu.memref_slice %arg10[%dma_wait3A, %dma_wait3A_345] : memref<33x64xi32, #tpu.memory_space<vmem>> -> memref<1x64xi32, #tpu.memory_space<vmem>>
          %dma_wait3A_347 = tpu.memref_squeeze %dma_wait3A_346 : memref<1x64xi32, #tpu.memory_space<vmem>> -> memref<64xi32, #tpu.memory_space<vmem>>
          %dma_wait3A_348 = arith.constant 0 : i32
          %dma_wait3A_349 = arith.constant 0 : i32
          %dma_wait3A_350 = tpu.memref_slice %arg15[%dma_wait3A_348, %dma_wait3A_349] : memref<2040x128xf32, #tpu.memory_space<vmem_shared>> -> memref<2040x128xf32, #tpu.memory_space<vmem_shared>>
          tpu.wait_indirect_dma semaphore(%arg19 : memref<!tpu.dma_semaphore, #tpu.memory_space<semaphore_mem>>) src(%arg12 : memref<64x128xf32, #tpu.memory_space<vmem>>) dst(%dma_wait3A_350 : memref<2040x128xf32, #tpu.memory_space<vmem_shared>>)
        } else {
        }
        %ge3A_313 = arith.constant 1 : i32
        %ge3A_314 = arith.cmpi sge, %while3A_287, %ge3A_313 : i32
        %not3A = arith.constant true
        %not3A_315 = arith.xori %eq3A_306, %not3A : i1
        %and3A_316 = arith.andi %ge3A_314, %not3A_315 : i1
        %convert_element_type3A_317 = arith.extui %and3A_316 : i1 to i32
        %cond3A_318 = arith.constant 0 : i32
        %cond3A_319 = arith.cmpi ne, %convert_element_type3A_317, %cond3A_318 : i32
        scf.if %cond3A_319 {
          %dma_wait3A = arith.constant 0 : i32
          %dma_wait3A_345 = arith.constant 0 : i32
          %dma_wait3A_346 = tpu.memref_slice %arg10[%dma_wait3A, %dma_wait3A_345] : memref<33x64xi32, #tpu.memory_space<vmem>> -> memref<1x64xi32, #tpu.memory_space<vmem>>
          %dma_wait3A_347 = tpu.memref_squeeze %dma_wait3A_346 : memref<1x64xi32, #tpu.memory_space<vmem>> -> memref<64xi32, #tpu.memory_space<vmem>>
          %dma_wait3A_348 = arith.constant 0 : i32
          %dma_wait3A_349 = arith.constant 0 : i32
          %dma_wait3A_350 = tpu.memref_slice %arg15[%dma_wait3A_348, %dma_wait3A_349] : memref<2040x128xf32, #tpu.memory_space<vmem_shared>> -> memref<2040x128xf32, #tpu.memory_space<vmem_shared>>
          tpu.wait_indirect_dma semaphore(%arg18 : memref<!tpu.dma_semaphore, #tpu.memory_space<semaphore_mem>>) src(%arg11 : memref<64x128xf32, #tpu.memory_space<vmem>>) dst(%dma_wait3A_350 : memref<2040x128xf32, #tpu.memory_space<vmem_shared>>)
        } else {
        }
        %add3A_320 = arith.constant 1 : i32
        %add3A_321 = arith.addi %while3A_287, %add3A_320 : i32
        %lt3A_322 = arith.cmpi slt, %add3A_321, %select_n3A_218 : i32
        %and3A_323 = arith.andi %lt3A_322, %eq3A_306 : i1
        %convert_element_type3A_324 = arith.extui %and3A_323 : i1 to i32
        %cond3A_325 = arith.constant 0 : i32
        %cond3A_326 = arith.cmpi ne, %convert_element_type3A_324, %cond3A_325 : i32
        scf.if %cond3A_326 {
          %add3A_345 = arith.constant 1 : i32
          %add3A_346 = arith.addi %while3A_287, %add3A_345 : i32
          %dma_start3A = arith.constant 0 : i32
          %dma_start3A_347 = tpu.memref_slice %arg9[%add3A_346, %dma_start3A] : memref<33x64xi32, #tpu.memory_space<vmem>> -> memref<1x64xi32, #tpu.memory_space<vmem>>
          %dma_start3A_348 = tpu.memref_squeeze %dma_start3A_347 : memref<1x64xi32, #tpu.memory_space<vmem>> -> memref<64xi32, #tpu.memory_space<vmem>>
          %dma_start3A_349 = arith.constant 0 : i32
          %dma_start3A_350 = arith.constant 0 : i32
          %dma_start3A_351 = tpu.memref_slice %arg2[%dma_start3A_349, %dma_start3A_350] : memref<20000x128xf32, #tpu.memory_space<hbm>> -> memref<20000x128xf32, #tpu.memory_space<hbm>>
          tpu.enqueue_indirect_dma source(%dma_start3A_351 : memref<20000x128xf32, #tpu.memory_space<hbm>>) target(%arg12 : memref<64x128xf32, #tpu.memory_space<vmem>>) offsets(%dma_start3A_348 : memref<64xi32, #tpu.memory_space<vmem>>) semaphore(%arg17 : memref<!tpu.dma_semaphore, #tpu.memory_space<semaphore_mem>>)
        } else {
        }
        %add3A_327 = arith.constant 1 : i32
        %add3A_328 = arith.addi %while3A_287, %add3A_327 : i32
        %lt3A_329 = arith.cmpi slt, %add3A_328, %select_n3A_218 : i32
        %not3A_330 = arith.constant true
        %not3A_331 = arith.xori %eq3A_306, %not3A_330 : i1
        %and3A_332 = arith.andi %lt3A_329, %not3A_331 : i1
        %convert_element_type3A_333 = arith.extui %and3A_332 : i1 to i32
        %cond3A_334 = arith.constant 0 : i32
        %cond3A_335 = arith.cmpi ne, %convert_element_type3A_333, %cond3A_334 : i32
        scf.if %cond3A_335 {
          %add3A_345 = arith.constant 1 : i32
          %add3A_346 = arith.addi %while3A_287, %add3A_345 : i32
          %dma_start3A = arith.constant 0 : i32
          %dma_start3A_347 = tpu.memref_slice %arg9[%add3A_346, %dma_start3A] : memref<33x64xi32, #tpu.memory_space<vmem>> -> memref<1x64xi32, #tpu.memory_space<vmem>>
          %dma_start3A_348 = tpu.memref_squeeze %dma_start3A_347 : memref<1x64xi32, #tpu.memory_space<vmem>> -> memref<64xi32, #tpu.memory_space<vmem>>
          %dma_start3A_349 = arith.constant 0 : i32
          %dma_start3A_350 = arith.constant 0 : i32
          %dma_start3A_351 = tpu.memref_slice %arg2[%dma_start3A_349, %dma_start3A_350] : memref<20000x128xf32, #tpu.memory_space<hbm>> -> memref<20000x128xf32, #tpu.memory_space<hbm>>
          tpu.enqueue_indirect_dma source(%dma_start3A_351 : memref<20000x128xf32, #tpu.memory_space<hbm>>) target(%arg11 : memref<64x128xf32, #tpu.memory_space<vmem>>) offsets(%dma_start3A_348 : memref<64xi32, #tpu.memory_space<vmem>>) semaphore(%arg16 : memref<!tpu.dma_semaphore, #tpu.memory_space<semaphore_mem>>)
        } else {
        }
        %convert_element_type3A_336 = arith.extui %eq3A_306 : i1 to i32
        %cond3A_337 = arith.constant 0 : i32
        %cond3A_338 = arith.cmpi ne, %convert_element_type3A_336, %cond3A_337 : i32
        scf.if %cond3A_338 {
          %dma_wait3A = arith.constant 0 : i32
          %dma_wait3A_345 = arith.constant 0 : i32
          %dma_wait3A_346 = tpu.memref_slice %arg9[%dma_wait3A, %dma_wait3A_345] : memref<33x64xi32, #tpu.memory_space<vmem>> -> memref<1x64xi32, #tpu.memory_space<vmem>>
          %dma_wait3A_347 = tpu.memref_squeeze %dma_wait3A_346 : memref<1x64xi32, #tpu.memory_space<vmem>> -> memref<64xi32, #tpu.memory_space<vmem>>
          %dma_wait3A_348 = arith.constant 0 : i32
          %dma_wait3A_349 = arith.constant 0 : i32
          %dma_wait3A_350 = tpu.memref_slice %arg2[%dma_wait3A_348, %dma_wait3A_349] : memref<20000x128xf32, #tpu.memory_space<hbm>> -> memref<20000x128xf32, #tpu.memory_space<hbm>>
          tpu.wait_indirect_dma semaphore(%arg16 : memref<!tpu.dma_semaphore, #tpu.memory_space<semaphore_mem>>) src(%dma_wait3A_350 : memref<20000x128xf32, #tpu.memory_space<hbm>>) dst(%arg11 : memref<64x128xf32, #tpu.memory_space<vmem>>)
          %dma_start3A = arith.constant 0 : i32
          %dma_start3A_351 = tpu.memref_slice %arg10[%while3A_287, %dma_start3A] : memref<33x64xi32, #tpu.memory_space<vmem>> -> memref<1x64xi32, #tpu.memory_space<vmem>>
          %dma_start3A_352 = tpu.memref_squeeze %dma_start3A_351 : memref<1x64xi32, #tpu.memory_space<vmem>> -> memref<64xi32, #tpu.memory_space<vmem>>
          %dma_start3A_353 = arith.constant 0 : i32
          %dma_start3A_354 = arith.constant 0 : i32
          %dma_start3A_355 = tpu.memref_slice %arg15[%dma_start3A_353, %dma_start3A_354] : memref<2040x128xf32, #tpu.memory_space<vmem_shared>> -> memref<2040x128xf32, #tpu.memory_space<vmem_shared>>
          tpu.enqueue_indirect_dma source(%arg11 : memref<64x128xf32, #tpu.memory_space<vmem>>) target(%dma_start3A_355 : memref<2040x128xf32, #tpu.memory_space<vmem_shared>>) offsets(%dma_start3A_352 : memref<64xi32, #tpu.memory_space<vmem>>) semaphore(%arg18 : memref<!tpu.dma_semaphore, #tpu.memory_space<semaphore_mem>>) {add = true}
        } else {
        }
        %not3A_339 = arith.constant true
        %not3A_340 = arith.xori %eq3A_306, %not3A_339 : i1
        %convert_element_type3A_341 = arith.extui %not3A_340 : i1 to i32
        %cond3A_342 = arith.constant 0 : i32
        %cond3A_343 = arith.cmpi ne, %convert_element_type3A_341, %cond3A_342 : i32
        scf.if %cond3A_343 {
          %dma_wait3A = arith.constant 0 : i32
          %dma_wait3A_345 = arith.constant 0 : i32
          %dma_wait3A_346 = tpu.memref_slice %arg9[%dma_wait3A, %dma_wait3A_345] : memref<33x64xi32, #tpu.memory_space<vmem>> -> memref<1x64xi32, #tpu.memory_space<vmem>>
          %dma_wait3A_347 = tpu.memref_squeeze %dma_wait3A_346 : memref<1x64xi32, #tpu.memory_space<vmem>> -> memref<64xi32, #tpu.memory_space<vmem>>
          %dma_wait3A_348 = arith.constant 0 : i32
          %dma_wait3A_349 = arith.constant 0 : i32
          %dma_wait3A_350 = tpu.memref_slice %arg2[%dma_wait3A_348, %dma_wait3A_349] : memref<20000x128xf32, #tpu.memory_space<hbm>> -> memref<20000x128xf32, #tpu.memory_space<hbm>>
          tpu.wait_indirect_dma semaphore(%arg17 : memref<!tpu.dma_semaphore, #tpu.memory_space<semaphore_mem>>) src(%dma_wait3A_350 : memref<20000x128xf32, #tpu.memory_space<hbm>>) dst(%arg12 : memref<64x128xf32, #tpu.memory_space<vmem>>)
          %dma_start3A = arith.constant 0 : i32
          %dma_start3A_351 = tpu.memref_slice %arg10[%while3A_287, %dma_start3A] : memref<33x64xi32, #tpu.memory_space<vmem>> -> memref<1x64xi32, #tpu.memory_space<vmem>>
          %dma_start3A_352 = tpu.memref_squeeze %dma_start3A_351 : memref<1x64xi32, #tpu.memory_space<vmem>> -> memref<64xi32, #tpu.memory_space<vmem>>
          %dma_start3A_353 = arith.constant 0 : i32
          %dma_start3A_354 = arith.constant 0 : i32
          %dma_start3A_355 = tpu.memref_slice %arg15[%dma_start3A_353, %dma_start3A_354] : memref<2040x128xf32, #tpu.memory_space<vmem_shared>> -> memref<2040x128xf32, #tpu.memory_space<vmem_shared>>
          tpu.enqueue_indirect_dma source(%arg12 : memref<64x128xf32, #tpu.memory_space<vmem>>) target(%dma_start3A_355 : memref<2040x128xf32, #tpu.memory_space<vmem_shared>>) offsets(%dma_start3A_352 : memref<64xi32, #tpu.memory_space<vmem>>) semaphore(%arg19 : memref<!tpu.dma_semaphore, #tpu.memory_space<semaphore_mem>>) {add = true}
        } else {
        }
        %while3A_344 = arith.constant 0 : i32
        scf.yield %while3A_344 : i32
      }
      %ge3A_235 = arith.constant 1 : i32
      %ge3A_236 = arith.cmpi sge, %select_n3A_218, %ge3A_235 : i32
      %sub3A_237 = arith.constant 1 : i32
      %sub3A_238 = arith.subi %select_n3A_218, %sub3A_237 : i32
      %jit3A_239 = arith.constant 2 : i32
      %eq3A_240 = arith.constant 0 : i32
      %eq3A_241 = arith.cmpi eq, %jit3A_239, %eq3A_240 : i32
      %jit3A_242 = arith.constant 1 : i32
      %select_n3A_243 = arith.select %eq3A_241, %jit3A_242, %jit3A_239 : i32
      %rem3A_244 = arith.remsi %sub3A_238, %select_n3A_243 : i32
      %ne3A_245 = arith.constant 0 : i32
      %ne3A_246 = arith.cmpi ne, %rem3A_244, %ne3A_245 : i32
      %lt3A = arith.constant 0 : i32
      %lt3A_247 = arith.cmpi slt, %rem3A_244, %lt3A : i32
      %lt3A_248 = arith.constant 0 : i32
      %lt3A_249 = arith.cmpi slt, %select_n3A_243, %lt3A_248 : i32
      %ne3A_250 = arith.xori %lt3A_247, %lt3A_249 : i1
      %and3A_251 = arith.andi %ne3A_250, %ne3A_246 : i1
      %add3A_252 = arith.addi %rem3A_244, %select_n3A_243 : i32
      %select_n3A_253 = arith.select %and3A_251, %add3A_252, %rem3A_244 : i32
      %eq3A_254 = arith.constant 0 : i32
      %eq3A_255 = arith.cmpi eq, %select_n3A_253, %eq3A_254 : i32
      %and3A_256 = arith.andi %ge3A_236, %eq3A_255 : i1
      %convert_element_type3A_257 = arith.extui %and3A_256 : i1 to i32
      %cond3A_258 = arith.constant 0 : i32
      %cond3A_259 = arith.cmpi ne, %convert_element_type3A_257, %cond3A_258 : i32
      scf.if %cond3A_259 {
        %dma_wait3A = arith.constant 0 : i32
        %dma_wait3A_287 = arith.constant 0 : i32
        %dma_wait3A_288 = tpu.memref_slice %arg10[%dma_wait3A, %dma_wait3A_287] : memref<33x64xi32, #tpu.memory_space<vmem>> -> memref<1x64xi32, #tpu.memory_space<vmem>>
        %dma_wait3A_289 = tpu.memref_squeeze %dma_wait3A_288 : memref<1x64xi32, #tpu.memory_space<vmem>> -> memref<64xi32, #tpu.memory_space<vmem>>
        %dma_wait3A_290 = arith.constant 0 : i32
        %dma_wait3A_291 = arith.constant 0 : i32
        %dma_wait3A_292 = tpu.memref_slice %arg15[%dma_wait3A_290, %dma_wait3A_291] : memref<2040x128xf32, #tpu.memory_space<vmem_shared>> -> memref<2040x128xf32, #tpu.memory_space<vmem_shared>>
        tpu.wait_indirect_dma semaphore(%arg18 : memref<!tpu.dma_semaphore, #tpu.memory_space<semaphore_mem>>) src(%arg11 : memref<64x128xf32, #tpu.memory_space<vmem>>) dst(%dma_wait3A_292 : memref<2040x128xf32, #tpu.memory_space<vmem_shared>>)
      } else {
      }
      %ge3A_260 = arith.constant 1 : i32
      %ge3A_261 = arith.cmpi sge, %select_n3A_218, %ge3A_260 : i32
      %sub3A_262 = arith.constant 1 : i32
      %sub3A_263 = arith.subi %select_n3A_218, %sub3A_262 : i32
      %jit3A_264 = arith.constant 2 : i32
      %eq3A_265 = arith.constant 0 : i32
      %eq3A_266 = arith.cmpi eq, %jit3A_264, %eq3A_265 : i32
      %jit3A_267 = arith.constant 1 : i32
      %select_n3A_268 = arith.select %eq3A_266, %jit3A_267, %jit3A_264 : i32
      %rem3A_269 = arith.remsi %sub3A_263, %select_n3A_268 : i32
      %ne3A_270 = arith.constant 0 : i32
      %ne3A_271 = arith.cmpi ne, %rem3A_269, %ne3A_270 : i32
      %lt3A_272 = arith.constant 0 : i32
      %lt3A_273 = arith.cmpi slt, %rem3A_269, %lt3A_272 : i32
      %lt3A_274 = arith.constant 0 : i32
      %lt3A_275 = arith.cmpi slt, %select_n3A_268, %lt3A_274 : i32
      %ne3A_276 = arith.xori %lt3A_273, %lt3A_275 : i1
      %and3A_277 = arith.andi %ne3A_276, %ne3A_271 : i1
      %add3A_278 = arith.addi %rem3A_269, %select_n3A_268 : i32
      %select_n3A_279 = arith.select %and3A_277, %add3A_278, %rem3A_269 : i32
      %eq3A_280 = arith.constant 1 : i32
      %eq3A_281 = arith.cmpi eq, %select_n3A_279, %eq3A_280 : i32
      %and3A_282 = arith.andi %ge3A_261, %eq3A_281 : i1
      %convert_element_type3A_283 = arith.extui %and3A_282 : i1 to i32
      %cond3A_284 = arith.constant 0 : i32
      %cond3A_285 = arith.cmpi ne, %convert_element_type3A_283, %cond3A_284 : i32
      scf.if %cond3A_285 {
        %dma_wait3A = arith.constant 0 : i32
        %dma_wait3A_287 = arith.constant 0 : i32
        %dma_wait3A_288 = tpu.memref_slice %arg10[%dma_wait3A, %dma_wait3A_287] : memref<33x64xi32, #tpu.memory_space<vmem>> -> memref<1x64xi32, #tpu.memory_space<vmem>>
        %dma_wait3A_289 = tpu.memref_squeeze %dma_wait3A_288 : memref<1x64xi32, #tpu.memory_space<vmem>> -> memref<64xi32, #tpu.memory_space<vmem>>
        %dma_wait3A_290 = arith.constant 0 : i32
        %dma_wait3A_291 = arith.constant 0 : i32
        %dma_wait3A_292 = tpu.memref_slice %arg15[%dma_wait3A_290, %dma_wait3A_291] : memref<2040x128xf32, #tpu.memory_space<vmem_shared>> -> memref<2040x128xf32, #tpu.memory_space<vmem_shared>>
        tpu.wait_indirect_dma semaphore(%arg19 : memref<!tpu.dma_semaphore, #tpu.memory_space<semaphore_mem>>) src(%arg12 : memref<64x128xf32, #tpu.memory_space<vmem>>) dst(%dma_wait3A_292 : memref<2040x128xf32, #tpu.memory_space<vmem_shared>>)
      } else {
      }
      %scan3A_286 = arith.constant 0 : i32
      scf.yield %scan3A_286 : i32
    }
    %scan3A_75 = arith.constant 2 : i32
    %run_scoped3A = arith.constant 0 : i32
    "tpu.region"() ({
      %run_scoped3A_123 = tpu.sem_alloc : memref<!tpu.dma_semaphore, #tpu.memory_space<semaphore_mem>>
      %dma_start3A = arith.constant 0 : i32
      %dma_start3A_124 = tpu.memref_slice %arg14[%run_scoped3A, %dma_start3A] : memref<1x32xi32, #tpu.memory_space<vmem>> -> memref<1x32xi32, #tpu.memory_space<vmem>>
      %dma_start3A_125 = tpu.memref_squeeze %dma_start3A_124 : memref<1x32xi32, #tpu.memory_space<vmem>> -> memref<32xi32, #tpu.memory_space<vmem>>
      %dma_start3A_126 = arith.constant 0 : i32
      %dma_start3A_127 = arith.constant 0 : i32
      %dma_start3A_128 = tpu.memref_slice %arg15[%dma_start3A_126, %dma_start3A_127] : memref<2040x128xf32, #tpu.memory_space<vmem_shared>> -> memref<2040x128xf32, #tpu.memory_space<vmem_shared>>
      tpu.enqueue_indirect_dma source(%arg13 : memref<32x128xf32, #tpu.memory_space<vmem>>) target(%dma_start3A_128 : memref<2040x128xf32, #tpu.memory_space<vmem_shared>>) offsets(%dma_start3A_125 : memref<32xi32, #tpu.memory_space<vmem>>) semaphore(%run_scoped3A_123 : memref<!tpu.dma_semaphore, #tpu.memory_space<semaphore_mem>>) {add = true}
      %dma_wait3A = arith.constant 0 : i32
      %dma_wait3A_129 = tpu.memref_slice %arg14[%run_scoped3A, %dma_wait3A] : memref<1x32xi32, #tpu.memory_space<vmem>> -> memref<1x32xi32, #tpu.memory_space<vmem>>
      %dma_wait3A_130 = tpu.memref_squeeze %dma_wait3A_129 : memref<1x32xi32, #tpu.memory_space<vmem>> -> memref<32xi32, #tpu.memory_space<vmem>>
      %dma_wait3A_131 = arith.constant 0 : i32
      %dma_wait3A_132 = arith.constant 0 : i32
      %dma_wait3A_133 = tpu.memref_slice %arg15[%dma_wait3A_131, %dma_wait3A_132] : memref<2040x128xf32, #tpu.memory_space<vmem_shared>> -> memref<2040x128xf32, #tpu.memory_space<vmem_shared>>
      tpu.wait_indirect_dma semaphore(%run_scoped3A_123 : memref<!tpu.dma_semaphore, #tpu.memory_space<semaphore_mem>>) src(%arg13 : memref<32x128xf32, #tpu.memory_space<vmem>>) dst(%dma_wait3A_133 : memref<2040x128xf32, #tpu.memory_space<vmem_shared>>)
      tpu.yield
    }) : () -> ()
    %barrier3A_76 = arith.constant 0 : index
    tpu.barrier barrier_id(%barrier3A_76)
    %mul3A_77 = arith.constant 2000 : i32
    %mul3A_78 = arith.muli %arg0, %mul3A_77 : i32
    %add3A_79 = arith.addi %mul3A_78, %mul3A_30 : i32
    %add3A_80 = arith.constant 7 : i32
    %add3A_81 = arith.addi %select_n3A, %add3A_80 : i32
    %jit3A_82 = arith.constant 8 : i32
    %div3A_83 = arith.divsi %add3A_81, %jit3A_82 : i32
    %sign3A_84 = arith.constant 0 : i32
    %sign3A_85 = arith.cmpi sgt, %add3A_81, %sign3A_84 : i32
    %sign3A_86 = arith.extui %sign3A_85 : i1 to i32
    %sign3A_87 = arith.constant 0 : i32
    %sign3A_88 = arith.cmpi slt, %add3A_81, %sign3A_87 : i32
    %sign3A_89 = arith.extui %sign3A_88 : i1 to i32
    %sign3A_90 = arith.subi %sign3A_86, %sign3A_89 : i32
    %sign3A_91 = arith.constant 0 : i32
    %sign3A_92 = arith.cmpi sgt, %jit3A_82, %sign3A_91 : i32
    %sign3A_93 = arith.extui %sign3A_92 : i1 to i32
    %sign3A_94 = arith.constant 0 : i32
    %sign3A_95 = arith.cmpi slt, %jit3A_82, %sign3A_94 : i32
    %sign3A_96 = arith.extui %sign3A_95 : i1 to i32
    %sign3A_97 = arith.subi %sign3A_93, %sign3A_96 : i32
    %ne3A_98 = arith.cmpi ne, %sign3A_90, %sign3A_97 : i32
    %rem3A_99 = arith.remsi %add3A_81, %jit3A_82 : i32
    %ne3A_100 = arith.constant 0 : i32
    %ne3A_101 = arith.cmpi ne, %rem3A_99, %ne3A_100 : i32
    %and3A_102 = arith.andi %ne3A_98, %ne3A_101 : i1
    %sub3A_103 = arith.constant 1 : i32
    %sub3A_104 = arith.subi %div3A_83, %sub3A_103 : i32
    %select_n3A_105 = arith.select %and3A_102, %sub3A_104, %div3A_83 : i32
    %while3A_106 = arith.constant 0 : i32
    %while3A_107 = arith.constant 0 : i32
    %while3A_108 = arith.subi %select_n3A_105, %while3A_106 : i32
    %while3A_109 = arith.addi %while3A_106, %while3A_108 : i32
    %while3A_110 = arith.constant 1 : i32
    %while3A_111 = arith.divsi %while3A_108, %while3A_110 : i32
    %while3A_112 = arith.muli %while3A_111, %while3A_110 : i32
    %while3A_113 = arith.addi %while3A_106, %while3A_112 : i32
    %while3A_114 = arith.constant 1 : i32
    %while3A_115 = scf.for %while3A_123 = %while3A_106 to %while3A_113 step %while3A_114 iter_args(%while3A_124 = %while3A_107) -> (i32)  : i32 {
      %mul3A_125 = arith.constant 8 : i32
      %mul3A_126 = arith.muli %while3A_123, %mul3A_125 : i32
      %add3A_127 = arith.constant 8 : i32
      %add3A_128 = arith.addi %mul3A_126, %add3A_127 : i32
      %min3A = arith.minsi %add3A_128, %select_n3A : i32
      %while3A_129 = arith.constant 0 : i32
      %while3A_130 = arith.subi %min3A, %mul3A_126 : i32
      %while3A_131 = arith.addi %mul3A_126, %while3A_130 : i32
      %while3A_132 = arith.constant 1 : i32
      %while3A_133 = arith.divsi %while3A_130, %while3A_132 : i32
      %while3A_134 = arith.muli %while3A_133, %while3A_132 : i32
      %while3A_135 = arith.addi %mul3A_126, %while3A_134 : i32
      %while3A_136 = arith.constant 1 : i32
      %while3A_137 = scf.for %while3A_152 = %mul3A_126 to %while3A_135 step %while3A_136 iter_args(%while3A_153 = %while3A_129) -> (i32)  : i32 {
        %mul3A_154 = arith.constant 8 : i32
        %mul3A_155 = arith.muli %while3A_152, %mul3A_154 : i32
        %add3A_156 = arith.addi %mul3A_30, %mul3A_155 : i32
        %mul3A_157 = arith.constant 8 : i32
        %mul3A_158 = arith.muli %while3A_152, %mul3A_157 : i32
        %add3A_159 = arith.addi %add3A_79, %mul3A_158 : i32
        %dma_start3A = arith.constant 0 : i32
        %dma_start3A_160 = tpu.memref_slice %arg5[%add3A_159, %dma_start3A] : memref<4000x128xf32, #tpu.memory_space<hbm>> -> memref<8x128xf32, #tpu.memory_space<hbm>>
        %dma_start3A_161 = arith.constant 0 : i32
        %dma_start3A_162 = tpu.memref_slice %arg15[%add3A_156, %dma_start3A_161] : memref<2040x128xf32, #tpu.memory_space<vmem_shared>> -> memref<8x128xf32, #tpu.memory_space<vmem_shared>>
        tpu.enqueue_dma source(%dma_start3A_162 : memref<8x128xf32, #tpu.memory_space<vmem_shared>>) target(%dma_start3A_160 : memref<8x128xf32, #tpu.memory_space<hbm>>) target_semaphore(%arg20 : memref<!tpu.dma_semaphore, #tpu.memory_space<semaphore_mem>>)
        %while3A_163 = arith.constant 0 : i32
        scf.yield %while3A_163 : i32
      }
      %while3A_138 = arith.constant 1 : i32
      %while3A_139 = scf.for %while3A_152 = %while3A_135 to %while3A_131 step %while3A_138 iter_args(%while3A_153 = %while3A_137) -> (i32)  : i32 {
        %mul3A_154 = arith.constant 8 : i32
        %mul3A_155 = arith.muli %while3A_152, %mul3A_154 : i32
        %add3A_156 = arith.addi %mul3A_30, %mul3A_155 : i32
        %mul3A_157 = arith.constant 8 : i32
        %mul3A_158 = arith.muli %while3A_152, %mul3A_157 : i32
        %add3A_159 = arith.addi %add3A_79, %mul3A_158 : i32
        %dma_start3A = arith.constant 0 : i32
        %dma_start3A_160 = tpu.memref_slice %arg5[%add3A_159, %dma_start3A] : memref<4000x128xf32, #tpu.memory_space<hbm>> -> memref<8x128xf32, #tpu.memory_space<hbm>>
        %dma_start3A_161 = arith.constant 0 : i32
        %dma_start3A_162 = tpu.memref_slice %arg15[%add3A_156, %dma_start3A_161] : memref<2040x128xf32, #tpu.memory_space<vmem_shared>> -> memref<8x128xf32, #tpu.memory_space<vmem_shared>>
        tpu.enqueue_dma source(%dma_start3A_162 : memref<8x128xf32, #tpu.memory_space<vmem_shared>>) target(%dma_start3A_160 : memref<8x128xf32, #tpu.memory_space<hbm>>) target_semaphore(%arg20 : memref<!tpu.dma_semaphore, #tpu.memory_space<semaphore_mem>>)
        %while3A_163 = arith.constant 0 : i32
        scf.yield %while3A_163 : i32
      }
      %while3A_140 = arith.constant 0 : i32
      %while3A_141 = arith.subi %min3A, %mul3A_126 : i32
      %while3A_142 = arith.addi %mul3A_126, %while3A_141 : i32
      %while3A_143 = arith.constant 1 : i32
      %while3A_144 = arith.divsi %while3A_141, %while3A_143 : i32
      %while3A_145 = arith.muli %while3A_144, %while3A_143 : i32
      %while3A_146 = arith.addi %mul3A_126, %while3A_145 : i32
      %while3A_147 = arith.constant 1 : i32
      %while3A_148 = scf.for %while3A_152 = %mul3A_126 to %while3A_146 step %while3A_147 iter_args(%while3A_153 = %while3A_140) -> (i32)  : i32 {
        %dma_wait3A = arith.constant 0 : i32
        %dma_wait3A_154 = tpu.memref_slice %arg5[%add3A_79, %dma_wait3A] : memref<4000x128xf32, #tpu.memory_space<hbm>> -> memref<8x128xf32, #tpu.memory_space<hbm>>
        %dma_wait3A_155 = arith.constant 0 : i32
        %dma_wait3A_156 = tpu.memref_slice %arg15[%mul3A_30, %dma_wait3A_155] : memref<2040x128xf32, #tpu.memory_space<vmem_shared>> -> memref<8x128xf32, #tpu.memory_space<vmem_shared>>
        tpu.wait_dma2 semaphore(%arg20 : memref<!tpu.dma_semaphore, #tpu.memory_space<semaphore_mem>>) src(%dma_wait3A_156 : memref<8x128xf32, #tpu.memory_space<vmem_shared>>) dst(%dma_wait3A_154 : memref<8x128xf32, #tpu.memory_space<hbm>>)
        %while3A_157 = arith.constant 0 : i32
        scf.yield %while3A_157 : i32
      }
      %while3A_149 = arith.constant 1 : i32
      %while3A_150 = scf.for %while3A_152 = %while3A_146 to %while3A_142 step %while3A_149 iter_args(%while3A_153 = %while3A_148) -> (i32)  : i32 {
        %dma_wait3A = arith.constant 0 : i32
        %dma_wait3A_154 = tpu.memref_slice %arg5[%add3A_79, %dma_wait3A] : memref<4000x128xf32, #tpu.memory_space<hbm>> -> memref<8x128xf32, #tpu.memory_space<hbm>>
        %dma_wait3A_155 = arith.constant 0 : i32
        %dma_wait3A_156 = tpu.memref_slice %arg15[%mul3A_30, %dma_wait3A_155] : memref<2040x128xf32, #tpu.memory_space<vmem_shared>> -> memref<8x128xf32, #tpu.memory_space<vmem_shared>>
        tpu.wait_dma2 semaphore(%arg20 : memref<!tpu.dma_semaphore, #tpu.memory_space<semaphore_mem>>) src(%dma_wait3A_156 : memref<8x128xf32, #tpu.memory_space<vmem_shared>>) dst(%dma_wait3A_154 : memref<8x128xf32, #tpu.memory_space<hbm>>)
        %while3A_157 = arith.constant 0 : i32
        scf.yield %while3A_157 : i32
      }
      %while3A_151 = arith.constant 0 : i32
      scf.yield %while3A_151 : i32
    }
    %while3A_116 = arith.constant 1 : i32
    %while3A_117 = scf.for %while3A_123 = %while3A_113 to %while3A_109 step %while3A_116 iter_args(%while3A_124 = %while3A_115) -> (i32)  : i32 {
      %mul3A_125 = arith.constant 8 : i32
      %mul3A_126 = arith.muli %while3A_123, %mul3A_125 : i32
      %add3A_127 = arith.constant 8 : i32
      %add3A_128 = arith.addi %mul3A_126, %add3A_127 : i32
      %min3A = arith.minsi %add3A_128, %select_n3A : i32
      %while3A_129 = arith.constant 0 : i32
      %while3A_130 = arith.subi %min3A, %mul3A_126 : i32
      %while3A_131 = arith.addi %mul3A_126, %while3A_130 : i32
      %while3A_132 = arith.constant 1 : i32
      %while3A_133 = arith.divsi %while3A_130, %while3A_132 : i32
      %while3A_134 = arith.muli %while3A_133, %while3A_132 : i32
      %while3A_135 = arith.addi %mul3A_126, %while3A_134 : i32
      %while3A_136 = arith.constant 1 : i32
      %while3A_137 = scf.for %while3A_152 = %mul3A_126 to %while3A_135 step %while3A_136 iter_args(%while3A_153 = %while3A_129) -> (i32)  : i32 {
        %mul3A_154 = arith.constant 8 : i32
        %mul3A_155 = arith.muli %while3A_152, %mul3A_154 : i32
        %add3A_156 = arith.addi %mul3A_30, %mul3A_155 : i32
        %mul3A_157 = arith.constant 8 : i32
        %mul3A_158 = arith.muli %while3A_152, %mul3A_157 : i32
        %add3A_159 = arith.addi %add3A_79, %mul3A_158 : i32
        %dma_start3A = arith.constant 0 : i32
        %dma_start3A_160 = tpu.memref_slice %arg5[%add3A_159, %dma_start3A] : memref<4000x128xf32, #tpu.memory_space<hbm>> -> memref<8x128xf32, #tpu.memory_space<hbm>>
        %dma_start3A_161 = arith.constant 0 : i32
        %dma_start3A_162 = tpu.memref_slice %arg15[%add3A_156, %dma_start3A_161] : memref<2040x128xf32, #tpu.memory_space<vmem_shared>> -> memref<8x128xf32, #tpu.memory_space<vmem_shared>>
        tpu.enqueue_dma source(%dma_start3A_162 : memref<8x128xf32, #tpu.memory_space<vmem_shared>>) target(%dma_start3A_160 : memref<8x128xf32, #tpu.memory_space<hbm>>) target_semaphore(%arg20 : memref<!tpu.dma_semaphore, #tpu.memory_space<semaphore_mem>>)
        %while3A_163 = arith.constant 0 : i32
        scf.yield %while3A_163 : i32
      }
      %while3A_138 = arith.constant 1 : i32
      %while3A_139 = scf.for %while3A_152 = %while3A_135 to %while3A_131 step %while3A_138 iter_args(%while3A_153 = %while3A_137) -> (i32)  : i32 {
        %mul3A_154 = arith.constant 8 : i32
        %mul3A_155 = arith.muli %while3A_152, %mul3A_154 : i32
        %add3A_156 = arith.addi %mul3A_30, %mul3A_155 : i32
        %mul3A_157 = arith.constant 8 : i32
        %mul3A_158 = arith.muli %while3A_152, %mul3A_157 : i32
        %add3A_159 = arith.addi %add3A_79, %mul3A_158 : i32
        %dma_start3A = arith.constant 0 : i32
        %dma_start3A_160 = tpu.memref_slice %arg5[%add3A_159, %dma_start3A] : memref<4000x128xf32, #tpu.memory_space<hbm>> -> memref<8x128xf32, #tpu.memory_space<hbm>>
        %dma_start3A_161 = arith.constant 0 : i32
        %dma_start3A_162 = tpu.memref_slice %arg15[%add3A_156, %dma_start3A_161] : memref<2040x128xf32, #tpu.memory_space<vmem_shared>> -> memref<8x128xf32, #tpu.memory_space<vmem_shared>>
        tpu.enqueue_dma source(%dma_start3A_162 : memref<8x128xf32, #tpu.memory_space<vmem_shared>>) target(%dma_start3A_160 : memref<8x128xf32, #tpu.memory_space<hbm>>) target_semaphore(%arg20 : memref<!tpu.dma_semaphore, #tpu.memory_space<semaphore_mem>>)
        %while3A_163 = arith.constant 0 : i32
        scf.yield %while3A_163 : i32
      }
      %while3A_140 = arith.constant 0 : i32
      %while3A_141 = arith.subi %min3A, %mul3A_126 : i32
      %while3A_142 = arith.addi %mul3A_126, %while3A_141 : i32
      %while3A_143 = arith.constant 1 : i32
      %while3A_144 = arith.divsi %while3A_141, %while3A_143 : i32
      %while3A_145 = arith.muli %while3A_144, %while3A_143 : i32
      %while3A_146 = arith.addi %mul3A_126, %while3A_145 : i32
      %while3A_147 = arith.constant 1 : i32
      %while3A_148 = scf.for %while3A_152 = %mul3A_126 to %while3A_146 step %while3A_147 iter_args(%while3A_153 = %while3A_140) -> (i32)  : i32 {
        %dma_wait3A = arith.constant 0 : i32
        %dma_wait3A_154 = tpu.memref_slice %arg5[%add3A_79, %dma_wait3A] : memref<4000x128xf32, #tpu.memory_space<hbm>> -> memref<8x128xf32, #tpu.memory_space<hbm>>
        %dma_wait3A_155 = arith.constant 0 : i32
        %dma_wait3A_156 = tpu.memref_slice %arg15[%mul3A_30, %dma_wait3A_155] : memref<2040x128xf32, #tpu.memory_space<vmem_shared>> -> memref<8x128xf32, #tpu.memory_space<vmem_shared>>
        tpu.wait_dma2 semaphore(%arg20 : memref<!tpu.dma_semaphore, #tpu.memory_space<semaphore_mem>>) src(%dma_wait3A_156 : memref<8x128xf32, #tpu.memory_space<vmem_shared>>) dst(%dma_wait3A_154 : memref<8x128xf32, #tpu.memory_space<hbm>>)
        %while3A_157 = arith.constant 0 : i32
        scf.yield %while3A_157 : i32
      }
      %while3A_149 = arith.constant 1 : i32
      %while3A_150 = scf.for %while3A_152 = %while3A_146 to %while3A_142 step %while3A_149 iter_args(%while3A_153 = %while3A_148) -> (i32)  : i32 {
        %dma_wait3A = arith.constant 0 : i32
        %dma_wait3A_154 = tpu.memref_slice %arg5[%add3A_79, %dma_wait3A] : memref<4000x128xf32, #tpu.memory_space<hbm>> -> memref<8x128xf32, #tpu.memory_space<hbm>>
        %dma_wait3A_155 = arith.constant 0 : i32
        %dma_wait3A_156 = tpu.memref_slice %arg15[%mul3A_30, %dma_wait3A_155] : memref<2040x128xf32, #tpu.memory_space<vmem_shared>> -> memref<8x128xf32, #tpu.memory_space<vmem_shared>>
        tpu.wait_dma2 semaphore(%arg20 : memref<!tpu.dma_semaphore, #tpu.memory_space<semaphore_mem>>) src(%dma_wait3A_156 : memref<8x128xf32, #tpu.memory_space<vmem_shared>>) dst(%dma_wait3A_154 : memref<8x128xf32, #tpu.memory_space<hbm>>)
        %while3A_157 = arith.constant 0 : i32
        scf.yield %while3A_157 : i32
      }
      %while3A_151 = arith.constant 0 : i32
      scf.yield %while3A_151 : i32
    }
    %eq3A_118 = arith.constant 0 : i32
    %eq3A_119 = arith.cmpi eq, %arg1, %eq3A_118 : i32
    %convert_element_type3A_120 = arith.extui %eq3A_119 : i1 to i32
    %cond3A_121 = arith.constant 0 : i32
    %cond3A_122 = arith.cmpi ne, %convert_element_type3A_120, %cond3A_121 : i32
    scf.if %cond3A_122 {
      %mul3A_123 = arith.constant 32 : i32
      %mul3A_124 = arith.muli %arg0, %mul3A_123 : i32
      "tpu.region"() ({
        %run_scoped3A_125 = tpu.sem_alloc : memref<!tpu.dma_semaphore, #tpu.memory_space<semaphore_mem>>
        %dma_start3A = arith.constant 0 : i32
        %dma_start3A_126 = tpu.memref_slice %arg6[%mul3A_124, %dma_start3A] : memref<64x128xf32, #tpu.memory_space<hbm>> -> memref<32x128xf32, #tpu.memory_space<hbm>>
        %dma_start3A_127 = arith.constant 2008 : i32
        %dma_start3A_128 = arith.constant 0 : i32
        %dma_start3A_129 = tpu.memref_slice %arg15[%dma_start3A_127, %dma_start3A_128] : memref<2040x128xf32, #tpu.memory_space<vmem_shared>> -> memref<32x128xf32, #tpu.memory_space<vmem_shared>>
        tpu.enqueue_dma source(%dma_start3A_129 : memref<32x128xf32, #tpu.memory_space<vmem_shared>>) target(%dma_start3A_126 : memref<32x128xf32, #tpu.memory_space<hbm>>) target_semaphore(%run_scoped3A_125 : memref<!tpu.dma_semaphore, #tpu.memory_space<semaphore_mem>>)
        %dma_wait3A = arith.constant 0 : i32
        %dma_wait3A_130 = tpu.memref_slice %arg6[%mul3A_124, %dma_wait3A] : memref<64x128xf32, #tpu.memory_space<hbm>> -> memref<32x128xf32, #tpu.memory_space<hbm>>
        %dma_wait3A_131 = arith.constant 2008 : i32
        %dma_wait3A_132 = arith.constant 0 : i32
        %dma_wait3A_133 = tpu.memref_slice %arg15[%dma_wait3A_131, %dma_wait3A_132] : memref<2040x128xf32, #tpu.memory_space<vmem_shared>> -> memref<32x128xf32, #tpu.memory_space<vmem_shared>>
        tpu.wait_dma2 semaphore(%run_scoped3A_125 : memref<!tpu.dma_semaphore, #tpu.memory_space<semaphore_mem>>) src(%dma_wait3A_133 : memref<32x128xf32, #tpu.memory_space<vmem_shared>>) dst(%dma_wait3A_130 : memref<32x128xf32, #tpu.memory_space<hbm>>)
        tpu.yield
      }) : () -> ()
    } else {
    }
    return
  }
}

#map = affine_map<(d0, d1) -> (0, 0)>
#map1 = affine_map<(d0, d1) -> (0)>
module attributes {stable_mosaic.version = 14 : i64} {
  func.func @k(%arg0: i32, %arg1: i32, %arg2: memref<100000x128xf32, #tpu.memory_space<hbm>>, %arg3: memref<320000xi32, #tpu.memory_space<hbm>>, %arg4: memref<320000xi32, #tpu.memory_space<hbm>>, %arg5: memref<20000x128xf32, #tpu.memory_space<hbm>>, %arg6: memref<160x128xf32, #tpu.memory_space<hbm>>, %arg7: memref<2000xi32, #tpu.memory_space<vmem>>, %arg8: memref<2000xi32, #tpu.memory_space<vmem>>, %arg9: memref<33x64xi32, #tpu.memory_space<vmem>>, %arg10: memref<33x64xi32, #tpu.memory_space<vmem>>, %arg11: memref<64x128xf32, #tpu.memory_space<vmem>>, %arg12: memref<64x128xf32, #tpu.memory_space<vmem>>, %arg13: memref<80x128xf32, #tpu.memory_space<vmem>>, %arg14: memref<1x80xi32, #tpu.memory_space<vmem>>, %arg15: memref<10088x128xf32, #tpu.memory_space<vmem_shared>>, %arg16: memref<!tpu.dma_semaphore, #tpu.memory_space<semaphore_mem>>, %arg17: memref<!tpu.dma_semaphore, #tpu.memory_space<semaphore_mem>>, %arg18: memref<!tpu.dma_semaphore, #tpu.memory_space<semaphore_mem>>, %arg19: memref<!tpu.dma_semaphore, #tpu.memory_space<semaphore_mem>>, %arg20: memref<!tpu.dma_semaphore, #tpu.memory_space<semaphore_mem>>) attributes {dimension_semantics = [#tpu.dimension_semantics<core_parallel>, #tpu.dimension_semantics<subcore_parallel>], iteration_bounds = array<i64: 2, 16>, scalar_prefetch = 0 : i64, scratch_operands = 14 : i64, tpu.core_type = #tpu.core_type<sc_vector_subcore>, window_params = [{transform_indices = #map}, {transform_indices = #map1}, {transform_indices = #map1}, {transform_indices = #map}, {transform_indices = #map}]} {
    %mul3A = arith.constant 10000 : i32
    %mul3A_0 = arith.muli %arg0, %mul3A : i32
    %broadcast_in_dim3A = arith.constant 0.000000e+00 : f32
    %broadcast_in_dim3A_1 = vector.broadcast %broadcast_in_dim3A : f32 to vector<16xf32>
    %broadcast_in_dim3A_2 = arith.constant 1.000000e+00 : f32
    %broadcast_in_dim3A_3 = vector.broadcast %broadcast_in_dim3A_2 : f32 to vector<16xf32>
    %iota3A = tpu.iota {dimensions = array<i32: 0>} : vector<16xi32>
    %scan3A = arith.constant 0 : i32
    %scan3A_4 = arith.constant 0 : i32
    %scan3A_5 = arith.constant 64 : i32
    %scan3A_6 = arith.addi %scan3A_4, %scan3A_5 : i32
    %scan3A_7 = arith.constant 1 : i32
    %scan3A_8 = scf.for %scan3A_144 = %scan3A_4 to %scan3A_6 step %scan3A_7 iter_args(%scan3A_145 = %scan3A) -> (i32)  : i32 {
      %swap3A_146 = arith.index_cast %scan3A_144 : i32 to index
      %swap3A_147 = arith.constant 0 : index
      %swap3A_148 = tpu.vector_load %arg11[%swap3A_146, %swap3A_147] {strides = array<i32>} : memref<64x128xf32, #tpu.memory_space<vmem>>, vector<16xf32>,
      tpu.vector_store %arg11[%swap3A_146, %swap3A_147], %broadcast_in_dim3A_1 {strides = array<i32>} : memref<64x128xf32, #tpu.memory_space<vmem>>, vector<16xf32>,
      %swap3A_149 = arith.index_cast %scan3A_144 : i32 to index
      %swap3A_150 = arith.constant 0 : index
      %swap3A_151 = tpu.vector_load %arg12[%swap3A_149, %swap3A_150] {strides = array<i32>} : memref<64x128xf32, #tpu.memory_space<vmem>>, vector<16xf32>,
      tpu.vector_store %arg12[%swap3A_149, %swap3A_150], %broadcast_in_dim3A_1 {strides = array<i32>} : memref<64x128xf32, #tpu.memory_space<vmem>>, vector<16xf32>,
      %swap3A_152 = arith.index_cast %scan3A_144 : i32 to index
      %swap3A_153 = arith.constant 16 : index
      %swap3A_154 = tpu.vector_load %arg11[%swap3A_152, %swap3A_153] {strides = array<i32>} : memref<64x128xf32, #tpu.memory_space<vmem>>, vector<16xf32>,
      tpu.vector_store %arg11[%swap3A_152, %swap3A_153], %broadcast_in_dim3A_1 {strides = array<i32>} : memref<64x128xf32, #tpu.memory_space<vmem>>, vector<16xf32>,
      %swap3A_155 = arith.index_cast %scan3A_144 : i32 to index
      %swap3A_156 = arith.constant 16 : index
      %swap3A_157 = tpu.vector_load %arg12[%swap3A_155, %swap3A_156] {strides = array<i32>} : memref<64x128xf32, #tpu.memory_space<vmem>>, vector<16xf32>,
      tpu.vector_store %arg12[%swap3A_155, %swap3A_156], %broadcast_in_dim3A_1 {strides = array<i32>} : memref<64x128xf32, #tpu.memory_space<vmem>>, vector<16xf32>,
      %swap3A_158 = arith.index_cast %scan3A_144 : i32 to index
      %swap3A_159 = arith.constant 32 : index
      %swap3A_160 = tpu.vector_load %arg11[%swap3A_158, %swap3A_159] {strides = array<i32>} : memref<64x128xf32, #tpu.memory_space<vmem>>, vector<16xf32>,
      tpu.vector_store %arg11[%swap3A_158, %swap3A_159], %broadcast_in_dim3A_1 {strides = array<i32>} : memref<64x128xf32, #tpu.memory_space<vmem>>, vector<16xf32>,
      %swap3A_161 = arith.index_cast %scan3A_144 : i32 to index
      %swap3A_162 = arith.constant 32 : index
      %swap3A_163 = tpu.vector_load %arg12[%swap3A_161, %swap3A_162] {strides = array<i32>} : memref<64x128xf32, #tpu.memory_space<vmem>>, vector<16xf32>,
      tpu.vector_store %arg12[%swap3A_161, %swap3A_162], %broadcast_in_dim3A_1 {strides = array<i32>} : memref<64x128xf32, #tpu.memory_space<vmem>>, vector<16xf32>,
      %swap3A_164 = arith.index_cast %scan3A_144 : i32 to index
      %swap3A_165 = arith.constant 48 : index
      %swap3A_166 = tpu.vector_load %arg11[%swap3A_164, %swap3A_165] {strides = array<i32>} : memref<64x128xf32, #tpu.memory_space<vmem>>, vector<16xf32>,
      tpu.vector_store %arg11[%swap3A_164, %swap3A_165], %broadcast_in_dim3A_1 {strides = array<i32>} : memref<64x128xf32, #tpu.memory_space<vmem>>, vector<16xf32>,
      %swap3A_167 = arith.index_cast %scan3A_144 : i32 to index
      %swap3A_168 = arith.constant 48 : index
      %swap3A_169 = tpu.vector_load %arg12[%swap3A_167, %swap3A_168] {strides = array<i32>} : memref<64x128xf32, #tpu.memory_space<vmem>>, vector<16xf32>,
      tpu.vector_store %arg12[%swap3A_167, %swap3A_168], %broadcast_in_dim3A_1 {strides = array<i32>} : memref<64x128xf32, #tpu.memory_space<vmem>>, vector<16xf32>,
      %swap3A_170 = arith.index_cast %scan3A_144 : i32 to index
      %swap3A_171 = arith.constant 64 : index
      %swap3A_172 = tpu.vector_load %arg11[%swap3A_170, %swap3A_171] {strides = array<i32>} : memref<64x128xf32, #tpu.memory_space<vmem>>, vector<16xf32>,
      tpu.vector_store %arg11[%swap3A_170, %swap3A_171], %broadcast_in_dim3A_1 {strides = array<i32>} : memref<64x128xf32, #tpu.memory_space<vmem>>, vector<16xf32>,
      %swap3A_173 = arith.index_cast %scan3A_144 : i32 to index
      %swap3A_174 = arith.constant 64 : index
      %swap3A_175 = tpu.vector_load %arg12[%swap3A_173, %swap3A_174] {strides = array<i32>} : memref<64x128xf32, #tpu.memory_space<vmem>>, vector<16xf32>,
      tpu.vector_store %arg12[%swap3A_173, %swap3A_174], %broadcast_in_dim3A_1 {strides = array<i32>} : memref<64x128xf32, #tpu.memory_space<vmem>>, vector<16xf32>,
      %swap3A_176 = arith.index_cast %scan3A_144 : i32 to index
      %swap3A_177 = arith.constant 80 : index
      %swap3A_178 = tpu.vector_load %arg11[%swap3A_176, %swap3A_177] {strides = array<i32>} : memref<64x128xf32, #tpu.memory_space<vmem>>, vector<16xf32>,
      tpu.vector_store %arg11[%swap3A_176, %swap3A_177], %broadcast_in_dim3A_1 {strides = array<i32>} : memref<64x128xf32, #tpu.memory_space<vmem>>, vector<16xf32>,
      %swap3A_179 = arith.index_cast %scan3A_144 : i32 to index
      %swap3A_180 = arith.constant 80 : index
      %swap3A_181 = tpu.vector_load %arg12[%swap3A_179, %swap3A_180] {strides = array<i32>} : memref<64x128xf32, #tpu.memory_space<vmem>>, vector<16xf32>,
      tpu.vector_store %arg12[%swap3A_179, %swap3A_180], %broadcast_in_dim3A_1 {strides = array<i32>} : memref<64x128xf32, #tpu.memory_space<vmem>>, vector<16xf32>,
      %swap3A_182 = arith.index_cast %scan3A_144 : i32 to index
      %swap3A_183 = arith.constant 96 : index
      %swap3A_184 = tpu.vector_load %arg11[%swap3A_182, %swap3A_183] {strides = array<i32>} : memref<64x128xf32, #tpu.memory_space<vmem>>, vector<16xf32>,
      tpu.vector_store %arg11[%swap3A_182, %swap3A_183], %broadcast_in_dim3A_1 {strides = array<i32>} : memref<64x128xf32, #tpu.memory_space<vmem>>, vector<16xf32>,
      %swap3A_185 = arith.index_cast %scan3A_144 : i32 to index
      %swap3A_186 = arith.constant 96 : index
      %swap3A_187 = tpu.vector_load %arg12[%swap3A_185, %swap3A_186] {strides = array<i32>} : memref<64x128xf32, #tpu.memory_space<vmem>>, vector<16xf32>,
      tpu.vector_store %arg12[%swap3A_185, %swap3A_186], %broadcast_in_dim3A_1 {strides = array<i32>} : memref<64x128xf32, #tpu.memory_space<vmem>>, vector<16xf32>,
      %swap3A_188 = arith.index_cast %scan3A_144 : i32 to index
      %swap3A_189 = arith.constant 112 : index
      %swap3A_190 = tpu.vector_load %arg11[%swap3A_188, %swap3A_189] {strides = array<i32>} : memref<64x128xf32, #tpu.memory_space<vmem>>, vector<16xf32>,
      tpu.vector_store %arg11[%swap3A_188, %swap3A_189], %broadcast_in_dim3A_1 {strides = array<i32>} : memref<64x128xf32, #tpu.memory_space<vmem>>, vector<16xf32>,
      %swap3A_191 = arith.index_cast %scan3A_144 : i32 to index
      %swap3A_192 = arith.constant 112 : index
      %swap3A_193 = tpu.vector_load %arg12[%swap3A_191, %swap3A_192] {strides = array<i32>} : memref<64x128xf32, #tpu.memory_space<vmem>>, vector<16xf32>,
      tpu.vector_store %arg12[%swap3A_191, %swap3A_192], %broadcast_in_dim3A_1 {strides = array<i32>} : memref<64x128xf32, #tpu.memory_space<vmem>>, vector<16xf32>,
      %scan3A_194 = arith.constant 0 : i32
      scf.yield %scan3A_194 : i32
    }
    %scan3A_9 = arith.constant 64 : i32
    %scan3A_10 = arith.constant 0 : i32
    %scan3A_11 = arith.constant 0 : i32
    %scan3A_12 = arith.constant 80 : i32
    %scan3A_13 = arith.addi %scan3A_11, %scan3A_12 : i32
    %scan3A_14 = arith.constant 1 : i32
    %scan3A_15 = scf.for %scan3A_144 = %scan3A_11 to %scan3A_13 step %scan3A_14 iter_args(%scan3A_145 = %scan3A_10) -> (i32)  : i32 {
      %swap3A_146 = arith.index_cast %scan3A_144 : i32 to index
      %swap3A_147 = arith.constant 0 : index
      %swap3A_148 = tpu.vector_load %arg13[%swap3A_146, %swap3A_147] {strides = array<i32>} : memref<80x128xf32, #tpu.memory_space<vmem>>, vector<16xf32>,
      tpu.vector_store %arg13[%swap3A_146, %swap3A_147], %broadcast_in_dim3A_1 {strides = array<i32>} : memref<80x128xf32, #tpu.memory_space<vmem>>, vector<16xf32>,
      %swap3A_149 = arith.index_cast %scan3A_144 : i32 to index
      %swap3A_150 = arith.constant 16 : index
      %swap3A_151 = tpu.vector_load %arg13[%swap3A_149, %swap3A_150] {strides = array<i32>} : memref<80x128xf32, #tpu.memory_space<vmem>>, vector<16xf32>,
      tpu.vector_store %arg13[%swap3A_149, %swap3A_150], %broadcast_in_dim3A_1 {strides = array<i32>} : memref<80x128xf32, #tpu.memory_space<vmem>>, vector<16xf32>,
      %swap3A_152 = arith.index_cast %scan3A_144 : i32 to index
      %swap3A_153 = arith.constant 32 : index
      %swap3A_154 = tpu.vector_load %arg13[%swap3A_152, %swap3A_153] {strides = array<i32>} : memref<80x128xf32, #tpu.memory_space<vmem>>, vector<16xf32>,
      tpu.vector_store %arg13[%swap3A_152, %swap3A_153], %broadcast_in_dim3A_1 {strides = array<i32>} : memref<80x128xf32, #tpu.memory_space<vmem>>, vector<16xf32>,
      %swap3A_155 = arith.index_cast %scan3A_144 : i32 to index
      %swap3A_156 = arith.constant 48 : index
      %swap3A_157 = tpu.vector_load %arg13[%swap3A_155, %swap3A_156] {strides = array<i32>} : memref<80x128xf32, #tpu.memory_space<vmem>>, vector<16xf32>,
      tpu.vector_store %arg13[%swap3A_155, %swap3A_156], %broadcast_in_dim3A_1 {strides = array<i32>} : memref<80x128xf32, #tpu.memory_space<vmem>>, vector<16xf32>,
      %swap3A_158 = arith.index_cast %scan3A_144 : i32 to index
      %swap3A_159 = arith.constant 64 : index
      %swap3A_160 = tpu.vector_load %arg13[%swap3A_158, %swap3A_159] {strides = array<i32>} : memref<80x128xf32, #tpu.memory_space<vmem>>, vector<16xf32>,
      tpu.vector_store %arg13[%swap3A_158, %swap3A_159], %broadcast_in_dim3A_1 {strides = array<i32>} : memref<80x128xf32, #tpu.memory_space<vmem>>, vector<16xf32>,
      %swap3A_161 = arith.index_cast %scan3A_144 : i32 to index
      %swap3A_162 = arith.constant 80 : index
      %swap3A_163 = tpu.vector_load %arg13[%swap3A_161, %swap3A_162] {strides = array<i32>} : memref<80x128xf32, #tpu.memory_space<vmem>>, vector<16xf32>,
      tpu.vector_store %arg13[%swap3A_161, %swap3A_162], %broadcast_in_dim3A_1 {strides = array<i32>} : memref<80x128xf32, #tpu.memory_space<vmem>>, vector<16xf32>,
      %swap3A_164 = arith.index_cast %scan3A_144 : i32 to index
      %swap3A_165 = arith.constant 96 : index
      %swap3A_166 = tpu.vector_load %arg13[%swap3A_164, %swap3A_165] {strides = array<i32>} : memref<80x128xf32, #tpu.memory_space<vmem>>, vector<16xf32>,
      tpu.vector_store %arg13[%swap3A_164, %swap3A_165], %broadcast_in_dim3A_1 {strides = array<i32>} : memref<80x128xf32, #tpu.memory_space<vmem>>, vector<16xf32>,
      %swap3A_167 = arith.index_cast %scan3A_144 : i32 to index
      %swap3A_168 = arith.constant 112 : index
      %swap3A_169 = tpu.vector_load %arg13[%swap3A_167, %swap3A_168] {strides = array<i32>} : memref<80x128xf32, #tpu.memory_space<vmem>>, vector<16xf32>,
      tpu.vector_store %arg13[%swap3A_167, %swap3A_168], %broadcast_in_dim3A_1 {strides = array<i32>} : memref<80x128xf32, #tpu.memory_space<vmem>>, vector<16xf32>,
      %scan3A_170 = arith.constant 0 : i32
      scf.yield %scan3A_170 : i32
    }
    %scan3A_16 = arith.constant 80 : i32
    %add3A = arith.constant 10008 : i32
    %add3A_17 = vector.broadcast %add3A : i32 to vector<16xi32>
    %add3A_18 = arith.addi %add3A_17, %iota3A : vector<16xi32>
    %swap3A = arith.constant 0 : i32
    %swap3A_19 = arith.index_cast %swap3A : i32 to index
    %swap3A_20 = arith.constant 0 : index
    %swap3A_21 = tpu.vector_load %arg14[%swap3A_19, %swap3A_20] {strides = array<i32>} : memref<1x80xi32, #tpu.memory_space<vmem>>, vector<16xi32>,
    tpu.vector_store %arg14[%swap3A_19, %swap3A_20], %add3A_18 {strides = array<i32>} : memref<1x80xi32, #tpu.memory_space<vmem>>, vector<16xi32>,
    %add3A_22 = arith.constant 10024 : i32
    %add3A_23 = vector.broadcast %add3A_22 : i32 to vector<16xi32>
    %add3A_24 = arith.addi %add3A_23, %iota3A : vector<16xi32>
    %swap3A_25 = arith.constant 0 : i32
    %swap3A_26 = arith.index_cast %swap3A_25 : i32 to index
    %swap3A_27 = arith.constant 16 : index
    %swap3A_28 = tpu.vector_load %arg14[%swap3A_26, %swap3A_27] {strides = array<i32>} : memref<1x80xi32, #tpu.memory_space<vmem>>, vector<16xi32>,
    tpu.vector_store %arg14[%swap3A_26, %swap3A_27], %add3A_24 {strides = array<i32>} : memref<1x80xi32, #tpu.memory_space<vmem>>, vector<16xi32>,
    %add3A_29 = arith.constant 10040 : i32
    %add3A_30 = vector.broadcast %add3A_29 : i32 to vector<16xi32>
    %add3A_31 = arith.addi %add3A_30, %iota3A : vector<16xi32>
    %swap3A_32 = arith.constant 0 : i32
    %swap3A_33 = arith.index_cast %swap3A_32 : i32 to index
    %swap3A_34 = arith.constant 32 : index
    %swap3A_35 = tpu.vector_load %arg14[%swap3A_33, %swap3A_34] {strides = array<i32>} : memref<1x80xi32, #tpu.memory_space<vmem>>, vector<16xi32>,
    tpu.vector_store %arg14[%swap3A_33, %swap3A_34], %add3A_31 {strides = array<i32>} : memref<1x80xi32, #tpu.memory_space<vmem>>, vector<16xi32>,
    %add3A_36 = arith.constant 10056 : i32
    %add3A_37 = vector.broadcast %add3A_36 : i32 to vector<16xi32>
    %add3A_38 = arith.addi %add3A_37, %iota3A : vector<16xi32>
    %swap3A_39 = arith.constant 0 : i32
    %swap3A_40 = arith.index_cast %swap3A_39 : i32 to index
    %swap3A_41 = arith.constant 48 : index
    %swap3A_42 = tpu.vector_load %arg14[%swap3A_40, %swap3A_41] {strides = array<i32>} : memref<1x80xi32, #tpu.memory_space<vmem>>, vector<16xi32>,
    tpu.vector_store %arg14[%swap3A_40, %swap3A_41], %add3A_38 {strides = array<i32>} : memref<1x80xi32, #tpu.memory_space<vmem>>, vector<16xi32>,
    %add3A_43 = arith.constant 10072 : i32
    %add3A_44 = vector.broadcast %add3A_43 : i32 to vector<16xi32>
    %add3A_45 = arith.addi %add3A_44, %iota3A : vector<16xi32>
    %swap3A_46 = arith.constant 0 : i32
    %swap3A_47 = arith.index_cast %swap3A_46 : i32 to index
    %swap3A_48 = arith.constant 64 : index
    %swap3A_49 = tpu.vector_load %arg14[%swap3A_47, %swap3A_48] {strides = array<i32>} : memref<1x80xi32, #tpu.memory_space<vmem>>, vector<16xi32>,
    tpu.vector_store %arg14[%swap3A_47, %swap3A_48], %add3A_45 {strides = array<i32>} : memref<1x80xi32, #tpu.memory_space<vmem>>, vector<16xi32>,
    %mul3A_50 = arith.constant 624 : i32
    %mul3A_51 = arith.muli %arg1, %mul3A_50 : i32
    %eq3A = arith.constant 15 : i32
    %eq3A_52 = arith.cmpi eq, %arg1, %eq3A : i32
    %jit3A = arith.constant 80 : i32
    %jit3A_53 = arith.constant 78 : i32
    %select_n3A = arith.select %eq3A_52, %jit3A, %jit3A_53 : i32
    %add3A_54 = arith.constant 7 : i32
    %add3A_55 = arith.addi %select_n3A, %add3A_54 : i32
    %jit3A_56 = arith.constant 8 : i32
    %div3A = arith.divsi %add3A_55, %jit3A_56 : i32
    %sign3A = arith.constant 0 : i32
    %sign3A_57 = arith.cmpi sgt, %add3A_55, %sign3A : i32
    %sign3A_58 = arith.extui %sign3A_57 : i1 to i32
    %sign3A_59 = arith.constant 0 : i32
    %sign3A_60 = arith.cmpi slt, %add3A_55, %sign3A_59 : i32
    %sign3A_61 = arith.extui %sign3A_60 : i1 to i32
    %sign3A_62 = arith.subi %sign3A_58, %sign3A_61 : i32
    %sign3A_63 = arith.constant 0 : i32
    %sign3A_64 = arith.cmpi sgt, %jit3A_56, %sign3A_63 : i32
    %sign3A_65 = arith.extui %sign3A_64 : i1 to i32
    %sign3A_66 = arith.constant 0 : i32
    %sign3A_67 = arith.cmpi slt, %jit3A_56, %sign3A_66 : i32
    %sign3A_68 = arith.extui %sign3A_67 : i1 to i32
    %sign3A_69 = arith.subi %sign3A_65, %sign3A_68 : i32
    %ne3A = arith.cmpi ne, %sign3A_62, %sign3A_69 : i32
    %rem3A = arith.remsi %add3A_55, %jit3A_56 : i32
    %ne3A_70 = arith.constant 0 : i32
    %ne3A_71 = arith.cmpi ne, %rem3A, %ne3A_70 : i32
    %and3A = arith.andi %ne3A, %ne3A_71 : i1
    %sub3A = arith.constant 1 : i32
    %sub3A_72 = arith.subi %div3A, %sub3A : i32
    %select_n3A_73 = arith.select %and3A, %sub3A_72, %div3A : i32
    %while3A = arith.constant 0 : i32
    %while3A_74 = arith.constant 0 : i32
    %while3A_75 = arith.subi %select_n3A_73, %while3A : i32
    %while3A_76 = arith.addi %while3A, %while3A_75 : i32
    %while3A_77 = arith.constant 1 : i32
    %while3A_78 = arith.divsi %while3A_75, %while3A_77 : i32
    %while3A_79 = arith.muli %while3A_78, %while3A_77 : i32
    %while3A_80 = arith.addi %while3A, %while3A_79 : i32
    %while3A_81 = arith.constant 1 : i32
    %while3A_82 = scf.for %while3A_144 = %while3A to %while3A_80 step %while3A_81 iter_args(%while3A_145 = %while3A_74) -> (i32)  : i32 {
      %mul3A_146 = arith.constant 8 : i32
      %mul3A_147 = arith.muli %while3A_144, %mul3A_146 : i32
      %add3A_148 = arith.constant 8 : i32
      %add3A_149 = arith.addi %mul3A_147, %add3A_148 : i32
      %min3A = arith.minsi %add3A_149, %select_n3A : i32
      %while3A_150 = arith.constant 0 : i32
      %while3A_151 = arith.subi %min3A, %mul3A_147 : i32
      %while3A_152 = arith.addi %mul3A_147, %while3A_151 : i32
      %while3A_153 = arith.constant 1 : i32
      %while3A_154 = arith.divsi %while3A_151, %while3A_153 : i32
      %while3A_155 = arith.muli %while3A_154, %while3A_153 : i32
      %while3A_156 = arith.addi %mul3A_147, %while3A_155 : i32
      %while3A_157 = arith.constant 1 : i32
      %while3A_158 = scf.for %while3A_173 = %mul3A_147 to %while3A_156 step %while3A_157 iter_args(%while3A_174 = %while3A_150) -> (i32)  : i32 {
        %mul3A_175 = arith.constant 8 : i32
        %mul3A_176 = arith.muli %while3A_173, %mul3A_175 : i32
        %add3A_177 = arith.addi %mul3A_51, %mul3A_176 : i32
        %dma_start3A = arith.constant 0 : i32
        %dma_start3A_178 = arith.constant 0 : i32
        %dma_start3A_179 = tpu.memref_slice %arg11[%dma_start3A, %dma_start3A_178] : memref<64x128xf32, #tpu.memory_space<vmem>> -> memref<8x128xf32, #tpu.memory_space<vmem>>
        %dma_start3A_180 = arith.constant 0 : i32
        %dma_start3A_181 = tpu.memref_slice %arg15[%add3A_177, %dma_start3A_180] : memref<10088x128xf32, #tpu.memory_space<vmem_shared>> -> memref<8x128xf32, #tpu.memory_space<vmem_shared>>
        %dma_start3A_182 = arith.constant 0 : i32
        %dma_start3A_183 = tpu.memref_slice %arg15[%add3A_177, %dma_start3A_182] : memref<10088x128xf32, #tpu.memory_space<vmem_shared>> -> memref<8x128xf32, #tpu.memory_space<vmem_shared>>
        %dma_start3A_184 = arith.constant 0 : i32
        %dma_start3A_185 = arith.constant 0 : i32
        %dma_start3A_186 = tpu.memref_slice %arg11[%dma_start3A_184, %dma_start3A_185] : memref<64x128xf32, #tpu.memory_space<vmem>> -> memref<8x128xf32, #tpu.memory_space<vmem>>
        tpu.enqueue_dma source(%dma_start3A_186 : memref<8x128xf32, #tpu.memory_space<vmem>>) target(%dma_start3A_183 : memref<8x128xf32, #tpu.memory_space<vmem_shared>>) target_semaphore(%arg20 : memref<!tpu.dma_semaphore, #tpu.memory_space<semaphore_mem>>)
        %while3A_187 = arith.constant 0 : i32
        scf.yield %while3A_187 : i32
      }
      %while3A_159 = arith.constant 1 : i32
      %while3A_160 = scf.for %while3A_173 = %while3A_156 to %while3A_152 step %while3A_159 iter_args(%while3A_174 = %while3A_158) -> (i32)  : i32 {
        %mul3A_175 = arith.constant 8 : i32
        %mul3A_176 = arith.muli %while3A_173, %mul3A_175 : i32
        %add3A_177 = arith.addi %mul3A_51, %mul3A_176 : i32
        %dma_start3A = arith.constant 0 : i32
        %dma_start3A_178 = arith.constant 0 : i32
        %dma_start3A_179 = tpu.memref_slice %arg11[%dma_start3A, %dma_start3A_178] : memref<64x128xf32, #tpu.memory_space<vmem>> -> memref<8x128xf32, #tpu.memory_space<vmem>>
        %dma_start3A_180 = arith.constant 0 : i32
        %dma_start3A_181 = tpu.memref_slice %arg15[%add3A_177, %dma_start3A_180] : memref<10088x128xf32, #tpu.memory_space<vmem_shared>> -> memref<8x128xf32, #tpu.memory_space<vmem_shared>>
        %dma_start3A_182 = arith.constant 0 : i32
        %dma_start3A_183 = tpu.memref_slice %arg15[%add3A_177, %dma_start3A_182] : memref<10088x128xf32, #tpu.memory_space<vmem_shared>> -> memref<8x128xf32, #tpu.memory_space<vmem_shared>>
        %dma_start3A_184 = arith.constant 0 : i32
        %dma_start3A_185 = arith.constant 0 : i32
        %dma_start3A_186 = tpu.memref_slice %arg11[%dma_start3A_184, %dma_start3A_185] : memref<64x128xf32, #tpu.memory_space<vmem>> -> memref<8x128xf32, #tpu.memory_space<vmem>>
        tpu.enqueue_dma source(%dma_start3A_186 : memref<8x128xf32, #tpu.memory_space<vmem>>) target(%dma_start3A_183 : memref<8x128xf32, #tpu.memory_space<vmem_shared>>) target_semaphore(%arg20 : memref<!tpu.dma_semaphore, #tpu.memory_space<semaphore_mem>>)
        %while3A_187 = arith.constant 0 : i32
        scf.yield %while3A_187 : i32
      }
      %while3A_161 = arith.constant 0 : i32
      %while3A_162 = arith.subi %min3A, %mul3A_147 : i32
      %while3A_163 = arith.addi %mul3A_147, %while3A_162 : i32
      %while3A_164 = arith.constant 1 : i32
      %while3A_165 = arith.divsi %while3A_162, %while3A_164 : i32
      %while3A_166 = arith.muli %while3A_165, %while3A_164 : i32
      %while3A_167 = arith.addi %mul3A_147, %while3A_166 : i32
      %while3A_168 = arith.constant 1 : i32
      %while3A_169 = scf.for %while3A_173 = %mul3A_147 to %while3A_167 step %while3A_168 iter_args(%while3A_174 = %while3A_161) -> (i32)  : i32 {
        %dma_wait3A = arith.constant 0 : i32
        %dma_wait3A_175 = arith.constant 0 : i32
        %dma_wait3A_176 = tpu.memref_slice %arg11[%dma_wait3A, %dma_wait3A_175] : memref<64x128xf32, #tpu.memory_space<vmem>> -> memref<8x128xf32, #tpu.memory_space<vmem>>
        %dma_wait3A_177 = arith.constant 0 : i32
        %dma_wait3A_178 = tpu.memref_slice %arg15[%mul3A_51, %dma_wait3A_177] : memref<10088x128xf32, #tpu.memory_space<vmem_shared>> -> memref<8x128xf32, #tpu.memory_space<vmem_shared>>
        %dma_wait3A_179 = arith.constant 0 : i32
        %dma_wait3A_180 = tpu.memref_slice %arg15[%mul3A_51, %dma_wait3A_179] : memref<10088x128xf32, #tpu.memory_space<vmem_shared>> -> memref<8x128xf32, #tpu.memory_space<vmem_shared>>
        %dma_wait3A_181 = arith.constant 0 : i32
        %dma_wait3A_182 = arith.constant 0 : i32
        %dma_wait3A_183 = tpu.memref_slice %arg11[%dma_wait3A_181, %dma_wait3A_182] : memref<64x128xf32, #tpu.memory_space<vmem>> -> memref<8x128xf32, #tpu.memory_space<vmem>>
        tpu.wait_dma2 semaphore(%arg20 : memref<!tpu.dma_semaphore, #tpu.memory_space<semaphore_mem>>) src(%dma_wait3A_183 : memref<8x128xf32, #tpu.memory_space<vmem>>) dst(%dma_wait3A_180 : memref<8x128xf32, #tpu.memory_space<vmem_shared>>)
        %while3A_184 = arith.constant 0 : i32
        scf.yield %while3A_184 : i32
      }
      %while3A_170 = arith.constant 1 : i32
      %while3A_171 = scf.for %while3A_173 = %while3A_167 to %while3A_163 step %while3A_170 iter_args(%while3A_174 = %while3A_169) -> (i32)  : i32 {
        %dma_wait3A = arith.constant 0 : i32
        %dma_wait3A_175 = arith.constant 0 : i32
        %dma_wait3A_176 = tpu.memref_slice %arg11[%dma_wait3A, %dma_wait3A_175] : memref<64x128xf32, #tpu.memory_space<vmem>> -> memref<8x128xf32, #tpu.memory_space<vmem>>
        %dma_wait3A_177 = arith.constant 0 : i32
        %dma_wait3A_178 = tpu.memref_slice %arg15[%mul3A_51, %dma_wait3A_177] : memref<10088x128xf32, #tpu.memory_space<vmem_shared>> -> memref<8x128xf32, #tpu.memory_space<vmem_shared>>
        %dma_wait3A_179 = arith.constant 0 : i32
        %dma_wait3A_180 = tpu.memref_slice %arg15[%mul3A_51, %dma_wait3A_179] : memref<10088x128xf32, #tpu.memory_space<vmem_shared>> -> memref<8x128xf32, #tpu.memory_space<vmem_shared>>
        %dma_wait3A_181 = arith.constant 0 : i32
        %dma_wait3A_182 = arith.constant 0 : i32
        %dma_wait3A_183 = tpu.memref_slice %arg11[%dma_wait3A_181, %dma_wait3A_182] : memref<64x128xf32, #tpu.memory_space<vmem>> -> memref<8x128xf32, #tpu.memory_space<vmem>>
        tpu.wait_dma2 semaphore(%arg20 : memref<!tpu.dma_semaphore, #tpu.memory_space<semaphore_mem>>) src(%dma_wait3A_183 : memref<8x128xf32, #tpu.memory_space<vmem>>) dst(%dma_wait3A_180 : memref<8x128xf32, #tpu.memory_space<vmem_shared>>)
        %while3A_184 = arith.constant 0 : i32
        scf.yield %while3A_184 : i32
      }
      %while3A_172 = arith.constant 0 : i32
      scf.yield %while3A_172 : i32
    }
    %while3A_83 = arith.constant 1 : i32
    %while3A_84 = scf.for %while3A_144 = %while3A_80 to %while3A_76 step %while3A_83 iter_args(%while3A_145 = %while3A_82) -> (i32)  : i32 {
      %mul3A_146 = arith.constant 8 : i32
      %mul3A_147 = arith.muli %while3A_144, %mul3A_146 : i32
      %add3A_148 = arith.constant 8 : i32
      %add3A_149 = arith.addi %mul3A_147, %add3A_148 : i32
      %min3A = arith.minsi %add3A_149, %select_n3A : i32
      %while3A_150 = arith.constant 0 : i32
      %while3A_151 = arith.subi %min3A, %mul3A_147 : i32
      %while3A_152 = arith.addi %mul3A_147, %while3A_151 : i32
      %while3A_153 = arith.constant 1 : i32
      %while3A_154 = arith.divsi %while3A_151, %while3A_153 : i32
      %while3A_155 = arith.muli %while3A_154, %while3A_153 : i32
      %while3A_156 = arith.addi %mul3A_147, %while3A_155 : i32
      %while3A_157 = arith.constant 1 : i32
      %while3A_158 = scf.for %while3A_173 = %mul3A_147 to %while3A_156 step %while3A_157 iter_args(%while3A_174 = %while3A_150) -> (i32)  : i32 {
        %mul3A_175 = arith.constant 8 : i32
        %mul3A_176 = arith.muli %while3A_173, %mul3A_175 : i32
        %add3A_177 = arith.addi %mul3A_51, %mul3A_176 : i32
        %dma_start3A = arith.constant 0 : i32
        %dma_start3A_178 = arith.constant 0 : i32
        %dma_start3A_179 = tpu.memref_slice %arg11[%dma_start3A, %dma_start3A_178] : memref<64x128xf32, #tpu.memory_space<vmem>> -> memref<8x128xf32, #tpu.memory_space<vmem>>
        %dma_start3A_180 = arith.constant 0 : i32
        %dma_start3A_181 = tpu.memref_slice %arg15[%add3A_177, %dma_start3A_180] : memref<10088x128xf32, #tpu.memory_space<vmem_shared>> -> memref<8x128xf32, #tpu.memory_space<vmem_shared>>
        %dma_start3A_182 = arith.constant 0 : i32
        %dma_start3A_183 = tpu.memref_slice %arg15[%add3A_177, %dma_start3A_182] : memref<10088x128xf32, #tpu.memory_space<vmem_shared>> -> memref<8x128xf32, #tpu.memory_space<vmem_shared>>
        %dma_start3A_184 = arith.constant 0 : i32
        %dma_start3A_185 = arith.constant 0 : i32
        %dma_start3A_186 = tpu.memref_slice %arg11[%dma_start3A_184, %dma_start3A_185] : memref<64x128xf32, #tpu.memory_space<vmem>> -> memref<8x128xf32, #tpu.memory_space<vmem>>
        tpu.enqueue_dma source(%dma_start3A_186 : memref<8x128xf32, #tpu.memory_space<vmem>>) target(%dma_start3A_183 : memref<8x128xf32, #tpu.memory_space<vmem_shared>>) target_semaphore(%arg20 : memref<!tpu.dma_semaphore, #tpu.memory_space<semaphore_mem>>)
        %while3A_187 = arith.constant 0 : i32
        scf.yield %while3A_187 : i32
      }
      %while3A_159 = arith.constant 1 : i32
      %while3A_160 = scf.for %while3A_173 = %while3A_156 to %while3A_152 step %while3A_159 iter_args(%while3A_174 = %while3A_158) -> (i32)  : i32 {
        %mul3A_175 = arith.constant 8 : i32
        %mul3A_176 = arith.muli %while3A_173, %mul3A_175 : i32
        %add3A_177 = arith.addi %mul3A_51, %mul3A_176 : i32
        %dma_start3A = arith.constant 0 : i32
        %dma_start3A_178 = arith.constant 0 : i32
        %dma_start3A_179 = tpu.memref_slice %arg11[%dma_start3A, %dma_start3A_178] : memref<64x128xf32, #tpu.memory_space<vmem>> -> memref<8x128xf32, #tpu.memory_space<vmem>>
        %dma_start3A_180 = arith.constant 0 : i32
        %dma_start3A_181 = tpu.memref_slice %arg15[%add3A_177, %dma_start3A_180] : memref<10088x128xf32, #tpu.memory_space<vmem_shared>> -> memref<8x128xf32, #tpu.memory_space<vmem_shared>>
        %dma_start3A_182 = arith.constant 0 : i32
        %dma_start3A_183 = tpu.memref_slice %arg15[%add3A_177, %dma_start3A_182] : memref<10088x128xf32, #tpu.memory_space<vmem_shared>> -> memref<8x128xf32, #tpu.memory_space<vmem_shared>>
        %dma_start3A_184 = arith.constant 0 : i32
        %dma_start3A_185 = arith.constant 0 : i32
        %dma_start3A_186 = tpu.memref_slice %arg11[%dma_start3A_184, %dma_start3A_185] : memref<64x128xf32, #tpu.memory_space<vmem>> -> memref<8x128xf32, #tpu.memory_space<vmem>>
        tpu.enqueue_dma source(%dma_start3A_186 : memref<8x128xf32, #tpu.memory_space<vmem>>) target(%dma_start3A_183 : memref<8x128xf32, #tpu.memory_space<vmem_shared>>) target_semaphore(%arg20 : memref<!tpu.dma_semaphore, #tpu.memory_space<semaphore_mem>>)
        %while3A_187 = arith.constant 0 : i32
        scf.yield %while3A_187 : i32
      }
      %while3A_161 = arith.constant 0 : i32
      %while3A_162 = arith.subi %min3A, %mul3A_147 : i32
      %while3A_163 = arith.addi %mul3A_147, %while3A_162 : i32
      %while3A_164 = arith.constant 1 : i32
      %while3A_165 = arith.divsi %while3A_162, %while3A_164 : i32
      %while3A_166 = arith.muli %while3A_165, %while3A_164 : i32
      %while3A_167 = arith.addi %mul3A_147, %while3A_166 : i32
      %while3A_168 = arith.constant 1 : i32
      %while3A_169 = scf.for %while3A_173 = %mul3A_147 to %while3A_167 step %while3A_168 iter_args(%while3A_174 = %while3A_161) -> (i32)  : i32 {
        %dma_wait3A = arith.constant 0 : i32
        %dma_wait3A_175 = arith.constant 0 : i32
        %dma_wait3A_176 = tpu.memref_slice %arg11[%dma_wait3A, %dma_wait3A_175] : memref<64x128xf32, #tpu.memory_space<vmem>> -> memref<8x128xf32, #tpu.memory_space<vmem>>
        %dma_wait3A_177 = arith.constant 0 : i32
        %dma_wait3A_178 = tpu.memref_slice %arg15[%mul3A_51, %dma_wait3A_177] : memref<10088x128xf32, #tpu.memory_space<vmem_shared>> -> memref<8x128xf32, #tpu.memory_space<vmem_shared>>
        %dma_wait3A_179 = arith.constant 0 : i32
        %dma_wait3A_180 = tpu.memref_slice %arg15[%mul3A_51, %dma_wait3A_179] : memref<10088x128xf32, #tpu.memory_space<vmem_shared>> -> memref<8x128xf32, #tpu.memory_space<vmem_shared>>
        %dma_wait3A_181 = arith.constant 0 : i32
        %dma_wait3A_182 = arith.constant 0 : i32
        %dma_wait3A_183 = tpu.memref_slice %arg11[%dma_wait3A_181, %dma_wait3A_182] : memref<64x128xf32, #tpu.memory_space<vmem>> -> memref<8x128xf32, #tpu.memory_space<vmem>>
        tpu.wait_dma2 semaphore(%arg20 : memref<!tpu.dma_semaphore, #tpu.memory_space<semaphore_mem>>) src(%dma_wait3A_183 : memref<8x128xf32, #tpu.memory_space<vmem>>) dst(%dma_wait3A_180 : memref<8x128xf32, #tpu.memory_space<vmem_shared>>)
        %while3A_184 = arith.constant 0 : i32
        scf.yield %while3A_184 : i32
      }
      %while3A_170 = arith.constant 1 : i32
      %while3A_171 = scf.for %while3A_173 = %while3A_167 to %while3A_163 step %while3A_170 iter_args(%while3A_174 = %while3A_169) -> (i32)  : i32 {
        %dma_wait3A = arith.constant 0 : i32
        %dma_wait3A_175 = arith.constant 0 : i32
        %dma_wait3A_176 = tpu.memref_slice %arg11[%dma_wait3A, %dma_wait3A_175] : memref<64x128xf32, #tpu.memory_space<vmem>> -> memref<8x128xf32, #tpu.memory_space<vmem>>
        %dma_wait3A_177 = arith.constant 0 : i32
        %dma_wait3A_178 = tpu.memref_slice %arg15[%mul3A_51, %dma_wait3A_177] : memref<10088x128xf32, #tpu.memory_space<vmem_shared>> -> memref<8x128xf32, #tpu.memory_space<vmem_shared>>
        %dma_wait3A_179 = arith.constant 0 : i32
        %dma_wait3A_180 = tpu.memref_slice %arg15[%mul3A_51, %dma_wait3A_179] : memref<10088x128xf32, #tpu.memory_space<vmem_shared>> -> memref<8x128xf32, #tpu.memory_space<vmem_shared>>
        %dma_wait3A_181 = arith.constant 0 : i32
        %dma_wait3A_182 = arith.constant 0 : i32
        %dma_wait3A_183 = tpu.memref_slice %arg11[%dma_wait3A_181, %dma_wait3A_182] : memref<64x128xf32, #tpu.memory_space<vmem>> -> memref<8x128xf32, #tpu.memory_space<vmem>>
        tpu.wait_dma2 semaphore(%arg20 : memref<!tpu.dma_semaphore, #tpu.memory_space<semaphore_mem>>) src(%dma_wait3A_183 : memref<8x128xf32, #tpu.memory_space<vmem>>) dst(%dma_wait3A_180 : memref<8x128xf32, #tpu.memory_space<vmem_shared>>)
        %while3A_184 = arith.constant 0 : i32
        scf.yield %while3A_184 : i32
      }
      %while3A_172 = arith.constant 0 : i32
      scf.yield %while3A_172 : i32
    }
    %eq3A_85 = arith.constant 0 : i32
    %eq3A_86 = arith.cmpi eq, %arg1, %eq3A_85 : i32
    %convert_element_type3A = arith.extui %eq3A_86 : i1 to i32
    %cond3A = arith.constant 0 : i32
    %cond3A_87 = arith.cmpi ne, %convert_element_type3A, %cond3A : i32
    scf.if %cond3A_87 {
      "tpu.region"() ({
        %run_scoped3A_144 = tpu.sem_alloc : memref<!tpu.dma_semaphore, #tpu.memory_space<semaphore_mem>>
        %dma_start3A = arith.constant 0 : i32
        %dma_start3A_145 = arith.constant 0 : i32
        %dma_start3A_146 = tpu.memref_slice %arg11[%dma_start3A, %dma_start3A_145] : memref<64x128xf32, #tpu.memory_space<vmem>> -> memref<8x128xf32, #tpu.memory_space<vmem>>
        %dma_start3A_147 = arith.constant 10008 : i32
        %dma_start3A_148 = arith.constant 0 : i32
        %dma_start3A_149 = tpu.memref_slice %arg15[%dma_start3A_147, %dma_start3A_148] : memref<10088x128xf32, #tpu.memory_space<vmem_shared>> -> memref<8x128xf32, #tpu.memory_space<vmem_shared>>
        %dma_start3A_150 = arith.constant 10008 : i32
        %dma_start3A_151 = arith.constant 0 : i32
        %dma_start3A_152 = tpu.memref_slice %arg15[%dma_start3A_150, %dma_start3A_151] : memref<10088x128xf32, #tpu.memory_space<vmem_shared>> -> memref<8x128xf32, #tpu.memory_space<vmem_shared>>
        %dma_start3A_153 = arith.constant 0 : i32
        %dma_start3A_154 = arith.constant 0 : i32
        %dma_start3A_155 = tpu.memref_slice %arg11[%dma_start3A_153, %dma_start3A_154] : memref<64x128xf32, #tpu.memory_space<vmem>> -> memref<8x128xf32, #tpu.memory_space<vmem>>
        tpu.enqueue_dma source(%dma_start3A_155 : memref<8x128xf32, #tpu.memory_space<vmem>>) target(%dma_start3A_152 : memref<8x128xf32, #tpu.memory_space<vmem_shared>>) target_semaphore(%run_scoped3A_144 : memref<!tpu.dma_semaphore, #tpu.memory_space<semaphore_mem>>)
        %dma_wait3A = arith.constant 0 : i32
        %dma_wait3A_156 = arith.constant 0 : i32
        %dma_wait3A_157 = tpu.memref_slice %arg11[%dma_wait3A, %dma_wait3A_156] : memref<64x128xf32, #tpu.memory_space<vmem>> -> memref<8x128xf32, #tpu.memory_space<vmem>>
        %dma_wait3A_158 = arith.constant 10008 : i32
        %dma_wait3A_159 = arith.constant 0 : i32
        %dma_wait3A_160 = tpu.memref_slice %arg15[%dma_wait3A_158, %dma_wait3A_159] : memref<10088x128xf32, #tpu.memory_space<vmem_shared>> -> memref<8x128xf32, #tpu.memory_space<vmem_shared>>
        %dma_wait3A_161 = arith.constant 10008 : i32
        %dma_wait3A_162 = arith.constant 0 : i32
        %dma_wait3A_163 = tpu.memref_slice %arg15[%dma_wait3A_161, %dma_wait3A_162] : memref<10088x128xf32, #tpu.memory_space<vmem_shared>> -> memref<8x128xf32, #tpu.memory_space<vmem_shared>>
        %dma_wait3A_164 = arith.constant 0 : i32
        %dma_wait3A_165 = arith.constant 0 : i32
        %dma_wait3A_166 = tpu.memref_slice %arg11[%dma_wait3A_164, %dma_wait3A_165] : memref<64x128xf32, #tpu.memory_space<vmem>> -> memref<8x128xf32, #tpu.memory_space<vmem>>
        tpu.wait_dma2 semaphore(%run_scoped3A_144 : memref<!tpu.dma_semaphore, #tpu.memory_space<semaphore_mem>>) src(%dma_wait3A_166 : memref<8x128xf32, #tpu.memory_space<vmem>>) dst(%dma_wait3A_163 : memref<8x128xf32, #tpu.memory_space<vmem_shared>>)
        tpu.yield
      }) : () -> ()
      "tpu.region"() ({
        %run_scoped3A_144 = tpu.sem_alloc : memref<!tpu.dma_semaphore, #tpu.memory_space<semaphore_mem>>
        %dma_start3A = arith.constant 0 : i32
        %dma_start3A_145 = arith.constant 0 : i32
        %dma_start3A_146 = tpu.memref_slice %arg11[%dma_start3A, %dma_start3A_145] : memref<64x128xf32, #tpu.memory_space<vmem>> -> memref<8x128xf32, #tpu.memory_space<vmem>>
        %dma_start3A_147 = arith.constant 10016 : i32
        %dma_start3A_148 = arith.constant 0 : i32
        %dma_start3A_149 = tpu.memref_slice %arg15[%dma_start3A_147, %dma_start3A_148] : memref<10088x128xf32, #tpu.memory_space<vmem_shared>> -> memref<8x128xf32, #tpu.memory_space<vmem_shared>>
        %dma_start3A_150 = arith.constant 10016 : i32
        %dma_start3A_151 = arith.constant 0 : i32
        %dma_start3A_152 = tpu.memref_slice %arg15[%dma_start3A_150, %dma_start3A_151] : memref<10088x128xf32, #tpu.memory_space<vmem_shared>> -> memref<8x128xf32, #tpu.memory_space<vmem_shared>>
        %dma_start3A_153 = arith.constant 0 : i32
        %dma_start3A_154 = arith.constant 0 : i32
        %dma_start3A_155 = tpu.memref_slice %arg11[%dma_start3A_153, %dma_start3A_154] : memref<64x128xf32, #tpu.memory_space<vmem>> -> memref<8x128xf32, #tpu.memory_space<vmem>>
        tpu.enqueue_dma source(%dma_start3A_155 : memref<8x128xf32, #tpu.memory_space<vmem>>) target(%dma_start3A_152 : memref<8x128xf32, #tpu.memory_space<vmem_shared>>) target_semaphore(%run_scoped3A_144 : memref<!tpu.dma_semaphore, #tpu.memory_space<semaphore_mem>>)
        %dma_wait3A = arith.constant 0 : i32
        %dma_wait3A_156 = arith.constant 0 : i32
        %dma_wait3A_157 = tpu.memref_slice %arg11[%dma_wait3A, %dma_wait3A_156] : memref<64x128xf32, #tpu.memory_space<vmem>> -> memref<8x128xf32, #tpu.memory_space<vmem>>
        %dma_wait3A_158 = arith.constant 10016 : i32
        %dma_wait3A_159 = arith.constant 0 : i32
        %dma_wait3A_160 = tpu.memref_slice %arg15[%dma_wait3A_158, %dma_wait3A_159] : memref<10088x128xf32, #tpu.memory_space<vmem_shared>> -> memref<8x128xf32, #tpu.memory_space<vmem_shared>>
        %dma_wait3A_161 = arith.constant 10016 : i32
        %dma_wait3A_162 = arith.constant 0 : i32
        %dma_wait3A_163 = tpu.memref_slice %arg15[%dma_wait3A_161, %dma_wait3A_162] : memref<10088x128xf32, #tpu.memory_space<vmem_shared>> -> memref<8x128xf32, #tpu.memory_space<vmem_shared>>
        %dma_wait3A_164 = arith.constant 0 : i32
        %dma_wait3A_165 = arith.constant 0 : i32
        %dma_wait3A_166 = tpu.memref_slice %arg11[%dma_wait3A_164, %dma_wait3A_165] : memref<64x128xf32, #tpu.memory_space<vmem>> -> memref<8x128xf32, #tpu.memory_space<vmem>>
        tpu.wait_dma2 semaphore(%run_scoped3A_144 : memref<!tpu.dma_semaphore, #tpu.memory_space<semaphore_mem>>) src(%dma_wait3A_166 : memref<8x128xf32, #tpu.memory_space<vmem>>) dst(%dma_wait3A_163 : memref<8x128xf32, #tpu.memory_space<vmem_shared>>)
        tpu.yield
      }) : () -> ()
      "tpu.region"() ({
        %run_scoped3A_144 = tpu.sem_alloc : memref<!tpu.dma_semaphore, #tpu.memory_space<semaphore_mem>>
        %dma_start3A = arith.constant 0 : i32
        %dma_start3A_145 = arith.constant 0 : i32
        %dma_start3A_146 = tpu.memref_slice %arg11[%dma_start3A, %dma_start3A_145] : memref<64x128xf32, #tpu.memory_space<vmem>> -> memref<8x128xf32, #tpu.memory_space<vmem>>
        %dma_start3A_147 = arith.constant 10024 : i32
        %dma_start3A_148 = arith.constant 0 : i32
        %dma_start3A_149 = tpu.memref_slice %arg15[%dma_start3A_147, %dma_start3A_148] : memref<10088x128xf32, #tpu.memory_space<vmem_shared>> -> memref<8x128xf32, #tpu.memory_space<vmem_shared>>
        %dma_start3A_150 = arith.constant 10024 : i32
        %dma_start3A_151 = arith.constant 0 : i32
        %dma_start3A_152 = tpu.memref_slice %arg15[%dma_start3A_150, %dma_start3A_151] : memref<10088x128xf32, #tpu.memory_space<vmem_shared>> -> memref<8x128xf32, #tpu.memory_space<vmem_shared>>
        %dma_start3A_153 = arith.constant 0 : i32
        %dma_start3A_154 = arith.constant 0 : i32
        %dma_start3A_155 = tpu.memref_slice %arg11[%dma_start3A_153, %dma_start3A_154] : memref<64x128xf32, #tpu.memory_space<vmem>> -> memref<8x128xf32, #tpu.memory_space<vmem>>
        tpu.enqueue_dma source(%dma_start3A_155 : memref<8x128xf32, #tpu.memory_space<vmem>>) target(%dma_start3A_152 : memref<8x128xf32, #tpu.memory_space<vmem_shared>>) target_semaphore(%run_scoped3A_144 : memref<!tpu.dma_semaphore, #tpu.memory_space<semaphore_mem>>)
        %dma_wait3A = arith.constant 0 : i32
        %dma_wait3A_156 = arith.constant 0 : i32
        %dma_wait3A_157 = tpu.memref_slice %arg11[%dma_wait3A, %dma_wait3A_156] : memref<64x128xf32, #tpu.memory_space<vmem>> -> memref<8x128xf32, #tpu.memory_space<vmem>>
        %dma_wait3A_158 = arith.constant 10024 : i32
        %dma_wait3A_159 = arith.constant 0 : i32
        %dma_wait3A_160 = tpu.memref_slice %arg15[%dma_wait3A_158, %dma_wait3A_159] : memref<10088x128xf32, #tpu.memory_space<vmem_shared>> -> memref<8x128xf32, #tpu.memory_space<vmem_shared>>
        %dma_wait3A_161 = arith.constant 10024 : i32
        %dma_wait3A_162 = arith.constant 0 : i32
        %dma_wait3A_163 = tpu.memref_slice %arg15[%dma_wait3A_161, %dma_wait3A_162] : memref<10088x128xf32, #tpu.memory_space<vmem_shared>> -> memref<8x128xf32, #tpu.memory_space<vmem_shared>>
        %dma_wait3A_164 = arith.constant 0 : i32
        %dma_wait3A_165 = arith.constant 0 : i32
        %dma_wait3A_166 = tpu.memref_slice %arg11[%dma_wait3A_164, %dma_wait3A_165] : memref<64x128xf32, #tpu.memory_space<vmem>> -> memref<8x128xf32, #tpu.memory_space<vmem>>
        tpu.wait_dma2 semaphore(%run_scoped3A_144 : memref<!tpu.dma_semaphore, #tpu.memory_space<semaphore_mem>>) src(%dma_wait3A_166 : memref<8x128xf32, #tpu.memory_space<vmem>>) dst(%dma_wait3A_163 : memref<8x128xf32, #tpu.memory_space<vmem_shared>>)
        tpu.yield
      }) : () -> ()
      "tpu.region"() ({
        %run_scoped3A_144 = tpu.sem_alloc : memref<!tpu.dma_semaphore, #tpu.memory_space<semaphore_mem>>
        %dma_start3A = arith.constant 0 : i32
        %dma_start3A_145 = arith.constant 0 : i32
        %dma_start3A_146 = tpu.memref_slice %arg11[%dma_start3A, %dma_start3A_145] : memref<64x128xf32, #tpu.memory_space<vmem>> -> memref<8x128xf32, #tpu.memory_space<vmem>>
        %dma_start3A_147 = arith.constant 10032 : i32
        %dma_start3A_148 = arith.constant 0 : i32
        %dma_start3A_149 = tpu.memref_slice %arg15[%dma_start3A_147, %dma_start3A_148] : memref<10088x128xf32, #tpu.memory_space<vmem_shared>> -> memref<8x128xf32, #tpu.memory_space<vmem_shared>>
        %dma_start3A_150 = arith.constant 10032 : i32
        %dma_start3A_151 = arith.constant 0 : i32
        %dma_start3A_152 = tpu.memref_slice %arg15[%dma_start3A_150, %dma_start3A_151] : memref<10088x128xf32, #tpu.memory_space<vmem_shared>> -> memref<8x128xf32, #tpu.memory_space<vmem_shared>>
        %dma_start3A_153 = arith.constant 0 : i32
        %dma_start3A_154 = arith.constant 0 : i32
        %dma_start3A_155 = tpu.memref_slice %arg11[%dma_start3A_153, %dma_start3A_154] : memref<64x128xf32, #tpu.memory_space<vmem>> -> memref<8x128xf32, #tpu.memory_space<vmem>>
        tpu.enqueue_dma source(%dma_start3A_155 : memref<8x128xf32, #tpu.memory_space<vmem>>) target(%dma_start3A_152 : memref<8x128xf32, #tpu.memory_space<vmem_shared>>) target_semaphore(%run_scoped3A_144 : memref<!tpu.dma_semaphore, #tpu.memory_space<semaphore_mem>>)
        %dma_wait3A = arith.constant 0 : i32
        %dma_wait3A_156 = arith.constant 0 : i32
        %dma_wait3A_157 = tpu.memref_slice %arg11[%dma_wait3A, %dma_wait3A_156] : memref<64x128xf32, #tpu.memory_space<vmem>> -> memref<8x128xf32, #tpu.memory_space<vmem>>
        %dma_wait3A_158 = arith.constant 10032 : i32
        %dma_wait3A_159 = arith.constant 0 : i32
        %dma_wait3A_160 = tpu.memref_slice %arg15[%dma_wait3A_158, %dma_wait3A_159] : memref<10088x128xf32, #tpu.memory_space<vmem_shared>> -> memref<8x128xf32, #tpu.memory_space<vmem_shared>>
        %dma_wait3A_161 = arith.constant 10032 : i32
        %dma_wait3A_162 = arith.constant 0 : i32
        %dma_wait3A_163 = tpu.memref_slice %arg15[%dma_wait3A_161, %dma_wait3A_162] : memref<10088x128xf32, #tpu.memory_space<vmem_shared>> -> memref<8x128xf32, #tpu.memory_space<vmem_shared>>
        %dma_wait3A_164 = arith.constant 0 : i32
        %dma_wait3A_165 = arith.constant 0 : i32
        %dma_wait3A_166 = tpu.memref_slice %arg11[%dma_wait3A_164, %dma_wait3A_165] : memref<64x128xf32, #tpu.memory_space<vmem>> -> memref<8x128xf32, #tpu.memory_space<vmem>>
        tpu.wait_dma2 semaphore(%run_scoped3A_144 : memref<!tpu.dma_semaphore, #tpu.memory_space<semaphore_mem>>) src(%dma_wait3A_166 : memref<8x128xf32, #tpu.memory_space<vmem>>) dst(%dma_wait3A_163 : memref<8x128xf32, #tpu.memory_space<vmem_shared>>)
        tpu.yield
      }) : () -> ()
      "tpu.region"() ({
        %run_scoped3A_144 = tpu.sem_alloc : memref<!tpu.dma_semaphore, #tpu.memory_space<semaphore_mem>>
        %dma_start3A = arith.constant 0 : i32
        %dma_start3A_145 = arith.constant 0 : i32
        %dma_start3A_146 = tpu.memref_slice %arg11[%dma_start3A, %dma_start3A_145] : memref<64x128xf32, #tpu.memory_space<vmem>> -> memref<8x128xf32, #tpu.memory_space<vmem>>
        %dma_start3A_147 = arith.constant 10040 : i32
        %dma_start3A_148 = arith.constant 0 : i32
        %dma_start3A_149 = tpu.memref_slice %arg15[%dma_start3A_147, %dma_start3A_148] : memref<10088x128xf32, #tpu.memory_space<vmem_shared>> -> memref<8x128xf32, #tpu.memory_space<vmem_shared>>
        %dma_start3A_150 = arith.constant 10040 : i32
        %dma_start3A_151 = arith.constant 0 : i32
        %dma_start3A_152 = tpu.memref_slice %arg15[%dma_start3A_150, %dma_start3A_151] : memref<10088x128xf32, #tpu.memory_space<vmem_shared>> -> memref<8x128xf32, #tpu.memory_space<vmem_shared>>
        %dma_start3A_153 = arith.constant 0 : i32
        %dma_start3A_154 = arith.constant 0 : i32
        %dma_start3A_155 = tpu.memref_slice %arg11[%dma_start3A_153, %dma_start3A_154] : memref<64x128xf32, #tpu.memory_space<vmem>> -> memref<8x128xf32, #tpu.memory_space<vmem>>
        tpu.enqueue_dma source(%dma_start3A_155 : memref<8x128xf32, #tpu.memory_space<vmem>>) target(%dma_start3A_152 : memref<8x128xf32, #tpu.memory_space<vmem_shared>>) target_semaphore(%run_scoped3A_144 : memref<!tpu.dma_semaphore, #tpu.memory_space<semaphore_mem>>)
        %dma_wait3A = arith.constant 0 : i32
        %dma_wait3A_156 = arith.constant 0 : i32
        %dma_wait3A_157 = tpu.memref_slice %arg11[%dma_wait3A, %dma_wait3A_156] : memref<64x128xf32, #tpu.memory_space<vmem>> -> memref<8x128xf32, #tpu.memory_space<vmem>>
        %dma_wait3A_158 = arith.constant 10040 : i32
        %dma_wait3A_159 = arith.constant 0 : i32
        %dma_wait3A_160 = tpu.memref_slice %arg15[%dma_wait3A_158, %dma_wait3A_159] : memref<10088x128xf32, #tpu.memory_space<vmem_shared>> -> memref<8x128xf32, #tpu.memory_space<vmem_shared>>
        %dma_wait3A_161 = arith.constant 10040 : i32
        %dma_wait3A_162 = arith.constant 0 : i32
        %dma_wait3A_163 = tpu.memref_slice %arg15[%dma_wait3A_161, %dma_wait3A_162] : memref<10088x128xf32, #tpu.memory_space<vmem_shared>> -> memref<8x128xf32, #tpu.memory_space<vmem_shared>>
        %dma_wait3A_164 = arith.constant 0 : i32
        %dma_wait3A_165 = arith.constant 0 : i32
        %dma_wait3A_166 = tpu.memref_slice %arg11[%dma_wait3A_164, %dma_wait3A_165] : memref<64x128xf32, #tpu.memory_space<vmem>> -> memref<8x128xf32, #tpu.memory_space<vmem>>
        tpu.wait_dma2 semaphore(%run_scoped3A_144 : memref<!tpu.dma_semaphore, #tpu.memory_space<semaphore_mem>>) src(%dma_wait3A_166 : memref<8x128xf32, #tpu.memory_space<vmem>>) dst(%dma_wait3A_163 : memref<8x128xf32, #tpu.memory_space<vmem_shared>>)
        tpu.yield
      }) : () -> ()
      "tpu.region"() ({
        %run_scoped3A_144 = tpu.sem_alloc : memref<!tpu.dma_semaphore, #tpu.memory_space<semaphore_mem>>
        %dma_start3A = arith.constant 0 : i32
        %dma_start3A_145 = arith.constant 0 : i32
        %dma_start3A_146 = tpu.memref_slice %arg11[%dma_start3A, %dma_start3A_145] : memref<64x128xf32, #tpu.memory_space<vmem>> -> memref<8x128xf32, #tpu.memory_space<vmem>>
        %dma_start3A_147 = arith.constant 10048 : i32
        %dma_start3A_148 = arith.constant 0 : i32
        %dma_start3A_149 = tpu.memref_slice %arg15[%dma_start3A_147, %dma_start3A_148] : memref<10088x128xf32, #tpu.memory_space<vmem_shared>> -> memref<8x128xf32, #tpu.memory_space<vmem_shared>>
        %dma_start3A_150 = arith.constant 10048 : i32
        %dma_start3A_151 = arith.constant 0 : i32
        %dma_start3A_152 = tpu.memref_slice %arg15[%dma_start3A_150, %dma_start3A_151] : memref<10088x128xf32, #tpu.memory_space<vmem_shared>> -> memref<8x128xf32, #tpu.memory_space<vmem_shared>>
        %dma_start3A_153 = arith.constant 0 : i32
        %dma_start3A_154 = arith.constant 0 : i32
        %dma_start3A_155 = tpu.memref_slice %arg11[%dma_start3A_153, %dma_start3A_154] : memref<64x128xf32, #tpu.memory_space<vmem>> -> memref<8x128xf32, #tpu.memory_space<vmem>>
        tpu.enqueue_dma source(%dma_start3A_155 : memref<8x128xf32, #tpu.memory_space<vmem>>) target(%dma_start3A_152 : memref<8x128xf32, #tpu.memory_space<vmem_shared>>) target_semaphore(%run_scoped3A_144 : memref<!tpu.dma_semaphore, #tpu.memory_space<semaphore_mem>>)
        %dma_wait3A = arith.constant 0 : i32
        %dma_wait3A_156 = arith.constant 0 : i32
        %dma_wait3A_157 = tpu.memref_slice %arg11[%dma_wait3A, %dma_wait3A_156] : memref<64x128xf32, #tpu.memory_space<vmem>> -> memref<8x128xf32, #tpu.memory_space<vmem>>
        %dma_wait3A_158 = arith.constant 10048 : i32
        %dma_wait3A_159 = arith.constant 0 : i32
        %dma_wait3A_160 = tpu.memref_slice %arg15[%dma_wait3A_158, %dma_wait3A_159] : memref<10088x128xf32, #tpu.memory_space<vmem_shared>> -> memref<8x128xf32, #tpu.memory_space<vmem_shared>>
        %dma_wait3A_161 = arith.constant 10048 : i32
        %dma_wait3A_162 = arith.constant 0 : i32
        %dma_wait3A_163 = tpu.memref_slice %arg15[%dma_wait3A_161, %dma_wait3A_162] : memref<10088x128xf32, #tpu.memory_space<vmem_shared>> -> memref<8x128xf32, #tpu.memory_space<vmem_shared>>
        %dma_wait3A_164 = arith.constant 0 : i32
        %dma_wait3A_165 = arith.constant 0 : i32
        %dma_wait3A_166 = tpu.memref_slice %arg11[%dma_wait3A_164, %dma_wait3A_165] : memref<64x128xf32, #tpu.memory_space<vmem>> -> memref<8x128xf32, #tpu.memory_space<vmem>>
        tpu.wait_dma2 semaphore(%run_scoped3A_144 : memref<!tpu.dma_semaphore, #tpu.memory_space<semaphore_mem>>) src(%dma_wait3A_166 : memref<8x128xf32, #tpu.memory_space<vmem>>) dst(%dma_wait3A_163 : memref<8x128xf32, #tpu.memory_space<vmem_shared>>)
        tpu.yield
      }) : () -> ()
      "tpu.region"() ({
        %run_scoped3A_144 = tpu.sem_alloc : memref<!tpu.dma_semaphore, #tpu.memory_space<semaphore_mem>>
        %dma_start3A = arith.constant 0 : i32
        %dma_start3A_145 = arith.constant 0 : i32
        %dma_start3A_146 = tpu.memref_slice %arg11[%dma_start3A, %dma_start3A_145] : memref<64x128xf32, #tpu.memory_space<vmem>> -> memref<8x128xf32, #tpu.memory_space<vmem>>
        %dma_start3A_147 = arith.constant 10056 : i32
        %dma_start3A_148 = arith.constant 0 : i32
        %dma_start3A_149 = tpu.memref_slice %arg15[%dma_start3A_147, %dma_start3A_148] : memref<10088x128xf32, #tpu.memory_space<vmem_shared>> -> memref<8x128xf32, #tpu.memory_space<vmem_shared>>
        %dma_start3A_150 = arith.constant 10056 : i32
        %dma_start3A_151 = arith.constant 0 : i32
        %dma_start3A_152 = tpu.memref_slice %arg15[%dma_start3A_150, %dma_start3A_151] : memref<10088x128xf32, #tpu.memory_space<vmem_shared>> -> memref<8x128xf32, #tpu.memory_space<vmem_shared>>
        %dma_start3A_153 = arith.constant 0 : i32
        %dma_start3A_154 = arith.constant 0 : i32
        %dma_start3A_155 = tpu.memref_slice %arg11[%dma_start3A_153, %dma_start3A_154] : memref<64x128xf32, #tpu.memory_space<vmem>> -> memref<8x128xf32, #tpu.memory_space<vmem>>
        tpu.enqueue_dma source(%dma_start3A_155 : memref<8x128xf32, #tpu.memory_space<vmem>>) target(%dma_start3A_152 : memref<8x128xf32, #tpu.memory_space<vmem_shared>>) target_semaphore(%run_scoped3A_144 : memref<!tpu.dma_semaphore, #tpu.memory_space<semaphore_mem>>)
        %dma_wait3A = arith.constant 0 : i32
        %dma_wait3A_156 = arith.constant 0 : i32
        %dma_wait3A_157 = tpu.memref_slice %arg11[%dma_wait3A, %dma_wait3A_156] : memref<64x128xf32, #tpu.memory_space<vmem>> -> memref<8x128xf32, #tpu.memory_space<vmem>>
        %dma_wait3A_158 = arith.constant 10056 : i32
        %dma_wait3A_159 = arith.constant 0 : i32
        %dma_wait3A_160 = tpu.memref_slice %arg15[%dma_wait3A_158, %dma_wait3A_159] : memref<10088x128xf32, #tpu.memory_space<vmem_shared>> -> memref<8x128xf32, #tpu.memory_space<vmem_shared>>
        %dma_wait3A_161 = arith.constant 10056 : i32
        %dma_wait3A_162 = arith.constant 0 : i32
        %dma_wait3A_163 = tpu.memref_slice %arg15[%dma_wait3A_161, %dma_wait3A_162] : memref<10088x128xf32, #tpu.memory_space<vmem_shared>> -> memref<8x128xf32, #tpu.memory_space<vmem_shared>>
        %dma_wait3A_164 = arith.constant 0 : i32
        %dma_wait3A_165 = arith.constant 0 : i32
        %dma_wait3A_166 = tpu.memref_slice %arg11[%dma_wait3A_164, %dma_wait3A_165] : memref<64x128xf32, #tpu.memory_space<vmem>> -> memref<8x128xf32, #tpu.memory_space<vmem>>
        tpu.wait_dma2 semaphore(%run_scoped3A_144 : memref<!tpu.dma_semaphore, #tpu.memory_space<semaphore_mem>>) src(%dma_wait3A_166 : memref<8x128xf32, #tpu.memory_space<vmem>>) dst(%dma_wait3A_163 : memref<8x128xf32, #tpu.memory_space<vmem_shared>>)
        tpu.yield
      }) : () -> ()
      "tpu.region"() ({
        %run_scoped3A_144 = tpu.sem_alloc : memref<!tpu.dma_semaphore, #tpu.memory_space<semaphore_mem>>
        %dma_start3A = arith.constant 0 : i32
        %dma_start3A_145 = arith.constant 0 : i32
        %dma_start3A_146 = tpu.memref_slice %arg11[%dma_start3A, %dma_start3A_145] : memref<64x128xf32, #tpu.memory_space<vmem>> -> memref<8x128xf32, #tpu.memory_space<vmem>>
        %dma_start3A_147 = arith.constant 10064 : i32
        %dma_start3A_148 = arith.constant 0 : i32
        %dma_start3A_149 = tpu.memref_slice %arg15[%dma_start3A_147, %dma_start3A_148] : memref<10088x128xf32, #tpu.memory_space<vmem_shared>> -> memref<8x128xf32, #tpu.memory_space<vmem_shared>>
        %dma_start3A_150 = arith.constant 10064 : i32
        %dma_start3A_151 = arith.constant 0 : i32
        %dma_start3A_152 = tpu.memref_slice %arg15[%dma_start3A_150, %dma_start3A_151] : memref<10088x128xf32, #tpu.memory_space<vmem_shared>> -> memref<8x128xf32, #tpu.memory_space<vmem_shared>>
        %dma_start3A_153 = arith.constant 0 : i32
        %dma_start3A_154 = arith.constant 0 : i32
        %dma_start3A_155 = tpu.memref_slice %arg11[%dma_start3A_153, %dma_start3A_154] : memref<64x128xf32, #tpu.memory_space<vmem>> -> memref<8x128xf32, #tpu.memory_space<vmem>>
        tpu.enqueue_dma source(%dma_start3A_155 : memref<8x128xf32, #tpu.memory_space<vmem>>) target(%dma_start3A_152 : memref<8x128xf32, #tpu.memory_space<vmem_shared>>) target_semaphore(%run_scoped3A_144 : memref<!tpu.dma_semaphore, #tpu.memory_space<semaphore_mem>>)
        %dma_wait3A = arith.constant 0 : i32
        %dma_wait3A_156 = arith.constant 0 : i32
        %dma_wait3A_157 = tpu.memref_slice %arg11[%dma_wait3A, %dma_wait3A_156] : memref<64x128xf32, #tpu.memory_space<vmem>> -> memref<8x128xf32, #tpu.memory_space<vmem>>
        %dma_wait3A_158 = arith.constant 10064 : i32
        %dma_wait3A_159 = arith.constant 0 : i32
        %dma_wait3A_160 = tpu.memref_slice %arg15[%dma_wait3A_158, %dma_wait3A_159] : memref<10088x128xf32, #tpu.memory_space<vmem_shared>> -> memref<8x128xf32, #tpu.memory_space<vmem_shared>>
        %dma_wait3A_161 = arith.constant 10064 : i32
        %dma_wait3A_162 = arith.constant 0 : i32
        %dma_wait3A_163 = tpu.memref_slice %arg15[%dma_wait3A_161, %dma_wait3A_162] : memref<10088x128xf32, #tpu.memory_space<vmem_shared>> -> memref<8x128xf32, #tpu.memory_space<vmem_shared>>
        %dma_wait3A_164 = arith.constant 0 : i32
        %dma_wait3A_165 = arith.constant 0 : i32
        %dma_wait3A_166 = tpu.memref_slice %arg11[%dma_wait3A_164, %dma_wait3A_165] : memref<64x128xf32, #tpu.memory_space<vmem>> -> memref<8x128xf32, #tpu.memory_space<vmem>>
        tpu.wait_dma2 semaphore(%run_scoped3A_144 : memref<!tpu.dma_semaphore, #tpu.memory_space<semaphore_mem>>) src(%dma_wait3A_166 : memref<8x128xf32, #tpu.memory_space<vmem>>) dst(%dma_wait3A_163 : memref<8x128xf32, #tpu.memory_space<vmem_shared>>)
        tpu.yield
      }) : () -> ()
      "tpu.region"() ({
        %run_scoped3A_144 = tpu.sem_alloc : memref<!tpu.dma_semaphore, #tpu.memory_space<semaphore_mem>>
        %dma_start3A = arith.constant 0 : i32
        %dma_start3A_145 = arith.constant 0 : i32
        %dma_start3A_146 = tpu.memref_slice %arg11[%dma_start3A, %dma_start3A_145] : memref<64x128xf32, #tpu.memory_space<vmem>> -> memref<8x128xf32, #tpu.memory_space<vmem>>
        %dma_start3A_147 = arith.constant 10072 : i32
        %dma_start3A_148 = arith.constant 0 : i32
        %dma_start3A_149 = tpu.memref_slice %arg15[%dma_start3A_147, %dma_start3A_148] : memref<10088x128xf32, #tpu.memory_space<vmem_shared>> -> memref<8x128xf32, #tpu.memory_space<vmem_shared>>
        %dma_start3A_150 = arith.constant 10072 : i32
        %dma_start3A_151 = arith.constant 0 : i32
        %dma_start3A_152 = tpu.memref_slice %arg15[%dma_start3A_150, %dma_start3A_151] : memref<10088x128xf32, #tpu.memory_space<vmem_shared>> -> memref<8x128xf32, #tpu.memory_space<vmem_shared>>
        %dma_start3A_153 = arith.constant 0 : i32
        %dma_start3A_154 = arith.constant 0 : i32
        %dma_start3A_155 = tpu.memref_slice %arg11[%dma_start3A_153, %dma_start3A_154] : memref<64x128xf32, #tpu.memory_space<vmem>> -> memref<8x128xf32, #tpu.memory_space<vmem>>
        tpu.enqueue_dma source(%dma_start3A_155 : memref<8x128xf32, #tpu.memory_space<vmem>>) target(%dma_start3A_152 : memref<8x128xf32, #tpu.memory_space<vmem_shared>>) target_semaphore(%run_scoped3A_144 : memref<!tpu.dma_semaphore, #tpu.memory_space<semaphore_mem>>)
        %dma_wait3A = arith.constant 0 : i32
        %dma_wait3A_156 = arith.constant 0 : i32
        %dma_wait3A_157 = tpu.memref_slice %arg11[%dma_wait3A, %dma_wait3A_156] : memref<64x128xf32, #tpu.memory_space<vmem>> -> memref<8x128xf32, #tpu.memory_space<vmem>>
        %dma_wait3A_158 = arith.constant 10072 : i32
        %dma_wait3A_159 = arith.constant 0 : i32
        %dma_wait3A_160 = tpu.memref_slice %arg15[%dma_wait3A_158, %dma_wait3A_159] : memref<10088x128xf32, #tpu.memory_space<vmem_shared>> -> memref<8x128xf32, #tpu.memory_space<vmem_shared>>
        %dma_wait3A_161 = arith.constant 10072 : i32
        %dma_wait3A_162 = arith.constant 0 : i32
        %dma_wait3A_163 = tpu.memref_slice %arg15[%dma_wait3A_161, %dma_wait3A_162] : memref<10088x128xf32, #tpu.memory_space<vmem_shared>> -> memref<8x128xf32, #tpu.memory_space<vmem_shared>>
        %dma_wait3A_164 = arith.constant 0 : i32
        %dma_wait3A_165 = arith.constant 0 : i32
        %dma_wait3A_166 = tpu.memref_slice %arg11[%dma_wait3A_164, %dma_wait3A_165] : memref<64x128xf32, #tpu.memory_space<vmem>> -> memref<8x128xf32, #tpu.memory_space<vmem>>
        tpu.wait_dma2 semaphore(%run_scoped3A_144 : memref<!tpu.dma_semaphore, #tpu.memory_space<semaphore_mem>>) src(%dma_wait3A_166 : memref<8x128xf32, #tpu.memory_space<vmem>>) dst(%dma_wait3A_163 : memref<8x128xf32, #tpu.memory_space<vmem_shared>>)
        tpu.yield
      }) : () -> ()
      "tpu.region"() ({
        %run_scoped3A_144 = tpu.sem_alloc : memref<!tpu.dma_semaphore, #tpu.memory_space<semaphore_mem>>
        %dma_start3A = arith.constant 0 : i32
        %dma_start3A_145 = arith.constant 0 : i32
        %dma_start3A_146 = tpu.memref_slice %arg11[%dma_start3A, %dma_start3A_145] : memref<64x128xf32, #tpu.memory_space<vmem>> -> memref<8x128xf32, #tpu.memory_space<vmem>>
        %dma_start3A_147 = arith.constant 10080 : i32
        %dma_start3A_148 = arith.constant 0 : i32
        %dma_start3A_149 = tpu.memref_slice %arg15[%dma_start3A_147, %dma_start3A_148] : memref<10088x128xf32, #tpu.memory_space<vmem_shared>> -> memref<8x128xf32, #tpu.memory_space<vmem_shared>>
        %dma_start3A_150 = arith.constant 10080 : i32
        %dma_start3A_151 = arith.constant 0 : i32
        %dma_start3A_152 = tpu.memref_slice %arg15[%dma_start3A_150, %dma_start3A_151] : memref<10088x128xf32, #tpu.memory_space<vmem_shared>> -> memref<8x128xf32, #tpu.memory_space<vmem_shared>>
        %dma_start3A_153 = arith.constant 0 : i32
        %dma_start3A_154 = arith.constant 0 : i32
        %dma_start3A_155 = tpu.memref_slice %arg11[%dma_start3A_153, %dma_start3A_154] : memref<64x128xf32, #tpu.memory_space<vmem>> -> memref<8x128xf32, #tpu.memory_space<vmem>>
        tpu.enqueue_dma source(%dma_start3A_155 : memref<8x128xf32, #tpu.memory_space<vmem>>) target(%dma_start3A_152 : memref<8x128xf32, #tpu.memory_space<vmem_shared>>) target_semaphore(%run_scoped3A_144 : memref<!tpu.dma_semaphore, #tpu.memory_space<semaphore_mem>>)
        %dma_wait3A = arith.constant 0 : i32
        %dma_wait3A_156 = arith.constant 0 : i32
        %dma_wait3A_157 = tpu.memref_slice %arg11[%dma_wait3A, %dma_wait3A_156] : memref<64x128xf32, #tpu.memory_space<vmem>> -> memref<8x128xf32, #tpu.memory_space<vmem>>
        %dma_wait3A_158 = arith.constant 10080 : i32
        %dma_wait3A_159 = arith.constant 0 : i32
        %dma_wait3A_160 = tpu.memref_slice %arg15[%dma_wait3A_158, %dma_wait3A_159] : memref<10088x128xf32, #tpu.memory_space<vmem_shared>> -> memref<8x128xf32, #tpu.memory_space<vmem_shared>>
        %dma_wait3A_161 = arith.constant 10080 : i32
        %dma_wait3A_162 = arith.constant 0 : i32
        %dma_wait3A_163 = tpu.memref_slice %arg15[%dma_wait3A_161, %dma_wait3A_162] : memref<10088x128xf32, #tpu.memory_space<vmem_shared>> -> memref<8x128xf32, #tpu.memory_space<vmem_shared>>
        %dma_wait3A_164 = arith.constant 0 : i32
        %dma_wait3A_165 = arith.constant 0 : i32
        %dma_wait3A_166 = tpu.memref_slice %arg11[%dma_wait3A_164, %dma_wait3A_165] : memref<64x128xf32, #tpu.memory_space<vmem>> -> memref<8x128xf32, #tpu.memory_space<vmem>>
        tpu.wait_dma2 semaphore(%run_scoped3A_144 : memref<!tpu.dma_semaphore, #tpu.memory_space<semaphore_mem>>) src(%dma_wait3A_166 : memref<8x128xf32, #tpu.memory_space<vmem>>) dst(%dma_wait3A_163 : memref<8x128xf32, #tpu.memory_space<vmem_shared>>)
        tpu.yield
      }) : () -> ()
    } else {
    }
    %barrier3A = arith.constant 0 : index
    tpu.barrier barrier_id(%barrier3A)
    %mul3A_88 = arith.constant 20000 : i32
    %mul3A_89 = arith.muli %arg1, %mul3A_88 : i32
    %scan3A_90 = arith.constant 0 : i32
    %scan3A_91 = arith.constant 0 : i32
    %scan3A_92 = arith.constant 10 : i32
    %scan3A_93 = arith.addi %scan3A_91, %scan3A_92 : i32
    %scan3A_94 = arith.constant 1 : i32
    %scan3A_95 = scf.for %scan3A_144 = %scan3A_91 to %scan3A_93 step %scan3A_94 iter_args(%scan3A_145 = %scan3A_90) -> (i32)  : i32 {
      %mul3A_146 = arith.constant 2000 : i32
      %mul3A_147 = arith.muli %scan3A_144, %mul3A_146 : i32
      %add3A_148 = arith.addi %mul3A_89, %mul3A_147 : i32
      "tpu.region"() ({
        %run_scoped3A_308 = tpu.sem_alloc : memref<!tpu.dma_semaphore, #tpu.memory_space<semaphore_mem>>
        %dma_start3A = tpu.memref_slice %arg3[%add3A_148] : memref<320000xi32, #tpu.memory_space<hbm>> -> memref<2000xi32, #tpu.memory_space<hbm>>
        %dma_start3A_309 = tpu.memref_slice %arg3[%add3A_148] : memref<320000xi32, #tpu.memory_space<hbm>> -> memref<2000xi32, #tpu.memory_space<hbm>>
        tpu.enqueue_dma source(%dma_start3A_309 : memref<2000xi32, #tpu.memory_space<hbm>>) target(%arg7 : memref<2000xi32, #tpu.memory_space<vmem>>) target_semaphore(%run_scoped3A_308 : memref<!tpu.dma_semaphore, #tpu.memory_space<semaphore_mem>>)
        %dma_wait3A = tpu.memref_slice %arg3[%add3A_148] : memref<320000xi32, #tpu.memory_space<hbm>> -> memref<2000xi32, #tpu.memory_space<hbm>>
        %dma_wait3A_310 = tpu.memref_slice %arg3[%add3A_148] : memref<320000xi32, #tpu.memory_space<hbm>> -> memref<2000xi32, #tpu.memory_space<hbm>>
        tpu.wait_dma2 semaphore(%run_scoped3A_308 : memref<!tpu.dma_semaphore, #tpu.memory_space<semaphore_mem>>) src(%dma_wait3A_310 : memref<2000xi32, #tpu.memory_space<hbm>>) dst(%arg7 : memref<2000xi32, #tpu.memory_space<vmem>>)
        tpu.yield
      }) : () -> ()
      %mul3A_149 = arith.constant 2000 : i32
      %mul3A_150 = arith.muli %scan3A_144, %mul3A_149 : i32
      %add3A_151 = arith.addi %mul3A_89, %mul3A_150 : i32
      "tpu.region"() ({
        %run_scoped3A_308 = tpu.sem_alloc : memref<!tpu.dma_semaphore, #tpu.memory_space<semaphore_mem>>
        %dma_start3A = tpu.memref_slice %arg4[%add3A_151] : memref<320000xi32, #tpu.memory_space<hbm>> -> memref<2000xi32, #tpu.memory_space<hbm>>
        %dma_start3A_309 = tpu.memref_slice %arg4[%add3A_151] : memref<320000xi32, #tpu.memory_space<hbm>> -> memref<2000xi32, #tpu.memory_space<hbm>>
        tpu.enqueue_dma source(%dma_start3A_309 : memref<2000xi32, #tpu.memory_space<hbm>>) target(%arg8 : memref<2000xi32, #tpu.memory_space<vmem>>) target_semaphore(%run_scoped3A_308 : memref<!tpu.dma_semaphore, #tpu.memory_space<semaphore_mem>>)
        %dma_wait3A = tpu.memref_slice %arg4[%add3A_151] : memref<320000xi32, #tpu.memory_space<hbm>> -> memref<2000xi32, #tpu.memory_space<hbm>>
        %dma_wait3A_310 = tpu.memref_slice %arg4[%add3A_151] : memref<320000xi32, #tpu.memory_space<hbm>> -> memref<2000xi32, #tpu.memory_space<hbm>>
        tpu.wait_dma2 semaphore(%run_scoped3A_308 : memref<!tpu.dma_semaphore, #tpu.memory_space<semaphore_mem>>) src(%dma_wait3A_310 : memref<2000xi32, #tpu.memory_space<hbm>>) dst(%arg8 : memref<2000xi32, #tpu.memory_space<vmem>>)
        tpu.yield
      }) : () -> ()
      %scan3A_152 = arith.constant 0 : i32
      %scan3A_153 = arith.constant 0 : i32
      %scan3A_154 = arith.constant 125 : i32
      %scan3A_155 = arith.addi %scan3A_153, %scan3A_154 : i32
      %scan3A_156 = arith.constant 1 : i32
      %scan3A_157 = scf.for %scan3A_308 = %scan3A_153 to %scan3A_155 step %scan3A_156 iter_args(%scan3A_309 = %scan3A_152) -> (i32)  : i32 {
        %mul3A_310 = arith.constant 16 : i32
        %mul3A_311 = arith.muli %scan3A_308, %mul3A_310 : i32
        %get3A = arith.index_cast %mul3A_311 : i32 to index
        %get3A_312 = tpu.vector_load %arg8[%get3A] {strides = array<i32>} : memref<2000xi32, #tpu.memory_space<vmem>>, vector<16xi32>,
        %mul3A_313 = arith.constant 16 : i32
        %mul3A_314 = arith.muli %scan3A_308, %mul3A_313 : i32
        %get3A_315 = arith.index_cast %mul3A_314 : i32 to index
        %get3A_316 = tpu.vector_load %arg7[%get3A_315] {strides = array<i32>} : memref<2000xi32, #tpu.memory_space<vmem>>, vector<16xi32>,
        %ge3A_317 = vector.broadcast %mul3A_0 : i32 to vector<16xi32>
        %ge3A_318 = arith.cmpi sge, %get3A_312, %ge3A_317 : vector<16xi32>
        %add3A_319 = arith.constant 10000 : i32
        %add3A_320 = arith.addi %mul3A_0, %add3A_319 : i32
        %lt3A_321 = vector.broadcast %add3A_320 : i32 to vector<16xi32>
        %lt3A_322 = arith.cmpi slt, %get3A_312, %lt3A_321 : vector<16xi32>
        %and3A_323 = arith.andi %ge3A_318, %lt3A_322 : vector<16xi1>
        %sub3A_324 = vector.broadcast %mul3A_0 : i32 to vector<16xi32>
        %sub3A_325 = arith.subi %get3A_312, %sub3A_324 : vector<16xi32>
        %shift_right_arithmetic3A_326 = arith.constant 7 : i32
        %shift_right_arithmetic3A_327 = vector.broadcast %shift_right_arithmetic3A_326 : i32 to vector<16xi32>
        %shift_right_arithmetic3A_328 = arith.shrsi %sub3A_325, %shift_right_arithmetic3A_327 : vector<16xi32>
        %and3A_329 = arith.constant 127 : i32
        %and3A_330 = vector.broadcast %and3A_329 : i32 to vector<16xi32>
        %and3A_331 = arith.andi %sub3A_325, %and3A_330 : vector<16xi32>
        tpu.vector_store_idx %arg13[%shift_right_arithmetic3A_328, %and3A_331], %broadcast_in_dim3A_3 masked %and3A_323 {add = true} : memref<80x128xf32, #tpu.memory_space<vmem>>[vector<16xi32>, vector<16xi32>], vector<16xf32>, vector<16xi1>
        %convert_element_type3A_332 = arith.extui %and3A_323 : vector<16xi1> to vector<16xi32>
        %broadcast_in_dim3A_333 = arith.constant true
        %broadcast_in_dim3A_334 = vector.broadcast %broadcast_in_dim3A_333 : i1 to vector<16xi1>
        %masked_cumsum3A = tpu.scan <sum>, %convert_element_type3A_332 masked %broadcast_in_dim3A_334 : vector<16xi32>, vector<16xi1> -> vector<16xi32>
        %add3A_335 = vector.broadcast %scan3A_309 : i32 to vector<16xi32>
        %add3A_336 = arith.addi %add3A_335, %masked_cumsum3A : vector<16xi32>
        %sub3A_337 = arith.subi %add3A_336, %convert_element_type3A_332 : vector<16xi32>
        %shift_right_arithmetic3A_338 = arith.constant 6 : i32
        %shift_right_arithmetic3A_339 = vector.broadcast %shift_right_arithmetic3A_338 : i32 to vector<16xi32>
        %shift_right_arithmetic3A_340 = arith.shrsi %sub3A_337, %shift_right_arithmetic3A_339 : vector<16xi32>
        %and3A_341 = arith.constant 63 : i32
        %and3A_342 = vector.broadcast %and3A_341 : i32 to vector<16xi32>
        %and3A_343 = arith.andi %sub3A_337, %and3A_342 : vector<16xi32>
        tpu.vector_store_idx %arg9[%shift_right_arithmetic3A_340, %and3A_343], %get3A_316 masked %and3A_323 : memref<33x64xi32, #tpu.memory_space<vmem>>[vector<16xi32>, vector<16xi32>], vector<16xi32>, vector<16xi1>
        tpu.vector_store_idx %arg10[%shift_right_arithmetic3A_340, %and3A_343], %sub3A_325 masked %and3A_323 : memref<33x64xi32, #tpu.memory_space<vmem>>[vector<16xi32>, vector<16xi32>], vector<16xi32>, vector<16xi1>
        %reduce_sum3A = arith.constant true
        %reduce_sum3A_344 = vector.broadcast %reduce_sum3A : i1 to vector<16xi1>
        %reduce_sum3A_345 = tpu.scan <sum>, %convert_element_type3A_332 masked %reduce_sum3A_344 : vector<16xi32>, vector<16xi1> -> vector<16xi32>
        %reduce_sum3A_346 = vector.extract %reduce_sum3A_345[15] : i32 from vector<16xi32>
        %add3A_347 = arith.addi %scan3A_309, %reduce_sum3A_346 : i32
        scf.yield %add3A_347 : i32
      }
      %scan3A_158 = arith.constant 125 : i32
      %add3A_159 = arith.constant 0 : i32
      %add3A_160 = arith.addi %scan3A_157, %add3A_159 : i32
      %add3A_161 = vector.broadcast %add3A_160 : i32 to vector<16xi32>
      %add3A_162 = arith.addi %add3A_161, %iota3A : vector<16xi32>
      %shift_right_arithmetic3A = arith.constant 6 : i32
      %shift_right_arithmetic3A_163 = vector.broadcast %shift_right_arithmetic3A : i32 to vector<16xi32>
      %shift_right_arithmetic3A_164 = arith.shrsi %add3A_162, %shift_right_arithmetic3A_163 : vector<16xi32>
      %and3A_165 = arith.constant 63 : i32
      %and3A_166 = vector.broadcast %and3A_165 : i32 to vector<16xi32>
      %and3A_167 = arith.andi %add3A_162, %and3A_166 : vector<16xi32>
      %broadcast_in_dim3A_168 = arith.constant 0 : i32
      %broadcast_in_dim3A_169 = vector.broadcast %broadcast_in_dim3A_168 : i32 to vector<16xi32>
      tpu.vector_store_idx %arg9[%shift_right_arithmetic3A_164, %and3A_167], %broadcast_in_dim3A_169 : memref<33x64xi32, #tpu.memory_space<vmem>>[vector<16xi32>, vector<16xi32>], vector<16xi32>,
      %broadcast_in_dim3A_170 = arith.constant 10000 : i32
      %broadcast_in_dim3A_171 = vector.broadcast %broadcast_in_dim3A_170 : i32 to vector<16xi32>
      tpu.vector_store_idx %arg10[%shift_right_arithmetic3A_164, %and3A_167], %broadcast_in_dim3A_171 : memref<33x64xi32, #tpu.memory_space<vmem>>[vector<16xi32>, vector<16xi32>], vector<16xi32>,
      %add3A_172 = arith.constant 16 : i32
      %add3A_173 = arith.addi %scan3A_157, %add3A_172 : i32
      %add3A_174 = vector.broadcast %add3A_173 : i32 to vector<16xi32>
      %add3A_175 = arith.addi %add3A_174, %iota3A : vector<16xi32>
      %shift_right_arithmetic3A_176 = arith.constant 6 : i32
      %shift_right_arithmetic3A_177 = vector.broadcast %shift_right_arithmetic3A_176 : i32 to vector<16xi32>
      %shift_right_arithmetic3A_178 = arith.shrsi %add3A_175, %shift_right_arithmetic3A_177 : vector<16xi32>
      %and3A_179 = arith.constant 63 : i32
      %and3A_180 = vector.broadcast %and3A_179 : i32 to vector<16xi32>
      %and3A_181 = arith.andi %add3A_175, %and3A_180 : vector<16xi32>
      %broadcast_in_dim3A_182 = arith.constant 0 : i32
      %broadcast_in_dim3A_183 = vector.broadcast %broadcast_in_dim3A_182 : i32 to vector<16xi32>
      tpu.vector_store_idx %arg9[%shift_right_arithmetic3A_178, %and3A_181], %broadcast_in_dim3A_183 : memref<33x64xi32, #tpu.memory_space<vmem>>[vector<16xi32>, vector<16xi32>], vector<16xi32>,
      %broadcast_in_dim3A_184 = arith.constant 10000 : i32
      %broadcast_in_dim3A_185 = vector.broadcast %broadcast_in_dim3A_184 : i32 to vector<16xi32>
      tpu.vector_store_idx %arg10[%shift_right_arithmetic3A_178, %and3A_181], %broadcast_in_dim3A_185 : memref<33x64xi32, #tpu.memory_space<vmem>>[vector<16xi32>, vector<16xi32>], vector<16xi32>,
      %add3A_186 = arith.constant 32 : i32
      %add3A_187 = arith.addi %scan3A_157, %add3A_186 : i32
      %add3A_188 = vector.broadcast %add3A_187 : i32 to vector<16xi32>
      %add3A_189 = arith.addi %add3A_188, %iota3A : vector<16xi32>
      %shift_right_arithmetic3A_190 = arith.constant 6 : i32
      %shift_right_arithmetic3A_191 = vector.broadcast %shift_right_arithmetic3A_190 : i32 to vector<16xi32>
      %shift_right_arithmetic3A_192 = arith.shrsi %add3A_189, %shift_right_arithmetic3A_191 : vector<16xi32>
      %and3A_193 = arith.constant 63 : i32
      %and3A_194 = vector.broadcast %and3A_193 : i32 to vector<16xi32>
      %and3A_195 = arith.andi %add3A_189, %and3A_194 : vector<16xi32>
      %broadcast_in_dim3A_196 = arith.constant 0 : i32
      %broadcast_in_dim3A_197 = vector.broadcast %broadcast_in_dim3A_196 : i32 to vector<16xi32>
      tpu.vector_store_idx %arg9[%shift_right_arithmetic3A_192, %and3A_195], %broadcast_in_dim3A_197 : memref<33x64xi32, #tpu.memory_space<vmem>>[vector<16xi32>, vector<16xi32>], vector<16xi32>,
      %broadcast_in_dim3A_198 = arith.constant 10000 : i32
      %broadcast_in_dim3A_199 = vector.broadcast %broadcast_in_dim3A_198 : i32 to vector<16xi32>
      tpu.vector_store_idx %arg10[%shift_right_arithmetic3A_192, %and3A_195], %broadcast_in_dim3A_199 : memref<33x64xi32, #tpu.memory_space<vmem>>[vector<16xi32>, vector<16xi32>], vector<16xi32>,
      %add3A_200 = arith.constant 48 : i32
      %add3A_201 = arith.addi %scan3A_157, %add3A_200 : i32
      %add3A_202 = vector.broadcast %add3A_201 : i32 to vector<16xi32>
      %add3A_203 = arith.addi %add3A_202, %iota3A : vector<16xi32>
      %shift_right_arithmetic3A_204 = arith.constant 6 : i32
      %shift_right_arithmetic3A_205 = vector.broadcast %shift_right_arithmetic3A_204 : i32 to vector<16xi32>
      %shift_right_arithmetic3A_206 = arith.shrsi %add3A_203, %shift_right_arithmetic3A_205 : vector<16xi32>
      %and3A_207 = arith.constant 63 : i32
      %and3A_208 = vector.broadcast %and3A_207 : i32 to vector<16xi32>
      %and3A_209 = arith.andi %add3A_203, %and3A_208 : vector<16xi32>
      %broadcast_in_dim3A_210 = arith.constant 0 : i32
      %broadcast_in_dim3A_211 = vector.broadcast %broadcast_in_dim3A_210 : i32 to vector<16xi32>
      tpu.vector_store_idx %arg9[%shift_right_arithmetic3A_206, %and3A_209], %broadcast_in_dim3A_211 : memref<33x64xi32, #tpu.memory_space<vmem>>[vector<16xi32>, vector<16xi32>], vector<16xi32>,
      %broadcast_in_dim3A_212 = arith.constant 10000 : i32
      %broadcast_in_dim3A_213 = vector.broadcast %broadcast_in_dim3A_212 : i32 to vector<16xi32>
      tpu.vector_store_idx %arg10[%shift_right_arithmetic3A_206, %and3A_209], %broadcast_in_dim3A_213 : memref<33x64xi32, #tpu.memory_space<vmem>>[vector<16xi32>, vector<16xi32>], vector<16xi32>,
      %add3A_214 = arith.constant 63 : i32
      %add3A_215 = arith.addi %scan3A_157, %add3A_214 : i32
      %jit3A_216 = arith.constant 64 : i32
      %div3A_217 = arith.divsi %add3A_215, %jit3A_216 : i32
      %sign3A_218 = arith.constant 0 : i32
      %sign3A_219 = arith.cmpi sgt, %add3A_215, %sign3A_218 : i32
      %sign3A_220 = arith.extui %sign3A_219 : i1 to i32
      %sign3A_221 = arith.constant 0 : i32
      %sign3A_222 = arith.cmpi slt, %add3A_215, %sign3A_221 : i32
      %sign3A_223 = arith.extui %sign3A_222 : i1 to i32
      %sign3A_224 = arith.subi %sign3A_220, %sign3A_223 : i32
      %sign3A_225 = arith.constant 0 : i32
      %sign3A_226 = arith.cmpi sgt, %jit3A_216, %sign3A_225 : i32
      %sign3A_227 = arith.extui %sign3A_226 : i1 to i32
      %sign3A_228 = arith.constant 0 : i32
      %sign3A_229 = arith.cmpi slt, %jit3A_216, %sign3A_228 : i32
      %sign3A_230 = arith.extui %sign3A_229 : i1 to i32
      %sign3A_231 = arith.subi %sign3A_227, %sign3A_230 : i32
      %ne3A_232 = arith.cmpi ne, %sign3A_224, %sign3A_231 : i32
      %rem3A_233 = arith.remsi %add3A_215, %jit3A_216 : i32
      %ne3A_234 = arith.constant 0 : i32
      %ne3A_235 = arith.cmpi ne, %rem3A_233, %ne3A_234 : i32
      %and3A_236 = arith.andi %ne3A_232, %ne3A_235 : i1
      %sub3A_237 = arith.constant 1 : i32
      %sub3A_238 = arith.subi %div3A_217, %sub3A_237 : i32
      %select_n3A_239 = arith.select %and3A_236, %sub3A_238, %div3A_217 : i32
      %ge3A = arith.constant 1 : i32
      %ge3A_240 = arith.cmpi sge, %select_n3A_239, %ge3A : i32
      %convert_element_type3A_241 = arith.extui %ge3A_240 : i1 to i32
      %cond3A_242 = arith.constant 0 : i32
      %cond3A_243 = arith.cmpi ne, %convert_element_type3A_241, %cond3A_242 : i32
      scf.if %cond3A_243 {
        %dma_start3A = arith.constant 0 : i32
        %dma_start3A_308 = arith.constant 0 : i32
        %dma_start3A_309 = tpu.memref_slice %arg9[%dma_start3A, %dma_start3A_308] : memref<33x64xi32, #tpu.memory_space<vmem>> -> memref<1x64xi32, #tpu.memory_space<vmem>>
        %dma_start3A_310 = tpu.memref_squeeze %dma_start3A_309 : memref<1x64xi32, #tpu.memory_space<vmem>> -> memref<64xi32, #tpu.memory_space<vmem>>
        %dma_start3A_311 = arith.constant 0 : i32
        %dma_start3A_312 = arith.constant 0 : i32
        %dma_start3A_313 = tpu.memref_slice %arg2[%dma_start3A_311, %dma_start3A_312] : memref<100000x128xf32, #tpu.memory_space<hbm>> -> memref<100000x128xf32, #tpu.memory_space<hbm>>
        tpu.enqueue_indirect_dma source(%dma_start3A_313 : memref<100000x128xf32, #tpu.memory_space<hbm>>) target(%arg11 : memref<64x128xf32, #tpu.memory_space<vmem>>) offsets(%dma_start3A_310 : memref<64xi32, #tpu.memory_space<vmem>>) semaphore(%arg16 : memref<!tpu.dma_semaphore, #tpu.memory_space<semaphore_mem>>)
      } else {
      }
      %while3A_244 = arith.constant 0 : i32
      %while3A_245 = arith.constant 0 : i32
      %while3A_246 = arith.subi %select_n3A_239, %while3A_244 : i32
      %while3A_247 = arith.addi %while3A_244, %while3A_246 : i32
      %while3A_248 = arith.constant 1 : i32
      %while3A_249 = arith.divsi %while3A_246, %while3A_248 : i32
      %while3A_250 = arith.muli %while3A_249, %while3A_248 : i32
      %while3A_251 = arith.addi %while3A_244, %while3A_250 : i32
      %while3A_252 = arith.constant 1 : i32
      %while3A_253 = scf.for %while3A_308 = %while3A_244 to %while3A_251 step %while3A_252 iter_args(%while3A_309 = %while3A_245) -> (i32)  : i32 {
        %jit3A_310 = arith.constant 2 : i32
        %eq3A_311 = arith.constant 0 : i32
        %eq3A_312 = arith.cmpi eq, %jit3A_310, %eq3A_311 : i32
        %jit3A_313 = arith.constant 1 : i32
        %select_n3A_314 = arith.select %eq3A_312, %jit3A_313, %jit3A_310 : i32
        %rem3A_315 = arith.remsi %while3A_308, %select_n3A_314 : i32
        %ne3A_316 = arith.constant 0 : i32
        %ne3A_317 = arith.cmpi ne, %rem3A_315, %ne3A_316 : i32
        %lt3A_318 = arith.constant 0 : i32
        %lt3A_319 = arith.cmpi slt, %rem3A_315, %lt3A_318 : i32
        %lt3A_320 = arith.constant 0 : i32
        %lt3A_321 = arith.cmpi slt, %select_n3A_314, %lt3A_320 : i32
        %ne3A_322 = arith.xori %lt3A_319, %lt3A_321 : i1
        %and3A_323 = arith.andi %ne3A_322, %ne3A_317 : i1
        %add3A_324 = arith.addi %rem3A_315, %select_n3A_314 : i32
        %select_n3A_325 = arith.select %and3A_323, %add3A_324, %rem3A_315 : i32
        %eq3A_326 = arith.constant 0 : i32
        %eq3A_327 = arith.cmpi eq, %select_n3A_325, %eq3A_326 : i32
        %ge3A_328 = arith.constant 1 : i32
        %ge3A_329 = arith.cmpi sge, %while3A_308, %ge3A_328 : i32
        %and3A_330 = arith.andi %ge3A_329, %eq3A_327 : i1
        %convert_element_type3A_331 = arith.extui %and3A_330 : i1 to i32
        %cond3A_332 = arith.constant 0 : i32
        %cond3A_333 = arith.cmpi ne, %convert_element_type3A_331, %cond3A_332 : i32
        scf.if %cond3A_333 {
          %dma_wait3A = arith.constant 0 : i32
          %dma_wait3A_366 = arith.constant 0 : i32
          %dma_wait3A_367 = tpu.memref_slice %arg10[%dma_wait3A, %dma_wait3A_366] : memref<33x64xi32, #tpu.memory_space<vmem>> -> memref<1x64xi32, #tpu.memory_space<vmem>>
          %dma_wait3A_368 = tpu.memref_squeeze %dma_wait3A_367 : memref<1x64xi32, #tpu.memory_space<vmem>> -> memref<64xi32, #tpu.memory_space<vmem>>
          %dma_wait3A_369 = arith.constant 0 : i32
          %dma_wait3A_370 = arith.constant 0 : i32
          %dma_wait3A_371 = tpu.memref_slice %arg15[%dma_wait3A_369, %dma_wait3A_370] : memref<10088x128xf32, #tpu.memory_space<vmem_shared>> -> memref<10088x128xf32, #tpu.memory_space<vmem_shared>>
          tpu.wait_indirect_dma semaphore(%arg19 : memref<!tpu.dma_semaphore, #tpu.memory_space<semaphore_mem>>) src(%arg12 : memref<64x128xf32, #tpu.memory_space<vmem>>) dst(%dma_wait3A_371 : memref<10088x128xf32, #tpu.memory_space<vmem_shared>>)
        } else {
        }
        %ge3A_334 = arith.constant 1 : i32
        %ge3A_335 = arith.cmpi sge, %while3A_308, %ge3A_334 : i32
        %not3A = arith.constant true
        %not3A_336 = arith.xori %eq3A_327, %not3A : i1
        %and3A_337 = arith.andi %ge3A_335, %not3A_336 : i1
        %convert_element_type3A_338 = arith.extui %and3A_337 : i1 to i32
        %cond3A_339 = arith.constant 0 : i32
        %cond3A_340 = arith.cmpi ne, %convert_element_type3A_338, %cond3A_339 : i32
        scf.if %cond3A_340 {
          %dma_wait3A = arith.constant 0 : i32
          %dma_wait3A_366 = arith.constant 0 : i32
          %dma_wait3A_367 = tpu.memref_slice %arg10[%dma_wait3A, %dma_wait3A_366] : memref<33x64xi32, #tpu.memory_space<vmem>> -> memref<1x64xi32, #tpu.memory_space<vmem>>
          %dma_wait3A_368 = tpu.memref_squeeze %dma_wait3A_367 : memref<1x64xi32, #tpu.memory_space<vmem>> -> memref<64xi32, #tpu.memory_space<vmem>>
          %dma_wait3A_369 = arith.constant 0 : i32
          %dma_wait3A_370 = arith.constant 0 : i32
          %dma_wait3A_371 = tpu.memref_slice %arg15[%dma_wait3A_369, %dma_wait3A_370] : memref<10088x128xf32, #tpu.memory_space<vmem_shared>> -> memref<10088x128xf32, #tpu.memory_space<vmem_shared>>
          tpu.wait_indirect_dma semaphore(%arg18 : memref<!tpu.dma_semaphore, #tpu.memory_space<semaphore_mem>>) src(%arg11 : memref<64x128xf32, #tpu.memory_space<vmem>>) dst(%dma_wait3A_371 : memref<10088x128xf32, #tpu.memory_space<vmem_shared>>)
        } else {
        }
        %add3A_341 = arith.constant 1 : i32
        %add3A_342 = arith.addi %while3A_308, %add3A_341 : i32
        %lt3A_343 = arith.cmpi slt, %add3A_342, %select_n3A_239 : i32
        %and3A_344 = arith.andi %lt3A_343, %eq3A_327 : i1
        %convert_element_type3A_345 = arith.extui %and3A_344 : i1 to i32
        %cond3A_346 = arith.constant 0 : i32
        %cond3A_347 = arith.cmpi ne, %convert_element_type3A_345, %cond3A_346 : i32
        scf.if %cond3A_347 {
          %add3A_366 = arith.constant 1 : i32
          %add3A_367 = arith.addi %while3A_308, %add3A_366 : i32
          %dma_start3A = arith.constant 0 : i32
          %dma_start3A_368 = tpu.memref_slice %arg9[%add3A_367, %dma_start3A] : memref<33x64xi32, #tpu.memory_space<vmem>> -> memref<1x64xi32, #tpu.memory_space<vmem>>
          %dma_start3A_369 = tpu.memref_squeeze %dma_start3A_368 : memref<1x64xi32, #tpu.memory_space<vmem>> -> memref<64xi32, #tpu.memory_space<vmem>>
          %dma_start3A_370 = arith.constant 0 : i32
          %dma_start3A_371 = arith.constant 0 : i32
          %dma_start3A_372 = tpu.memref_slice %arg2[%dma_start3A_370, %dma_start3A_371] : memref<100000x128xf32, #tpu.memory_space<hbm>> -> memref<100000x128xf32, #tpu.memory_space<hbm>>
          tpu.enqueue_indirect_dma source(%dma_start3A_372 : memref<100000x128xf32, #tpu.memory_space<hbm>>) target(%arg12 : memref<64x128xf32, #tpu.memory_space<vmem>>) offsets(%dma_start3A_369 : memref<64xi32, #tpu.memory_space<vmem>>) semaphore(%arg17 : memref<!tpu.dma_semaphore, #tpu.memory_space<semaphore_mem>>)
        } else {
        }
        %add3A_348 = arith.constant 1 : i32
        %add3A_349 = arith.addi %while3A_308, %add3A_348 : i32
        %lt3A_350 = arith.cmpi slt, %add3A_349, %select_n3A_239 : i32
        %not3A_351 = arith.constant true
        %not3A_352 = arith.xori %eq3A_327, %not3A_351 : i1
        %and3A_353 = arith.andi %lt3A_350, %not3A_352 : i1
        %convert_element_type3A_354 = arith.extui %and3A_353 : i1 to i32
        %cond3A_355 = arith.constant 0 : i32
        %cond3A_356 = arith.cmpi ne, %convert_element_type3A_354, %cond3A_355 : i32
        scf.if %cond3A_356 {
          %add3A_366 = arith.constant 1 : i32
          %add3A_367 = arith.addi %while3A_308, %add3A_366 : i32
          %dma_start3A = arith.constant 0 : i32
          %dma_start3A_368 = tpu.memref_slice %arg9[%add3A_367, %dma_start3A] : memref<33x64xi32, #tpu.memory_space<vmem>> -> memref<1x64xi32, #tpu.memory_space<vmem>>
          %dma_start3A_369 = tpu.memref_squeeze %dma_start3A_368 : memref<1x64xi32, #tpu.memory_space<vmem>> -> memref<64xi32, #tpu.memory_space<vmem>>
          %dma_start3A_370 = arith.constant 0 : i32
          %dma_start3A_371 = arith.constant 0 : i32
          %dma_start3A_372 = tpu.memref_slice %arg2[%dma_start3A_370, %dma_start3A_371] : memref<100000x128xf32, #tpu.memory_space<hbm>> -> memref<100000x128xf32, #tpu.memory_space<hbm>>
          tpu.enqueue_indirect_dma source(%dma_start3A_372 : memref<100000x128xf32, #tpu.memory_space<hbm>>) target(%arg11 : memref<64x128xf32, #tpu.memory_space<vmem>>) offsets(%dma_start3A_369 : memref<64xi32, #tpu.memory_space<vmem>>) semaphore(%arg16 : memref<!tpu.dma_semaphore, #tpu.memory_space<semaphore_mem>>)
        } else {
        }
        %convert_element_type3A_357 = arith.extui %eq3A_327 : i1 to i32
        %cond3A_358 = arith.constant 0 : i32
        %cond3A_359 = arith.cmpi ne, %convert_element_type3A_357, %cond3A_358 : i32
        scf.if %cond3A_359 {
          %dma_wait3A = arith.constant 0 : i32
          %dma_wait3A_366 = arith.constant 0 : i32
          %dma_wait3A_367 = tpu.memref_slice %arg9[%dma_wait3A, %dma_wait3A_366] : memref<33x64xi32, #tpu.memory_space<vmem>> -> memref<1x64xi32, #tpu.memory_space<vmem>>
          %dma_wait3A_368 = tpu.memref_squeeze %dma_wait3A_367 : memref<1x64xi32, #tpu.memory_space<vmem>> -> memref<64xi32, #tpu.memory_space<vmem>>
          %dma_wait3A_369 = arith.constant 0 : i32
          %dma_wait3A_370 = arith.constant 0 : i32
          %dma_wait3A_371 = tpu.memref_slice %arg2[%dma_wait3A_369, %dma_wait3A_370] : memref<100000x128xf32, #tpu.memory_space<hbm>> -> memref<100000x128xf32, #tpu.memory_space<hbm>>
          tpu.wait_indirect_dma semaphore(%arg16 : memref<!tpu.dma_semaphore, #tpu.memory_space<semaphore_mem>>) src(%dma_wait3A_371 : memref<100000x128xf32, #tpu.memory_space<hbm>>) dst(%arg11 : memref<64x128xf32, #tpu.memory_space<vmem>>)
          %dma_start3A = arith.constant 0 : i32
          %dma_start3A_372 = tpu.memref_slice %arg10[%while3A_308, %dma_start3A] : memref<33x64xi32, #tpu.memory_space<vmem>> -> memref<1x64xi32, #tpu.memory_space<vmem>>
          %dma_start3A_373 = tpu.memref_squeeze %dma_start3A_372 : memref<1x64xi32, #tpu.memory_space<vmem>> -> memref<64xi32, #tpu.memory_space<vmem>>
          %dma_start3A_374 = arith.constant 0 : i32
          %dma_start3A_375 = arith.constant 0 : i32
          %dma_start3A_376 = tpu.memref_slice %arg15[%dma_start3A_374, %dma_start3A_375] : memref<10088x128xf32, #tpu.memory_space<vmem_shared>> -> memref<10088x128xf32, #tpu.memory_space<vmem_shared>>
          tpu.enqueue_indirect_dma source(%arg11 : memref<64x128xf32, #tpu.memory_space<vmem>>) target(%dma_start3A_376 : memref<10088x128xf32, #tpu.memory_space<vmem_shared>>) offsets(%dma_start3A_373 : memref<64xi32, #tpu.memory_space<vmem>>) semaphore(%arg18 : memref<!tpu.dma_semaphore, #tpu.memory_space<semaphore_mem>>) {add = true}
        } else {
        }
        %not3A_360 = arith.constant true
        %not3A_361 = arith.xori %eq3A_327, %not3A_360 : i1
        %convert_element_type3A_362 = arith.extui %not3A_361 : i1 to i32
        %cond3A_363 = arith.constant 0 : i32
        %cond3A_364 = arith.cmpi ne, %convert_element_type3A_362, %cond3A_363 : i32
        scf.if %cond3A_364 {
          %dma_wait3A = arith.constant 0 : i32
          %dma_wait3A_366 = arith.constant 0 : i32
          %dma_wait3A_367 = tpu.memref_slice %arg9[%dma_wait3A, %dma_wait3A_366] : memref<33x64xi32, #tpu.memory_space<vmem>> -> memref<1x64xi32, #tpu.memory_space<vmem>>
          %dma_wait3A_368 = tpu.memref_squeeze %dma_wait3A_367 : memref<1x64xi32, #tpu.memory_space<vmem>> -> memref<64xi32, #tpu.memory_space<vmem>>
          %dma_wait3A_369 = arith.constant 0 : i32
          %dma_wait3A_370 = arith.constant 0 : i32
          %dma_wait3A_371 = tpu.memref_slice %arg2[%dma_wait3A_369, %dma_wait3A_370] : memref<100000x128xf32, #tpu.memory_space<hbm>> -> memref<100000x128xf32, #tpu.memory_space<hbm>>
          tpu.wait_indirect_dma semaphore(%arg17 : memref<!tpu.dma_semaphore, #tpu.memory_space<semaphore_mem>>) src(%dma_wait3A_371 : memref<100000x128xf32, #tpu.memory_space<hbm>>) dst(%arg12 : memref<64x128xf32, #tpu.memory_space<vmem>>)
          %dma_start3A = arith.constant 0 : i32
          %dma_start3A_372 = tpu.memref_slice %arg10[%while3A_308, %dma_start3A] : memref<33x64xi32, #tpu.memory_space<vmem>> -> memref<1x64xi32, #tpu.memory_space<vmem>>
          %dma_start3A_373 = tpu.memref_squeeze %dma_start3A_372 : memref<1x64xi32, #tpu.memory_space<vmem>> -> memref<64xi32, #tpu.memory_space<vmem>>
          %dma_start3A_374 = arith.constant 0 : i32
          %dma_start3A_375 = arith.constant 0 : i32
          %dma_start3A_376 = tpu.memref_slice %arg15[%dma_start3A_374, %dma_start3A_375] : memref<10088x128xf32, #tpu.memory_space<vmem_shared>> -> memref<10088x128xf32, #tpu.memory_space<vmem_shared>>
          tpu.enqueue_indirect_dma source(%arg12 : memref<64x128xf32, #tpu.memory_space<vmem>>) target(%dma_start3A_376 : memref<10088x128xf32, #tpu.memory_space<vmem_shared>>) offsets(%dma_start3A_373 : memref<64xi32, #tpu.memory_space<vmem>>) semaphore(%arg19 : memref<!tpu.dma_semaphore, #tpu.memory_space<semaphore_mem>>) {add = true}
        } else {
        }
        %while3A_365 = arith.constant 0 : i32
        scf.yield %while3A_365 : i32
      }
      %while3A_254 = arith.constant 1 : i32
      %while3A_255 = scf.for %while3A_308 = %while3A_251 to %while3A_247 step %while3A_254 iter_args(%while3A_309 = %while3A_253) -> (i32)  : i32 {
        %jit3A_310 = arith.constant 2 : i32
        %eq3A_311 = arith.constant 0 : i32
        %eq3A_312 = arith.cmpi eq, %jit3A_310, %eq3A_311 : i32
        %jit3A_313 = arith.constant 1 : i32
        %select_n3A_314 = arith.select %eq3A_312, %jit3A_313, %jit3A_310 : i32
        %rem3A_315 = arith.remsi %while3A_308, %select_n3A_314 : i32
        %ne3A_316 = arith.constant 0 : i32
        %ne3A_317 = arith.cmpi ne, %rem3A_315, %ne3A_316 : i32
        %lt3A_318 = arith.constant 0 : i32
        %lt3A_319 = arith.cmpi slt, %rem3A_315, %lt3A_318 : i32
        %lt3A_320 = arith.constant 0 : i32
        %lt3A_321 = arith.cmpi slt, %select_n3A_314, %lt3A_320 : i32
        %ne3A_322 = arith.xori %lt3A_319, %lt3A_321 : i1
        %and3A_323 = arith.andi %ne3A_322, %ne3A_317 : i1
        %add3A_324 = arith.addi %rem3A_315, %select_n3A_314 : i32
        %select_n3A_325 = arith.select %and3A_323, %add3A_324, %rem3A_315 : i32
        %eq3A_326 = arith.constant 0 : i32
        %eq3A_327 = arith.cmpi eq, %select_n3A_325, %eq3A_326 : i32
        %ge3A_328 = arith.constant 1 : i32
        %ge3A_329 = arith.cmpi sge, %while3A_308, %ge3A_328 : i32
        %and3A_330 = arith.andi %ge3A_329, %eq3A_327 : i1
        %convert_element_type3A_331 = arith.extui %and3A_330 : i1 to i32
        %cond3A_332 = arith.constant 0 : i32
        %cond3A_333 = arith.cmpi ne, %convert_element_type3A_331, %cond3A_332 : i32
        scf.if %cond3A_333 {
          %dma_wait3A = arith.constant 0 : i32
          %dma_wait3A_366 = arith.constant 0 : i32
          %dma_wait3A_367 = tpu.memref_slice %arg10[%dma_wait3A, %dma_wait3A_366] : memref<33x64xi32, #tpu.memory_space<vmem>> -> memref<1x64xi32, #tpu.memory_space<vmem>>
          %dma_wait3A_368 = tpu.memref_squeeze %dma_wait3A_367 : memref<1x64xi32, #tpu.memory_space<vmem>> -> memref<64xi32, #tpu.memory_space<vmem>>
          %dma_wait3A_369 = arith.constant 0 : i32
          %dma_wait3A_370 = arith.constant 0 : i32
          %dma_wait3A_371 = tpu.memref_slice %arg15[%dma_wait3A_369, %dma_wait3A_370] : memref<10088x128xf32, #tpu.memory_space<vmem_shared>> -> memref<10088x128xf32, #tpu.memory_space<vmem_shared>>
          tpu.wait_indirect_dma semaphore(%arg19 : memref<!tpu.dma_semaphore, #tpu.memory_space<semaphore_mem>>) src(%arg12 : memref<64x128xf32, #tpu.memory_space<vmem>>) dst(%dma_wait3A_371 : memref<10088x128xf32, #tpu.memory_space<vmem_shared>>)
        } else {
        }
        %ge3A_334 = arith.constant 1 : i32
        %ge3A_335 = arith.cmpi sge, %while3A_308, %ge3A_334 : i32
        %not3A = arith.constant true
        %not3A_336 = arith.xori %eq3A_327, %not3A : i1
        %and3A_337 = arith.andi %ge3A_335, %not3A_336 : i1
        %convert_element_type3A_338 = arith.extui %and3A_337 : i1 to i32
        %cond3A_339 = arith.constant 0 : i32
        %cond3A_340 = arith.cmpi ne, %convert_element_type3A_338, %cond3A_339 : i32
        scf.if %cond3A_340 {
          %dma_wait3A = arith.constant 0 : i32
          %dma_wait3A_366 = arith.constant 0 : i32
          %dma_wait3A_367 = tpu.memref_slice %arg10[%dma_wait3A, %dma_wait3A_366] : memref<33x64xi32, #tpu.memory_space<vmem>> -> memref<1x64xi32, #tpu.memory_space<vmem>>
          %dma_wait3A_368 = tpu.memref_squeeze %dma_wait3A_367 : memref<1x64xi32, #tpu.memory_space<vmem>> -> memref<64xi32, #tpu.memory_space<vmem>>
          %dma_wait3A_369 = arith.constant 0 : i32
          %dma_wait3A_370 = arith.constant 0 : i32
          %dma_wait3A_371 = tpu.memref_slice %arg15[%dma_wait3A_369, %dma_wait3A_370] : memref<10088x128xf32, #tpu.memory_space<vmem_shared>> -> memref<10088x128xf32, #tpu.memory_space<vmem_shared>>
          tpu.wait_indirect_dma semaphore(%arg18 : memref<!tpu.dma_semaphore, #tpu.memory_space<semaphore_mem>>) src(%arg11 : memref<64x128xf32, #tpu.memory_space<vmem>>) dst(%dma_wait3A_371 : memref<10088x128xf32, #tpu.memory_space<vmem_shared>>)
        } else {
        }
        %add3A_341 = arith.constant 1 : i32
        %add3A_342 = arith.addi %while3A_308, %add3A_341 : i32
        %lt3A_343 = arith.cmpi slt, %add3A_342, %select_n3A_239 : i32
        %and3A_344 = arith.andi %lt3A_343, %eq3A_327 : i1
        %convert_element_type3A_345 = arith.extui %and3A_344 : i1 to i32
        %cond3A_346 = arith.constant 0 : i32
        %cond3A_347 = arith.cmpi ne, %convert_element_type3A_345, %cond3A_346 : i32
        scf.if %cond3A_347 {
          %add3A_366 = arith.constant 1 : i32
          %add3A_367 = arith.addi %while3A_308, %add3A_366 : i32
          %dma_start3A = arith.constant 0 : i32
          %dma_start3A_368 = tpu.memref_slice %arg9[%add3A_367, %dma_start3A] : memref<33x64xi32, #tpu.memory_space<vmem>> -> memref<1x64xi32, #tpu.memory_space<vmem>>
          %dma_start3A_369 = tpu.memref_squeeze %dma_start3A_368 : memref<1x64xi32, #tpu.memory_space<vmem>> -> memref<64xi32, #tpu.memory_space<vmem>>
          %dma_start3A_370 = arith.constant 0 : i32
          %dma_start3A_371 = arith.constant 0 : i32
          %dma_start3A_372 = tpu.memref_slice %arg2[%dma_start3A_370, %dma_start3A_371] : memref<100000x128xf32, #tpu.memory_space<hbm>> -> memref<100000x128xf32, #tpu.memory_space<hbm>>
          tpu.enqueue_indirect_dma source(%dma_start3A_372 : memref<100000x128xf32, #tpu.memory_space<hbm>>) target(%arg12 : memref<64x128xf32, #tpu.memory_space<vmem>>) offsets(%dma_start3A_369 : memref<64xi32, #tpu.memory_space<vmem>>) semaphore(%arg17 : memref<!tpu.dma_semaphore, #tpu.memory_space<semaphore_mem>>)
        } else {
        }
        %add3A_348 = arith.constant 1 : i32
        %add3A_349 = arith.addi %while3A_308, %add3A_348 : i32
        %lt3A_350 = arith.cmpi slt, %add3A_349, %select_n3A_239 : i32
        %not3A_351 = arith.constant true
        %not3A_352 = arith.xori %eq3A_327, %not3A_351 : i1
        %and3A_353 = arith.andi %lt3A_350, %not3A_352 : i1
        %convert_element_type3A_354 = arith.extui %and3A_353 : i1 to i32
        %cond3A_355 = arith.constant 0 : i32
        %cond3A_356 = arith.cmpi ne, %convert_element_type3A_354, %cond3A_355 : i32
        scf.if %cond3A_356 {
          %add3A_366 = arith.constant 1 : i32
          %add3A_367 = arith.addi %while3A_308, %add3A_366 : i32
          %dma_start3A = arith.constant 0 : i32
          %dma_start3A_368 = tpu.memref_slice %arg9[%add3A_367, %dma_start3A] : memref<33x64xi32, #tpu.memory_space<vmem>> -> memref<1x64xi32, #tpu.memory_space<vmem>>
          %dma_start3A_369 = tpu.memref_squeeze %dma_start3A_368 : memref<1x64xi32, #tpu.memory_space<vmem>> -> memref<64xi32, #tpu.memory_space<vmem>>
          %dma_start3A_370 = arith.constant 0 : i32
          %dma_start3A_371 = arith.constant 0 : i32
          %dma_start3A_372 = tpu.memref_slice %arg2[%dma_start3A_370, %dma_start3A_371] : memref<100000x128xf32, #tpu.memory_space<hbm>> -> memref<100000x128xf32, #tpu.memory_space<hbm>>
          tpu.enqueue_indirect_dma source(%dma_start3A_372 : memref<100000x128xf32, #tpu.memory_space<hbm>>) target(%arg11 : memref<64x128xf32, #tpu.memory_space<vmem>>) offsets(%dma_start3A_369 : memref<64xi32, #tpu.memory_space<vmem>>) semaphore(%arg16 : memref<!tpu.dma_semaphore, #tpu.memory_space<semaphore_mem>>)
        } else {
        }
        %convert_element_type3A_357 = arith.extui %eq3A_327 : i1 to i32
        %cond3A_358 = arith.constant 0 : i32
        %cond3A_359 = arith.cmpi ne, %convert_element_type3A_357, %cond3A_358 : i32
        scf.if %cond3A_359 {
          %dma_wait3A = arith.constant 0 : i32
          %dma_wait3A_366 = arith.constant 0 : i32
          %dma_wait3A_367 = tpu.memref_slice %arg9[%dma_wait3A, %dma_wait3A_366] : memref<33x64xi32, #tpu.memory_space<vmem>> -> memref<1x64xi32, #tpu.memory_space<vmem>>
          %dma_wait3A_368 = tpu.memref_squeeze %dma_wait3A_367 : memref<1x64xi32, #tpu.memory_space<vmem>> -> memref<64xi32, #tpu.memory_space<vmem>>
          %dma_wait3A_369 = arith.constant 0 : i32
          %dma_wait3A_370 = arith.constant 0 : i32
          %dma_wait3A_371 = tpu.memref_slice %arg2[%dma_wait3A_369, %dma_wait3A_370] : memref<100000x128xf32, #tpu.memory_space<hbm>> -> memref<100000x128xf32, #tpu.memory_space<hbm>>
          tpu.wait_indirect_dma semaphore(%arg16 : memref<!tpu.dma_semaphore, #tpu.memory_space<semaphore_mem>>) src(%dma_wait3A_371 : memref<100000x128xf32, #tpu.memory_space<hbm>>) dst(%arg11 : memref<64x128xf32, #tpu.memory_space<vmem>>)
          %dma_start3A = arith.constant 0 : i32
          %dma_start3A_372 = tpu.memref_slice %arg10[%while3A_308, %dma_start3A] : memref<33x64xi32, #tpu.memory_space<vmem>> -> memref<1x64xi32, #tpu.memory_space<vmem>>
          %dma_start3A_373 = tpu.memref_squeeze %dma_start3A_372 : memref<1x64xi32, #tpu.memory_space<vmem>> -> memref<64xi32, #tpu.memory_space<vmem>>
          %dma_start3A_374 = arith.constant 0 : i32
          %dma_start3A_375 = arith.constant 0 : i32
          %dma_start3A_376 = tpu.memref_slice %arg15[%dma_start3A_374, %dma_start3A_375] : memref<10088x128xf32, #tpu.memory_space<vmem_shared>> -> memref<10088x128xf32, #tpu.memory_space<vmem_shared>>
          tpu.enqueue_indirect_dma source(%arg11 : memref<64x128xf32, #tpu.memory_space<vmem>>) target(%dma_start3A_376 : memref<10088x128xf32, #tpu.memory_space<vmem_shared>>) offsets(%dma_start3A_373 : memref<64xi32, #tpu.memory_space<vmem>>) semaphore(%arg18 : memref<!tpu.dma_semaphore, #tpu.memory_space<semaphore_mem>>) {add = true}
        } else {
        }
        %not3A_360 = arith.constant true
        %not3A_361 = arith.xori %eq3A_327, %not3A_360 : i1
        %convert_element_type3A_362 = arith.extui %not3A_361 : i1 to i32
        %cond3A_363 = arith.constant 0 : i32
        %cond3A_364 = arith.cmpi ne, %convert_element_type3A_362, %cond3A_363 : i32
        scf.if %cond3A_364 {
          %dma_wait3A = arith.constant 0 : i32
          %dma_wait3A_366 = arith.constant 0 : i32
          %dma_wait3A_367 = tpu.memref_slice %arg9[%dma_wait3A, %dma_wait3A_366] : memref<33x64xi32, #tpu.memory_space<vmem>> -> memref<1x64xi32, #tpu.memory_space<vmem>>
          %dma_wait3A_368 = tpu.memref_squeeze %dma_wait3A_367 : memref<1x64xi32, #tpu.memory_space<vmem>> -> memref<64xi32, #tpu.memory_space<vmem>>
          %dma_wait3A_369 = arith.constant 0 : i32
          %dma_wait3A_370 = arith.constant 0 : i32
          %dma_wait3A_371 = tpu.memref_slice %arg2[%dma_wait3A_369, %dma_wait3A_370] : memref<100000x128xf32, #tpu.memory_space<hbm>> -> memref<100000x128xf32, #tpu.memory_space<hbm>>
          tpu.wait_indirect_dma semaphore(%arg17 : memref<!tpu.dma_semaphore, #tpu.memory_space<semaphore_mem>>) src(%dma_wait3A_371 : memref<100000x128xf32, #tpu.memory_space<hbm>>) dst(%arg12 : memref<64x128xf32, #tpu.memory_space<vmem>>)
          %dma_start3A = arith.constant 0 : i32
          %dma_start3A_372 = tpu.memref_slice %arg10[%while3A_308, %dma_start3A] : memref<33x64xi32, #tpu.memory_space<vmem>> -> memref<1x64xi32, #tpu.memory_space<vmem>>
          %dma_start3A_373 = tpu.memref_squeeze %dma_start3A_372 : memref<1x64xi32, #tpu.memory_space<vmem>> -> memref<64xi32, #tpu.memory_space<vmem>>
          %dma_start3A_374 = arith.constant 0 : i32
          %dma_start3A_375 = arith.constant 0 : i32
          %dma_start3A_376 = tpu.memref_slice %arg15[%dma_start3A_374, %dma_start3A_375] : memref<10088x128xf32, #tpu.memory_space<vmem_shared>> -> memref<10088x128xf32, #tpu.memory_space<vmem_shared>>
          tpu.enqueue_indirect_dma source(%arg12 : memref<64x128xf32, #tpu.memory_space<vmem>>) target(%dma_start3A_376 : memref<10088x128xf32, #tpu.memory_space<vmem_shared>>) offsets(%dma_start3A_373 : memref<64xi32, #tpu.memory_space<vmem>>) semaphore(%arg19 : memref<!tpu.dma_semaphore, #tpu.memory_space<semaphore_mem>>) {add = true}
        } else {
        }
        %while3A_365 = arith.constant 0 : i32
        scf.yield %while3A_365 : i32
      }
      %ge3A_256 = arith.constant 1 : i32
      %ge3A_257 = arith.cmpi sge, %select_n3A_239, %ge3A_256 : i32
      %sub3A_258 = arith.constant 1 : i32
      %sub3A_259 = arith.subi %select_n3A_239, %sub3A_258 : i32
      %jit3A_260 = arith.constant 2 : i32
      %eq3A_261 = arith.constant 0 : i32
      %eq3A_262 = arith.cmpi eq, %jit3A_260, %eq3A_261 : i32
      %jit3A_263 = arith.constant 1 : i32
      %select_n3A_264 = arith.select %eq3A_262, %jit3A_263, %jit3A_260 : i32
      %rem3A_265 = arith.remsi %sub3A_259, %select_n3A_264 : i32
      %ne3A_266 = arith.constant 0 : i32
      %ne3A_267 = arith.cmpi ne, %rem3A_265, %ne3A_266 : i32
      %lt3A = arith.constant 0 : i32
      %lt3A_268 = arith.cmpi slt, %rem3A_265, %lt3A : i32
      %lt3A_269 = arith.constant 0 : i32
      %lt3A_270 = arith.cmpi slt, %select_n3A_264, %lt3A_269 : i32
      %ne3A_271 = arith.xori %lt3A_268, %lt3A_270 : i1
      %and3A_272 = arith.andi %ne3A_271, %ne3A_267 : i1
      %add3A_273 = arith.addi %rem3A_265, %select_n3A_264 : i32
      %select_n3A_274 = arith.select %and3A_272, %add3A_273, %rem3A_265 : i32
      %eq3A_275 = arith.constant 0 : i32
      %eq3A_276 = arith.cmpi eq, %select_n3A_274, %eq3A_275 : i32
      %and3A_277 = arith.andi %ge3A_257, %eq3A_276 : i1
      %convert_element_type3A_278 = arith.extui %and3A_277 : i1 to i32
      %cond3A_279 = arith.constant 0 : i32
      %cond3A_280 = arith.cmpi ne, %convert_element_type3A_278, %cond3A_279 : i32
      scf.if %cond3A_280 {
        %dma_wait3A = arith.constant 0 : i32
        %dma_wait3A_308 = arith.constant 0 : i32
        %dma_wait3A_309 = tpu.memref_slice %arg10[%dma_wait3A, %dma_wait3A_308] : memref<33x64xi32, #tpu.memory_space<vmem>> -> memref<1x64xi32, #tpu.memory_space<vmem>>
        %dma_wait3A_310 = tpu.memref_squeeze %dma_wait3A_309 : memref<1x64xi32, #tpu.memory_space<vmem>> -> memref<64xi32, #tpu.memory_space<vmem>>
        %dma_wait3A_311 = arith.constant 0 : i32
        %dma_wait3A_312 = arith.constant 0 : i32
        %dma_wait3A_313 = tpu.memref_slice %arg15[%dma_wait3A_311, %dma_wait3A_312] : memref<10088x128xf32, #tpu.memory_space<vmem_shared>> -> memref<10088x128xf32, #tpu.memory_space<vmem_shared>>
        tpu.wait_indirect_dma semaphore(%arg18 : memref<!tpu.dma_semaphore, #tpu.memory_space<semaphore_mem>>) src(%arg11 : memref<64x128xf32, #tpu.memory_space<vmem>>) dst(%dma_wait3A_313 : memref<10088x128xf32, #tpu.memory_space<vmem_shared>>)
      } else {
      }
      %ge3A_281 = arith.constant 1 : i32
      %ge3A_282 = arith.cmpi sge, %select_n3A_239, %ge3A_281 : i32
      %sub3A_283 = arith.constant 1 : i32
      %sub3A_284 = arith.subi %select_n3A_239, %sub3A_283 : i32
      %jit3A_285 = arith.constant 2 : i32
      %eq3A_286 = arith.constant 0 : i32
      %eq3A_287 = arith.cmpi eq, %jit3A_285, %eq3A_286 : i32
      %jit3A_288 = arith.constant 1 : i32
      %select_n3A_289 = arith.select %eq3A_287, %jit3A_288, %jit3A_285 : i32
      %rem3A_290 = arith.remsi %sub3A_284, %select_n3A_289 : i32
      %ne3A_291 = arith.constant 0 : i32
      %ne3A_292 = arith.cmpi ne, %rem3A_290, %ne3A_291 : i32
      %lt3A_293 = arith.constant 0 : i32
      %lt3A_294 = arith.cmpi slt, %rem3A_290, %lt3A_293 : i32
      %lt3A_295 = arith.constant 0 : i32
      %lt3A_296 = arith.cmpi slt, %select_n3A_289, %lt3A_295 : i32
      %ne3A_297 = arith.xori %lt3A_294, %lt3A_296 : i1
      %and3A_298 = arith.andi %ne3A_297, %ne3A_292 : i1
      %add3A_299 = arith.addi %rem3A_290, %select_n3A_289 : i32
      %select_n3A_300 = arith.select %and3A_298, %add3A_299, %rem3A_290 : i32
      %eq3A_301 = arith.constant 1 : i32
      %eq3A_302 = arith.cmpi eq, %select_n3A_300, %eq3A_301 : i32
      %and3A_303 = arith.andi %ge3A_282, %eq3A_302 : i1
      %convert_element_type3A_304 = arith.extui %and3A_303 : i1 to i32
      %cond3A_305 = arith.constant 0 : i32
      %cond3A_306 = arith.cmpi ne, %convert_element_type3A_304, %cond3A_305 : i32
      scf.if %cond3A_306 {
        %dma_wait3A = arith.constant 0 : i32
        %dma_wait3A_308 = arith.constant 0 : i32
        %dma_wait3A_309 = tpu.memref_slice %arg10[%dma_wait3A, %dma_wait3A_308] : memref<33x64xi32, #tpu.memory_space<vmem>> -> memref<1x64xi32, #tpu.memory_space<vmem>>
        %dma_wait3A_310 = tpu.memref_squeeze %dma_wait3A_309 : memref<1x64xi32, #tpu.memory_space<vmem>> -> memref<64xi32, #tpu.memory_space<vmem>>
        %dma_wait3A_311 = arith.constant 0 : i32
        %dma_wait3A_312 = arith.constant 0 : i32
        %dma_wait3A_313 = tpu.memref_slice %arg15[%dma_wait3A_311, %dma_wait3A_312] : memref<10088x128xf32, #tpu.memory_space<vmem_shared>> -> memref<10088x128xf32, #tpu.memory_space<vmem_shared>>
        tpu.wait_indirect_dma semaphore(%arg19 : memref<!tpu.dma_semaphore, #tpu.memory_space<semaphore_mem>>) src(%arg12 : memref<64x128xf32, #tpu.memory_space<vmem>>) dst(%dma_wait3A_313 : memref<10088x128xf32, #tpu.memory_space<vmem_shared>>)
      } else {
      }
      %scan3A_307 = arith.constant 0 : i32
      scf.yield %scan3A_307 : i32
    }
    %scan3A_96 = arith.constant 10 : i32
    %run_scoped3A = arith.constant 0 : i32
    "tpu.region"() ({
      %run_scoped3A_144 = tpu.sem_alloc : memref<!tpu.dma_semaphore, #tpu.memory_space<semaphore_mem>>
      %dma_start3A = arith.constant 0 : i32
      %dma_start3A_145 = tpu.memref_slice %arg14[%run_scoped3A, %dma_start3A] : memref<1x80xi32, #tpu.memory_space<vmem>> -> memref<1x80xi32, #tpu.memory_space<vmem>>
      %dma_start3A_146 = tpu.memref_squeeze %dma_start3A_145 : memref<1x80xi32, #tpu.memory_space<vmem>> -> memref<80xi32, #tpu.memory_space<vmem>>
      %dma_start3A_147 = arith.constant 0 : i32
      %dma_start3A_148 = arith.constant 0 : i32
      %dma_start3A_149 = tpu.memref_slice %arg15[%dma_start3A_147, %dma_start3A_148] : memref<10088x128xf32, #tpu.memory_space<vmem_shared>> -> memref<10088x128xf32, #tpu.memory_space<vmem_shared>>
      tpu.enqueue_indirect_dma source(%arg13 : memref<80x128xf32, #tpu.memory_space<vmem>>) target(%dma_start3A_149 : memref<10088x128xf32, #tpu.memory_space<vmem_shared>>) offsets(%dma_start3A_146 : memref<80xi32, #tpu.memory_space<vmem>>) semaphore(%run_scoped3A_144 : memref<!tpu.dma_semaphore, #tpu.memory_space<semaphore_mem>>) {add = true}
      %dma_wait3A = arith.constant 0 : i32
      %dma_wait3A_150 = tpu.memref_slice %arg14[%run_scoped3A, %dma_wait3A] : memref<1x80xi32, #tpu.memory_space<vmem>> -> memref<1x80xi32, #tpu.memory_space<vmem>>
      %dma_wait3A_151 = tpu.memref_squeeze %dma_wait3A_150 : memref<1x80xi32, #tpu.memory_space<vmem>> -> memref<80xi32, #tpu.memory_space<vmem>>
      %dma_wait3A_152 = arith.constant 0 : i32
      %dma_wait3A_153 = arith.constant 0 : i32
      %dma_wait3A_154 = tpu.memref_slice %arg15[%dma_wait3A_152, %dma_wait3A_153] : memref<10088x128xf32, #tpu.memory_space<vmem_shared>> -> memref<10088x128xf32, #tpu.memory_space<vmem_shared>>
      tpu.wait_indirect_dma semaphore(%run_scoped3A_144 : memref<!tpu.dma_semaphore, #tpu.memory_space<semaphore_mem>>) src(%arg13 : memref<80x128xf32, #tpu.memory_space<vmem>>) dst(%dma_wait3A_154 : memref<10088x128xf32, #tpu.memory_space<vmem_shared>>)
      tpu.yield
    }) : () -> ()
    %barrier3A_97 = arith.constant 0 : index
    tpu.barrier barrier_id(%barrier3A_97)
    %mul3A_98 = arith.constant 10000 : i32
    %mul3A_99 = arith.muli %arg0, %mul3A_98 : i32
    %add3A_100 = arith.addi %mul3A_99, %mul3A_51 : i32
    %add3A_101 = arith.constant 7 : i32
    %add3A_102 = arith.addi %select_n3A, %add3A_101 : i32
    %jit3A_103 = arith.constant 8 : i32
    %div3A_104 = arith.divsi %add3A_102, %jit3A_103 : i32
    %sign3A_105 = arith.constant 0 : i32
    %sign3A_106 = arith.cmpi sgt, %add3A_102, %sign3A_105 : i32
    %sign3A_107 = arith.extui %sign3A_106 : i1 to i32
    %sign3A_108 = arith.constant 0 : i32
    %sign3A_109 = arith.cmpi slt, %add3A_102, %sign3A_108 : i32
    %sign3A_110 = arith.extui %sign3A_109 : i1 to i32
    %sign3A_111 = arith.subi %sign3A_107, %sign3A_110 : i32
    %sign3A_112 = arith.constant 0 : i32
    %sign3A_113 = arith.cmpi sgt, %jit3A_103, %sign3A_112 : i32
    %sign3A_114 = arith.extui %sign3A_113 : i1 to i32
    %sign3A_115 = arith.constant 0 : i32
    %sign3A_116 = arith.cmpi slt, %jit3A_103, %sign3A_115 : i32
    %sign3A_117 = arith.extui %sign3A_116 : i1 to i32
    %sign3A_118 = arith.subi %sign3A_114, %sign3A_117 : i32
    %ne3A_119 = arith.cmpi ne, %sign3A_111, %sign3A_118 : i32
    %rem3A_120 = arith.remsi %add3A_102, %jit3A_103 : i32
    %ne3A_121 = arith.constant 0 : i32
    %ne3A_122 = arith.cmpi ne, %rem3A_120, %ne3A_121 : i32
    %and3A_123 = arith.andi %ne3A_119, %ne3A_122 : i1
    %sub3A_124 = arith.constant 1 : i32
    %sub3A_125 = arith.subi %div3A_104, %sub3A_124 : i32
    %select_n3A_126 = arith.select %and3A_123, %sub3A_125, %div3A_104 : i32
    %while3A_127 = arith.constant 0 : i32
    %while3A_128 = arith.constant 0 : i32
    %while3A_129 = arith.subi %select_n3A_126, %while3A_127 : i32
    %while3A_130 = arith.addi %while3A_127, %while3A_129 : i32
    %while3A_131 = arith.constant 1 : i32
    %while3A_132 = arith.divsi %while3A_129, %while3A_131 : i32
    %while3A_133 = arith.muli %while3A_132, %while3A_131 : i32
    %while3A_134 = arith.addi %while3A_127, %while3A_133 : i32
    %while3A_135 = arith.constant 1 : i32
    %while3A_136 = scf.for %while3A_144 = %while3A_127 to %while3A_134 step %while3A_135 iter_args(%while3A_145 = %while3A_128) -> (i32)  : i32 {
      %mul3A_146 = arith.constant 8 : i32
      %mul3A_147 = arith.muli %while3A_144, %mul3A_146 : i32
      %add3A_148 = arith.constant 8 : i32
      %add3A_149 = arith.addi %mul3A_147, %add3A_148 : i32
      %min3A = arith.minsi %add3A_149, %select_n3A : i32
      %while3A_150 = arith.constant 0 : i32
      %while3A_151 = arith.subi %min3A, %mul3A_147 : i32
      %while3A_152 = arith.addi %mul3A_147, %while3A_151 : i32
      %while3A_153 = arith.constant 1 : i32
      %while3A_154 = arith.divsi %while3A_151, %while3A_153 : i32
      %while3A_155 = arith.muli %while3A_154, %while3A_153 : i32
      %while3A_156 = arith.addi %mul3A_147, %while3A_155 : i32
      %while3A_157 = arith.constant 1 : i32
      %while3A_158 = scf.for %while3A_173 = %mul3A_147 to %while3A_156 step %while3A_157 iter_args(%while3A_174 = %while3A_150) -> (i32)  : i32 {
        %mul3A_175 = arith.constant 8 : i32
        %mul3A_176 = arith.muli %while3A_173, %mul3A_175 : i32
        %add3A_177 = arith.addi %mul3A_51, %mul3A_176 : i32
        %mul3A_178 = arith.constant 8 : i32
        %mul3A_179 = arith.muli %while3A_173, %mul3A_178 : i32
        %add3A_180 = arith.addi %add3A_100, %mul3A_179 : i32
        %dma_start3A = arith.constant 0 : i32
        %dma_start3A_181 = tpu.memref_slice %arg5[%add3A_180, %dma_start3A] : memref<20000x128xf32, #tpu.memory_space<hbm>> -> memref<8x128xf32, #tpu.memory_space<hbm>>
        %dma_start3A_182 = arith.constant 0 : i32
        %dma_start3A_183 = tpu.memref_slice %arg15[%add3A_177, %dma_start3A_182] : memref<10088x128xf32, #tpu.memory_space<vmem_shared>> -> memref<8x128xf32, #tpu.memory_space<vmem_shared>>
        tpu.enqueue_dma source(%dma_start3A_183 : memref<8x128xf32, #tpu.memory_space<vmem_shared>>) target(%dma_start3A_181 : memref<8x128xf32, #tpu.memory_space<hbm>>) target_semaphore(%arg20 : memref<!tpu.dma_semaphore, #tpu.memory_space<semaphore_mem>>)
        %while3A_184 = arith.constant 0 : i32
        scf.yield %while3A_184 : i32
      }
      %while3A_159 = arith.constant 1 : i32
      %while3A_160 = scf.for %while3A_173 = %while3A_156 to %while3A_152 step %while3A_159 iter_args(%while3A_174 = %while3A_158) -> (i32)  : i32 {
        %mul3A_175 = arith.constant 8 : i32
        %mul3A_176 = arith.muli %while3A_173, %mul3A_175 : i32
        %add3A_177 = arith.addi %mul3A_51, %mul3A_176 : i32
        %mul3A_178 = arith.constant 8 : i32
        %mul3A_179 = arith.muli %while3A_173, %mul3A_178 : i32
        %add3A_180 = arith.addi %add3A_100, %mul3A_179 : i32
        %dma_start3A = arith.constant 0 : i32
        %dma_start3A_181 = tpu.memref_slice %arg5[%add3A_180, %dma_start3A] : memref<20000x128xf32, #tpu.memory_space<hbm>> -> memref<8x128xf32, #tpu.memory_space<hbm>>
        %dma_start3A_182 = arith.constant 0 : i32
        %dma_start3A_183 = tpu.memref_slice %arg15[%add3A_177, %dma_start3A_182] : memref<10088x128xf32, #tpu.memory_space<vmem_shared>> -> memref<8x128xf32, #tpu.memory_space<vmem_shared>>
        tpu.enqueue_dma source(%dma_start3A_183 : memref<8x128xf32, #tpu.memory_space<vmem_shared>>) target(%dma_start3A_181 : memref<8x128xf32, #tpu.memory_space<hbm>>) target_semaphore(%arg20 : memref<!tpu.dma_semaphore, #tpu.memory_space<semaphore_mem>>)
        %while3A_184 = arith.constant 0 : i32
        scf.yield %while3A_184 : i32
      }
      %while3A_161 = arith.constant 0 : i32
      %while3A_162 = arith.subi %min3A, %mul3A_147 : i32
      %while3A_163 = arith.addi %mul3A_147, %while3A_162 : i32
      %while3A_164 = arith.constant 1 : i32
      %while3A_165 = arith.divsi %while3A_162, %while3A_164 : i32
      %while3A_166 = arith.muli %while3A_165, %while3A_164 : i32
      %while3A_167 = arith.addi %mul3A_147, %while3A_166 : i32
      %while3A_168 = arith.constant 1 : i32
      %while3A_169 = scf.for %while3A_173 = %mul3A_147 to %while3A_167 step %while3A_168 iter_args(%while3A_174 = %while3A_161) -> (i32)  : i32 {
        %dma_wait3A = arith.constant 0 : i32
        %dma_wait3A_175 = tpu.memref_slice %arg5[%add3A_100, %dma_wait3A] : memref<20000x128xf32, #tpu.memory_space<hbm>> -> memref<8x128xf32, #tpu.memory_space<hbm>>
        %dma_wait3A_176 = arith.constant 0 : i32
        %dma_wait3A_177 = tpu.memref_slice %arg15[%mul3A_51, %dma_wait3A_176] : memref<10088x128xf32, #tpu.memory_space<vmem_shared>> -> memref<8x128xf32, #tpu.memory_space<vmem_shared>>
        tpu.wait_dma2 semaphore(%arg20 : memref<!tpu.dma_semaphore, #tpu.memory_space<semaphore_mem>>) src(%dma_wait3A_177 : memref<8x128xf32, #tpu.memory_space<vmem_shared>>) dst(%dma_wait3A_175 : memref<8x128xf32, #tpu.memory_space<hbm>>)
        %while3A_178 = arith.constant 0 : i32
        scf.yield %while3A_178 : i32
      }
      %while3A_170 = arith.constant 1 : i32
      %while3A_171 = scf.for %while3A_173 = %while3A_167 to %while3A_163 step %while3A_170 iter_args(%while3A_174 = %while3A_169) -> (i32)  : i32 {
        %dma_wait3A = arith.constant 0 : i32
        %dma_wait3A_175 = tpu.memref_slice %arg5[%add3A_100, %dma_wait3A] : memref<20000x128xf32, #tpu.memory_space<hbm>> -> memref<8x128xf32, #tpu.memory_space<hbm>>
        %dma_wait3A_176 = arith.constant 0 : i32
        %dma_wait3A_177 = tpu.memref_slice %arg15[%mul3A_51, %dma_wait3A_176] : memref<10088x128xf32, #tpu.memory_space<vmem_shared>> -> memref<8x128xf32, #tpu.memory_space<vmem_shared>>
        tpu.wait_dma2 semaphore(%arg20 : memref<!tpu.dma_semaphore, #tpu.memory_space<semaphore_mem>>) src(%dma_wait3A_177 : memref<8x128xf32, #tpu.memory_space<vmem_shared>>) dst(%dma_wait3A_175 : memref<8x128xf32, #tpu.memory_space<hbm>>)
        %while3A_178 = arith.constant 0 : i32
        scf.yield %while3A_178 : i32
      }
      %while3A_172 = arith.constant 0 : i32
      scf.yield %while3A_172 : i32
    }
    %while3A_137 = arith.constant 1 : i32
    %while3A_138 = scf.for %while3A_144 = %while3A_134 to %while3A_130 step %while3A_137 iter_args(%while3A_145 = %while3A_136) -> (i32)  : i32 {
      %mul3A_146 = arith.constant 8 : i32
      %mul3A_147 = arith.muli %while3A_144, %mul3A_146 : i32
      %add3A_148 = arith.constant 8 : i32
      %add3A_149 = arith.addi %mul3A_147, %add3A_148 : i32
      %min3A = arith.minsi %add3A_149, %select_n3A : i32
      %while3A_150 = arith.constant 0 : i32
      %while3A_151 = arith.subi %min3A, %mul3A_147 : i32
      %while3A_152 = arith.addi %mul3A_147, %while3A_151 : i32
      %while3A_153 = arith.constant 1 : i32
      %while3A_154 = arith.divsi %while3A_151, %while3A_153 : i32
      %while3A_155 = arith.muli %while3A_154, %while3A_153 : i32
      %while3A_156 = arith.addi %mul3A_147, %while3A_155 : i32
      %while3A_157 = arith.constant 1 : i32
      %while3A_158 = scf.for %while3A_173 = %mul3A_147 to %while3A_156 step %while3A_157 iter_args(%while3A_174 = %while3A_150) -> (i32)  : i32 {
        %mul3A_175 = arith.constant 8 : i32
        %mul3A_176 = arith.muli %while3A_173, %mul3A_175 : i32
        %add3A_177 = arith.addi %mul3A_51, %mul3A_176 : i32
        %mul3A_178 = arith.constant 8 : i32
        %mul3A_179 = arith.muli %while3A_173, %mul3A_178 : i32
        %add3A_180 = arith.addi %add3A_100, %mul3A_179 : i32
        %dma_start3A = arith.constant 0 : i32
        %dma_start3A_181 = tpu.memref_slice %arg5[%add3A_180, %dma_start3A] : memref<20000x128xf32, #tpu.memory_space<hbm>> -> memref<8x128xf32, #tpu.memory_space<hbm>>
        %dma_start3A_182 = arith.constant 0 : i32
        %dma_start3A_183 = tpu.memref_slice %arg15[%add3A_177, %dma_start3A_182] : memref<10088x128xf32, #tpu.memory_space<vmem_shared>> -> memref<8x128xf32, #tpu.memory_space<vmem_shared>>
        tpu.enqueue_dma source(%dma_start3A_183 : memref<8x128xf32, #tpu.memory_space<vmem_shared>>) target(%dma_start3A_181 : memref<8x128xf32, #tpu.memory_space<hbm>>) target_semaphore(%arg20 : memref<!tpu.dma_semaphore, #tpu.memory_space<semaphore_mem>>)
        %while3A_184 = arith.constant 0 : i32
        scf.yield %while3A_184 : i32
      }
      %while3A_159 = arith.constant 1 : i32
      %while3A_160 = scf.for %while3A_173 = %while3A_156 to %while3A_152 step %while3A_159 iter_args(%while3A_174 = %while3A_158) -> (i32)  : i32 {
        %mul3A_175 = arith.constant 8 : i32
        %mul3A_176 = arith.muli %while3A_173, %mul3A_175 : i32
        %add3A_177 = arith.addi %mul3A_51, %mul3A_176 : i32
        %mul3A_178 = arith.constant 8 : i32
        %mul3A_179 = arith.muli %while3A_173, %mul3A_178 : i32
        %add3A_180 = arith.addi %add3A_100, %mul3A_179 : i32
        %dma_start3A = arith.constant 0 : i32
        %dma_start3A_181 = tpu.memref_slice %arg5[%add3A_180, %dma_start3A] : memref<20000x128xf32, #tpu.memory_space<hbm>> -> memref<8x128xf32, #tpu.memory_space<hbm>>
        %dma_start3A_182 = arith.constant 0 : i32
        %dma_start3A_183 = tpu.memref_slice %arg15[%add3A_177, %dma_start3A_182] : memref<10088x128xf32, #tpu.memory_space<vmem_shared>> -> memref<8x128xf32, #tpu.memory_space<vmem_shared>>
        tpu.enqueue_dma source(%dma_start3A_183 : memref<8x128xf32, #tpu.memory_space<vmem_shared>>) target(%dma_start3A_181 : memref<8x128xf32, #tpu.memory_space<hbm>>) target_semaphore(%arg20 : memref<!tpu.dma_semaphore, #tpu.memory_space<semaphore_mem>>)
        %while3A_184 = arith.constant 0 : i32
        scf.yield %while3A_184 : i32
      }
      %while3A_161 = arith.constant 0 : i32
      %while3A_162 = arith.subi %min3A, %mul3A_147 : i32
      %while3A_163 = arith.addi %mul3A_147, %while3A_162 : i32
      %while3A_164 = arith.constant 1 : i32
      %while3A_165 = arith.divsi %while3A_162, %while3A_164 : i32
      %while3A_166 = arith.muli %while3A_165, %while3A_164 : i32
      %while3A_167 = arith.addi %mul3A_147, %while3A_166 : i32
      %while3A_168 = arith.constant 1 : i32
      %while3A_169 = scf.for %while3A_173 = %mul3A_147 to %while3A_167 step %while3A_168 iter_args(%while3A_174 = %while3A_161) -> (i32)  : i32 {
        %dma_wait3A = arith.constant 0 : i32
        %dma_wait3A_175 = tpu.memref_slice %arg5[%add3A_100, %dma_wait3A] : memref<20000x128xf32, #tpu.memory_space<hbm>> -> memref<8x128xf32, #tpu.memory_space<hbm>>
        %dma_wait3A_176 = arith.constant 0 : i32
        %dma_wait3A_177 = tpu.memref_slice %arg15[%mul3A_51, %dma_wait3A_176] : memref<10088x128xf32, #tpu.memory_space<vmem_shared>> -> memref<8x128xf32, #tpu.memory_space<vmem_shared>>
        tpu.wait_dma2 semaphore(%arg20 : memref<!tpu.dma_semaphore, #tpu.memory_space<semaphore_mem>>) src(%dma_wait3A_177 : memref<8x128xf32, #tpu.memory_space<vmem_shared>>) dst(%dma_wait3A_175 : memref<8x128xf32, #tpu.memory_space<hbm>>)
        %while3A_178 = arith.constant 0 : i32
        scf.yield %while3A_178 : i32
      }
      %while3A_170 = arith.constant 1 : i32
      %while3A_171 = scf.for %while3A_173 = %while3A_167 to %while3A_163 step %while3A_170 iter_args(%while3A_174 = %while3A_169) -> (i32)  : i32 {
        %dma_wait3A = arith.constant 0 : i32
        %dma_wait3A_175 = tpu.memref_slice %arg5[%add3A_100, %dma_wait3A] : memref<20000x128xf32, #tpu.memory_space<hbm>> -> memref<8x128xf32, #tpu.memory_space<hbm>>
        %dma_wait3A_176 = arith.constant 0 : i32
        %dma_wait3A_177 = tpu.memref_slice %arg15[%mul3A_51, %dma_wait3A_176] : memref<10088x128xf32, #tpu.memory_space<vmem_shared>> -> memref<8x128xf32, #tpu.memory_space<vmem_shared>>
        tpu.wait_dma2 semaphore(%arg20 : memref<!tpu.dma_semaphore, #tpu.memory_space<semaphore_mem>>) src(%dma_wait3A_177 : memref<8x128xf32, #tpu.memory_space<vmem_shared>>) dst(%dma_wait3A_175 : memref<8x128xf32, #tpu.memory_space<hbm>>)
        %while3A_178 = arith.constant 0 : i32
        scf.yield %while3A_178 : i32
      }
      %while3A_172 = arith.constant 0 : i32
      scf.yield %while3A_172 : i32
    }
    %eq3A_139 = arith.constant 0 : i32
    %eq3A_140 = arith.cmpi eq, %arg1, %eq3A_139 : i32
    %convert_element_type3A_141 = arith.extui %eq3A_140 : i1 to i32
    %cond3A_142 = arith.constant 0 : i32
    %cond3A_143 = arith.cmpi ne, %convert_element_type3A_141, %cond3A_142 : i32
    scf.if %cond3A_143 {
      %mul3A_144 = arith.constant 80 : i32
      %mul3A_145 = arith.muli %arg0, %mul3A_144 : i32
      "tpu.region"() ({
        %run_scoped3A_146 = tpu.sem_alloc : memref<!tpu.dma_semaphore, #tpu.memory_space<semaphore_mem>>
        %dma_start3A = arith.constant 0 : i32
        %dma_start3A_147 = tpu.memref_slice %arg6[%mul3A_145, %dma_start3A] : memref<160x128xf32, #tpu.memory_space<hbm>> -> memref<80x128xf32, #tpu.memory_space<hbm>>
        %dma_start3A_148 = arith.constant 10008 : i32
        %dma_start3A_149 = arith.constant 0 : i32
        %dma_start3A_150 = tpu.memref_slice %arg15[%dma_start3A_148, %dma_start3A_149] : memref<10088x128xf32, #tpu.memory_space<vmem_shared>> -> memref<80x128xf32, #tpu.memory_space<vmem_shared>>
        tpu.enqueue_dma source(%dma_start3A_150 : memref<80x128xf32, #tpu.memory_space<vmem_shared>>) target(%dma_start3A_147 : memref<80x128xf32, #tpu.memory_space<hbm>>) target_semaphore(%run_scoped3A_146 : memref<!tpu.dma_semaphore, #tpu.memory_space<semaphore_mem>>)
        %dma_wait3A = arith.constant 0 : i32
        %dma_wait3A_151 = tpu.memref_slice %arg6[%mul3A_145, %dma_wait3A] : memref<160x128xf32, #tpu.memory_space<hbm>> -> memref<80x128xf32, #tpu.memory_space<hbm>>
        %dma_wait3A_152 = arith.constant 10008 : i32
        %dma_wait3A_153 = arith.constant 0 : i32
        %dma_wait3A_154 = tpu.memref_slice %arg15[%dma_wait3A_152, %dma_wait3A_153] : memref<10088x128xf32, #tpu.memory_space<vmem_shared>> -> memref<80x128xf32, #tpu.memory_space<vmem_shared>>
        tpu.wait_dma2 semaphore(%run_scoped3A_146 : memref<!tpu.dma_semaphore, #tpu.memory_space<semaphore_mem>>) src(%dma_wait3A_154 : memref<80x128xf32, #tpu.memory_space<vmem_shared>>) dst(%dma_wait3A_151 : memref<80x128xf32, #tpu.memory_space<hbm>>)
        tpu.yield
      }) : () -> ()
    } else {
    }
    return
  }
}

module attributes {stable_mosaic.version = 14 : i64} {
  func.func @body(%arg0: i32, %arg1: memref<1000x128xf32, #tpu.memory_space<vmem>>, %arg2: memref<1000x1xf32, #tpu.memory_space<vmem>>, %arg3: memref<1000x128xf32, #tpu.memory_space<vmem>>, %arg4: memref<128x128xf32, #tpu.memory_space<vmem>>, %arg5: memref<128x128xf32, #tpu.memory_space<vmem>>, %arg6: memref<1x128xf32, #tpu.memory_space<vmem>>, %arg7: memref<1000x128xf32, #tpu.memory_space<vmem>>) attributes {dimension_semantics = [#tpu.dimension_semantics<arbitrary>], iteration_bounds = array<i64: 20>, scalar_prefetch = 0 : i64, scratch_operands = 0 : i64, tpu.core_type = #tpu.core_type<tc>, window_params = [{transform_indices = @transform_0, window_bounds = array<i64: 1000, 128>}, {transform_indices = @transform_1, window_bounds = array<i64: 1000, 1>}, {transform_indices = @transform_2, window_bounds = array<i64: 1000, 128>}, {pipeline_mode = #tpu.pipeline_mode<synchronous>, transform_indices = @transform_3, window_bounds = array<i64: 128, 128>}, {pipeline_mode = #tpu.pipeline_mode<synchronous>, transform_indices = @transform_4, window_bounds = array<i64: 128, 128>}, {pipeline_mode = #tpu.pipeline_mode<synchronous>, transform_indices = @transform_5, window_bounds = array<i64: 1, 128>}, {transform_indices = @transform_6, window_bounds = array<i64: 1000, 128>}]} {
    %get3A = arith.constant 0 : index
    %get3A_0 = arith.constant 0 : index
    %get3A_1 = vector.load %arg2[%get3A, %get3A_0] : memref<1000x1xf32, #tpu.memory_space<vmem>>, vector<1000x1xf32>
    %max3A = arith.constant 1.000000e+00 : f32
    %max3A_2 = vector.broadcast %max3A : f32 to vector<1000x1xf32>
    %max3A_3 = arith.maximumf %get3A_1, %max3A_2 : vector<1000x1xf32>
    %get3A_4 = arith.constant 0 : index
    %get3A_5 = arith.constant 0 : index
    %get3A_6 = vector.load %arg1[%get3A_4, %get3A_5] : memref<1000x128xf32, #tpu.memory_space<vmem>>, vector<1000x128xf32>
    %div3A = vector.broadcast %max3A_3 : vector<1000x1xf32> to vector<1000x128xf32>
    %div3A_7 = arith.divf %get3A_6, %div3A : vector<1000x128xf32>
    %get3A_8 = arith.constant 0 : index
    %get3A_9 = arith.constant 0 : index
    %get3A_10 = vector.load %arg4[%get3A_8, %get3A_9] : memref<128x128xf32, #tpu.memory_space<vmem>>, vector<128x128xf32>
    %dot_general3A = arith.constant dense<0.000000e+00> : vector<1000x128xf32>
    %dot_general3A_11 = tpu.matmul %div3A_7, %get3A_10, %dot_general3A {dimension_numbers = #tpu.dot_dimension_numbers<[1], [1], [0], [0], [0, 0, 1, 0], [], []>, transpose_lhs_hint = false} : vector<1000x128xf32>, vector<128x128xf32>, vector<1000x128xf32> -> vector<1000x128xf32>
    %get3A_12 = arith.constant 0 : index
    %get3A_13 = arith.constant 0 : index
    %get3A_14 = vector.load %arg3[%get3A_12, %get3A_13] : memref<1000x128xf32, #tpu.memory_space<vmem>>, vector<1000x128xf32>
    %get3A_15 = arith.constant 0 : index
    %get3A_16 = arith.constant 0 : index
    %get3A_17 = vector.load %arg5[%get3A_15, %get3A_16] : memref<128x128xf32, #tpu.memory_space<vmem>>, vector<128x128xf32>
    %dot_general3A_18 = arith.constant dense<0.000000e+00> : vector<1000x128xf32>
    %dot_general3A_19 = tpu.matmul %get3A_14, %get3A_17, %dot_general3A_18 {dimension_numbers = #tpu.dot_dimension_numbers<[1], [1], [0], [0], [0, 0, 1, 0], [], []>, transpose_lhs_hint = false} : vector<1000x128xf32>, vector<128x128xf32>, vector<1000x128xf32> -> vector<1000x128xf32>
    %add3A = arith.addf %dot_general3A_11, %dot_general3A_19 : vector<1000x128xf32>
    %get3A_20 = arith.constant 0 : index
    %get3A_21 = arith.constant 0 : index
    %get3A_22 = vector.load %arg6[%get3A_20, %get3A_21] : memref<1x128xf32, #tpu.memory_space<vmem>>, vector<1x128xf32>
    %add3A_23 = vector.broadcast %get3A_22 : vector<1x128xf32> to vector<1000x128xf32>
    %add3A_24 = arith.addf %add3A, %add3A_23 : vector<1000x128xf32>
    %max3A_25 = arith.constant 0.000000e+00 : f32
    %max3A_26 = vector.broadcast %max3A_25 : f32 to vector<1000x128xf32>
    %max3A_27 = arith.maximumf %add3A_24, %max3A_26 : vector<1000x128xf32>
    %swap3A = arith.constant 0 : index
    %swap3A_28 = arith.constant 0 : index
    %swap3A_29 = vector.load %arg7[%swap3A, %swap3A_28] : memref<1000x128xf32, #tpu.memory_space<vmem>>, vector<1000x128xf32>
    tpu.vector_store %arg7[%swap3A, %swap3A_28], %max3A_27 {strides = array<i32>} : memref<1000x128xf32, #tpu.memory_space<vmem>>, vector<1000x128xf32>,
    return
  }
  func.func @transform_0(%arg0: i32) -> (i32, i32) {
    %c0_i32 = arith.constant 0 : i32
    %c0_i32_0 = arith.constant 0 : i32
    return %arg0, %c0_i32 : i32, i32
  }
  func.func @transform_1(%arg0: i32) -> (i32, i32) {
    %c0_i32 = arith.constant 0 : i32
    %c0_i32_0 = arith.constant 0 : i32
    return %arg0, %c0_i32 : i32, i32
  }
  func.func @transform_2(%arg0: i32) -> (i32, i32) {
    %c0_i32 = arith.constant 0 : i32
    %c0_i32_0 = arith.constant 0 : i32
    return %arg0, %c0_i32 : i32, i32
  }
  func.func @transform_3(%arg0: i32) -> (i32, i32) {
    %c0_i32 = arith.constant 0 : i32
    %c0_i32_0 = arith.constant 0 : i32
    %c0_i32_1 = arith.constant 0 : i32
    return %c0_i32, %c0_i32_0 : i32, i32
  }
  func.func @transform_4(%arg0: i32) -> (i32, i32) {
    %c0_i32 = arith.constant 0 : i32
    %c0_i32_0 = arith.constant 0 : i32
    %c0_i32_1 = arith.constant 0 : i32
    return %c0_i32, %c0_i32_0 : i32, i32
  }
  func.func @transform_5(%arg0: i32) -> (i32, i32) {
    %c0_i32 = arith.constant 0 : i32
    %c0_i32_0 = arith.constant 0 : i32
    %c0_i32_1 = arith.constant 0 : i32
    return %c0_i32, %c0_i32_0 : i32, i32
  }
  func.func @transform_6(%arg0: i32) -> (i32, i32) {
    %c0_i32 = arith.constant 0 : i32
    %c0_i32_0 = arith.constant 0 : i32
    return %arg0, %c0_i32 : i32, i32
  }
}

module attributes {stable_mosaic.version = 14 : i64} {
  func.func @body(%arg0: memref<4000x128xf32, #tpu.memory_space<vmem>>, %arg1: memref<4000x1xf32, #tpu.memory_space<vmem>>, %arg2: memref<4000x128xf32, #tpu.memory_space<vmem>>, %arg3: memref<128x128xf32, #tpu.memory_space<vmem>>, %arg4: memref<128x128xf32, #tpu.memory_space<vmem>>, %arg5: memref<1x128xf32, #tpu.memory_space<vmem>>, %arg6: memref<4000x128xf32, #tpu.memory_space<vmem>>) attributes {dimension_semantics = [], scalar_prefetch = 0 : i64, scratch_operands = 0 : i64, tpu.core_type = #tpu.core_type<tc>} {
    %get3A = arith.constant 0 : index
    %get3A_0 = arith.constant 0 : index
    %get3A_1 = vector.load %arg1[%get3A, %get3A_0] : memref<4000x1xf32, #tpu.memory_space<vmem>>, vector<4000x1xf32>
    %max3A = arith.constant 1.000000e+00 : f32
    %max3A_2 = vector.broadcast %max3A : f32 to vector<4000x1xf32>
    %max3A_3 = arith.maximumf %get3A_1, %max3A_2 : vector<4000x1xf32>
    %get3A_4 = arith.constant 0 : index
    %get3A_5 = arith.constant 0 : index
    %get3A_6 = vector.load %arg0[%get3A_4, %get3A_5] : memref<4000x128xf32, #tpu.memory_space<vmem>>, vector<4000x128xf32>
    %div3A = vector.broadcast %max3A_3 : vector<4000x1xf32> to vector<4000x128xf32>
    %div3A_7 = arith.divf %get3A_6, %div3A : vector<4000x128xf32>
    %get3A_8 = arith.constant 0 : index
    %get3A_9 = arith.constant 0 : index
    %get3A_10 = vector.load %arg3[%get3A_8, %get3A_9] : memref<128x128xf32, #tpu.memory_space<vmem>>, vector<128x128xf32>
    %dot_general3A = arith.constant dense<0.000000e+00> : vector<4000x128xf32>
    %dot_general3A_11 = tpu.matmul %div3A_7, %get3A_10, %dot_general3A {dimension_numbers = #tpu.dot_dimension_numbers<[1], [1], [0], [0], [0, 0, 1, 0], [], []>, transpose_lhs_hint = false} : vector<4000x128xf32>, vector<128x128xf32>, vector<4000x128xf32> -> vector<4000x128xf32>
    %get3A_12 = arith.constant 0 : index
    %get3A_13 = arith.constant 0 : index
    %get3A_14 = vector.load %arg2[%get3A_12, %get3A_13] : memref<4000x128xf32, #tpu.memory_space<vmem>>, vector<4000x128xf32>
    %get3A_15 = arith.constant 0 : index
    %get3A_16 = arith.constant 0 : index
    %get3A_17 = vector.load %arg4[%get3A_15, %get3A_16] : memref<128x128xf32, #tpu.memory_space<vmem>>, vector<128x128xf32>
    %dot_general3A_18 = arith.constant dense<0.000000e+00> : vector<4000x128xf32>
    %dot_general3A_19 = tpu.matmul %get3A_14, %get3A_17, %dot_general3A_18 {dimension_numbers = #tpu.dot_dimension_numbers<[1], [1], [0], [0], [0, 0, 1, 0], [], []>, transpose_lhs_hint = false} : vector<4000x128xf32>, vector<128x128xf32>, vector<4000x128xf32> -> vector<4000x128xf32>
    %add3A = arith.addf %dot_general3A_11, %dot_general3A_19 : vector<4000x128xf32>
    %get3A_20 = arith.constant 0 : index
    %get3A_21 = arith.constant 0 : index
    %get3A_22 = vector.load %arg5[%get3A_20, %get3A_21] : memref<1x128xf32, #tpu.memory_space<vmem>>, vector<1x128xf32>
    %add3A_23 = vector.broadcast %get3A_22 : vector<1x128xf32> to vector<4000x128xf32>
    %add3A_24 = arith.addf %add3A, %add3A_23 : vector<4000x128xf32>
    %iota3A = tpu.iota {dimensions = array<i32: 1>} : vector<4000x128xi32>
    %lt3A = arith.constant 47 : i32
    %lt3A_25 = vector.broadcast %lt3A : i32 to vector<4000x128xi32>
    %lt3A_26 = arith.cmpi slt, %iota3A, %lt3A_25 : vector<4000x128xi32>
    %jit3A = arith.constant 0xFF800000 : f32
    %broadcast_in_dim3A = vector.broadcast %jit3A : f32 to vector<4000x128xf32>
    %select_n3A = arith.select %lt3A_26, %add3A_24, %broadcast_in_dim3A : vector<4000x128xi1>, vector<4000x128xf32>
    %reduce_max3A = arith.constant dense<0xFF800000> : vector<4000xf32>
    %reduce_max3A_27 = vector.multi_reduction <maximumf>, %select_n3A, %reduce_max3A [1] : vector<4000x128xf32> to vector<4000xf32>
    %broadcast_in_dim3A_28 = vector.shape_cast %reduce_max3A_27 : vector<4000xf32> to vector<4000x1xf32>
    %sub3A = vector.broadcast %broadcast_in_dim3A_28 : vector<4000x1xf32> to vector<4000x128xf32>
    %sub3A_29 = arith.subf %select_n3A, %sub3A : vector<4000x128xf32>
    %exp3A = math.exp %sub3A_29 : vector<4000x128xf32>
    %reduce_sum3A = arith.constant dense<0.000000e+00> : vector<4000xf32>
    %reduce_sum3A_30 = vector.multi_reduction <add>, %exp3A, %reduce_sum3A [1] : vector<4000x128xf32> to vector<4000xf32>
    %broadcast_in_dim3A_31 = vector.shape_cast %reduce_sum3A_30 : vector<4000xf32> to vector<4000x1xf32>
    %log3A = math.log %broadcast_in_dim3A_31 : vector<4000x1xf32>
    %add3A_32 = arith.addf %log3A, %broadcast_in_dim3A_28 : vector<4000x1xf32>
    %sub3A_33 = vector.broadcast %add3A_32 : vector<4000x1xf32> to vector<4000x128xf32>
    %sub3A_34 = arith.subf %add3A_24, %sub3A_33 : vector<4000x128xf32>
    %swap3A = arith.constant 0 : index
    %swap3A_35 = arith.constant 0 : index
    %swap3A_36 = vector.load %arg6[%swap3A, %swap3A_35] : memref<4000x128xf32, #tpu.memory_space<vmem>>, vector<4000x128xf32>
    tpu.vector_store %arg6[%swap3A, %swap3A_35], %sub3A_34 {strides = array<i32>} : memref<4000x128xf32, #tpu.memory_space<vmem>>, vector<4000x128xf32>,
    return
  }
}

</mosaic_0001>

<sc_bundles>
// kernel: kernel.6.cloned.1.call-start
scs
__scs_entry_jumppad:
0x0: {  	(pc) =	sbr.rel $0x88, $3  }
0x1: {  	(tag) =	ssettag $0x0;
	lr =	simm.s32 $0x1  }
0x2: {  	[smem:$0x3F98] =	sst lr;
	_ =	strace $0xD0000000  }
0x3: {  	_ = 	snop  }
0x4: {  	_ = 	snop  }
0x5: {  	_ = 	snop  }
0x6: {  	_ = 	snop  }
0x7: {  	_ = 	snop  }
__scs_overlays_trampoline_lowered:
0x8: {  	[smem:$0x3FA7] =	sst s0  }
0x9: {  	[smem:$0x3FA8] =	sst s1  }
0xa: {  	[smem:$0x3FA9] =	sst s2  }
0xb: {  	[smem:$0x3FAA] =	sst s3  }
0xc: {  	[smem:$0x3FAB] =	sst s4  }
0xd: {  	[smem:$0x3FAC] =	sst s5  }
0xe: {  	[smem:$0x3FAD] =	sst s6  }
0xf: {  	[smem:$0x3FAE] =	sst s7  }
0x10: {  	[smem:$0x3FAF] =	sst s8  }
0x11: {  	[smem:$0x3FB0] =	sst s9;
	s0 =	simm.s32 @!p0 $0x0  }
0x12: {  	s1 =	sld [smem:$0x3F96];
	s0 =	simm.s32 @p0 $0x1  }
0x13: {  	[smem:$0x3FB1] =	sst s0;
	s0 =	simm.s32 @!p1 $0x0  }
0x14: {  	s2 =	sld [smem:$0x3F95];
	s0 =	simm.s32 @p1 $0x1  }
0x15: {  	[smem:$0x3FB2] =	sst s0;
	s0 =	simm.s32 @!p2 $0x0  }
0x16: {  	s3 =	sld [smem:$0x3FDB];
	s0 =	simm.s32 @p2 $0x1  }
0x17: {  	s4 =	simm.s32 $0x1BF5;
	[smem:$0x3FB4] =	sst s0  }
0x18: {  	s0 =	sld [smem:$0x3F97];
	_ =	swait.ge [sflag:s4], $0x0  }
0x19: {  	s7 =	sld [smem:$0x3F98]  }
0x1a: {  	s8 =	sadd.s32 $0xFFFFE003, lr  }
0x1b: {  	s9 =	sadd.s32 $0xFFFFFEF7, lr;
	s5 =	simm.s32 $0xFFFFFFFF;
	p2 =	slt.u32 s8, $0xFFFFF086  }
0x1c: {  	p1 =	slt.u32 s9, $0xF7A;
	s5 =	simm.s32 @!p2 $0x0  }
0x1d: {  	s5 =	simm.s32 @p1 $0x1;
	p0 =	seq.s32 s7, s2  }
0x1e: {  	s7 =	smul.u32 @!p0 $0xF7A, s2;
	p2 =	seq.s32 @!p0 s5, $0x0  }
0x1f: {  	s9 =	smul.u32 $0xF7A, s1;
	s8 =	simm.s32 @!p0 $0x1BF5;
	p2 =	por !p2, p0  }
0x20: {  	[sflag:s8] =	ssyncset.s32 @!p0 $0xFFFFF086;
	s6 =	sadd.s32 @!p0 s3, s7;
	s7 =	simm.s32 @!p0 $0x108  }
0x21: {  	s3 =	sadd.s32 s3, s9;
	s6 =	sadd.s32 @!p0 $0x88, s6;
	s7 =	simm.s32 @p2 $0x1082  }
0x22: {  	[simem:s7], [sflag:s8] =	dma.local @!p0 [hbm:s6], $0xF7A  }
0x23: {  	s9 =	sor.u32 $0xD0000000, s2;
	s6 =	simm.s32 $0x108;
	_ =	swait.ge @!p0 [sflag:s8], $0x0  }
0x24: {  	s3 =	sadd.s32 $0x88, s3;
	s6 =	simm.s32 @!p1 $0x1082;
	[sflag:s4] =	ssyncset.s32 $0xFFFFF086  }
0x25: {  	[simem:s6], [sflag:s4] =	dma.local [hbm:s3], $0xF7A  }
0x26: {  	[smem:$0x3F98] =	sst s1;
	(tag) =	ssettag s2;
	_ =	strace s9  }
0x27: {  	s1 =	sld [smem:$0x3FA8]  }
0x28: {  	s2 =	sld [smem:$0x3FA9]  }
0x29: {  	s4 =	sld [smem:$0x3FAB]  }
0x2a: {  	p0 =	seq.s32 s5, $0x0;
	s5 =	sld [smem:$0x3FAC]  }
0x2b: {  	s6 =	sld [smem:$0x3FAD]  }
0x2c: {  	s7 =	sld [smem:$0x3FAE]  }
0x2d: {  	s3 =	simm.s32 $0x108;
	s8 =	sld [smem:$0x3FAF]  }
0x2e: {  	s3 =	simm.s32 @!p0 $0x1082;
	s9 =	sld [smem:$0x3FB0]  }
0x2f: {  	lr =	sadd.s32 s0, s3;
	s0 =	sld [smem:$0x3FA7]  }
0x30: {  	s3 =	sld [smem:$0x3FAA]  }
0x31: {  	[smem:$0x3FB3] =	sst s10  }
0x32: {  	s10 =	sld [smem:$0x3FB1];
	_ =	sdelay $0x3  }
0x33: {  	p0 =	seq.s32 s10, $0x1;
	s10 =	sld [smem:$0x3FB3];
	_ =	sdelay $0x3  }
0x34: {  	[smem:$0x3FB3] =	sst s10  }
0x35: {  	s10 =	sld [smem:$0x3FB2];
	_ =	sdelay $0x3  }
0x36: {  	p1 =	seq.s32 s10, $0x1;
	s10 =	sld [smem:$0x3FB3];
	_ =	sdelay $0x3  }
0x37: {  	[smem:$0x3FB3] =	sst s10  }
0x38: {  	s10 =	sld [smem:$0x3FB4]  }
0x39: {  	_ = 	snop;
	(pc) =	sbr.ind lr, $3  }
0x3a: {  	_ = 	snop  }
0x3b: {  	_ = 	snop  }
0x3c: {  	p2 =	seq.s32 s10, $0x1;
	s10 =	sld [smem:$0x3FB3]  }
0x3d: {  	_ =	shalt  }
0x3e: {  	_ =	shalt  }
0x3f: {  	_ =	shalt  }
0x40: {  	_ =	shalt  }
0x41: {  	_ =	shalt  }
0x42: {  	_ =	shalt  }
0x43: {  	_ =	shalt  }
0x44: {  	_ =	shalt  }
0x45: {  	_ =	shalt  }
0x46: {  	_ =	shalt  }
0x47: {  	_ =	shalt  }
0x48: {  	_ =	shalt  }
0x49: {  	_ =	shalt  }
0x4a: {  	_ =	shalt  }
0x4b: {  	_ =	shalt  }
0x4c: {  	_ =	shalt  }
0x4d: {  	_ =	shalt  }
0x4e: {  	_ =	shalt  }
0x4f: {  	_ =	shalt  }
0x50: {  	_ =	shalt  }
0x51: {  	_ =	shalt  }
0x52: {  	_ =	shalt  }
0x53: {  	_ =	shalt  }
0x54: {  	_ =	shalt  }
0x55: {  	_ =	shalt  }
0x56: {  	_ =	shalt  }
0x57: {  	_ =	shalt  }
0x58: {  	_ =	shalt  }
0x59: {  	_ =	shalt  }
0x5a: {  	_ =	shalt  }
0x5b: {  	_ =	shalt  }
0x5c: {  	_ =	shalt  }
0x5d: {  	_ =	shalt  }
0x5e: {  	_ =	shalt  }
0x5f: {  	_ =	shalt  }
0x60: {  	_ =	shalt  }
0x61: {  	_ =	shalt  }
0x62: {  	_ =	shalt  }
0x63: {  	_ =	shalt  }
0x64: {  	_ =	shalt  }
0x65: {  	_ =	shalt  }
0x66: {  	_ =	shalt  }
0x67: {  	_ =	shalt  }
0x68: {  	_ =	shalt  }
0x69: {  	_ =	shalt  }
0x6a: {  	_ =	shalt  }
0x6b: {  	_ =	shalt  }
0x6c: {  	_ =	shalt  }
0x6d: {  	_ =	shalt  }
0x6e: {  	_ =	shalt  }
0x6f: {  	_ =	shalt  }
0x70: {  	_ =	shalt  }
0x71: {  	_ =	shalt  }
0x72: {  	_ =	shalt  }
0x73: {  	_ =	shalt  }
0x74: {  	_ =	shalt  }
0x75: {  	_ =	shalt  }
0x76: {  	_ =	shalt  }
0x77: {  	_ =	shalt  }
0x78: {  	_ =	shalt  }
0x79: {  	_ =	shalt  }
0x7a: {  	_ =	shalt  }
0x7b: {  	_ =	shalt  }
0x7c: {  	_ =	shalt  }
0x7d: {  	_ =	shalt  }
0x7e: {  	_ =	shalt  }
0x7f: {  	_ =	shalt  }
0x80: {  	_ =	shalt  }
0x81: {  	_ =	shalt  }
0x82: {  	_ =	shalt  }
0x83: {  	_ =	shalt  }
0x84: {  	_ =	shalt  }
0x85: {  	_ =	shalt  }
0x86: {  	_ =	shalt  }
0x87: {  	_ =	shalt  }
.Lfunc_end0:
.L_simem_size_0:
called_computation_lowered:
.L_overlay_start_0:
0x88: {  	s2 =	sld [smem:$0x3FD9]  }
0x89: {  	s3 =	sld [smem:$0x3FFE];
	_ =	sdelay $0x1  }
0x8a: {  	s1 =	srdreg.scid  }
0x8b: {  	s0 =	sand.u32 $0x1, s1  }
0x8c: {  	s17 =	sshll.u32 s0, $0xA;
	s2 =	sadd.s32 s3, s2  }
0x8d: {  	s2 =	sadd.s32 s2, s17  }
0x8e: {  	[smem:$0x3FBF] =	sst s2  }
0x8f: {  	_ = 	snop  }
0x90: {  	s2 =	sld [smem:$0x3FC9];
	(tm) =	ssettm $0x1  }
0x91: {  	s18 =	sld [smem:$0x3FFB];
	_ =	sdelay $0x3  }
0x92: {  	_ =	strace s18  }
0x93: {  	s3 =	sld [smem:$0x3FFC];
	_ =	sdelay $0x3  }
0x94: {  	_ =	strace s3  }
0x95: {  	s3 =	sld [smem:$0x3FFD];
	_ =	sdelay $0x3  }
0x96: {  	_ =	strace s3  }
0x97: {  	_ =	strace $0x8FFFFFFF  }
0x98: {  	s19 =	sld [smem:$0x3FDB];
	_ =	sdelay $0x1  }
0x99: {  	s4 =	simm.s32 $_scs_section_size  }
0x9a: {  	s5 =	simm.s32 $_size__tile_overlayer_lowered;
	s6 =	simm.s32 $_tile_overlayer_lowered  }
0x9b: {  	s22 =	simm.s32 $0x1BFF;
	s21 =	sshll.u32 s6, $0x1;
	s3 =	sadd.s32 s4, s19  }
0x9c: {  	s7 =	simm.s32 $0x0;
	s20 =	sshll.u32 s5, $0x1;
	s5 =	sadd.s32 s21, s3  }
0x9d: {  	[timem:s7], [sflag:s22] =	dma.local [hbm:s5], s20  }
0x9e: {  	_ =	swait.ge [sflag:s22], s20  }
0x9f: {  	s4 =	ssub.s32 $0x0, s20;
	[sflag:s22] =	ssyncset.done $0x0  }
0xa0: {  	[sflag:s22] =	ssyncadd.s32 s4;
	_ =	sdelay $0x1  }
0xa1: {  	s23 =	simm.s32 $0x1B8B  }
0xa2: {  	_ =	swait.ge [sflag:s23], $0x1  }
0xa3: {  	[sflag:s23] =	ssyncset.done $0x0  }
0xa4: {  	s25 =	simm.s32 $0x1B8E;
	s24 =	sld [smem:$0x3FFE];
	[sflag:s23] =	ssyncadd.s32 $0xFFFFFFFF  }
0xa5: {  	s26 =	simm.s32 $execute0_lowered;
	[smem:$0x3FD2] =	sst s25  }
0xa6: {  	s5 =	sshll.u32 s26, $0x1;
	_ =	strace $0x80000046;
	[dreg:$0x1] =	wrdreg $0xFFFFFFFF  }
0xa7: {  	s28 =	simm.s32 $_size_execute0_lowered;
	s3 =	sadd.s32 s3, s5;
	[dreg:$0x0] =	wrdreg $0x0  }
0xa8: {  	s5 =	sshll.u32 s28, $0x1;
	[dreg:$0x2] =	wrdreg s3  }
0xa9: {  	[dreg:$0x3] =	wrdreg s5  }
0xaa: {  	[dreg:$0x4] =	wrdreg $0xC0  }
0xab: {  	_ =	task [dreg:s7], $0x5FFFF  }
0xac: {  	[dreg:$0x1] =	wrdreg $0xFFFFFFFF  }
0xad: {  	[dreg:$0x0] =	wrdreg $0x60  }
0xae: {  	[dreg:$0x2] =	wrdreg s2  }
0xaf: {  	[dreg:$0x3] =	wrdreg s24  }
0xb0: {  	[dreg:$0x4] =	wrdreg $0xA0800  }
0xb1: {  	[dreg:$0x5] =	wrdreg $0x9  }
0xb2: {  	_ =	task.clear_ibuf [dreg:s7], $0x6FFFF;
	_ =	strace $0x90000046  }
0xb3: {  	s29 =	simm.s32 $0x9;
	_ =	strace $0x80000048  }
0xb4: {  	_ =	swait.ge [sflag:s29], $0x1  }
0xb5: {  	[sflag:s29] =	ssyncadd.s32 $0xFFFFFFFF  }
0xb6: {  	_ =	strace $0x90000048  }
0xb7: {  	_ =	sfence  }
0xb8: {  	s30 =	sld [smem:$0x0];
	_ =	sdelay $0x2  }
0xb9: {  	s31 =	sshll.u32 s1, $0xD;
	s1 =	sshrl.u32 s1, $0x2  }
0xba: {  	s3 =	sand.u32 $0x4000, s31;
	s1 =	sadd.s32 s1, s30  }
0xbb: {  	s0 =	sor.u32 s3, s0;
	s1 =	sshll.u32 s1, $0x11  }
0xbc: {  	s0 =	sor.u32 s1, s0  }
0xbd: {  	s0 =	sadd.s32 $0x8F2B, s0  }
0xbe: {  	[sflag:s0] =	ssyncadd.remote.s32 $0x1  }
0xbf: {  	_ =	sfence.sel $0xFFFF  }
0xc0: {  	[dreg:$0x0] =	wrdreg $0xFFFFFFFF;
	(pc) =	sbr.abs _section_cstart, $3  }
0xc1: {  	[dreg:$0x1] =	wrdreg $0xFFFFFFFF  }
0xc2: {  	_ =	task.clear_ibuf [dreg:s7], $0x2FFFF;
	_ =	strace $0x9FFFFFFF  }
0xc3: {  	(tm) =	ssettm $0x7FFFFFFF  }
tec
execute0_lowered:
.L_overlay_start_1:
0x0: {  	(tag) =	ssettag $0x1  }
0x1: {  	s1 =	rddreg [dreg:$0x0]  }
0x2: {  	s0 =	rddreg [dreg:$0x1]  }
0x3: {  	s2 =	rddreg [dreg:$0x2];
	s4 =	srdreg.scid  }
0x4: {  	s3 =	simm.s32 $0x0;
	s28 =	simm.s32 $0x800;
	s29 =	simm.s32 $0x7800  }
0x5: {  	s30 =	simm.s32 $0x1000;
	[smem:$0x7FF] =	sst s3;
	s13 =	sadd.s32 $0x139000, s2  }
0x6: {  	s16 =	sadd.s32 $0x139400, s2;
	_ =	strace $0x80000047;
	[dreg:$0x4] =	wrdreg s13  }
0x7: {  	s31 =	simm.s32 $0x2400;
	s17 =	sadd.s32 $0x139800, s2;
	[dreg:$0x5] =	wrdreg s16  }
0x8: {  	s7 =	sand.u32 $0x1, s4;
	s18 =	sadd.s32 $0x139C00, s2;
	[dreg:$0x6] =	wrdreg s17  }
0x9: {  	s4 =	sadd.s32 $0xB400, s0;
	s19 =	sadd.s32 $0x13A400, s2;
	[dreg:$0x7] =	wrdreg s18  }
0xa: {  	s5 =	sadd.s32 $0x1600, s0;
	s20 =	sadd.s32 $0x13A000, s2;
	[dreg:$0x8] =	wrdreg s19  }
0xb: {  	s21 =	sadd.s32 $0x13A800, s2;
	s14 =	sadd.s32 $0x13AC00, s2;
	[dreg:$0x9] =	wrdreg s20  }
0xc: {  	s23 =	sadd.s32 $0x13B000, s2;
	s6 =	smul.u32 $0x27100, s7;
	[dreg:$0xa] =	wrdreg s21  }
0xd: {  	s8 =	smul.u32 $0x500, s7;
	s9 =	ssub.s32 $0x2, s7;
	[dreg:$0xb] =	wrdreg s14  }
0xe: {  	s7 =	smul.u32 $0x2710, s7;
	[dreg:$0xc] =	wrdreg s23;
	s15 =	sshrl.u32 s9, $0x1  }
0xf: {  	s10 =	sadd.s32 s6, s0;
	s0 =	sadd.s32 s8, s0;
	s6 =	stileid.u32  }
0x10: {  	s11 =	ssub.s32 s9, s15;
	s8 =	simm.s32 $0x50;
	s12 =	smul.u32 $0x4E000, s6  }
0x11: {  	s9 =	sadd.s32 $0x138C00, s2;
	s24 =	sadd.s32 $0x2710, s7;
	s22 =	smul.u32 $0x2700, s6  }
0x12: {  	p0 =	seq.s32 s6, $0xF;
	s20 =	smul.u32 $0x4E20, s6;
	s0 =	sadd.s32 $0x15200, s0  }
0x13: {  	v1 =	vmov s24;
	s25 =	smax.u32 s11, $0x1;
	s24 =	simm.s32 $0x3800;
	[dreg:$0xd] =	wrdreg s0  }
.Ltmp0:
0x14: {  	s8 =	simm.s32 @!p0 $0x4E;
	[dreg:$0xe] =	wrdreg s25;
	(pc) =	sbr.rel .LBB2_1-.Ltmp0, $4  }
0x15: {  	v2 =	vlaneseq.u32;
	v3 =	vimm.f32 $0.0e+00;
	s25 =	simm.s32 $0x5;
	p0 =	sne.s32 s6, $0x0;
	s10 =	sadd.s32 s22, s10  }
0x16: {  	v9 =	vimm.f32 $1.000000000e+00;
	v10 =	vimm.s32 $0x0;
	v11 =	vimm.s32 $0x2710;
	s12 =	sshrl.u32 s12, $0x2;
	s0 =	simm.s32 @!p0 $0x0;
	s26 =	sadd.s32 $0x15C00, s10  }
0x17: {  	v4 =	vadd.s32 $0x2718, v2;
	v5 =	vadd.s32 $0x2728, v2;
	v6 =	vadd.s32 $0x2738, v2;
	s13 =	sadd.s32 s12, s2;
	s0 =	simm.s32 @p0 $0x1;
	[dreg:$0xf] =	wrdreg s26  }
0x18: {  	v7 =	vadd.s32 $0x2748, v2;
	v8 =	vadd.s32 $0x2758, v2;
	v0 =	vmov s7;
	[smem:$0x7FD] =	sst s0;
	s26 =	simm.s32 $0x6;
	s0 =	simm.s32 $0x40  }
.LBB2_36:
0x19: {  	s7 =	sld [smem:$0x7FD];
	_ =	sdelay $0x2  }
0x1a: {  	p1 =	seq.s32 s7, $0x1  }
0x1b: {  	s11 =	rddreg [dreg:$0xd];
	s7 =	sshrl.u32 @!p1 s9, $0x3;
	s10 =	simm.s32 @!p1 $0x1C06  }
0x1c: {  	[hbm:s11], [sflag:s10] =	dma.local @!p1 [spmem:s7], $0x500  }
0x1d: {  	s7 =	simm.s32 @!p1 $0x6  }
0x1e: {  	_ =	swait.ge @!p1 [sflag:s7], $0x500  }
0x1f: {  	s3 =	sadd.s32 $0x1, s3;
	s23 =	rddreg [dreg:$0xe]  }
0x20: {  	p0 =	sne.s32 s3, s23  }
.Ltmp1:
0x21: {  	_ = 	snop;
	(pc) =	sbr.rel @!p0 .LBB2_37-.Ltmp1, $3  }
0x22: {  	_ =	sdelay $0x1  }
0x23: {  	[sflag:s7] =	ssyncset.done @!p1 $0x0  }
0x24: {  	[sflag:s7] =	ssyncadd.s32 @!p1 $0xFFFFFB00  }
.LBB2_1:
0x25: {  	s7 =	simm.s32 $0x0;
	s10 =	simm.s32 $0x200  }
.LBB2_2:
0x26: {  	p1 =	sne.s32 s10, $0x7E00;
	[tilespmem:s7+$0x5870] =	vst v3  }
0x27: {  	[tilespmem:s7+$0x3800] =	vst v3  }
0x28: {  	[tilespmem:s7+$0x5800] =	vst v3  }
0x29: {  	[tilespmem:s7+$0x3810] =	vst v3  }
0x2a: {  	[tilespmem:s7+$0x5810] =	vst v3  }
0x2b: {  	[tilespmem:s7+$0x3820] =	vst v3  }
0x2c: {  	[tilespmem:s7+$0x5820] =	vst v3  }
0x2d: {  	[tilespmem:s7+$0x3830] =	vst v3  }
0x2e: {  	[tilespmem:s7+$0x5830] =	vst v3  }
0x2f: {  	[tilespmem:s7+$0x3840] =	vst v3  }
0x30: {  	[tilespmem:s7+$0x5840] =	vst v3  }
.Ltmp2:
0x31: {  	[tilespmem:s7+$0x3850] =	vst v3;
	(pc) =	sbr.rel @p1 .LBB2_2-.Ltmp2, $4  }
0x32: {  	[tilespmem:s7+$0x5850] =	vst v3  }
0x33: {  	[tilespmem:s7+$0x3860] =	vst v3  }
0x34: {  	[tilespmem:s7+$0x5860] =	vst v3  }
0x35: {  	[tilespmem:s7+$0x3870] =	vst v3;
	s7 =	sshra.s32 s10, $0x2;
	s10 =	sadd.s32 $0x200, s10  }
0x36: {  	[tilespmem:s7+$0x5870] =	vst v3  }
0x37: {  	[tilespmem:s7+$0x3800] =	vst v3  }
0x38: {  	[tilespmem:s7+$0x5800] =	vst v3  }
0x39: {  	[tilespmem:s7+$0x3810] =	vst v3  }
0x3a: {  	[tilespmem:s7+$0x5810] =	vst v3  }
0x3b: {  	[tilespmem:s7+$0x3820] =	vst v3  }
0x3c: {  	[tilespmem:s7+$0x5820] =	vst v3  }
0x3d: {  	[tilespmem:s7+$0x3830] =	vst v3  }
0x3e: {  	[tilespmem:s7+$0x5830] =	vst v3  }
0x3f: {  	[tilespmem:s7+$0x3840] =	vst v3  }
0x40: {  	[tilespmem:s7+$0x5840] =	vst v3  }
0x41: {  	[tilespmem:s7+$0x3850] =	vst v3  }
0x42: {  	[tilespmem:s7+$0x5850] =	vst v3  }
0x43: {  	[tilespmem:s7+$0x3860] =	vst v3  }
0x44: {  	[tilespmem:s7+$0x5860] =	vst v3  }
0x45: {  	[tilespmem:s7+$0x3870] =	vst v3;
	s7 =	simm.s32 $0x0;
	s10 =	simm.s32 $0x200  }
.LBB2_4:
0x46: {  	p1 =	sne.s32 s10, $0x9E00;
	[tilespmem:s7+$0x7870] =	vst v3  }
0x47: {  	[tilespmem:s7+$0x7800] =	vst v3  }
0x48: {  	[tilespmem:s7+$0x7810] =	vst v3  }
.Ltmp3:
0x49: {  	[tilespmem:s7+$0x7820] =	vst v3;
	(pc) =	sbr.rel @p1 .LBB2_4-.Ltmp3, $4  }
0x4a: {  	[tilespmem:s7+$0x7830] =	vst v3  }
0x4b: {  	[tilespmem:s7+$0x7840] =	vst v3  }
0x4c: {  	[tilespmem:s7+$0x7850] =	vst v3  }
0x4d: {  	[tilespmem:s7+$0x7860] =	vst v3;
	s7 =	sshra.s32 s10, $0x2;
	s10 =	sadd.s32 $0x200, s10  }
0x4e: {  	[tilespmem:s7+$0x7870] =	vst v3  }
0x4f: {  	[tilespmem:s7+$0x7800] =	vst v3  }
0x50: {  	[tilespmem:s7+$0x7810] =	vst v3  }
0x51: {  	[tilespmem:s7+$0x7820] =	vst v3  }
0x52: {  	[tilespmem:s7+$0x7830] =	vst v3  }
0x53: {  	[tilespmem:s7+$0x7840] =	vst v3  }
0x54: {  	[tilespmem:s7+$0x7850] =	vst v3  }
0x55: {  	[tilespmem:s7+$0x7860] =	vst v3  }
.Ltmp4:
0x56: {  	[tilespmem:$0xA000] =	vst v4;
	(pc) =	sbr.rel .LBB2_6-.Ltmp4, $4  }
0x57: {  	[tilespmem:$0xA010] =	vst v5  }
0x58: {  	[tilespmem:$0xA020] =	vst v6  }
0x59: {  	[tilespmem:$0xA030] =	vst v7  }
0x5a: {  	s7 =	simm.s32 $0x0;
	s10 =	smov.u32 s13;
	[tilespmem:$0xA040] =	vst v8  }
.LBB2_11:
0x5b: {  	[sflag:s25] =	ssyncadd.s32 $0xFFFFFC00  }
.LBB2_12:
0x5c: {  	s7 =	sadd.s32 $0x1, s7  }
0x5d: {  	p1 =	sne.s32 s7, $0xA  }
.Ltmp5:
0x5e: {  	_ = 	snop;
	(pc) =	sbr.rel @!p1 .LBB2_13-.Ltmp5, $2  }
0x5f: {  	_ =	sdelay $0x2  }
0x60: {  	s10 =	sadd.s32 $0x2000, s10  }
.LBB2_6:
0x61: {  	s12 =	sshll.u32 s7, $0x3  }
0x62: {  	p1 =	sle.u32 s8, s12  }
.Ltmp6:
0x63: {  	_ = 	snop;
	(pc) =	sbr.rel @p1 .LBB2_12-.Ltmp6, $1  }
0x64: {  	_ =	sdelay $0x3  }
0x65: {  	s11 =	sadd.s32 $0x8, s12  }
0x66: {  	s14 =	sadd.s32 $0x1, s12;
	s11 =	smin.u32 s11, s8  }
0x67: {  	p1 =	slt.u32 s14, s11  }
.Ltmp7:
0x68: {  	_ = 	snop;
	(pc) =	sbr.rel @!p1 .LBB2_9-.Ltmp7, $3  }
0x69: {  	_ =	sdelay $0x1  }
0x6a: {  	[spmem:s10] =	stream.linear.scatter [tilespmem:s24], [sflag:$0x5], $0x400, $0x38;
	[tilespmem:$0x1DBC0] =	vst v63  }
0x6b: {  	s15 =	smov.u32 s10  }
.LBB2_8:
0x6c: {  	s14 =	sadd.s32 $0x1, s14  }
0x6d: {  	p1 =	slt.u32 s14, s11  }
.Ltmp8:
0x6e: {  	_ = 	snop;
	(pc) =	sbr.rel @p1 .LBB2_8-.Ltmp8, $3  }
0x6f: {  	_ = 	snop  }
0x70: {  	s15 =	sadd.s32 $0x400, s15;
	_ =	sdelay $0x1  }
0x71: {  	[spmem:s15] =	stream.linear.scatter [tilespmem:s24], [sflag:$0x5], $0x400, $0x38;
	[tilespmem:$0x1DBC0] =	vst v63  }
.LBB2_9:
0x72: {  	s12 =	sadd.s32 $0x1, s12  }
0x73: {  	p1 =	slt.u32 s12, s11  }
.Ltmp9:
0x74: {  	_ = 	snop;
	(pc) =	sbr.rel @!p1 .LBB2_11-.Ltmp9, $3  }
0x75: {  	_ =	sdelay $0x1  }
0x76: {  	_ =	swait.ge [sflag:s25], $0x400  }
0x77: {  	[sflag:s25] =	ssyncset.done $0x0  }
.LBB2_10:
0x78: {  	s12 =	sadd.s32 $0x1, s12  }
0x79: {  	[sflag:s25] =	ssyncadd.s32 $0xFFFFFC00;
	p1 =	slt.u32 s12, s11  }
.Ltmp10:
0x7a: {  	(pc) =	sbr.rel @p1 .LBB2_10-.Ltmp10, $3  }
0x7b: {  	_ =	sdelay $0x1  }
0x7c: {  	_ =	swait.ge [sflag:s25], $0x400  }
0x7d: {  	[sflag:s25] =	ssyncset.done $0x0  }
.Ltmp11:
0x7e: {  	_ = 	snop;
	(pc) =	sbr.rel .LBB2_11-.Ltmp11, $1  }
0x7f: {  	_ =	sdelay $0x3  }
.LBB2_13:
0x80: {  	s7 =	sld [smem:$0x7FD];
	_ =	sdelay $0x2  }
0x81: {  	p0 =	seq.s32 s7, $0x1  }
0x82: {  	s7 =	simm.s32 @!p0 $0x3800;
	s10 =	simm.s32 @!p0 $0x6  }
0x83: {  	[spmem:s9] =	stream.linear.scatter @!p0 [tilespmem:s7], [sflag:$0x6], $0x400, $0x38;
	[tilespmem:$0x1DBC0] =	vst v63  }
0x84: {  	_ =	swait.ge @!p0 [sflag:s10], $0x400  }
0x85: {  	[sflag:s10] =	ssyncset.done @!p0 $0x0  }
0x86: {  	s11 =	rddreg [dreg:$0x4];
	[sflag:s10] =	ssyncadd.s32 @!p0 $0xFFFFFC00  }
0x87: {  	[spmem:s11] =	stream.linear.scatter @!p0 [tilespmem:s7], [sflag:$0x6], $0x400, $0x38;
	[tilespmem:$0x1DBC0] =	vst v63  }
0x88: {  	_ =	swait.ge @!p0 [sflag:s10], $0x400  }
0x89: {  	[sflag:s10] =	ssyncset.done @!p0 $0x0  }
0x8a: {  	s11 =	rddreg [dreg:$0x5];
	[sflag:s10] =	ssyncadd.s32 @!p0 $0xFFFFFC00  }
0x8b: {  	[spmem:s11] =	stream.linear.scatter @!p0 [tilespmem:s7], [sflag:$0x6], $0x400, $0x38;
	[tilespmem:$0x1DBC0] =	vst v63  }
0x8c: {  	_ =	swait.ge @!p0 [sflag:s10], $0x400  }
0x8d: {  	[sflag:s10] =	ssyncset.done @!p0 $0x0  }
0x8e: {  	s11 =	rddreg [dreg:$0x6];
	[sflag:s10] =	ssyncadd.s32 @!p0 $0xFFFFFC00  }
0x8f: {  	[spmem:s11] =	stream.linear.scatter @!p0 [tilespmem:s7], [sflag:$0x6], $0x400, $0x38;
	[tilespmem:$0x1DBC0] =	vst v63  }
0x90: {  	_ =	swait.ge @!p0 [sflag:s10], $0x400  }
0x91: {  	[sflag:s10] =	ssyncset.done @!p0 $0x0  }
0x92: {  	s11 =	rddreg [dreg:$0x7];
	[sflag:s10] =	ssyncadd.s32 @!p0 $0xFFFFFC00  }
0x93: {  	[spmem:s11] =	stream.linear.scatter @!p0 [tilespmem:s7], [sflag:$0x6], $0x400, $0x38;
	[tilespmem:$0x1DBC0] =	vst v63  }
0x94: {  	_ =	swait.ge @!p0 [sflag:s10], $0x400  }
0x95: {  	[sflag:s10] =	ssyncset.done @!p0 $0x0  }
0x96: {  	s11 =	rddreg [dreg:$0x9];
	[sflag:s10] =	ssyncadd.s32 @!p0 $0xFFFFFC00  }
0x97: {  	[spmem:s11] =	stream.linear.scatter @!p0 [tilespmem:s7], [sflag:$0x6], $0x400, $0x38;
	[tilespmem:$0x1DBC0] =	vst v63  }
0x98: {  	_ =	swait.ge @!p0 [sflag:s10], $0x400  }
0x99: {  	[sflag:s10] =	ssyncset.done @!p0 $0x0  }
0x9a: {  	s11 =	rddreg [dreg:$0x8];
	[sflag:s10] =	ssyncadd.s32 @!p0 $0xFFFFFC00  }
0x9b: {  	[spmem:s11] =	stream.linear.scatter @!p0 [tilespmem:s7], [sflag:$0x6], $0x400, $0x38;
	[tilespmem:$0x1DBC0] =	vst v63  }
0x9c: {  	_ =	swait.ge @!p0 [sflag:s10], $0x400  }
0x9d: {  	[sflag:s10] =	ssyncset.done @!p0 $0x0  }
0x9e: {  	s11 =	rddreg [dreg:$0xa];
	[sflag:s10] =	ssyncadd.s32 @!p0 $0xFFFFFC00  }
0x9f: {  	[spmem:s11] =	stream.linear.scatter @!p0 [tilespmem:s7], [sflag:$0x6], $0x400, $0x38;
	[tilespmem:$0x1DBC0] =	vst v63  }
0xa0: {  	_ =	swait.ge @!p0 [sflag:s10], $0x400  }
0xa1: {  	[sflag:s10] =	ssyncset.done @!p0 $0x0  }
0xa2: {  	s11 =	rddreg [dreg:$0xb];
	[sflag:s10] =	ssyncadd.s32 @!p0 $0xFFFFFC00  }
0xa3: {  	[spmem:s11] =	stream.linear.scatter @!p0 [tilespmem:s7], [sflag:$0x6], $0x400, $0x38;
	[tilespmem:$0x1DBC0] =	vst v63  }
0xa4: {  	_ =	swait.ge @!p0 [sflag:s10], $0x400  }
0xa5: {  	[sflag:s10] =	ssyncset.done @!p0 $0x0  }
0xa6: {  	s11 =	rddreg [dreg:$0xc];
	[sflag:s10] =	ssyncadd.s32 @!p0 $0xFFFFFC00  }
0xa7: {  	[spmem:s11] =	stream.linear.scatter @!p0 [tilespmem:s7], [sflag:$0x6], $0x400, $0x38;
	[tilespmem:$0x1DBC0] =	vst v63  }
.Ltmp12:
0xa8: {  	_ =	swait.ge @!p0 [sflag:s10], $0x400;
	(pc) =	sbr.rel .LBB2_14-.Ltmp12, $4  }
0xa9: {  	[sflag:s10] =	ssyncset.done @!p0 $0x0  }
0xaa: {  	[sflag:s10] =	ssyncadd.s32 @!p0 $0xFFFFFC00  }
0xab: {  	[bflag:$0x0] =	sbarrier.arrive $0xFFFF  }
0xac: {  	s7 =	simm.s32 $0x0;
	s10 =	simm.s32 $0x0  }
.LBB2_19:
0xad: {  	_ = 	snop  }
.LBB2_24:
0xae: {  	p0 =	por !p2, !p1  }
0xaf: {  	p1 =	seq.s32 s15, $0x1;
	[sflag:s19] =	ssyncset.done @!p0 $0x0  }
0xb0: {  	s14 =	simm.s32 @!p0 $0x40;
	s16 =	simm.s32 @!p1 $0x4;
	[sflag:s19] =	ssyncadd.s32 @!p0 $0xFFFFE000  }
0xb1: {  	[spmem:s2] =	stream.indirect.scatter.add.f32 @!p0 [tilespmem:s21], [sflag:$0x4], $0x80, s22, s14, $0xb8;
	[tilespmem:$0x1DBC0] =	vst v63  }
0xb2: {  	_ =	swait.ge @!p1 [sflag:s16], $0x2000  }
0xb3: {  	p0 =	seq.s32 s15, $0x0;
	[sflag:s16] =	ssyncset.done @!p1 $0x0  }
0xb4: {  	p2 =	sge.s32 s18, s11;
	s14 =	simm.s32 @!p0 $0x3;
	[sflag:s16] =	ssyncadd.s32 @!p1 $0xFFFFE000  }
0xb5: {  	p3 =	por !p1, !p1;
	p4 =	sne.s32 @!p2 s15, $0x0;
	_ =	swait.ge @!p0 [sflag:s14], $0x2000  }
0xb6: {  	p4 =	por p4, p2;
	p2 =	por p2, p3;
	[sflag:s14] =	ssyncset.done @!p0 $0x0  }
0xb7: {  	s16 =	simm.s32 @!p4 $0x5800;
	[sflag:s14] =	ssyncadd.s32 @!p0 $0xFFFFE000;
	s14 =	simm.s32 @!p4 $0x40  }
0xb8: {  	[tilespmem:s16], [sflag:$0x2] =	stream.indirect.gather @!p4 [hbm4b:s1+s14], $0x80, s12, s14, $0xb8;
	[tilespmem:$0x1DBC0] =	vst v63  }
0xb9: {  	p0 =	sne.s32 s15, $0x0;
	s14 =	simm.s32 @!p2 $0x40;
	s16 =	simm.s32 @!p2 $0x3800  }
0xba: {  	[tilespmem:s16], [sflag:$0x1] =	stream.indirect.gather @!p2 [hbm4b:s1+s14], $0x80, s12, s14, $0xb8;
	[tilespmem:$0x1DBC0] =	vst v63  }
0xbb: {  	s12 =	simm.s32 @!p0 $0x1  }
0xbc: {  	_ =	swait.ge @!p0 [sflag:s12], $0x2000  }
0xbd: {  	p1 =	por p1, p1;
	s15 =	simm.s32 @!p0 $0x3800;
	[sflag:s12] =	ssyncset.done @!p0 $0x0  }
0xbe: {  	s14 =	simm.s32 @p1 $0x2;
	[sflag:s12] =	ssyncadd.s32 @!p0 $0xFFFFE000;
	s12 =	simm.s32 @!p0 $0x40  }
0xbf: {  	[spmem:s2] =	stream.indirect.scatter.add.f32 @!p0 [tilespmem:s15], [sflag:$0x3], $0x80, s17, s12, $0xb8;
	[tilespmem:$0x1DBC0] =	vst v63  }
0xc0: {  	_ =	swait.ge @p1 [sflag:s14], $0x2000  }
0xc1: {  	[sflag:s14] =	ssyncset.done @p1 $0x0  }
0xc2: {  	s12 =	simm.s32 @p1 $0x5800;
	s15 =	simm.s32 @p1 $0x40;
	[sflag:s14] =	ssyncadd.s32 @p1 $0xFFFFE000  }
0xc3: {  	[spmem:s2] =	stream.indirect.scatter.add.f32 @p1 [tilespmem:s12], [sflag:$0x4], $0x80, s17, s15, $0xb8;
	[tilespmem:$0x1DBC0] =	vst v63  }
.LBB2_25:
0xc4: {  	s11 =	sand.u32 $0x1, s11  }
0xc5: {  	p0 =	seq.s32 s11, $0x0  }
0xc6: {  	s12 =	simm.s32 @!p0 $0x3  }
0xc7: {  	_ =	swait.ge @!p0 [sflag:s12], $0x2000  }
0xc8: {  	p1 =	sne.s32 s11, $0x0;
	[sflag:s12] =	ssyncset.done @!p0 $0x0  }
0xc9: {  	s11 =	simm.s32 @!p1 $0x4;
	[sflag:s12] =	ssyncadd.s32 @!p0 $0xFFFFE000  }
0xca: {  	_ =	swait.ge @!p1 [sflag:s11], $0x2000  }
0xcb: {  	[sflag:s11] =	ssyncset.done @!p1 $0x0  }
0xcc: {  	[sflag:s11] =	ssyncadd.s32 @!p1 $0xFFFFE000  }
.LBB2_26:
0xcd: {  	s10 =	sadd.s32 $0x1, s10  }
0xce: {  	p0 =	sne.s32 s10, $0xA  }
.Ltmp13:
0xcf: {  	_ = 	snop;
	(pc) =	sbr.rel @!p0 .LBB2_27-.Ltmp13, $1  }
0xd0: {  	_ =	sdelay $0x3  }
.LBB2_14:
0xd1: {  	s11 =	smul.u32 $0x7D0, s10;
	_ =	sdelay $0x1  }
0xd2: {  	s11 =	sadd.s32 s20, s11  }
0xd3: {  	s11 =	sshrl.u32 s11, $0x3  }
0xd4: {  	s12 =	sadd.s32 s4, s11  }
0xd5: {  	[tilespmem:s7], [sflag:$0x6] =	stream.linear.gather [hbm4b:s12+s7], $0x7D0, $0x38;
	[tilespmem:$0x1DBC0] =	vst v63  }
0xd6: {  	_ =	swait.ge [sflag:s26], $0x7D0  }
0xd7: {  	[sflag:s26] =	ssyncset.done $0x0  }
0xd8: {  	s11 =	sadd.s32 s5, s11;
	[sflag:s26] =	ssyncadd.s32 $0xFFFFF830  }
0xd9: {  	[tilespmem:s28], [sflag:$0x6] =	stream.linear.gather [hbm4b:s11+s7], $0x7D0, $0x38;
	[tilespmem:$0x1DBC0] =	vst v63  }
0xda: {  	_ =	swait.ge [sflag:s26], $0x7D0  }
0xdb: {  	[sflag:s26] =	ssyncset.done $0x0  }
0xdc: {  	s23 =	simm.s32 $0x0;
	[sflag:s26] =	ssyncadd.s32 $0xFFFFF830  }
0xdd: {  	v12 =	vld [tilespmem:s23+$0x800];
	_ =	sdelay $0x4  }
0xde: {  	vm0 =	vge.s32 v12, v0;
	vm1 =	vlt.s32 v12, v1  }
0xdf: {  	vm0 =	vmand vm0, vm1  }
0xe0: {  	v13 =	vsel vm0, $0x1, v10  }
0xe1: {  	(xrf0) =	vadd.scan.msk.s32 $0xffff, v13;
	_ =	sdelay $0x4  }
0xe2: {  	v13 =	vsel vm0, $0xFFFFFFFF, v10  }
0xe3: {  	v13 =	vadd.s32 s7, v13;
	v14, _, _ =	vpop (xrf0)  }
0xe4: {  	v13 =	vadd.s32 v14, v13;
	(v2sf) =	vpush v14, $0xF  }
0xe5: {  	v14 =	vshll.u32 v13, $0x1  }
0xe6: {  	v12 =	vsub.s32 v12, v0;
	v13 =	vand.u32 $0x3F, v13;
	v14 =	vand.u32 $0xFFFFFF80, v14  }
0xe7: {  	v15 =	vld [tilespmem:s23+$0x0];
	v13 =	vor.u32 v13, v14;
	_ =	sdelay $0x3  }
0xe8: {  	[tilespmem:v12+s29+$0x0] =	vst.idx.add.f32.msk vm0, v9  }
0xe9: {  	[tilespmem:v13+s30+$0x0] =	vst.idx.msk vm0, v15  }
0xea: {  	s11 =	simm.s32 $0x10;
	[tilespmem:v13+s31+$0x0] =	vst.idx.msk vm0, v12  }
0xeb: {  	v12 =	vld [tilespmem:s11+$0x800];
	_ =	sdelay $0x4  }
0xec: {  	s14 =	simm.s32 $0x80;
	s12 =	simm.s32 $0x0;
	vm0 =	vge.s32 v12, v0;
	vm1 =	vlt.s32 v12, v1;
	s15 =	spop (v2sf)  }
.LBB2_15:
0xed: {  	p1 =	sne.s32 s14, $0x1F00  }
0xee: {  	vm0 =	vmand vm0, vm1;
	s12 =	sadd.s32 s12, s15;
	s15 =	smov.u32 s14;
	s14 =	sadd.s32 $0x40, s14  }
0xef: {  	v13 =	vsel vm0, $0xFFFFFFFF, v10;
	v14 =	vsel vm0, $0x1, v10  }
0xf0: {  	(xrf0) =	vadd.scan.msk.s32 $0xffff, v14;
	_ =	sdelay $0x5  }
0xf1: {  	v13 =	vadd.s32 s12, v13;
	v14, _, _ =	vpop (xrf0)  }
0xf2: {  	v13 =	vadd.s32 v14, v13;
	(v2sf) =	vpush v14, $0xF  }
0xf3: {  	v14 =	vshll.u32 v13, $0x1  }
0xf4: {  	v12 =	vsub.s32 v12, v0;
	v13 =	vand.u32 $0x3F, v13;
	v14 =	vand.u32 $0xFFFFFF80, v14  }
0xf5: {  	v15 =	vld [tilespmem:s11+$0x0];
	v13 =	vor.u32 v13, v14;
	_ =	sdelay $0x3  }
0xf6: {  	[tilespmem:v12+s29+$0x0] =	vst.idx.add.f32.msk vm0, v9  }
0xf7: {  	[tilespmem:v13+s30+$0x0] =	vst.idx.msk vm0, v15  }
0xf8: {  	s11 =	sshra.s32 s15, $0x2;
	[tilespmem:v13+s31+$0x0] =	vst.idx.msk vm0, v12  }
0xf9: {  	v12 =	vld [tilespmem:s11+$0x800]  }
.Ltmp14:
0xfa: {  	(pc) =	sbr.rel @p1 .LBB2_15-.Ltmp14, $2  }
0xfb: {  	_ =	sdelay $0x2  }
0xfc: {  	vm0 =	vge.s32 v12, v0;
	vm1 =	vlt.s32 v12, v1;
	s15 =	spop (v2sf)  }
0xfd: {  	vm0 =	vmand vm0, vm1  }
0xfe: {  	v13 =	vsel vm0, $0x1, v10  }
0xff: {  	(xrf0) =	vadd.scan.msk.s32 $0xffff, v13;
	_ =	sdelay $0x5  }
0x100: {  	v13, _, _ =	vpop (xrf0)  }
0x101: {  	(v2sf) =	vpush v13, $0xF;
	_ =	sdelay $0xc  }
0x102: {  	s12 =	sadd.s32 s12, s15;
	v14 =	vsel vm0, $0xFFFFFFFF, v10  }
0x103: {  	v14 =	vadd.s32 s12, v14  }
0x104: {  	v13 =	vadd.s32 v13, v14;
	s14 =	spop (v2sf)  }
0x105: {  	v12 =	vsub.s32 v12, v0;
	v14 =	vshll.u32 v13, $0x1;
	s12 =	sadd.s32 s12, s14  }
0x106: {  	v13 =	vand.u32 $0x3F, v13;
	v14 =	vand.u32 $0xFFFFFF80, v14;
	v15 =	vadd.s32 s12, v2  }
0x107: {  	v16 =	vld [tilespmem:s11+$0x0];
	v13 =	vor.u32 v13, v14;
	s17 =	sadd.s32 $0x10, s12;
	v56 =	vshll.u32 v15, $0x1  }
0x108: {  	v15 =	vand.u32 $0x3F, v15;
	v17 =	vadd.s32 s17, v2;
	v14 =	vand.u32 $0xFFFFFF80, v56  }
0x109: {  	s18 =	sadd.s32 $0x20, s12;
	s21 =	sadd.s32 $0x3F, s12;
	v57 =	vshll.u32 v17, $0x1;
	v14 =	vor.u32 v15, v14  }
0x10a: {  	s19 =	sadd.s32 $0x30, s12;
	v18 =	vadd.s32 s18, v2;
	s12 =	sand.u32 $0x3F, s21;
	v17 =	vand.u32 $0x3F, v17;
	v15 =	vand.u32 $0xFFFFFF80, v57  }
0x10b: {  	[tilespmem:v12+s29+$0x0] =	vst.idx.add.f32.msk vm0, v9;
	s22 =	sshra.s32 s21, $0x1F;
	p1 =	slt.s32 s21, $0x1;
	v58 =	vshll.u32 v18, $0x1;
	p2 =	sne.s32 s12, $0x0;
	v15 =	vor.u32 v17, v15  }
0x10c: {  	[tilespmem:v13+s30+$0x0] =	vst.idx.msk vm0, v16;
	v60 =	vadd.s32 s19, v2;
	v59 =	vand.u32 $0x3F, v18;
	s23 =	sshrl.u32 s22, $0x1A;
	p1 =	por !p1, !p2;
	v17 =	vand.u32 $0xFFFFFF80, v58  }
0x10d: {  	[tilespmem:v13+s31+$0x0] =	vst.idx.msk vm0, v12;
	v62 =	vshll.u32 v60, $0x1;
	s12 =	simm.s32 $0x1;
	s11 =	sadd.s32 s23, s21;
	p1 =	por !p1, !p1;
	v61 =	vor.u32 v59, v17  }
0x10e: {  	v63 =	vand.u32 $0x3F, v60;
	v13 =	vand.u32 $0xFFFFFF80, v62;
	s11 =	sshra.s32 s11, $0x6;
	s12 =	simm.s32 @!p1 $0x0;
	[tilespmem:v14+s30+$0x0] =	vst.idx.msk $0xffff, v10  }
0x10f: {  	v13 =	vor.u32 v63, v13;
	s11 =	ssub.s32 s11, s12;
	[tilespmem:v14+s31+$0x0] =	vst.idx.msk $0xffff, v11  }
0x110: {  	p1 =	slt.s32 s11, $0x1;
	[tilespmem:v15+s30+$0x0] =	vst.idx.msk $0xffff, v10  }
.Ltmp15:
0x111: {  	[tilespmem:v15+s31+$0x0] =	vst.idx.msk $0xffff, v11;
	(pc) =	sbr.rel @p1 .LBB2_26-.Ltmp15, $4  }
0x112: {  	[tilespmem:v61+s30+$0x0] =	vst.idx.msk $0xffff, v10  }
0x113: {  	[tilespmem:v61+s31+$0x0] =	vst.idx.msk $0xffff, v11  }
0x114: {  	[tilespmem:v13+s30+$0x0] =	vst.idx.msk $0xffff, v10  }
0x115: {  	[tilespmem:v13+s31+$0x0] =	vst.idx.msk $0xffff, v11  }
0x116: {  	[tilespmem:s24], [sflag:$0x1] =	stream.indirect.gather [hbm4b:s1+s0], $0x80, s30, s0, $0xb8;
	[tilespmem:$0x1DBC0] =	vst v63  }
0x117: {  	p1 =	seq.s32 s11, $0x1  }
0x118: {  	s12 =	simm.s32 @!p1 $0x40;
	s14 =	simm.s32 @!p1 $0x1080;
	s15 =	simm.s32 @!p1 $0x5800  }
0x119: {  	[tilespmem:s15], [sflag:$0x2] =	stream.indirect.gather @!p1 [hbm4b:s1+s12], $0x80, s14, s12, $0xb8;
	[tilespmem:$0x1DBC0] =	vst v63  }
.Ltmp16:
0x11a: {  	s14 =	simm.s32 $0x1;
	(pc) =	sbr.rel @p1 .LBB2_25-.Ltmp16, $4  }
0x11b: {  	_ =	swait.ge [sflag:s14], $0x2000  }
0x11c: {  	[sflag:s14] =	ssyncset.done $0x0  }
0x11d: {  	[sflag:s14] =	ssyncadd.s32 $0xFFFFE000  }
0x11e: {  	[spmem:s2] =	stream.indirect.scatter.add.f32 [tilespmem:s24], [sflag:$0x3], $0x80, s31, s0, $0xb8;
	[tilespmem:$0x1DBC0] =	vst v63  }
0x11f: {  	p2 =	sne.s32 s11, $0x2  }
.Ltmp17:
0x120: {  	_ = 	snop;
	(pc) =	sbr.rel @!p2 .LBB2_19-.Ltmp17, $3  }
0x121: {  	_ =	sdelay $0x1  }
0x122: {  	s17 =	simm.s32 $0x2480;
	s12 =	simm.s32 $0x1100  }
0x123: {  	s18 =	simm.s32 $0x2;
	s15 =	sand.u32 $0x1, s14;
	p1 =	por $0x0, $0x0  }
0x124: {  	p1 =	seq.s32 s15, $0x1  }
0x125: {  	s14 =	simm.s32 @!p1 $0x4  }
0x126: {  	_ =	swait.ge @!p1 [sflag:s14], $0x2000  }
0x127: {  	p2 =	seq.s32 s15, $0x0;
	[sflag:s14] =	ssyncset.done @!p1 $0x0  }
0x128: {  	p3 =	sle.s32 s11, $0x2;
	[sflag:s14] =	ssyncadd.s32 @!p1 $0xFFFFE000;
	s14 =	simm.s32 @!p2 $0x3  }
0x129: {  	p4 =	por !p1, !p1;
	p5 =	sne.s32 @!p3 s15, $0x0;
	_ =	swait.ge @!p2 [sflag:s14], $0x2000  }
0x12a: {  	p5 =	por p5, p3;
	p3 =	por p3, p4;
	[sflag:s14] =	ssyncset.done @!p2 $0x0  }
0x12b: {  	s16 =	simm.s32 @!p5 $0x5800;
	[sflag:s14] =	ssyncadd.s32 @!p2 $0xFFFFE000;
	s14 =	simm.s32 @!p5 $0x40  }
0x12c: {  	[tilespmem:s16], [sflag:$0x2] =	stream.indirect.gather @!p5 [hbm4b:s1+s14], $0x80, s12, s14, $0xb8;
	[tilespmem:$0x1DBC0] =	vst v63  }
0x12d: {  	p4 =	sne.s32 s15, $0x0;
	s14 =	simm.s32 @!p3 $0x40;
	s16 =	simm.s32 @!p3 $0x3800  }
0x12e: {  	[tilespmem:s16], [sflag:$0x1] =	stream.indirect.gather @!p3 [hbm4b:s1+s14], $0x80, s12, s14, $0xb8;
	[tilespmem:$0x1DBC0] =	vst v63  }
0x12f: {  	s15 =	simm.s32 @!p4 $0x3800;
	p2 =	por p1, p1;
	s14 =	simm.s32 @!p4 $0x1  }
0x130: {  	p1 =	por $0x1, $0x1;
	p3 =	sne.s32 s11, $0x3;
	_ =	swait.ge @!p4 [sflag:s14], $0x2000  }
.Ltmp18:
0x131: {  	s19 =	simm.s32 @p2 $0x2;
	[sflag:s14] =	ssyncset.done @!p4 $0x0;
	(pc) =	sbr.rel @!p3 .LBB2_21-.Ltmp18, $4  }
0x132: {  	s21 =	simm.s32 @p2 $0x5800;
	[sflag:s14] =	ssyncadd.s32 @!p4 $0xFFFFE000;
	s14 =	simm.s32 @!p4 $0x40  }
0x133: {  	[spmem:s2] =	stream.indirect.scatter.add.f32 @!p4 [tilespmem:s15], [sflag:$0x3], $0x80, s17, s14, $0xb8;
	[tilespmem:$0x1DBC0] =	vst v63  }
0x134: {  	s16 =	simm.s32 $0x3;
	s12 =	simm.s32 $0x1180;
	s14 =	simm.s32 $0x2500  }
0x135: {  	s15 =	sand.u32 $0x1, s18;
	s18 =	simm.s32 $0x3;
	_ =	swait.ge @p2 [sflag:s19], $0x2000  }
.LBB2_22:
0x136: {  	p4 =	seq.s32 s15, $0x1;
	[sflag:s19] =	ssyncset.done @p2 $0x0;
	s22 =	simm.s32 @p2 $0x40  }
0x137: {  	s23 =	simm.s32 @!p4 $0x4;
	p5 =	por !p4, !p4;
	[sflag:s19] =	ssyncadd.s32 @p2 $0xFFFFE000  }
0x138: {  	[spmem:s2] =	stream.indirect.scatter.add.f32 @p2 [tilespmem:s21], [sflag:$0x4], $0x80, s17, s22, $0xb8;
	[tilespmem:$0x1DBC0] =	vst v63  }
0x139: {  	s21 =	smov.u32 s18;
	s18 =	sadd.s32 $0x1, s18;
	_ =	swait.ge @!p4 [sflag:s23], $0x2000  }
0x13a: {  	p2 =	seq.s32 s15, $0x0;
	p3 =	sne.s32 s11, s18;
	[sflag:s23] =	ssyncset.done @!p4 $0x0  }
0x13b: {  	p6 =	sge.s32 s16, s11;
	s17 =	simm.s32 @!p2 $0x3;
	[sflag:s23] =	ssyncadd.s32 @!p4 $0xFFFFE000  }
0x13c: {  	p0 =	sne.s32 @!p6 s15, $0x0;
	s16 =	smov.u32 s18;
	_ =	swait.ge @!p2 [sflag:s17], $0x2000  }
0x13d: {  	p0 =	por p0, p6;
	p6 =	por p6, p5;
	[sflag:s17] =	ssyncset.done @!p2 $0x0  }
0x13e: {  	s19 =	simm.s32 @!p0 $0x5800;
	[sflag:s17] =	ssyncadd.s32 @!p2 $0xFFFFE000;
	s17 =	simm.s32 @!p0 $0x40  }
0x13f: {  	[tilespmem:s19], [sflag:$0x2] =	stream.indirect.gather @!p0 [hbm4b:s1+s17], $0x80, s12, s17, $0xb8;
	[tilespmem:$0x1DBC0] =	vst v63  }
0x140: {  	p5 =	sne.s32 s15, $0x0;
	s17 =	simm.s32 @!p6 $0x40;
	s19 =	simm.s32 @!p6 $0x3800  }
0x141: {  	[tilespmem:s19], [sflag:$0x1] =	stream.indirect.gather @!p6 [hbm4b:s1+s17], $0x80, s12, s17, $0xb8;
	[tilespmem:$0x1DBC0] =	vst v63  }
0x142: {  	s15 =	simm.s32 @!p5 $0x1;
	p2 =	por p4, p4;
	s17 =	smov.u32 s14  }
.Ltmp19:
0x143: {  	s12 =	sadd.s32 $0x80, s12;
	_ =	swait.ge @!p5 [sflag:s15], $0x2000;
	(pc) =	sbr.rel @p3 .LBB2_22-.Ltmp19, $4  }
0x144: {  	s19 =	simm.s32 @p2 $0x2;
	s14 =	sadd.s32 $0x80, s14;
	[sflag:s15] =	ssyncset.done @!p5 $0x0  }
0x145: {  	s22 =	simm.s32 @!p5 $0x3800;
	[sflag:s15] =	ssyncadd.s32 @!p5 $0xFFFFE000;
	s15 =	simm.s32 @!p5 $0x40  }
0x146: {  	[spmem:s2] =	stream.indirect.scatter.add.f32 @!p5 [tilespmem:s22], [sflag:$0x3], $0x80, s17, s15, $0xb8;
	[tilespmem:$0x1DBC0] =	vst v63  }
0x147: {  	s15 =	sand.u32 $0x1, s21;
	s21 =	simm.s32 @p2 $0x5800;
	_ =	swait.ge @p2 [sflag:s19], $0x2000  }
.Ltmp20:
0x148: {  	(pc) =	sbr.rel .LBB2_24-.Ltmp20, $2  }
0x149: {  	_ =	sdelay $0x2  }
0x14a: {  	s22 =	smov.u32 s17;
	s18 =	smov.u32 s16;
	s17 =	smov.u32 s14  }
.LBB2_21:
.Ltmp21:
0x14b: {  	(pc) =	sbr.rel .LBB2_24-.Ltmp21, $2  }
0x14c: {  	_ =	sdelay $0x2  }
0x14d: {  	s22 =	simm.s32 $0x2480;
	s18 =	simm.s32 $0x3;
	s17 =	simm.s32 $0x2500  }
.LBB2_27:
0x14e: {  	s7 =	simm.s32 $0x50;
	s10 =	simm.s32 $0xA000  }
0x14f: {  	[spmem:s2] =	stream.indirect.scatter.add.f32 [tilespmem:s29], [sflag:$0x6], $0x80, s10, s7, $0xb8;
	[tilespmem:$0x1DBC0] =	vst v63  }
.Ltmp22:
0x150: {  	_ =	swait.ge [sflag:s26], $0x2800;
	(pc) =	sbr.rel .LBB2_28-.Ltmp22, $4  }
0x151: {  	[sflag:s26] =	ssyncset.done $0x0  }
0x152: {  	[sflag:s26] =	ssyncadd.s32 $0xFFFFD800  }
0x153: {  	[bflag:$0x0] =	sbarrier.arrive $0xFFFF  }
0x154: {  	s11 =	smov.u32 s13;
	s7 =	simm.s32 $0x0;
	s10 =	rddreg [dreg:$0xf]  }
.LBB2_34:
0x155: {  	[sflag:s25] =	ssyncadd.s32 $0xFFFFFF80  }
.LBB2_35:
0x156: {  	s7 =	sadd.s32 $0x1, s7  }
0x157: {  	p0 =	sne.s32 s7, $0xA  }
.Ltmp23:
0x158: {  	_ = 	snop;
	(pc) =	sbr.rel @!p0 .LBB2_36-.Ltmp23, $2  }
0x159: {  	_ =	sdelay $0x2  }
0x15a: {  	s11 =	sadd.s32 $0x2000, s11;
	s10 =	sadd.s32 $0x400, s10  }
.LBB2_28:
0x15b: {  	s14 =	sshll.u32 s7, $0x3  }
0x15c: {  	p0 =	sle.u32 s8, s14  }
.Ltmp24:
0x15d: {  	_ = 	snop;
	(pc) =	sbr.rel @p0 .LBB2_35-.Ltmp24, $1  }
0x15e: {  	_ =	sdelay $0x3  }
0x15f: {  	s12 =	sadd.s32 $0x8, s14  }
0x160: {  	s16 =	sadd.s32 $0x1, s14;
	s12 =	smin.u32 s12, s8  }
0x161: {  	p0 =	slt.u32 s16, s12  }
.Ltmp25:
0x162: {  	_ = 	snop;
	(pc) =	sbr.rel @!p0 .LBB2_30-.Ltmp25, $3  }
0x163: {  	_ =	sdelay $0x1  }
0x164: {  	s15 =	sshll.u32 s6, $0x6;
	s17 =	sadd.s32 $0x80, s10;
	s21 =	sshrl.u32 s11, $0x3  }
0x165: {  	s19 =	sadd.s32 $0x400, s11;
	s18 =	smov.u32 s10;
	s15 =	sor.u32 $0x1C05, s15  }
.LBB2_31:
0x166: {  	[hbm:s18], [sflag:s15] =	dma.local [spmem:s21], $0x80  }
0x167: {  	s16 =	sadd.s32 $0x1, s16  }
0x168: {  	p0 =	slt.u32 s16, s12  }
.Ltmp26:
0x169: {  	s18 =	smov.u32 s17;
	(pc) =	sbr.rel @p0 .LBB2_31-.Ltmp26, $3  }
0x16a: {  	_ =	sdelay $0x1  }
0x16b: {  	s17 =	sadd.s32 $0x80, s17  }
0x16c: {  	s21 =	sshrl.u32 s19, $0x3;
	s19 =	sadd.s32 $0x400, s19  }
.LBB2_32:
0x16d: {  	s14 =	sadd.s32 $0x1, s14  }
0x16e: {  	p0 =	slt.u32 s14, s12  }
.Ltmp27:
0x16f: {  	_ = 	snop;
	(pc) =	sbr.rel @!p0 .LBB2_34-.Ltmp27, $4  }
0x170: {  	_ = 	snop  }
0x171: {  	[hbm:s18], [sflag:s15] =	dma.local [spmem:s21], $0x80  }
0x172: {  	_ =	swait.ge [sflag:s25], $0x80  }
0x173: {  	[sflag:s25] =	ssyncset.done $0x0  }
.LBB2_33:
0x174: {  	s14 =	sadd.s32 $0x1, s14  }
0x175: {  	[sflag:s25] =	ssyncadd.s32 $0xFFFFFF80;
	p0 =	slt.u32 s14, s12  }
.Ltmp28:
0x176: {  	(pc) =	sbr.rel @p0 .LBB2_33-.Ltmp28, $3  }
0x177: {  	_ =	sdelay $0x1  }
0x178: {  	_ =	swait.ge [sflag:s25], $0x80  }
0x179: {  	[sflag:s25] =	ssyncset.done $0x0  }
.Ltmp29:
0x17a: {  	_ = 	snop;
	(pc) =	sbr.rel .LBB2_34-.Ltmp29, $1  }
0x17b: {  	_ =	sdelay $0x3  }
.LBB2_30:
.Ltmp30:
0x17c: {  	(pc) =	sbr.rel .LBB2_32-.Ltmp30, $2  }
0x17d: {  	_ =	sdelay $0x2  }
0x17e: {  	s18 =	smov.u32 s10  }
.LBB2_37:
0x17f: {  	_ =	sfence.sel $0x180000  }
0x180: {  	[bflag:$0x0] =	sbarrier.arrive $0xFFFF  }
0x181: {  	_ =	strace $0x90000047  }
0x182: {  	[bflag:$0x2] =	sbarrier.arrive $0xFFFF  }
0x183: {  	s1 =	sld [smem:$0x7FD];
	_ =	sdelay $0x2  }
0x184: {  	s0 =	rddreg [dreg:$0x3];
	p0 =	seq.s32 s1, $0x1  }
0x185: {  	s0 =	sadd.s32 @!p0 $0x100000, s0  }
0x186: {  	[sflag:s0] =	ssyncadd.tile.s32 @!p0 $0x1;
	_ =	shalt  }
.Lfunc_end2:
_tile_overlayer_lowered:
.L_overlay_start_2:
0x187: {  	(tag) =	ssettag $0x2  }
0x188: {  	s0 =	rddreg [dreg:$0x0];
	s2 =	stileid.u32  }
0x189: {  	s1 =	rddreg [dreg:$0x1];
	p0 =	sne.s32 s2, $0x0  }
0x18a: {  	s3 =	rddreg [dreg:$0x2];
	[bflag:$0x3] =	sbarrier.arrive $0xFFFF;
	s2 =	simm.s32 @!p0 $0x1C06  }
0x18b: {  	[timem:s3], [sflag:s2] =	dma.local @!p0 [hbm:s0], s1  }
0x18c: {  	s0 =	simm.s32 @!p0 $0x6  }
0x18d: {  	_ =	swait.ge @!p0 [sflag:s0], s1  }
0x18e: {  	s1 =	ssub.s32 @!p0 $0x0, s1;
	[sflag:s0] =	ssyncset.done @!p0 $0x0  }
0x18f: {  	[sflag:s0] =	ssyncadd.s32 @!p0 s1  }
0x190: {  	[bflag:$0x3] =	sbarrier.arrive $0xFFFF  }
0x191: {  	_ =	shalt  }

// kernel: kernel.9.cloned.1.call-start
scs
__scs_entry_jumppad:
0x0: {  	(pc) =	sbr.rel $0x88, $3  }
0x1: {  	(tag) =	ssettag $0x0;
	lr =	simm.s32 $0x1  }
0x2: {  	[smem:$0x3F98] =	sst lr;
	_ =	strace $0xD0000000  }
0x3: {  	_ = 	snop  }
0x4: {  	_ = 	snop  }
0x5: {  	_ = 	snop  }
0x6: {  	_ = 	snop  }
0x7: {  	_ = 	snop  }
__scs_overlays_trampoline_lowered:
0x8: {  	[smem:$0x3FA7] =	sst s0  }
0x9: {  	[smem:$0x3FA8] =	sst s1  }
0xa: {  	[smem:$0x3FA9] =	sst s2  }
0xb: {  	[smem:$0x3FAA] =	sst s3  }
0xc: {  	[smem:$0x3FAB] =	sst s4  }
0xd: {  	[smem:$0x3FAC] =	sst s5  }
0xe: {  	[smem:$0x3FAD] =	sst s6  }
0xf: {  	[smem:$0x3FAE] =	sst s7  }
0x10: {  	[smem:$0x3FAF] =	sst s8  }
0x11: {  	[smem:$0x3FB0] =	sst s9;
	s0 =	simm.s32 @!p0 $0x0  }
0x12: {  	s1 =	sld [smem:$0x3F96];
	s0 =	simm.s32 @p0 $0x1  }
0x13: {  	[smem:$0x3FB1] =	sst s0;
	s0 =	simm.s32 @!p1 $0x0  }
0x14: {  	s2 =	sld [smem:$0x3F95];
	s0 =	simm.s32 @p1 $0x1  }
0x15: {  	[smem:$0x3FB2] =	sst s0;
	s0 =	simm.s32 @!p2 $0x0  }
0x16: {  	s3 =	sld [smem:$0x3FDB];
	s0 =	simm.s32 @p2 $0x1  }
0x17: {  	s4 =	simm.s32 $0x1BF5;
	[smem:$0x3FB4] =	sst s0  }
0x18: {  	s0 =	sld [smem:$0x3F97];
	_ =	swait.ge [sflag:s4], $0x0  }
0x19: {  	s7 =	sld [smem:$0x3F98]  }
0x1a: {  	s8 =	sadd.s32 $0xFFFFE003, lr  }
0x1b: {  	s9 =	sadd.s32 $0xFFFFFEF7, lr;
	s5 =	simm.s32 $0xFFFFFFFF;
	p2 =	slt.u32 s8, $0xFFFFF086  }
0x1c: {  	p1 =	slt.u32 s9, $0xF7A;
	s5 =	simm.s32 @!p2 $0x0  }
0x1d: {  	s5 =	simm.s32 @p1 $0x1;
	p0 =	seq.s32 s7, s2  }
0x1e: {  	s7 =	smul.u32 @!p0 $0xF7A, s2;
	p2 =	seq.s32 @!p0 s5, $0x0  }
0x1f: {  	s9 =	smul.u32 $0xF7A, s1;
	s8 =	simm.s32 @!p0 $0x1BF5;
	p2 =	por !p2, p0  }
0x20: {  	[sflag:s8] =	ssyncset.s32 @!p0 $0xFFFFF086;
	s6 =	sadd.s32 @!p0 s3, s7;
	s7 =	simm.s32 @!p0 $0x108  }
0x21: {  	s3 =	sadd.s32 s3, s9;
	s6 =	sadd.s32 @!p0 $0x88, s6;
	s7 =	simm.s32 @p2 $0x1082  }
0x22: {  	[simem:s7], [sflag:s8] =	dma.local @!p0 [hbm:s6], $0xF7A  }
0x23: {  	s9 =	sor.u32 $0xD0000000, s2;
	s6 =	simm.s32 $0x108;
	_ =	swait.ge @!p0 [sflag:s8], $0x0  }
0x24: {  	s3 =	sadd.s32 $0x88, s3;
	s6 =	simm.s32 @!p1 $0x1082;
	[sflag:s4] =	ssyncset.s32 $0xFFFFF086  }
0x25: {  	[simem:s6], [sflag:s4] =	dma.local [hbm:s3], $0xF7A  }
0x26: {  	[smem:$0x3F98] =	sst s1;
	(tag) =	ssettag s2;
	_ =	strace s9  }
0x27: {  	s1 =	sld [smem:$0x3FA8]  }
0x28: {  	s2 =	sld [smem:$0x3FA9]  }
0x29: {  	s4 =	sld [smem:$0x3FAB]  }
0x2a: {  	p0 =	seq.s32 s5, $0x0;
	s5 =	sld [smem:$0x3FAC]  }
0x2b: {  	s6 =	sld [smem:$0x3FAD]  }
0x2c: {  	s7 =	sld [smem:$0x3FAE]  }
0x2d: {  	s3 =	simm.s32 $0x108;
	s8 =	sld [smem:$0x3FAF]  }
0x2e: {  	s3 =	simm.s32 @!p0 $0x1082;
	s9 =	sld [smem:$0x3FB0]  }
0x2f: {  	lr =	sadd.s32 s0, s3;
	s0 =	sld [smem:$0x3FA7]  }
0x30: {  	s3 =	sld [smem:$0x3FAA]  }
0x31: {  	[smem:$0x3FB3] =	sst s10  }
0x32: {  	s10 =	sld [smem:$0x3FB1];
	_ =	sdelay $0x3  }
0x33: {  	p0 =	seq.s32 s10, $0x1;
	s10 =	sld [smem:$0x3FB3];
	_ =	sdelay $0x3  }
0x34: {  	[smem:$0x3FB3] =	sst s10  }
0x35: {  	s10 =	sld [smem:$0x3FB2];
	_ =	sdelay $0x3  }
0x36: {  	p1 =	seq.s32 s10, $0x1;
	s10 =	sld [smem:$0x3FB3];
	_ =	sdelay $0x3  }
0x37: {  	[smem:$0x3FB3] =	sst s10  }
0x38: {  	s10 =	sld [smem:$0x3FB4]  }
0x39: {  	_ = 	snop;
	(pc) =	sbr.ind lr, $3  }
0x3a: {  	_ = 	snop  }
0x3b: {  	_ = 	snop  }
0x3c: {  	p2 =	seq.s32 s10, $0x1;
	s10 =	sld [smem:$0x3FB3]  }
0x3d: {  	_ =	shalt  }
0x3e: {  	_ =	shalt  }
0x3f: {  	_ =	shalt  }
0x40: {  	_ =	shalt  }
0x41: {  	_ =	shalt  }
0x42: {  	_ =	shalt  }
0x43: {  	_ =	shalt  }
0x44: {  	_ =	shalt  }
0x45: {  	_ =	shalt  }
0x46: {  	_ =	shalt  }
0x47: {  	_ =	shalt  }
0x48: {  	_ =	shalt  }
0x49: {  	_ =	shalt  }
0x4a: {  	_ =	shalt  }
0x4b: {  	_ =	shalt  }
0x4c: {  	_ =	shalt  }
0x4d: {  	_ =	shalt  }
0x4e: {  	_ =	shalt  }
0x4f: {  	_ =	shalt  }
0x50: {  	_ =	shalt  }
0x51: {  	_ =	shalt  }
0x52: {  	_ =	shalt  }
0x53: {  	_ =	shalt  }
0x54: {  	_ =	shalt  }
0x55: {  	_ =	shalt  }
0x56: {  	_ =	shalt  }
0x57: {  	_ =	shalt  }
0x58: {  	_ =	shalt  }
0x59: {  	_ =	shalt  }
0x5a: {  	_ =	shalt  }
0x5b: {  	_ =	shalt  }
0x5c: {  	_ =	shalt  }
0x5d: {  	_ =	shalt  }
0x5e: {  	_ =	shalt  }
0x5f: {  	_ =	shalt  }
0x60: {  	_ =	shalt  }
0x61: {  	_ =	shalt  }
0x62: {  	_ =	shalt  }
0x63: {  	_ =	shalt  }
0x64: {  	_ =	shalt  }
0x65: {  	_ =	shalt  }
0x66: {  	_ =	shalt  }
0x67: {  	_ =	shalt  }
0x68: {  	_ =	shalt  }
0x69: {  	_ =	shalt  }
0x6a: {  	_ =	shalt  }
0x6b: {  	_ =	shalt  }
0x6c: {  	_ =	shalt  }
0x6d: {  	_ =	shalt  }
0x6e: {  	_ =	shalt  }
0x6f: {  	_ =	shalt  }
0x70: {  	_ =	shalt  }
0x71: {  	_ =	shalt  }
0x72: {  	_ =	shalt  }
0x73: {  	_ =	shalt  }
0x74: {  	_ =	shalt  }
0x75: {  	_ =	shalt  }
0x76: {  	_ =	shalt  }
0x77: {  	_ =	shalt  }
0x78: {  	_ =	shalt  }
0x79: {  	_ =	shalt  }
0x7a: {  	_ =	shalt  }
0x7b: {  	_ =	shalt  }
0x7c: {  	_ =	shalt  }
0x7d: {  	_ =	shalt  }
0x7e: {  	_ =	shalt  }
0x7f: {  	_ =	shalt  }
0x80: {  	_ =	shalt  }
0x81: {  	_ =	shalt  }
0x82: {  	_ =	shalt  }
0x83: {  	_ =	shalt  }
0x84: {  	_ =	shalt  }
0x85: {  	_ =	shalt  }
0x86: {  	_ =	shalt  }
0x87: {  	_ =	shalt  }
.Lfunc_end0:
.L_simem_size_0:
called_computation.1_lowered:
.L_overlay_start_0:
0x88: {  	s2 =	sld [smem:$0x3FD9]  }
0x89: {  	s3 =	sld [smem:$0x3FFE];
	_ =	sdelay $0x1  }
0x8a: {  	s1 =	srdreg.scid  }
0x8b: {  	s0 =	sand.u32 $0x1, s1  }
0x8c: {  	s17 =	sshll.u32 s0, $0xA;
	s2 =	sadd.s32 s3, s2  }
0x8d: {  	s2 =	sadd.s32 s2, s17  }
0x8e: {  	[smem:$0x3FBF] =	sst s2  }
0x8f: {  	_ = 	snop  }
0x90: {  	s2 =	sld [smem:$0x3FD0];
	(tm) =	ssettm $0x1  }
0x91: {  	s18 =	sld [smem:$0x3FFB];
	_ =	sdelay $0x3  }
0x92: {  	_ =	strace s18  }
0x93: {  	s3 =	sld [smem:$0x3FFC];
	_ =	sdelay $0x3  }
0x94: {  	_ =	strace s3  }
0x95: {  	s3 =	sld [smem:$0x3FFD];
	_ =	sdelay $0x3  }
0x96: {  	_ =	strace s3  }
0x97: {  	_ =	strace $0x8FFFFFFF  }
0x98: {  	s19 =	sld [smem:$0x3FDB];
	_ =	sdelay $0x1  }
0x99: {  	s4 =	simm.s32 $_scs_section_size  }
0x9a: {  	s5 =	simm.s32 $_size__tile_overlayer_lowered;
	s6 =	simm.s32 $_tile_overlayer_lowered  }
0x9b: {  	s22 =	simm.s32 $0x1BFF;
	s21 =	sshll.u32 s6, $0x1;
	s3 =	sadd.s32 s4, s19  }
0x9c: {  	s7 =	simm.s32 $0x0;
	s20 =	sshll.u32 s5, $0x1;
	s5 =	sadd.s32 s21, s3  }
0x9d: {  	[timem:s7], [sflag:s22] =	dma.local [hbm:s5], s20  }
0x9e: {  	_ =	swait.ge [sflag:s22], s20  }
0x9f: {  	s4 =	ssub.s32 $0x0, s20;
	[sflag:s22] =	ssyncset.done $0x0  }
0xa0: {  	[sflag:s22] =	ssyncadd.s32 s4;
	_ =	sdelay $0x1  }
0xa1: {  	s23 =	simm.s32 $0x1B8B  }
0xa2: {  	_ =	swait.ge [sflag:s23], $0x1  }
0xa3: {  	[sflag:s23] =	ssyncset.done $0x0  }
0xa4: {  	s25 =	simm.s32 $0x1B8E;
	s24 =	sld [smem:$0x3FFE];
	[sflag:s23] =	ssyncadd.s32 $0xFFFFFFFF  }
0xa5: {  	s26 =	simm.s32 $execute0_lowered;
	[smem:$0x3FD2] =	sst s25  }
0xa6: {  	s5 =	sshll.u32 s26, $0x1;
	_ =	strace $0x80000049;
	[dreg:$0x1] =	wrdreg $0xFFFFFFFF  }
0xa7: {  	s28 =	simm.s32 $_size_execute0_lowered;
	s3 =	sadd.s32 s3, s5;
	[dreg:$0x0] =	wrdreg $0x0  }
0xa8: {  	s5 =	sshll.u32 s28, $0x1;
	[dreg:$0x2] =	wrdreg s3  }
0xa9: {  	[dreg:$0x3] =	wrdreg s5  }
0xaa: {  	[dreg:$0x4] =	wrdreg $0xC0  }
0xab: {  	_ =	task [dreg:s7], $0x5FFFF  }
0xac: {  	[dreg:$0x1] =	wrdreg $0xFFFFFFFF  }
0xad: {  	[dreg:$0x0] =	wrdreg $0x60  }
0xae: {  	[dreg:$0x2] =	wrdreg s24  }
0xaf: {  	[dreg:$0x3] =	wrdreg s2  }
0xb0: {  	[dreg:$0x4] =	wrdreg $0x88800  }
0xb1: {  	[dreg:$0x5] =	wrdreg $0x9  }
0xb2: {  	_ =	task.clear_ibuf [dreg:s7], $0x6FFFF;
	_ =	strace $0x90000049  }
0xb3: {  	s29 =	simm.s32 $0x9;
	_ =	strace $0x8000004B  }
0xb4: {  	_ =	swait.ge [sflag:s29], $0x1  }
0xb5: {  	[sflag:s29] =	ssyncadd.s32 $0xFFFFFFFF  }
0xb6: {  	_ =	strace $0x9000004B  }
0xb7: {  	_ =	sfence  }
0xb8: {  	s30 =	sld [smem:$0x0];
	_ =	sdelay $0x2  }
0xb9: {  	s31 =	sshll.u32 s1, $0xD;
	s1 =	sshrl.u32 s1, $0x2  }
0xba: {  	s3 =	sand.u32 $0x4000, s31;
	s1 =	sadd.s32 s1, s30  }
0xbb: {  	s0 =	sor.u32 s3, s0;
	s1 =	sshll.u32 s1, $0x11  }
0xbc: {  	s0 =	sor.u32 s1, s0  }
0xbd: {  	s0 =	sadd.s32 $0x8F2B, s0  }
0xbe: {  	[sflag:s0] =	ssyncadd.remote.s32 $0x1  }
0xbf: {  	_ =	sfence.sel $0xFFFF  }
0xc0: {  	[dreg:$0x0] =	wrdreg $0xFFFFFFFF;
	(pc) =	sbr.abs _section_cstart, $3  }
0xc1: {  	[dreg:$0x1] =	wrdreg $0xFFFFFFFF  }
0xc2: {  	_ =	task.clear_ibuf [dreg:s7], $0x2FFFF;
	_ =	strace $0x9FFFFFFF  }
0xc3: {  	(tm) =	ssettm $0x7FFFFFFF  }
tec
execute0_lowered:
.L_overlay_start_1:
0x0: {  	(tag) =	ssettag $0x1  }
0x1: {  	s0 =	rddreg [dreg:$0x0]  }
0x2: {  	s1 =	rddreg [dreg:$0x1]  }
0x3: {  	s2 =	rddreg [dreg:$0x2]  }
0x4: {  	s4 =	srdreg.scid;
	s3 =	simm.s32 $0x0;
	s7 =	simm.s32 $0x19  }
0x5: {  	s18 =	simm.s32 $0x3800;
	s19 =	simm.s32 $0x5;
	s20 =	simm.s32 $0x6  }
0x6: {  	s21 =	simm.s32 $0x800;
	s22 =	simm.s32 $0x7800;
	s23 =	simm.s32 $0x1000  }
0x7: {  	s8 =	sand.u32 $0x1, s4;
	[smem:$0x7FF] =	sst s3;
	s4 =	sadd.s32 $0x1600, s0  }
0x8: {  	s5 =	sadd.s32 $0xB2000, s0;
	s26 =	sadd.s32 $0x3F000, s2;
	s28 =	sadd.s32 $0x3F400, s2  }
0x9: {  	s14 =	sadd.s32 $0x3F800, s2;
	_ =	strace $0x8000004A;
	[dreg:$0x4] =	wrdreg s26  }
0xa: {  	s6 =	smul.u32 $0x7D00, s8;
	s9 =	ssub.s32 $0x2, s8;
	[dreg:$0x5] =	wrdreg s28  }
0xb: {  	s10 =	sshll.u32 s8, $0x9;
	s15 =	smul.u32 $0x7D0, s8;
	[dreg:$0x6] =	wrdreg s14  }
0xc: {  	s12 =	sshrl.u32 s9, $0x1;
	s11 =	sadd.s32 s6, s0;
	s6 =	stileid.u32  }
0xd: {  	s0 =	sadd.s32 s10, s0;
	s12 =	ssub.s32 s9, s12;
	s13 =	smul.u32 $0xF000, s6  }
0xe: {  	s10 =	sadd.s32 $0x3EC00, s2;
	s16 =	sadd.s32 $0x7D0, s15;
	s29 =	smul.u32 $0x780, s6  }
0xf: {  	p0 =	seq.s32 s6, $0xF;
	s14 =	smul.u32 $0xFA0, s6;
	s0 =	sadd.s32 $0x4F800, s0  }
0x10: {  	s30 =	smax.u32 s12, $0x1;
	s7 =	simm.s32 @!p0 $0xF;
	[dreg:$0x7] =	wrdreg s0  }
.Ltmp0:
0x11: {  	[dreg:$0x8] =	wrdreg s30;
	s31 =	sadd.s32 s29, s11;
	(pc) =	sbr.rel .LBB2_1-.Ltmp0, $4  }
0x12: {  	p0 =	sne.s32 s6, $0x0;
	s24 =	sadd.s32 $0x7, s7;
	s0 =	sadd.s32 $0x4FC00, s31  }
0x13: {  	v2 =	vlaneseq.u32;
	v3 =	vimm.f32 $0.0e+00;
	v6 =	vimm.f32 $1.000000000e+00;
	s25 =	sshrl.u32 s13, $0x2;
	[dreg:$0x9] =	wrdreg s0;
	s0 =	simm.s32 @!p0 $0x0  }
0x14: {  	v7 =	vimm.s32 $0x0;
	v8 =	vimm.s32 $0x7D0;
	v4 =	vadd.s32 $0x7D8, v2;
	s8 =	sshrl.u32 s24, $0x3;
	s9 =	sadd.s32 s25, s2;
	s0 =	simm.s32 @p0 $0x1  }
0x15: {  	v5 =	vadd.s32 $0x7E8, v2;
	v0 =	vmov s15;
	v1 =	vmov s16;
	s24 =	simm.s32 $0x2400;
	s25 =	simm.s32 $0x40;
	[smem:$0x7FD] =	sst s0  }
.LBB2_35:
0x16: {  	s0 =	sld [smem:$0x7FD];
	_ =	sdelay $0x2  }
0x17: {  	p1 =	seq.s32 s0, $0x1  }
0x18: {  	s12 =	rddreg [dreg:$0x7];
	s0 =	sshrl.u32 @!p1 s10, $0x3;
	s11 =	simm.s32 @!p1 $0x1C06  }
0x19: {  	[hbm:s12], [sflag:s11] =	dma.local @!p1 [spmem:s0], $0x200  }
0x1a: {  	s0 =	simm.s32 @!p1 $0x6  }
0x1b: {  	_ =	swait.ge @!p1 [sflag:s0], $0x200  }
0x1c: {  	s3 =	sadd.s32 $0x1, s3;
	s31 =	rddreg [dreg:$0x8]  }
0x1d: {  	p0 =	sne.s32 s3, s31  }
.Ltmp1:
0x1e: {  	_ = 	snop;
	(pc) =	sbr.rel @!p0 .LBB2_36-.Ltmp1, $3  }
0x1f: {  	_ =	sdelay $0x1  }
0x20: {  	[sflag:s0] =	ssyncset.done @!p1 $0x0  }
0x21: {  	[sflag:s0] =	ssyncadd.s32 @!p1 $0xFFFFFE00  }
.LBB2_1:
0x22: {  	s0 =	simm.s32 $0x0;
	s11 =	simm.s32 $0x200  }
.LBB2_2:
0x23: {  	p1 =	sne.s32 s11, $0x7E00;
	[tilespmem:s0+$0x5870] =	vst v3  }
0x24: {  	[tilespmem:s0+$0x3800] =	vst v3  }
0x25: {  	[tilespmem:s0+$0x5800] =	vst v3  }
0x26: {  	[tilespmem:s0+$0x3810] =	vst v3  }
0x27: {  	[tilespmem:s0+$0x5810] =	vst v3  }
0x28: {  	[tilespmem:s0+$0x3820] =	vst v3  }
0x29: {  	[tilespmem:s0+$0x5820] =	vst v3  }
0x2a: {  	[tilespmem:s0+$0x3830] =	vst v3  }
0x2b: {  	[tilespmem:s0+$0x5830] =	vst v3  }
0x2c: {  	[tilespmem:s0+$0x3840] =	vst v3  }
0x2d: {  	[tilespmem:s0+$0x5840] =	vst v3  }
.Ltmp2:
0x2e: {  	[tilespmem:s0+$0x3850] =	vst v3;
	(pc) =	sbr.rel @p1 .LBB2_2-.Ltmp2, $4  }
0x2f: {  	[tilespmem:s0+$0x5850] =	vst v3  }
0x30: {  	[tilespmem:s0+$0x3860] =	vst v3  }
0x31: {  	[tilespmem:s0+$0x5860] =	vst v3  }
0x32: {  	[tilespmem:s0+$0x3870] =	vst v3;
	s0 =	sshra.s32 s11, $0x2;
	s11 =	sadd.s32 $0x200, s11  }
0x33: {  	[tilespmem:s0+$0x5870] =	vst v3  }
0x34: {  	[tilespmem:s0+$0x3800] =	vst v3  }
0x35: {  	[tilespmem:s0+$0x5800] =	vst v3  }
0x36: {  	[tilespmem:s0+$0x3810] =	vst v3  }
0x37: {  	[tilespmem:s0+$0x5810] =	vst v3  }
0x38: {  	[tilespmem:s0+$0x3820] =	vst v3  }
0x39: {  	[tilespmem:s0+$0x5820] =	vst v3  }
0x3a: {  	[tilespmem:s0+$0x3830] =	vst v3  }
0x3b: {  	[tilespmem:s0+$0x5830] =	vst v3  }
0x3c: {  	[tilespmem:s0+$0x3840] =	vst v3  }
0x3d: {  	[tilespmem:s0+$0x5840] =	vst v3  }
0x3e: {  	[tilespmem:s0+$0x3850] =	vst v3  }
0x3f: {  	[tilespmem:s0+$0x5850] =	vst v3  }
0x40: {  	[tilespmem:s0+$0x3860] =	vst v3  }
0x41: {  	[tilespmem:s0+$0x5860] =	vst v3  }
0x42: {  	[tilespmem:s0+$0x3870] =	vst v3;
	s0 =	simm.s32 $0x0;
	s11 =	simm.s32 $0x200  }
.LBB2_4:
0x43: {  	p1 =	sne.s32 s11, $0x3E00;
	[tilespmem:s0+$0x7870] =	vst v3  }
0x44: {  	[tilespmem:s0+$0x7800] =	vst v3  }
0x45: {  	[tilespmem:s0+$0x7810] =	vst v3  }
.Ltmp3:
0x46: {  	[tilespmem:s0+$0x7820] =	vst v3;
	(pc) =	sbr.rel @p1 .LBB2_4-.Ltmp3, $4  }
0x47: {  	[tilespmem:s0+$0x7830] =	vst v3  }
0x48: {  	[tilespmem:s0+$0x7840] =	vst v3  }
0x49: {  	[tilespmem:s0+$0x7850] =	vst v3  }
0x4a: {  	[tilespmem:s0+$0x7860] =	vst v3;
	s0 =	sshra.s32 s11, $0x2;
	s11 =	sadd.s32 $0x200, s11  }
0x4b: {  	[tilespmem:s0+$0x7870] =	vst v3  }
0x4c: {  	[tilespmem:s0+$0x7800] =	vst v3  }
0x4d: {  	[tilespmem:s0+$0x7810] =	vst v3  }
0x4e: {  	[tilespmem:s0+$0x7820] =	vst v3  }
0x4f: {  	[tilespmem:s0+$0x7830] =	vst v3  }
.Ltmp4:
0x50: {  	[tilespmem:s0+$0x7840] =	vst v3;
	(pc) =	sbr.rel .LBB2_6-.Ltmp4, $4  }
0x51: {  	[tilespmem:s0+$0x7850] =	vst v3  }
0x52: {  	[tilespmem:s0+$0x7860] =	vst v3  }
0x53: {  	s0 =	simm.s32 $0x8;
	[tilespmem:$0x8800] =	vst v4  }
0x54: {  	s11 =	simm.s32 $0x0;
	s12 =	smov.u32 s9;
	s26 =	simm.s32 $0x0;
	[tilespmem:$0x8810] =	vst v5  }
.LBB2_11:
0x55: {  	[sflag:s19] =	ssyncadd.s32 $0xFFFFFC00  }
.LBB2_12:
0x56: {  	s26 =	sadd.s32 $0x1, s26  }
0x57: {  	p1 =	sne.s32 s26, s8  }
.Ltmp5:
0x58: {  	_ = 	snop;
	(pc) =	sbr.rel @!p1 .LBB2_13-.Ltmp5, $2  }
0x59: {  	_ =	sdelay $0x2  }
0x5a: {  	s0 =	sadd.s32 $0x8, s0;
	s11 =	sadd.s32 $0xFFFFFFF8, s11;
	s12 =	sadd.s32 $0x2000, s12  }
.LBB2_6:
0x5b: {  	s13 =	sshll.u32 s26, $0x3  }
0x5c: {  	s15 =	sadd.s32 $0x8, s13  }
0x5d: {  	s16 =	smov.u32 s7;
	p1 =	slt.s32 s15, s7  }
0x5e: {  	s16 =	smov.u32 @p1 s15  }
0x5f: {  	p1 =	sge.u32 s13, s16  }
.Ltmp6:
0x60: {  	_ = 	snop;
	(pc) =	sbr.rel @p1 .LBB2_12-.Ltmp6, $4  }
0x61: {  	_ = 	snop  }
0x62: {  	p2 =	slt.s32 s7, s0;
	s28 =	smov.u32 s0  }
0x63: {  	s28 =	smov.u32 @p2 s7  }
0x64: {  	s13 =	sadd.s32 s11, s28  }
0x65: {  	p1 =	sne.s32 s13, $0x1  }
.Ltmp7:
0x66: {  	_ = 	snop;
	(pc) =	sbr.rel @!p1 .LBB2_9-.Ltmp7, $3  }
0x67: {  	_ =	sdelay $0x1  }
0x68: {  	[spmem:s12] =	stream.linear.scatter [tilespmem:s18], [sflag:$0x5], $0x400, $0x38;
	[tilespmem:$0xC840] =	vst v63  }
0x69: {  	s15 =	sadd.s32 $0xFFFFFFFF, s13;
	s16 =	smov.u32 s12  }
.LBB2_8:
0x6a: {  	p1 =	sne.s32 s15, $0x1  }
.Ltmp8:
0x6b: {  	_ = 	snop;
	(pc) =	sbr.rel @p1 .LBB2_8-.Ltmp8, $3  }
0x6c: {  	_ = 	snop  }
0x6d: {  	s15 =	sadd.s32 $0xFFFFFFFF, s15;
	s16 =	sadd.s32 $0x400, s16;
	_ =	sdelay $0x1  }
0x6e: {  	[spmem:s16] =	stream.linear.scatter [tilespmem:s18], [sflag:$0x5], $0x400, $0x38;
	[tilespmem:$0xC840] =	vst v63  }
.LBB2_9:
0x6f: {  	p1 =	sne.s32 s13, $0x1  }
.Ltmp9:
0x70: {  	_ = 	snop;
	(pc) =	sbr.rel @!p1 .LBB2_11-.Ltmp9, $3  }
0x71: {  	_ =	sdelay $0x1  }
0x72: {  	_ =	swait.ge [sflag:s19], $0x400  }
0x73: {  	s13 =	sadd.s32 $0xFFFFFFFF, s13;
	[sflag:s19] =	ssyncset.done $0x0  }
.LBB2_10:
0x74: {  	p1 =	sne.s32 s13, $0x1;
	s13 =	sadd.s32 $0xFFFFFFFF, s13;
	[sflag:s19] =	ssyncadd.s32 $0xFFFFFC00  }
.Ltmp10:
0x75: {  	(pc) =	sbr.rel @p1 .LBB2_10-.Ltmp10, $3  }
0x76: {  	_ =	sdelay $0x1  }
0x77: {  	_ =	swait.ge [sflag:s19], $0x400  }
0x78: {  	[sflag:s19] =	ssyncset.done $0x0  }
.Ltmp11:
0x79: {  	_ = 	snop;
	(pc) =	sbr.rel .LBB2_11-.Ltmp11, $1  }
0x7a: {  	_ =	sdelay $0x3  }
.LBB2_13:
0x7b: {  	s0 =	sld [smem:$0x7FD];
	_ =	sdelay $0x2  }
0x7c: {  	p0 =	seq.s32 s0, $0x1  }
0x7d: {  	s0 =	simm.s32 @!p0 $0x3800;
	s11 =	simm.s32 @!p0 $0x6  }
0x7e: {  	[spmem:s10] =	stream.linear.scatter @!p0 [tilespmem:s0], [sflag:$0x6], $0x400, $0x38;
	[tilespmem:$0xC840] =	vst v63  }
0x7f: {  	_ =	swait.ge @!p0 [sflag:s11], $0x400  }
0x80: {  	[sflag:s11] =	ssyncset.done @!p0 $0x0  }
0x81: {  	s12 =	rddreg [dreg:$0x4];
	[sflag:s11] =	ssyncadd.s32 @!p0 $0xFFFFFC00  }
0x82: {  	[spmem:s12] =	stream.linear.scatter @!p0 [tilespmem:s0], [sflag:$0x6], $0x400, $0x38;
	[tilespmem:$0xC840] =	vst v63  }
0x83: {  	_ =	swait.ge @!p0 [sflag:s11], $0x400  }
0x84: {  	[sflag:s11] =	ssyncset.done @!p0 $0x0  }
0x85: {  	s12 =	rddreg [dreg:$0x5];
	[sflag:s11] =	ssyncadd.s32 @!p0 $0xFFFFFC00  }
0x86: {  	[spmem:s12] =	stream.linear.scatter @!p0 [tilespmem:s0], [sflag:$0x6], $0x400, $0x38;
	[tilespmem:$0xC840] =	vst v63  }
0x87: {  	_ =	swait.ge @!p0 [sflag:s11], $0x400  }
0x88: {  	[sflag:s11] =	ssyncset.done @!p0 $0x0  }
0x89: {  	s12 =	rddreg [dreg:$0x6];
	[sflag:s11] =	ssyncadd.s32 @!p0 $0xFFFFFC00  }
0x8a: {  	[spmem:s12] =	stream.linear.scatter @!p0 [tilespmem:s0], [sflag:$0x6], $0x400, $0x38;
	[tilespmem:$0xC840] =	vst v63  }
.Ltmp12:
0x8b: {  	_ =	swait.ge @!p0 [sflag:s11], $0x400;
	(pc) =	sbr.rel .LBB2_14-.Ltmp12, $4  }
0x8c: {  	[sflag:s11] =	ssyncset.done @!p0 $0x0  }
0x8d: {  	[sflag:s11] =	ssyncadd.s32 @!p0 $0xFFFFFC00  }
0x8e: {  	[bflag:$0x0] =	sbarrier.arrive $0xFFFF  }
0x8f: {  	s29 =	simm.s32 $0x0;
	p2 =	por $0x1, $0x1;
	s0 =	simm.s32 $0x0  }
.LBB2_19:
0x90: {  	_ = 	snop  }
.LBB2_24:
0x91: {  	p0 =	por !p3, !p2  }
0x92: {  	p2 =	seq.s32 s26, $0x1;
	[sflag:s13] =	ssyncset.done @!p0 $0x0  }
0x93: {  	s0 =	simm.s32 @!p0 $0x40;
	s17 =	simm.s32 @!p2 $0x4;
	[sflag:s13] =	ssyncadd.s32 @!p0 $0xFFFFE000  }
0x94: {  	[spmem:s2] =	stream.indirect.scatter.add.f32 @!p0 [tilespmem:s15], [sflag:$0x4], $0x80, s16, s0, $0xb8;
	[tilespmem:$0xC840] =	vst v63  }
0x95: {  	_ =	swait.ge @!p2 [sflag:s17], $0x2000  }
0x96: {  	p0 =	seq.s32 s26, $0x0;
	[sflag:s17] =	ssyncset.done @!p2 $0x0  }
0x97: {  	p1 =	sge.s32 s12, s30;
	s0 =	simm.s32 @!p0 $0x3;
	[sflag:s17] =	ssyncadd.s32 @!p2 $0xFFFFE000  }
0x98: {  	p6 =	por !p2, !p2;
	p4 =	sne.s32 @!p1 s26, $0x0;
	_ =	swait.ge @!p0 [sflag:s0], $0x2000  }
0x99: {  	p4 =	por p4, p1;
	p1 =	por p1, p6;
	[sflag:s0] =	ssyncset.done @!p0 $0x0  }
0x9a: {  	s12 =	simm.s32 @!p4 $0x5800;
	[sflag:s0] =	ssyncadd.s32 @!p0 $0xFFFFE000;
	s0 =	simm.s32 @!p4 $0x40  }
0x9b: {  	[tilespmem:s12], [sflag:$0x2] =	stream.indirect.gather @!p4 [hbm4b:s4+s0], $0x80, s31, s0, $0xb8;
	[tilespmem:$0xC840] =	vst v63  }
0x9c: {  	p0 =	sne.s32 s26, $0x0;
	s0 =	simm.s32 @!p1 $0x40;
	s12 =	simm.s32 @!p1 $0x3800  }
0x9d: {  	[tilespmem:s12], [sflag:$0x1] =	stream.indirect.gather @!p1 [hbm4b:s4+s0], $0x80, s31, s0, $0xb8;
	[tilespmem:$0xC840] =	vst v63  }
0x9e: {  	s0 =	simm.s32 @!p0 $0x1  }
0x9f: {  	_ =	swait.ge @!p0 [sflag:s0], $0x2000  }
0xa0: {  	s13 =	simm.s32 @!p0 $0x3800;
	p1 =	por p2, p2;
	[sflag:s0] =	ssyncset.done @!p0 $0x0  }
0xa1: {  	s12 =	simm.s32 @p1 $0x2;
	[sflag:s0] =	ssyncadd.s32 @!p0 $0xFFFFE000;
	s0 =	simm.s32 @!p0 $0x40  }
0xa2: {  	[spmem:s2] =	stream.indirect.scatter.add.f32 @!p0 [tilespmem:s13], [sflag:$0x3], $0x80, s11, s0, $0xb8;
	[tilespmem:$0xC840] =	vst v63  }
0xa3: {  	_ =	swait.ge @p1 [sflag:s12], $0x2000  }
0xa4: {  	[sflag:s12] =	ssyncset.done @p1 $0x0  }
0xa5: {  	s0 =	simm.s32 @p1 $0x5800;
	s13 =	simm.s32 @p1 $0x40;
	[sflag:s12] =	ssyncadd.s32 @p1 $0xFFFFE000  }
0xa6: {  	[spmem:s2] =	stream.indirect.scatter.add.f32 @p1 [tilespmem:s0], [sflag:$0x4], $0x80, s11, s13, $0xb8;
	[tilespmem:$0xC840] =	vst v63  }
.LBB2_25:
0xa7: {  	s0 =	sand.u32 $0x1, s30  }
0xa8: {  	p0 =	seq.s32 s0, $0x0  }
0xa9: {  	s11 =	simm.s32 @!p0 $0x3  }
0xaa: {  	_ =	swait.ge @!p0 [sflag:s11], $0x2000  }
0xab: {  	p1 =	sne.s32 s0, $0x0;
	[sflag:s11] =	ssyncset.done @!p0 $0x0  }
0xac: {  	s0 =	simm.s32 @!p1 $0x4;
	[sflag:s11] =	ssyncadd.s32 @!p0 $0xFFFFE000  }
0xad: {  	_ =	swait.ge @!p1 [sflag:s0], $0x2000  }
0xae: {  	[sflag:s0] =	ssyncset.done @!p1 $0x0  }
0xaf: {  	[sflag:s0] =	ssyncadd.s32 @!p1 $0xFFFFE000  }
.LBB2_26:
.Ltmp13:
0xb0: {  	(pc) =	sbr.rel @!p5 .LBB2_27-.Ltmp13, $2  }
0xb1: {  	_ =	sdelay $0x2  }
0xb2: {  	s0 =	simm.s32 $0x7D0;
	p2 =	por $0x0, $0x0  }
.LBB2_14:
0xb3: {  	s0 =	sadd.s32 s14, s0  }
0xb4: {  	s0 =	sshrl.u32 s0, $0x3  }
0xb5: {  	s11 =	sadd.s32 s5, s0  }
0xb6: {  	[tilespmem:s29], [sflag:$0x6] =	stream.linear.gather [hbm4b:s11+s29], $0x7D0, $0x38;
	[tilespmem:$0xC840] =	vst v63  }
0xb7: {  	_ =	swait.ge [sflag:s20], $0x7D0  }
0xb8: {  	[sflag:s20] =	ssyncset.done $0x0  }
0xb9: {  	s0 =	sadd.s32 s1, s0;
	[sflag:s20] =	ssyncadd.s32 $0xFFFFF830  }
0xba: {  	[tilespmem:s21], [sflag:$0x6] =	stream.linear.gather [hbm4b:s0+s29], $0x7D0, $0x38;
	[tilespmem:$0xC840] =	vst v63  }
0xbb: {  	_ =	swait.ge [sflag:s20], $0x7D0  }
0xbc: {  	[sflag:s20] =	ssyncset.done $0x0  }
0xbd: {  	s31 =	simm.s32 $0x0;
	[sflag:s20] =	ssyncadd.s32 $0xFFFFF830  }
0xbe: {  	v9 =	vld [tilespmem:s31+$0x800];
	_ =	sdelay $0x4  }
0xbf: {  	vm0 =	vge.s32 v9, v0;
	vm1 =	vlt.s32 v9, v1  }
0xc0: {  	vm0 =	vmand vm0, vm1  }
0xc1: {  	v10 =	vsel vm0, $0x1, v7  }
0xc2: {  	(xrf0) =	vadd.scan.msk.s32 $0xffff, v10;
	_ =	sdelay $0x4  }
0xc3: {  	v10 =	vsel vm0, $0xFFFFFFFF, v7  }
0xc4: {  	v10 =	vadd.s32 s29, v10;
	v11, _, _ =	vpop (xrf0)  }
0xc5: {  	v10 =	vadd.s32 v11, v10;
	(v2sf) =	vpush v11, $0xF  }
0xc6: {  	v11 =	vshll.u32 v10, $0x1  }
0xc7: {  	v9 =	vsub.s32 v9, v0;
	v10 =	vand.u32 $0x3F, v10;
	v11 =	vand.u32 $0xFFFFFF80, v11  }
0xc8: {  	v12 =	vld [tilespmem:s31+$0x0];
	v10 =	vor.u32 v10, v11;
	_ =	sdelay $0x3  }
0xc9: {  	[tilespmem:v9+s22+$0x0] =	vst.idx.add.f32.msk vm0, v6  }
0xca: {  	[tilespmem:v10+s23+$0x0] =	vst.idx.msk vm0, v12  }
0xcb: {  	s0 =	simm.s32 $0x10;
	[tilespmem:v10+s24+$0x0] =	vst.idx.msk vm0, v9  }
0xcc: {  	v9 =	vld [tilespmem:s0+$0x800];
	_ =	sdelay $0x3  }
0xcd: {  	p5 =	por p2, p2  }
0xce: {  	s12 =	simm.s32 $0x80;
	s11 =	simm.s32 $0x0;
	vm0 =	vge.s32 v9, v0;
	vm1 =	vlt.s32 v9, v1;
	s13 =	spop (v2sf)  }
.LBB2_15:
0xcf: {  	p2 =	sne.s32 s12, $0x1F00  }
0xd0: {  	vm0 =	vmand vm0, vm1;
	s11 =	sadd.s32 s11, s13;
	s13 =	smov.u32 s12;
	s12 =	sadd.s32 $0x40, s12  }
0xd1: {  	v10 =	vsel vm0, $0xFFFFFFFF, v7;
	v11 =	vsel vm0, $0x1, v7  }
0xd2: {  	(xrf0) =	vadd.scan.msk.s32 $0xffff, v11;
	_ =	sdelay $0x5  }
0xd3: {  	v10 =	vadd.s32 s11, v10;
	v11, _, _ =	vpop (xrf0)  }
0xd4: {  	v10 =	vadd.s32 v11, v10;
	(v2sf) =	vpush v11, $0xF  }
0xd5: {  	v11 =	vshll.u32 v10, $0x1  }
0xd6: {  	v9 =	vsub.s32 v9, v0;
	v10 =	vand.u32 $0x3F, v10;
	v11 =	vand.u32 $0xFFFFFF80, v11  }
0xd7: {  	v12 =	vld [tilespmem:s0+$0x0];
	v10 =	vor.u32 v10, v11;
	_ =	sdelay $0x3  }
0xd8: {  	[tilespmem:v9+s22+$0x0] =	vst.idx.add.f32.msk vm0, v6  }
0xd9: {  	[tilespmem:v10+s23+$0x0] =	vst.idx.msk vm0, v12  }
0xda: {  	s0 =	sshra.s32 s13, $0x2;
	[tilespmem:v10+s24+$0x0] =	vst.idx.msk vm0, v9  }
0xdb: {  	v9 =	vld [tilespmem:s0+$0x800]  }
.Ltmp14:
0xdc: {  	(pc) =	sbr.rel @p2 .LBB2_15-.Ltmp14, $2  }
0xdd: {  	_ =	sdelay $0x2  }
0xde: {  	vm0 =	vge.s32 v9, v0;
	vm1 =	vlt.s32 v9, v1;
	s13 =	spop (v2sf)  }
0xdf: {  	vm0 =	vmand vm0, vm1  }
0xe0: {  	v10 =	vsel vm0, $0x1, v7  }
0xe1: {  	(xrf0) =	vadd.scan.msk.s32 $0xffff, v10;
	_ =	sdelay $0x5  }
0xe2: {  	v10, _, _ =	vpop (xrf0)  }
0xe3: {  	(v2sf) =	vpush v10, $0xF;
	_ =	sdelay $0xc  }
0xe4: {  	s11 =	sadd.s32 s11, s13;
	v11 =	vsel vm0, $0xFFFFFFFF, v7  }
0xe5: {  	v11 =	vadd.s32 s11, v11  }
0xe6: {  	v10 =	vadd.s32 v10, v11;
	s12 =	spop (v2sf)  }
0xe7: {  	v9 =	vsub.s32 v9, v0;
	v11 =	vshll.u32 v10, $0x1;
	s11 =	sadd.s32 s11, s12  }
0xe8: {  	v10 =	vand.u32 $0x3F, v10;
	v11 =	vand.u32 $0xFFFFFF80, v11;
	v12 =	vadd.s32 s11, v2  }
0xe9: {  	v13 =	vld [tilespmem:s0+$0x0];
	v10 =	vor.u32 v10, v11;
	s15 =	sadd.s32 $0x10, s11;
	v11 =	vshll.u32 v12, $0x1  }
0xea: {  	v12 =	vand.u32 $0x3F, v12;
	v14 =	vadd.s32 s15, v2;
	v11 =	vand.u32 $0xFFFFFF80, v11  }
0xeb: {  	s16 =	sadd.s32 $0x20, s11;
	s26 =	sadd.s32 $0x3F, s11;
	v59 =	vshll.u32 v14, $0x1;
	v11 =	vor.u32 v12, v11  }
0xec: {  	s17 =	sadd.s32 $0x30, s11;
	v15 =	vadd.s32 s16, v2;
	s11 =	sand.u32 $0x3F, s26;
	v14 =	vand.u32 $0x3F, v14;
	v12 =	vand.u32 $0xFFFFFF80, v59  }
0xed: {  	[tilespmem:v9+s22+$0x0] =	vst.idx.add.f32.msk vm0, v6;
	s28 =	sshra.s32 s26, $0x1F;
	p2 =	slt.s32 s26, $0x1;
	v60 =	vshll.u32 v15, $0x1;
	p3 =	sne.s32 s11, $0x0;
	v12 =	vor.u32 v14, v12  }
0xee: {  	[tilespmem:v10+s23+$0x0] =	vst.idx.msk vm0, v13;
	v62 =	vadd.s32 s17, v2;
	v61 =	vand.u32 $0x3F, v15;
	s31 =	sshrl.u32 s28, $0x1A;
	p2 =	por !p2, !p3;
	v14 =	vand.u32 $0xFFFFFF80, v60  }
0xef: {  	[tilespmem:v10+s24+$0x0] =	vst.idx.msk vm0, v9;
	v10 =	vshll.u32 v62, $0x1;
	s11 =	simm.s32 $0x1;
	s0 =	sadd.s32 s31, s26;
	p2 =	por !p2, !p2;
	v9 =	vor.u32 v61, v14  }
0xf0: {  	v63 =	vand.u32 $0x3F, v62;
	v10 =	vand.u32 $0xFFFFFF80, v10;
	s0 =	sshra.s32 s0, $0x6;
	s11 =	simm.s32 @!p2 $0x0;
	[tilespmem:v11+s23+$0x0] =	vst.idx.msk $0xffff, v7  }
0xf1: {  	v10 =	vor.u32 v63, v10;
	s30 =	ssub.s32 s0, s11;
	[tilespmem:v11+s24+$0x0] =	vst.idx.msk $0xffff, v8  }
0xf2: {  	p2 =	slt.s32 s30, $0x1;
	[tilespmem:v12+s23+$0x0] =	vst.idx.msk $0xffff, v7  }
.Ltmp15:
0xf3: {  	[tilespmem:v12+s24+$0x0] =	vst.idx.msk $0xffff, v8;
	(pc) =	sbr.rel @p2 .LBB2_26-.Ltmp15, $4  }
0xf4: {  	[tilespmem:v9+s23+$0x0] =	vst.idx.msk $0xffff, v7  }
0xf5: {  	[tilespmem:v9+s24+$0x0] =	vst.idx.msk $0xffff, v8  }
0xf6: {  	[tilespmem:v10+s23+$0x0] =	vst.idx.msk $0xffff, v7  }
0xf7: {  	[tilespmem:v10+s24+$0x0] =	vst.idx.msk $0xffff, v8  }
0xf8: {  	[tilespmem:s18], [sflag:$0x1] =	stream.indirect.gather [hbm4b:s4+s25], $0x80, s23, s25, $0xb8;
	[tilespmem:$0xC840] =	vst v63  }
0xf9: {  	p2 =	seq.s32 s30, $0x1  }
0xfa: {  	s0 =	simm.s32 @!p2 $0x40;
	s11 =	simm.s32 @!p2 $0x1080;
	s12 =	simm.s32 @!p2 $0x5800  }
0xfb: {  	[tilespmem:s12], [sflag:$0x2] =	stream.indirect.gather @!p2 [hbm4b:s4+s0], $0x80, s11, s0, $0xb8;
	[tilespmem:$0xC840] =	vst v63  }
.Ltmp16:
0xfc: {  	s0 =	simm.s32 $0x1;
	(pc) =	sbr.rel @p2 .LBB2_25-.Ltmp16, $4  }
0xfd: {  	_ =	swait.ge [sflag:s0], $0x2000  }
0xfe: {  	[sflag:s0] =	ssyncset.done $0x0  }
0xff: {  	[sflag:s0] =	ssyncadd.s32 $0xFFFFE000  }
0x100: {  	[spmem:s2] =	stream.indirect.scatter.add.f32 [tilespmem:s18], [sflag:$0x3], $0x80, s24, s25, $0xb8;
	[tilespmem:$0xC840] =	vst v63  }
0x101: {  	p3 =	sne.s32 s30, $0x2  }
.Ltmp17:
0x102: {  	_ = 	snop;
	(pc) =	sbr.rel @!p3 .LBB2_19-.Ltmp17, $3  }
0x103: {  	_ =	sdelay $0x1  }
0x104: {  	s11 =	simm.s32 $0x2480;
	s31 =	simm.s32 $0x1100  }
0x105: {  	s12 =	simm.s32 $0x2;
	s26 =	sand.u32 $0x1, s0;
	p2 =	por $0x0, $0x0  }
0x106: {  	s0 =	simm.s32 @!p5 $0x0  }
0x107: {  	p2 =	seq.s32 s26, $0x1;
	s0 =	simm.s32 @p5 $0x1  }
0x108: {  	[smem:$0x7FC] =	sst s0;
	s0 =	simm.s32 @!p2 $0x4  }
0x109: {  	p3 =	seq.s32 s26, $0x0;
	p4 =	sle.s32 s30, $0x2;
	_ =	swait.ge @!p2 [sflag:s0], $0x2000  }
0x10a: {  	s28 =	simm.s32 $0x3;
	p1 =	por !p2, !p2;
	[sflag:s0] =	ssyncset.done @!p2 $0x0  }
0x10b: {  	p6 =	sne.s32 @!p4 s26, $0x0;
	[sflag:s0] =	ssyncadd.s32 @!p2 $0xFFFFE000;
	s0 =	simm.s32 @!p3 $0x3  }
0x10c: {  	p5 =	sne.s32 s26, $0x0;
	s26 =	sand.u32 $0x1, s12;
	_ =	swait.ge @!p3 [sflag:s0], $0x2000  }
0x10d: {  	p6 =	por p6, p4;
	p4 =	por p4, p1;
	[sflag:s0] =	ssyncset.done @!p3 $0x0  }
0x10e: {  	s13 =	simm.s32 @!p6 $0x5800;
	[sflag:s0] =	ssyncadd.s32 @!p3 $0xFFFFE000;
	s0 =	simm.s32 @!p6 $0x40  }
0x10f: {  	[tilespmem:s13], [sflag:$0x2] =	stream.indirect.gather @!p6 [hbm4b:s4+s0], $0x80, s31, s0, $0xb8;
	[tilespmem:$0xC840] =	vst v63  }
0x110: {  	s12 =	simm.s32 $0x3;
	s0 =	simm.s32 @!p4 $0x40;
	s13 =	simm.s32 @!p4 $0x3800  }
0x111: {  	[tilespmem:s13], [sflag:$0x1] =	stream.indirect.gather @!p4 [hbm4b:s4+s0], $0x80, s31, s0, $0xb8;
	[tilespmem:$0xC840] =	vst v63  }
0x112: {  	s15 =	simm.s32 @!p5 $0x3800;
	s0 =	simm.s32 @!p5 $0x1;
	p4 =	sne.s32 s30, $0x3  }
.Ltmp18:
0x113: {  	p3 =	por p2, p2;
	_ =	swait.ge @!p5 [sflag:s0], $0x2000;
	(pc) =	sbr.rel @!p4 .LBB2_21-.Ltmp18, $4  }
0x114: {  	p2 =	por $0x1, $0x1;
	s31 =	simm.s32 $0x1180;
	[sflag:s0] =	ssyncset.done @!p5 $0x0  }
0x115: {  	s13 =	simm.s32 @p3 $0x2;
	[sflag:s0] =	ssyncadd.s32 @!p5 $0xFFFFE000;
	s0 =	simm.s32 @!p5 $0x40  }
0x116: {  	[spmem:s2] =	stream.indirect.scatter.add.f32 @!p5 [tilespmem:s15], [sflag:$0x3], $0x80, s11, s0, $0xb8;
	[tilespmem:$0xC840] =	vst v63  }
0x117: {  	s0 =	simm.s32 $0x2500;
	s15 =	simm.s32 @p3 $0x5800;
	_ =	swait.ge @p3 [sflag:s13], $0x2000  }
.LBB2_22:
0x118: {  	p5 =	seq.s32 s26, $0x1;
	[sflag:s13] =	ssyncset.done @p3 $0x0;
	s16 =	simm.s32 @p3 $0x40  }
0x119: {  	s17 =	simm.s32 @!p5 $0x4;
	p6 =	por !p5, !p5;
	[sflag:s13] =	ssyncadd.s32 @p3 $0xFFFFE000  }
0x11a: {  	[spmem:s2] =	stream.indirect.scatter.add.f32 @p3 [tilespmem:s15], [sflag:$0x4], $0x80, s11, s16, $0xb8;
	[tilespmem:$0xC840] =	vst v63  }
0x11b: {  	s15 =	smov.u32 s12;
	s12 =	sadd.s32 $0x1, s12;
	_ =	swait.ge @!p5 [sflag:s17], $0x2000  }
0x11c: {  	p3 =	seq.s32 s26, $0x0;
	p4 =	sne.s32 s30, s12;
	[sflag:s17] =	ssyncset.done @!p5 $0x0  }
0x11d: {  	p0 =	sge.s32 s28, s30;
	s11 =	simm.s32 @!p3 $0x3;
	[sflag:s17] =	ssyncadd.s32 @!p5 $0xFFFFE000  }
0x11e: {  	p1 =	sne.s32 @!p0 s26, $0x0;
	s28 =	smov.u32 s12;
	_ =	swait.ge @!p3 [sflag:s11], $0x2000  }
0x11f: {  	p1 =	por p1, p0;
	p0 =	por p0, p6;
	[sflag:s11] =	ssyncset.done @!p3 $0x0  }
0x120: {  	s13 =	simm.s32 @!p1 $0x5800;
	[sflag:s11] =	ssyncadd.s32 @!p3 $0xFFFFE000;
	s11 =	simm.s32 @!p1 $0x40  }
0x121: {  	[tilespmem:s13], [sflag:$0x2] =	stream.indirect.gather @!p1 [hbm4b:s4+s11], $0x80, s31, s11, $0xb8;
	[tilespmem:$0xC840] =	vst v63  }
0x122: {  	p6 =	sne.s32 s26, $0x0;
	s11 =	simm.s32 @!p0 $0x40;
	s13 =	simm.s32 @!p0 $0x3800  }
0x123: {  	[tilespmem:s13], [sflag:$0x1] =	stream.indirect.gather @!p0 [hbm4b:s4+s11], $0x80, s31, s11, $0xb8;
	[tilespmem:$0xC840] =	vst v63  }
0x124: {  	s16 =	simm.s32 @!p6 $0x1;
	p3 =	por p5, p5;
	s11 =	smov.u32 s0  }
.Ltmp19:
0x125: {  	s31 =	sadd.s32 $0x80, s31;
	_ =	swait.ge @!p6 [sflag:s16], $0x2000;
	(pc) =	sbr.rel @p4 .LBB2_22-.Ltmp19, $4  }
0x126: {  	s13 =	simm.s32 @p3 $0x2;
	s0 =	sadd.s32 $0x80, s0;
	[sflag:s16] =	ssyncset.done @!p6 $0x0  }
0x127: {  	s17 =	simm.s32 @!p6 $0x3800;
	[sflag:s16] =	ssyncadd.s32 @!p6 $0xFFFFE000;
	s16 =	simm.s32 @!p6 $0x40  }
0x128: {  	[spmem:s2] =	stream.indirect.scatter.add.f32 @!p6 [tilespmem:s17], [sflag:$0x3], $0x80, s11, s16, $0xb8;
	[tilespmem:$0xC840] =	vst v63  }
0x129: {  	s26 =	sand.u32 $0x1, s15;
	s15 =	simm.s32 @p3 $0x5800;
	_ =	swait.ge @p3 [sflag:s13], $0x2000  }
.Ltmp20:
0x12a: {  	(pc) =	sbr.rel .LBB2_24-.Ltmp20, $2  }
0x12b: {  	s12 =	smov.u32 s28;
	s28 =	sld [smem:$0x7FC];
	_ =	sdelay $0x2  }
0x12c: {  	s16 =	smov.u32 s11;
	s11 =	smov.u32 s0;
	p5 =	seq.s32 s28, $0x1  }
.LBB2_21:
.Ltmp21:
0x12d: {  	(pc) =	sbr.rel .LBB2_24-.Ltmp21, $3  }
0x12e: {  	s0 =	sld [smem:$0x7FC];
	_ =	sdelay $0x1  }
0x12f: {  	s16 =	simm.s32 $0x2480  }
0x130: {  	s12 =	simm.s32 $0x3;
	s11 =	simm.s32 $0x2500;
	p5 =	seq.s32 s0, $0x1  }
.LBB2_27:
0x131: {  	s0 =	simm.s32 $0x20;
	s11 =	simm.s32 $0x8800  }
0x132: {  	[spmem:s2] =	stream.indirect.scatter.add.f32 [tilespmem:s22], [sflag:$0x6], $0x80, s11, s0, $0xb8;
	[tilespmem:$0xC840] =	vst v63  }
.Ltmp22:
0x133: {  	_ =	swait.ge [sflag:s20], $0x1000;
	(pc) =	sbr.rel .LBB2_28-.Ltmp22, $4  }
0x134: {  	[sflag:s20] =	ssyncset.done $0x0  }
0x135: {  	[sflag:s20] =	ssyncadd.s32 $0xFFFFF000  }
0x136: {  	s26 =	simm.s32 $0x0;
	s28 =	smov.u32 s9;
	[bflag:$0x0] =	sbarrier.arrive $0xFFFF  }
0x137: {  	s29 =	simm.s32 $0x0;
	s0 =	simm.s32 $0x8;
	s11 =	rddreg [dreg:$0x9]  }
.LBB2_33:
0x138: {  	[sflag:s19] =	ssyncadd.s32 $0xFFFFFF80  }
.LBB2_34:
0x139: {  	s29 =	sadd.s32 $0x1, s29  }
0x13a: {  	p0 =	sne.s32 s29, s8  }
.Ltmp23:
0x13b: {  	_ = 	snop;
	(pc) =	sbr.rel @!p0 .LBB2_35-.Ltmp23, $3  }
0x13c: {  	_ =	sdelay $0x1  }
0x13d: {  	s0 =	sadd.s32 $0x8, s0  }
0x13e: {  	s26 =	sadd.s32 $0xFFFFFFF8, s26;
	s28 =	sadd.s32 $0x2000, s28;
	s11 =	sadd.s32 $0x400, s11  }
.LBB2_28:
0x13f: {  	s12 =	sshll.u32 s29, $0x3  }
0x140: {  	s13 =	sadd.s32 $0x8, s12  }
0x141: {  	s15 =	smov.u32 s7;
	p0 =	slt.s32 s13, s7  }
0x142: {  	s15 =	smov.u32 @p0 s13  }
0x143: {  	p0 =	sge.u32 s12, s15  }
.Ltmp24:
0x144: {  	_ = 	snop;
	(pc) =	sbr.rel @p0 .LBB2_34-.Ltmp24, $4  }
0x145: {  	_ = 	snop  }
0x146: {  	p1 =	slt.s32 s7, s0;
	s16 =	smov.u32 s0  }
0x147: {  	s16 =	smov.u32 @p1 s7  }
0x148: {  	s12 =	sadd.s32 s26, s16  }
0x149: {  	p0 =	sne.s32 s12, $0x1  }
.Ltmp25:
0x14a: {  	_ = 	snop;
	(pc) =	sbr.rel @!p0 .LBB2_31-.Ltmp25, $4  }
0x14b: {  	s13 =	sshll.u32 s6, $0x6  }
0x14c: {  	s15 =	sshrl.u32 s28, $0x3;
	s13 =	sor.u32 $0x1C05, s13  }
0x14d: {  	[hbm:s11], [sflag:s13] =	dma.local [spmem:s15], $0x80  }
0x14e: {  	s30 =	sadd.s32 $0x400, s28;
	s31 =	smov.u32 s11;
	s15 =	sadd.s32 $0xFFFFFFFF, s12  }
.LBB2_30:
0x14f: {  	p0 =	sne.s32 s15, $0x1;
	s15 =	sadd.s32 $0xFFFFFFFF, s15  }
.Ltmp26:
0x150: {  	s16 =	sshrl.u32 s30, $0x3;
	s31 =	sadd.s32 $0x80, s31;
	(pc) =	sbr.rel @p0 .LBB2_30-.Ltmp26, $3  }
0x151: {  	[hbm:s31], [sflag:s13] =	dma.local [spmem:s16], $0x80  }
0x152: {  	_ =	sdelay $0x1  }
0x153: {  	s30 =	sadd.s32 $0x400, s30  }
.LBB2_31:
0x154: {  	p0 =	sne.s32 s12, $0x1  }
.Ltmp27:
0x155: {  	_ = 	snop;
	(pc) =	sbr.rel @!p0 .LBB2_33-.Ltmp27, $3  }
0x156: {  	_ =	sdelay $0x1  }
0x157: {  	_ =	swait.ge [sflag:s19], $0x80  }
0x158: {  	s12 =	sadd.s32 $0xFFFFFFFF, s12;
	[sflag:s19] =	ssyncset.done $0x0  }
.LBB2_32:
0x159: {  	p0 =	sne.s32 s12, $0x1;
	s12 =	sadd.s32 $0xFFFFFFFF, s12;
	[sflag:s19] =	ssyncadd.s32 $0xFFFFFF80  }
.Ltmp28:
0x15a: {  	(pc) =	sbr.rel @p0 .LBB2_32-.Ltmp28, $3  }
0x15b: {  	_ =	sdelay $0x1  }
0x15c: {  	_ =	swait.ge [sflag:s19], $0x80  }
0x15d: {  	[sflag:s19] =	ssyncset.done $0x0  }
.Ltmp29:
0x15e: {  	_ = 	snop;
	(pc) =	sbr.rel .LBB2_33-.Ltmp29, $1  }
0x15f: {  	_ =	sdelay $0x3  }
.LBB2_36:
0x160: {  	_ =	sfence.sel $0x180000  }
0x161: {  	[bflag:$0x0] =	sbarrier.arrive $0xFFFF  }
0x162: {  	_ =	strace $0x9000004A  }
0x163: {  	[bflag:$0x2] =	sbarrier.arrive $0xFFFF  }
0x164: {  	s1 =	sld [smem:$0x7FD];
	_ =	sdelay $0x2  }
0x165: {  	s0 =	rddreg [dreg:$0x3];
	p0 =	seq.s32 s1, $0x1  }
0x166: {  	s0 =	sadd.s32 @!p0 $0x100000, s0  }
0x167: {  	[sflag:s0] =	ssyncadd.tile.s32 @!p0 $0x1;
	_ =	shalt  }
.Lfunc_end2:
_tile_overlayer_lowered:
.L_overlay_start_2:
0x168: {  	(tag) =	ssettag $0x2  }
0x169: {  	s0 =	rddreg [dreg:$0x0];
	s2 =	stileid.u32  }
0x16a: {  	s1 =	rddreg [dreg:$0x1];
	p0 =	sne.s32 s2, $0x0  }
0x16b: {  	s3 =	rddreg [dreg:$0x2];
	[bflag:$0x3] =	sbarrier.arrive $0xFFFF;
	s2 =	simm.s32 @!p0 $0x1C06  }
0x16c: {  	[timem:s3], [sflag:s2] =	dma.local @!p0 [hbm:s0], s1  }
0x16d: {  	s0 =	simm.s32 @!p0 $0x6  }
0x16e: {  	_ =	swait.ge @!p0 [sflag:s0], s1  }
0x16f: {  	s1 =	ssub.s32 @!p0 $0x0, s1;
	[sflag:s0] =	ssyncset.done @!p0 $0x0  }
0x170: {  	[sflag:s0] =	ssyncadd.s32 @!p0 s1  }
0x171: {  	[bflag:$0x3] =	sbarrier.arrive $0xFFFF  }
0x172: {  	_ =	shalt  }

</sc_bundles>
